<compile_context>
chip_gen: v7x
topology: tpu7x:2x2x1
jax: 0.10.2.dev20260603
libtpu: 0.0.44.dev20260713+nightly
codegen_flags: <defaults>
</compile_context>

<pallas_src>
import functools

import jax
import jax.numpy as jnp
from jax import lax
from jax.experimental import pallas as pl
from jax.experimental.pallas import tpu as pltpu
from jax.experimental.pallas import tpu_sc as plsc

NUM_HOPS = 2
SIGMA = 0.1

_NC = 2
_NS = 16
_NW = _NC * _NS
_LANES = 16

_C = 80
_SB = 25

_PROBE = ""


def _sc_hop(hp, src, dst3):
    n, dw = hp.shape
    d = 2 * dw
    e = src.shape[0]
    epw = e // _NW
    nchunk = epw // _C
    assert epw * _NW == e and nchunk * _C == epw
    rpw = (n // _NS) // 8 * 8
    rlast = n - rpw * (_NS - 1)
    assert rpw % 8 == 0 and rlast % 8 == 0 and rlast >= rpw
    ngrp = d // _LANES
    nwgrp = dw // _LANES

    mesh = plsc.VectorSubcoreMesh(
        core_axis_name="c", subcore_axis_name="s",
        num_cores=_NC, num_subcores=_NS)

    @functools.partial(
        pl.kernel,
        out_type=jax.ShapeDtypeStruct((_NC, n, d), jnp.float32),
        mesh=mesh,
        compiler_params=pltpu.CompilerParams(use_tc_tiling_on_sc=False),
        scratch_types=[
            pltpu.VMEM_SHARED((n, d), jnp.float32),
            pltpu.VMEM((_SB * _C,), jnp.int32),
            pltpu.VMEM((_SB, _C), jnp.int32),
            pltpu.VMEM((2, _C, dw), jnp.int32),
            pltpu.VMEM((2, _C, dw), jnp.int32),
            pltpu.VMEM((2, _C, d), jnp.float32),
            pltpu.SemaphoreType.DMA((2,)),
            pltpu.SemaphoreType.DMA((2,)),
            pltpu.SemaphoreType.DMA((2,)),
        ],
    )
    def hop(h_hbm, src_hbm, dst_hbm, out_hbm,
            aggr, sidx, didx, srows, drows, mrows, sem_s, sem_d, sem_a):
        cid = lax.axis_index("c")
        sid = lax.axis_index("s")
        wid = sid * _NC + cid
        rbase = sid * rpw
        last = sid == _NS - 1

        zero16 = jnp.zeros((_LANES,), jnp.float32)

        zbuf = mrows.at[0]

        def zrow(r, _):
            for k in range(ngrp):
                mrows[0, r, pl.ds(k * _LANES, _LANES)] = zero16
            return 0
        lax.fori_loop(0, _C, zrow, 0)
        for z in range(rpw // _C):
            pltpu.sync_copy(zbuf, aggr.at[pl.ds(rbase + z * _C, _C)])
        rem = rpw % _C
        extra = rlast - rpw

        @pl.when(jnp.logical_not(last))
        def _():
            if rem:
                pltpu.sync_copy(zbuf.at[pl.ds(0, rem)],
                                aggr.at[pl.ds(rbase + rpw - rem, rem)])

        @pl.when(last)
        def _():
            tail = rem + extra
            off = rbase + rpw - rem
            while tail >= _C:
                pltpu.sync_copy(zbuf, aggr.at[pl.ds(off, _C)])
                off += _C
                tail -= _C
            if tail:
                pltpu.sync_copy(zbuf.at[pl.ds(0, tail)],
                                aggr.at[pl.ds(off, tail)])
        plsc.subcore_barrier()

        def issue_gather(c, b):
            pltpu.async_copy(
                h_hbm.at[sidx.at[pl.ds(c * _C, _C)]], srows.at[b], sem_s.at[b])
            pltpu.async_copy(h_hbm.at[didx.at[c]], drows.at[b], sem_d.at[b])

        def wait_gather(b):
            pltpu.make_async_copy(h_hbm.at[pl.ds(0, _C)], srows.at[b],
                                  sem_s.at[b]).wait()
            pltpu.make_async_copy(h_hbm.at[pl.ds(0, _C)], drows.at[b],
                                  sem_d.at[b]).wait()

        def issue_scatter(c, b):
            pltpu.async_copy(mrows.at[b], aggr.at[didx.at[c]], sem_a.at[b],
                             add=True)

        def wait_scatter(c, b):
            if _PROBE == "noscatter":
                return
            pltpu.make_async_copy(mrows.at[b], aggr.at[didx.at[c]],
                                  sem_a.at[b]).wait()

        def chunk_body(c, _):
            b = lax.rem(c, 2)
            nb = 1 - b

            @pl.when(c + 1 < _SB)
            def _():
                issue_gather(c + 1, nb)

            wait_gather(b)

            @pl.when(c >= 2)
            def _():
                wait_scatter(c - 2, b)

            def edge_body(j, _):
                sw = [srows[b, j, pl.ds(k * _LANES, _LANES)]
                      for k in range(nwgrp)]
                dw_ = [drows[b, j, pl.ds(k * _LANES, _LANES)]
                       for k in range(nwgrp)]
                slo = [_bf_lo(w) for w in sw]
                shi = [_bf_hi(w) for w in sw]
                dlo = [_bf_lo(w) for w in dw_]
                dhi = [_bf_hi(w) for w in dw_]
                acc = slo[0] * dlo[0] + shi[0] * dhi[0]
                for k in range(1, nwgrp):
                    acc = acc + slo[k] * dlo[k] + shi[k] * dhi[k]
                lane = lax.iota(jnp.int32, _LANES)
                for s in (8, 4, 2, 1):
                    acc = acc + _permute(acc, lane ^ s)
                alpha = 1.0 / (1.0 + jnp.exp(-acc))
                for k in range(nwgrp):
                    mrows[b, j, pl.ds(2 * k * _LANES, _LANES)] = slo[k] * alpha
                    mrows[b, j, pl.ds((2 * k + 1) * _LANES, _LANES)] = (
                        shi[k] * alpha)
                return 0
            if _PROBE != "nocompute":
                plsc.parallel_loop(0, _C, unroll=4)(
                    lambda j: edge_body(j, 0) and None)

            if _PROBE != "noscatter":
                issue_scatter(c, b)
            return 0

        nsup = nchunk // _SB
        assert nsup * _SB == nchunk

        def super_body(s, _):
            pltpu.sync_copy(
                src_hbm.at[pl.ds(wid * epw + s * (_SB * _C), _SB * _C)], sidx)
            pltpu.sync_copy(dst_hbm.at[wid, s], didx)
            issue_gather(0, 0)
            lax.fori_loop(0, _SB, chunk_body, 0)
            wait_scatter(_SB - 2, (_SB - 2) % 2)
            wait_scatter(_SB - 1, (_SB - 1) % 2)
            return 0

        lax.fori_loop(0, nsup, super_body, 0)

        plsc.subcore_barrier()

        @pl.when(jnp.logical_not(last))
        def _():
            pltpu.sync_copy(aggr.at[pl.ds(rbase, rpw)],
                            out_hbm.at[cid, pl.ds(rbase, rpw)])

        @pl.when(last)
        def _():
            pltpu.sync_copy(aggr.at[pl.ds(rbase, rlast)],
                            out_hbm.at[cid, pl.ds(rbase, rlast)])

    return hop(hp, src, dst3)


def _bf_lo(w):
    return lax.bitcast_convert_type(w << 16, jnp.float32)


def _bf_hi(w):
    return lax.bitcast_convert_type(w & jnp.int32(-65536), jnp.float32)


def _pack_bf16(h):
    n, d = h.shape
    hb = h.astype(jnp.bfloat16).reshape(n, d // 32, 2, 16)
    return lax.bitcast_convert_type(
        hb.transpose(0, 1, 3, 2), jnp.int32).reshape(n, d // 2)


def _permute(v, idx):
    return lax.gather(
        v, idx[:, None],
        dimension_numbers=lax.GatherDimensionNumbers(
            offset_dims=(), collapsed_slice_dims=(0,), start_index_map=(0,)),
        slice_sizes=(1,),
        mode=lax.GatherScatterMode.PROMISE_IN_BOUNDS)


_BN = 1000


def _tc_normalize(v):
    n, d = v.shape

    def body(x_ref, o_ref):
        x = x_ref[...]
        ss = jnp.sum(x * x, axis=1, keepdims=True)
        nrm = jnp.maximum(jnp.sqrt(ss), 1e-12)
        o_ref[...] = x / nrm

    return pl.pallas_call(
        body,
        out_shape=jax.ShapeDtypeStruct((n, d), jnp.float32),
        grid=(n // _BN,),
        in_specs=[pl.BlockSpec((_BN, d), lambda i: (i, 0))],
        out_specs=pl.BlockSpec((_BN, d), lambda i: (i, 0)),
    )(v)


def _tc_combine(p, noise):
    _, n, d = p.shape

    def body(p_ref, n_ref, o_ref):
        x = p_ref[0] + p_ref[1] + n_ref[...]
        ss = jnp.sum(x * x, axis=1, keepdims=True)
        nrm = jnp.maximum(jnp.sqrt(ss), 1e-12)
        o_ref[...] = x / nrm

    return pl.pallas_call(
        body,
        out_shape=jax.ShapeDtypeStruct((n, d), jnp.float32),
        grid=(n // _BN,),
        in_specs=[
            pl.BlockSpec((2, _BN, d), lambda i: (0, i, 0)),
            pl.BlockSpec((_BN, d), lambda i: (i, 0)),
        ],
        out_specs=pl.BlockSpec((_BN, d), lambda i: (i, 0)),
    )(p, noise)


def kernel(x, edge_index):
    e = edge_index.shape[1]
    src = edge_index[0]
    dst3 = edge_index[1].reshape(_NW, e // _NW // (_SB * _C), _SB, _C)
    h = _tc_normalize(x)
    out = [h]
    for k in range(NUM_HOPS):
        noise = SIGMA * jax.random.normal(
            jax.random.fold_in(jax.random.key(1), k), x.shape, dtype=jnp.float32)
        p = _sc_hop(_pack_bf16(out[-1]), src, dst3)
        out.append(_tc_combine(p, noise))
    return jnp.stack(out)

# --- scband reference (transcript-rebuilt; emitter-appended) ---
"""Pipeline reference for scband-pmwa-3676492005787 (READ-ONLY COPY).

The authoritative reference and input builder live on the scoring server;
editing this copy changes nothing except your own understanding.
"""

import jax, jax.numpy as jnp
import numpy as np

NUM_HOPS = 2
SIGMA = 0.1
N = 10000
D = 128
E = 320000


def _normalize(v):
    # torch.nn.functional.normalize(v, dim=1) with default p=2, eps=1e-12
    n = jnp.linalg.norm(v, axis=1, keepdims=True)
    return v / jnp.maximum(n, 1e-12)


def setup_inputs(seed: int = 0) -> dict:
    key = jax.random.key(seed)
    k1, k2 = jax.random.split(key)
    x = jax.random.normal(k1, (N, D), dtype=jnp.float32)
    edge_index = jax.random.randint(k2, (2, E), 0, N, dtype=jnp.int32)
    return {"x": x, "edge_index": edge_index}


def reference(x, edge_index):
    num_nodes = x.shape[0]
    out = [_normalize(x)]
    for k in range(NUM_HOPS):
        h = out[-1]
        src = edge_index[0]
        dst = edge_index[1]
        # Similarity('inner product'): sum(h[edge_index][0] * h[edge_index][1], dim=1)
        e_values = jnp.sum(h[src] * h[dst], axis=1)
        alpha_values = jax.nn.sigmoid(e_values)
        # sparse_coo_tensor(edge_index, alpha, (N,N)).transpose(0,1) @ h
        # == segment-sum over dst of alpha_e * h[src_e]
        msg = alpha_values[:, None] * h[src]
        aggr = jax.ops.segment_sum(msg, dst, num_segments=num_nodes)
        noise = SIGMA * jax.random.normal(
            jax.random.fold_in(jax.random.key(1), k), aggr.shape, dtype=jnp.float32
        )
        out.append(_normalize(aggr + noise))
    return jnp.stack(out)

if __name__ == "__main__":
    import jax
    _d = setup_inputs()
    print(jax.jit(kernel)(*tuple(_d.values())))

</pallas_src>

<mosaic_0001>
#map = affine_map<(d0, d1) -> (0, 0)>
#map1 = affine_map<(d0, d1) -> (0)>
#map2 = affine_map<(d0, d1) -> (0, 0, 0, 0)>
#map3 = affine_map<(d0, d1) -> (0, 0, 0)>
module attributes {stable_mosaic.version = 14 : i64} {
  func.func @hop(%arg0: i32, %arg1: i32, %arg2: memref<10000x64xi32, #tpu.memory_space<hbm>>, %arg3: memref<320000xi32, #tpu.memory_space<hbm>>, %arg4: memref<32x5x25x80xi32, #tpu.memory_space<hbm>>, %arg5: memref<2x10000x128xf32, #tpu.memory_space<hbm>>, %arg6: memref<10000x128xf32, #tpu.memory_space<vmem_shared>>, %arg7: memref<2000xi32, #tpu.memory_space<vmem>>, %arg8: memref<25x80xi32, #tpu.memory_space<vmem>>, %arg9: memref<2x80x64xi32, #tpu.memory_space<vmem>>, %arg10: memref<2x80x64xi32, #tpu.memory_space<vmem>>, %arg11: memref<2x80x128xf32, #tpu.memory_space<vmem>>, %arg12: memref<2x!tpu.dma_semaphore, #tpu.memory_space<semaphore_mem>>, %arg13: memref<2x!tpu.dma_semaphore, #tpu.memory_space<semaphore_mem>>, %arg14: memref<2x!tpu.dma_semaphore, #tpu.memory_space<semaphore_mem>>) attributes {dimension_semantics = [#tpu.dimension_semantics<core_parallel>, #tpu.dimension_semantics<subcore_parallel>], iteration_bounds = array<i64: 2, 16>, scalar_prefetch = 0 : i64, scratch_operands = 9 : i64, tpu.core_type = #tpu.core_type<sc_vector_subcore>, window_params = [{transform_indices = #map}, {transform_indices = #map1}, {transform_indices = #map2}, {transform_indices = #map3}]} {
    %mul3A = arith.constant 2 : i32
    %mul3A_0 = arith.muli %arg1, %mul3A : i32
    %add3A = arith.addi %mul3A_0, %arg0 : i32
    %mul3A_1 = arith.constant 624 : i32
    %mul3A_2 = arith.muli %arg1, %mul3A_1 : i32
    %eq3A = arith.constant 15 : i32
    %eq3A_3 = arith.cmpi eq, %arg1, %eq3A : i32
    %broadcast_in_dim3A = arith.constant 0.000000e+00 : f32
    %broadcast_in_dim3A_4 = vector.broadcast %broadcast_in_dim3A : f32 to vector<16xf32>
    %scan3A = arith.constant 0 : i32
    %scan3A_5 = arith.constant 0 : i32
    %scan3A_6 = arith.constant 80 : i32
    %scan3A_7 = arith.addi %scan3A_5, %scan3A_6 : i32
    %scan3A_8 = arith.constant 1 : i32
    %scan3A_9 = scf.for %scan3A_54 = %scan3A_5 to %scan3A_7 step %scan3A_8 iter_args(%scan3A_55 = %scan3A) -> (i32)  : i32 {
      %swap3A = arith.constant 0 : i32
      %swap3A_56 = arith.index_cast %swap3A : i32 to index
      %swap3A_57 = arith.index_cast %scan3A_54 : i32 to index
      %swap3A_58 = arith.constant 0 : index
      %swap3A_59 = tpu.vector_load %arg11[%swap3A_56, %swap3A_57, %swap3A_58] {strides = array<i32>} : memref<2x80x128xf32, #tpu.memory_space<vmem>>, vector<1x1x16xf32>,
      %swap3A_60 = vector.shape_cast %swap3A_59 : vector<1x1x16xf32> to vector<16xf32>
      %swap3A_61 = vector.shape_cast %broadcast_in_dim3A_4 : vector<16xf32> to vector<1x1x16xf32>
      tpu.vector_store %arg11[%swap3A_56, %swap3A_57, %swap3A_58], %swap3A_61 {strides = array<i32>} : memref<2x80x128xf32, #tpu.memory_space<vmem>>, vector<1x1x16xf32>,
      %swap3A_62 = arith.constant 0 : i32
      %swap3A_63 = arith.index_cast %swap3A_62 : i32 to index
      %swap3A_64 = arith.index_cast %scan3A_54 : i32 to index
      %swap3A_65 = arith.constant 16 : index
      %swap3A_66 = tpu.vector_load %arg11[%swap3A_63, %swap3A_64, %swap3A_65] {strides = array<i32>} : memref<2x80x128xf32, #tpu.memory_space<vmem>>, vector<1x1x16xf32>,
      %swap3A_67 = vector.shape_cast %swap3A_66 : vector<1x1x16xf32> to vector<16xf32>
      %swap3A_68 = vector.shape_cast %broadcast_in_dim3A_4 : vector<16xf32> to vector<1x1x16xf32>
      tpu.vector_store %arg11[%swap3A_63, %swap3A_64, %swap3A_65], %swap3A_68 {strides = array<i32>} : memref<2x80x128xf32, #tpu.memory_space<vmem>>, vector<1x1x16xf32>,
      %swap3A_69 = arith.constant 0 : i32
      %swap3A_70 = arith.index_cast %swap3A_69 : i32 to index
      %swap3A_71 = arith.index_cast %scan3A_54 : i32 to index
      %swap3A_72 = arith.constant 32 : index
      %swap3A_73 = tpu.vector_load %arg11[%swap3A_70, %swap3A_71, %swap3A_72] {strides = array<i32>} : memref<2x80x128xf32, #tpu.memory_space<vmem>>, vector<1x1x16xf32>,
      %swap3A_74 = vector.shape_cast %swap3A_73 : vector<1x1x16xf32> to vector<16xf32>
      %swap3A_75 = vector.shape_cast %broadcast_in_dim3A_4 : vector<16xf32> to vector<1x1x16xf32>
      tpu.vector_store %arg11[%swap3A_70, %swap3A_71, %swap3A_72], %swap3A_75 {strides = array<i32>} : memref<2x80x128xf32, #tpu.memory_space<vmem>>, vector<1x1x16xf32>,
      %swap3A_76 = arith.constant 0 : i32
      %swap3A_77 = arith.index_cast %swap3A_76 : i32 to index
      %swap3A_78 = arith.index_cast %scan3A_54 : i32 to index
      %swap3A_79 = arith.constant 48 : index
      %swap3A_80 = tpu.vector_load %arg11[%swap3A_77, %swap3A_78, %swap3A_79] {strides = array<i32>} : memref<2x80x128xf32, #tpu.memory_space<vmem>>, vector<1x1x16xf32>,
      %swap3A_81 = vector.shape_cast %swap3A_80 : vector<1x1x16xf32> to vector<16xf32>
      %swap3A_82 = vector.shape_cast %broadcast_in_dim3A_4 : vector<16xf32> to vector<1x1x16xf32>
      tpu.vector_store %arg11[%swap3A_77, %swap3A_78, %swap3A_79], %swap3A_82 {strides = array<i32>} : memref<2x80x128xf32, #tpu.memory_space<vmem>>, vector<1x1x16xf32>,
      %swap3A_83 = arith.constant 0 : i32
      %swap3A_84 = arith.index_cast %swap3A_83 : i32 to index
      %swap3A_85 = arith.index_cast %scan3A_54 : i32 to index
      %swap3A_86 = arith.constant 64 : index
      %swap3A_87 = tpu.vector_load %arg11[%swap3A_84, %swap3A_85, %swap3A_86] {strides = array<i32>} : memref<2x80x128xf32, #tpu.memory_space<vmem>>, vector<1x1x16xf32>,
      %swap3A_88 = vector.shape_cast %swap3A_87 : vector<1x1x16xf32> to vector<16xf32>
      %swap3A_89 = vector.shape_cast %broadcast_in_dim3A_4 : vector<16xf32> to vector<1x1x16xf32>
      tpu.vector_store %arg11[%swap3A_84, %swap3A_85, %swap3A_86], %swap3A_89 {strides = array<i32>} : memref<2x80x128xf32, #tpu.memory_space<vmem>>, vector<1x1x16xf32>,
      %swap3A_90 = arith.constant 0 : i32
      %swap3A_91 = arith.index_cast %swap3A_90 : i32 to index
      %swap3A_92 = arith.index_cast %scan3A_54 : i32 to index
      %swap3A_93 = arith.constant 80 : index
      %swap3A_94 = tpu.vector_load %arg11[%swap3A_91, %swap3A_92, %swap3A_93] {strides = array<i32>} : memref<2x80x128xf32, #tpu.memory_space<vmem>>, vector<1x1x16xf32>,
      %swap3A_95 = vector.shape_cast %swap3A_94 : vector<1x1x16xf32> to vector<16xf32>
      %swap3A_96 = vector.shape_cast %broadcast_in_dim3A_4 : vector<16xf32> to vector<1x1x16xf32>
      tpu.vector_store %arg11[%swap3A_91, %swap3A_92, %swap3A_93], %swap3A_96 {strides = array<i32>} : memref<2x80x128xf32, #tpu.memory_space<vmem>>, vector<1x1x16xf32>,
      %swap3A_97 = arith.constant 0 : i32
      %swap3A_98 = arith.index_cast %swap3A_97 : i32 to index
      %swap3A_99 = arith.index_cast %scan3A_54 : i32 to index
      %swap3A_100 = arith.constant 96 : index
      %swap3A_101 = tpu.vector_load %arg11[%swap3A_98, %swap3A_99, %swap3A_100] {strides = array<i32>} : memref<2x80x128xf32, #tpu.memory_space<vmem>>, vector<1x1x16xf32>,
      %swap3A_102 = vector.shape_cast %swap3A_101 : vector<1x1x16xf32> to vector<16xf32>
      %swap3A_103 = vector.shape_cast %broadcast_in_dim3A_4 : vector<16xf32> to vector<1x1x16xf32>
      tpu.vector_store %arg11[%swap3A_98, %swap3A_99, %swap3A_100], %swap3A_103 {strides = array<i32>} : memref<2x80x128xf32, #tpu.memory_space<vmem>>, vector<1x1x16xf32>,
      %swap3A_104 = arith.constant 0 : i32
      %swap3A_105 = arith.index_cast %swap3A_104 : i32 to index
      %swap3A_106 = arith.index_cast %scan3A_54 : i32 to index
      %swap3A_107 = arith.constant 112 : index
      %swap3A_108 = tpu.vector_load %arg11[%swap3A_105, %swap3A_106, %swap3A_107] {strides = array<i32>} : memref<2x80x128xf32, #tpu.memory_space<vmem>>, vector<1x1x16xf32>,
      %swap3A_109 = vector.shape_cast %swap3A_108 : vector<1x1x16xf32> to vector<16xf32>
      %swap3A_110 = vector.shape_cast %broadcast_in_dim3A_4 : vector<16xf32> to vector<1x1x16xf32>
      tpu.vector_store %arg11[%swap3A_105, %swap3A_106, %swap3A_107], %swap3A_110 {strides = array<i32>} : memref<2x80x128xf32, #tpu.memory_space<vmem>>, vector<1x1x16xf32>,
      %scan3A_111 = arith.constant 0 : i32
      scf.yield %scan3A_111 : i32
    }
    %scan3A_10 = arith.constant 80 : i32
    %add3A_11 = arith.constant 0 : i32
    %add3A_12 = arith.addi %mul3A_2, %add3A_11 : i32
    %run_scoped3A = arith.constant 0 : i32
    "tpu.region"() ({
      %run_scoped3A_54 = tpu.sem_alloc : memref<!tpu.dma_semaphore, #tpu.memory_space<semaphore_mem>>
      %dma_start3A = arith.constant 0 : i32
      %dma_start3A_55 = arith.constant 0 : i32
      %dma_start3A_56 = tpu.memref_slice %arg11[%run_scoped3A, %dma_start3A, %dma_start3A_55] : memref<2x80x128xf32, #tpu.memory_space<vmem>> -> memref<1x80x128xf32, #tpu.memory_space<vmem>>
      %dma_start3A_57 = tpu.memref_squeeze %dma_start3A_56 : memref<1x80x128xf32, #tpu.memory_space<vmem>> -> memref<80x128xf32, #tpu.memory_space<vmem>>
      %dma_start3A_58 = arith.constant 0 : i32
      %dma_start3A_59 = tpu.memref_slice %arg6[%add3A_12, %dma_start3A_58] : memref<10000x128xf32, #tpu.memory_space<vmem_shared>> -> memref<80x128xf32, #tpu.memory_space<vmem_shared>>
      %dma_start3A_60 = arith.constant 0 : i32
      %dma_start3A_61 = tpu.memref_slice %arg6[%add3A_12, %dma_start3A_60] : memref<10000x128xf32, #tpu.memory_space<vmem_shared>> -> memref<80x128xf32, #tpu.memory_space<vmem_shared>>
      %dma_start3A_62 = arith.constant 0 : i32
      %dma_start3A_63 = arith.constant 0 : i32
      %dma_start3A_64 = tpu.memref_slice %arg11[%run_scoped3A, %dma_start3A_62, %dma_start3A_63] : memref<2x80x128xf32, #tpu.memory_space<vmem>> -> memref<1x80x128xf32, #tpu.memory_space<vmem>>
      %dma_start3A_65 = tpu.memref_squeeze %dma_start3A_64 : memref<1x80x128xf32, #tpu.memory_space<vmem>> -> memref<80x128xf32, #tpu.memory_space<vmem>>
      tpu.enqueue_dma source(%dma_start3A_65 : memref<80x128xf32, #tpu.memory_space<vmem>>) target(%dma_start3A_61 : memref<80x128xf32, #tpu.memory_space<vmem_shared>>) target_semaphore(%run_scoped3A_54 : memref<!tpu.dma_semaphore, #tpu.memory_space<semaphore_mem>>)
      %dma_wait3A = arith.constant 0 : i32
      %dma_wait3A_66 = arith.constant 0 : i32
      %dma_wait3A_67 = tpu.memref_slice %arg11[%run_scoped3A, %dma_wait3A, %dma_wait3A_66] : memref<2x80x128xf32, #tpu.memory_space<vmem>> -> memref<1x80x128xf32, #tpu.memory_space<vmem>>
      %dma_wait3A_68 = tpu.memref_squeeze %dma_wait3A_67 : memref<1x80x128xf32, #tpu.memory_space<vmem>> -> memref<80x128xf32, #tpu.memory_space<vmem>>
      %dma_wait3A_69 = arith.constant 0 : i32
      %dma_wait3A_70 = tpu.memref_slice %arg6[%add3A_12, %dma_wait3A_69] : memref<10000x128xf32, #tpu.memory_space<vmem_shared>> -> memref<80x128xf32, #tpu.memory_space<vmem_shared>>
      %dma_wait3A_71 = arith.constant 0 : i32
      %dma_wait3A_72 = tpu.memref_slice %arg6[%add3A_12, %dma_wait3A_71] : memref<10000x128xf32, #tpu.memory_space<vmem_shared>> -> memref<80x128xf32, #tpu.memory_space<vmem_shared>>
      %dma_wait3A_73 = arith.constant 0 : i32
      %dma_wait3A_74 = arith.constant 0 : i32
      %dma_wait3A_75 = tpu.memref_slice %arg11[%run_scoped3A, %dma_wait3A_73, %dma_wait3A_74] : memref<2x80x128xf32, #tpu.memory_space<vmem>> -> memref<1x80x128xf32, #tpu.memory_space<vmem>>
      %dma_wait3A_76 = tpu.memref_squeeze %dma_wait3A_75 : memref<1x80x128xf32, #tpu.memory_space<vmem>> -> memref<80x128xf32, #tpu.memory_space<vmem>>
      tpu.wait_dma2 semaphore(%run_scoped3A_54 : memref<!tpu.dma_semaphore, #tpu.memory_space<semaphore_mem>>) src(%dma_wait3A_76 : memref<80x128xf32, #tpu.memory_space<vmem>>) dst(%dma_wait3A_72 : memref<80x128xf32, #tpu.memory_space<vmem_shared>>)
      tpu.yield
    }) : () -> ()
    %add3A_13 = arith.constant 80 : i32
    %add3A_14 = arith.addi %mul3A_2, %add3A_13 : i32
    %run_scoped3A_15 = arith.constant 0 : i32
    "tpu.region"() ({
      %run_scoped3A_54 = tpu.sem_alloc : memref<!tpu.dma_semaphore, #tpu.memory_space<semaphore_mem>>
      %dma_start3A = arith.constant 0 : i32
      %dma_start3A_55 = arith.constant 0 : i32
      %dma_start3A_56 = tpu.memref_slice %arg11[%run_scoped3A_15, %dma_start3A, %dma_start3A_55] : memref<2x80x128xf32, #tpu.memory_space<vmem>> -> memref<1x80x128xf32, #tpu.memory_space<vmem>>
      %dma_start3A_57 = tpu.memref_squeeze %dma_start3A_56 : memref<1x80x128xf32, #tpu.memory_space<vmem>> -> memref<80x128xf32, #tpu.memory_space<vmem>>
      %dma_start3A_58 = arith.constant 0 : i32
      %dma_start3A_59 = tpu.memref_slice %arg6[%add3A_14, %dma_start3A_58] : memref<10000x128xf32, #tpu.memory_space<vmem_shared>> -> memref<80x128xf32, #tpu.memory_space<vmem_shared>>
      %dma_start3A_60 = arith.constant 0 : i32
      %dma_start3A_61 = tpu.memref_slice %arg6[%add3A_14, %dma_start3A_60] : memref<10000x128xf32, #tpu.memory_space<vmem_shared>> -> memref<80x128xf32, #tpu.memory_space<vmem_shared>>
      %dma_start3A_62 = arith.constant 0 : i32
      %dma_start3A_63 = arith.constant 0 : i32
      %dma_start3A_64 = tpu.memref_slice %arg11[%run_scoped3A_15, %dma_start3A_62, %dma_start3A_63] : memref<2x80x128xf32, #tpu.memory_space<vmem>> -> memref<1x80x128xf32, #tpu.memory_space<vmem>>
      %dma_start3A_65 = tpu.memref_squeeze %dma_start3A_64 : memref<1x80x128xf32, #tpu.memory_space<vmem>> -> memref<80x128xf32, #tpu.memory_space<vmem>>
      tpu.enqueue_dma source(%dma_start3A_65 : memref<80x128xf32, #tpu.memory_space<vmem>>) target(%dma_start3A_61 : memref<80x128xf32, #tpu.memory_space<vmem_shared>>) target_semaphore(%run_scoped3A_54 : memref<!tpu.dma_semaphore, #tpu.memory_space<semaphore_mem>>)
      %dma_wait3A = arith.constant 0 : i32
      %dma_wait3A_66 = arith.constant 0 : i32
      %dma_wait3A_67 = tpu.memref_slice %arg11[%run_scoped3A_15, %dma_wait3A, %dma_wait3A_66] : memref<2x80x128xf32, #tpu.memory_space<vmem>> -> memref<1x80x128xf32, #tpu.memory_space<vmem>>
      %dma_wait3A_68 = tpu.memref_squeeze %dma_wait3A_67 : memref<1x80x128xf32, #tpu.memory_space<vmem>> -> memref<80x128xf32, #tpu.memory_space<vmem>>
      %dma_wait3A_69 = arith.constant 0 : i32
      %dma_wait3A_70 = tpu.memref_slice %arg6[%add3A_14, %dma_wait3A_69] : memref<10000x128xf32, #tpu.memory_space<vmem_shared>> -> memref<80x128xf32, #tpu.memory_space<vmem_shared>>
      %dma_wait3A_71 = arith.constant 0 : i32
      %dma_wait3A_72 = tpu.memref_slice %arg6[%add3A_14, %dma_wait3A_71] : memref<10000x128xf32, #tpu.memory_space<vmem_shared>> -> memref<80x128xf32, #tpu.memory_space<vmem_shared>>
      %dma_wait3A_73 = arith.constant 0 : i32
      %dma_wait3A_74 = arith.constant 0 : i32
      %dma_wait3A_75 = tpu.memref_slice %arg11[%run_scoped3A_15, %dma_wait3A_73, %dma_wait3A_74] : memref<2x80x128xf32, #tpu.memory_space<vmem>> -> memref<1x80x128xf32, #tpu.memory_space<vmem>>
      %dma_wait3A_76 = tpu.memref_squeeze %dma_wait3A_75 : memref<1x80x128xf32, #tpu.memory_space<vmem>> -> memref<80x128xf32, #tpu.memory_space<vmem>>
      tpu.wait_dma2 semaphore(%run_scoped3A_54 : memref<!tpu.dma_semaphore, #tpu.memory_space<semaphore_mem>>) src(%dma_wait3A_76 : memref<80x128xf32, #tpu.memory_space<vmem>>) dst(%dma_wait3A_72 : memref<80x128xf32, #tpu.memory_space<vmem_shared>>)
      tpu.yield
    }) : () -> ()
    %add3A_16 = arith.constant 160 : i32
    %add3A_17 = arith.addi %mul3A_2, %add3A_16 : i32
    %run_scoped3A_18 = arith.constant 0 : i32
    "tpu.region"() ({
      %run_scoped3A_54 = tpu.sem_alloc : memref<!tpu.dma_semaphore, #tpu.memory_space<semaphore_mem>>
      %dma_start3A = arith.constant 0 : i32
      %dma_start3A_55 = arith.constant 0 : i32
      %dma_start3A_56 = tpu.memref_slice %arg11[%run_scoped3A_18, %dma_start3A, %dma_start3A_55] : memref<2x80x128xf32, #tpu.memory_space<vmem>> -> memref<1x80x128xf32, #tpu.memory_space<vmem>>
      %dma_start3A_57 = tpu.memref_squeeze %dma_start3A_56 : memref<1x80x128xf32, #tpu.memory_space<vmem>> -> memref<80x128xf32, #tpu.memory_space<vmem>>
      %dma_start3A_58 = arith.constant 0 : i32
      %dma_start3A_59 = tpu.memref_slice %arg6[%add3A_17, %dma_start3A_58] : memref<10000x128xf32, #tpu.memory_space<vmem_shared>> -> memref<80x128xf32, #tpu.memory_space<vmem_shared>>
      %dma_start3A_60 = arith.constant 0 : i32
      %dma_start3A_61 = tpu.memref_slice %arg6[%add3A_17, %dma_start3A_60] : memref<10000x128xf32, #tpu.memory_space<vmem_shared>> -> memref<80x128xf32, #tpu.memory_space<vmem_shared>>
      %dma_start3A_62 = arith.constant 0 : i32
      %dma_start3A_63 = arith.constant 0 : i32
      %dma_start3A_64 = tpu.memref_slice %arg11[%run_scoped3A_18, %dma_start3A_62, %dma_start3A_63] : memref<2x80x128xf32, #tpu.memory_space<vmem>> -> memref<1x80x128xf32, #tpu.memory_space<vmem>>
      %dma_start3A_65 = tpu.memref_squeeze %dma_start3A_64 : memref<1x80x128xf32, #tpu.memory_space<vmem>> -> memref<80x128xf32, #tpu.memory_space<vmem>>
      tpu.enqueue_dma source(%dma_start3A_65 : memref<80x128xf32, #tpu.memory_space<vmem>>) target(%dma_start3A_61 : memref<80x128xf32, #tpu.memory_space<vmem_shared>>) target_semaphore(%run_scoped3A_54 : memref<!tpu.dma_semaphore, #tpu.memory_space<semaphore_mem>>)
      %dma_wait3A = arith.constant 0 : i32
      %dma_wait3A_66 = arith.constant 0 : i32
      %dma_wait3A_67 = tpu.memref_slice %arg11[%run_scoped3A_18, %dma_wait3A, %dma_wait3A_66] : memref<2x80x128xf32, #tpu.memory_space<vmem>> -> memref<1x80x128xf32, #tpu.memory_space<vmem>>
      %dma_wait3A_68 = tpu.memref_squeeze %dma_wait3A_67 : memref<1x80x128xf32, #tpu.memory_space<vmem>> -> memref<80x128xf32, #tpu.memory_space<vmem>>
      %dma_wait3A_69 = arith.constant 0 : i32
      %dma_wait3A_70 = tpu.memref_slice %arg6[%add3A_17, %dma_wait3A_69] : memref<10000x128xf32, #tpu.memory_space<vmem_shared>> -> memref<80x128xf32, #tpu.memory_space<vmem_shared>>
      %dma_wait3A_71 = arith.constant 0 : i32
      %dma_wait3A_72 = tpu.memref_slice %arg6[%add3A_17, %dma_wait3A_71] : memref<10000x128xf32, #tpu.memory_space<vmem_shared>> -> memref<80x128xf32, #tpu.memory_space<vmem_shared>>
      %dma_wait3A_73 = arith.constant 0 : i32
      %dma_wait3A_74 = arith.constant 0 : i32
      %dma_wait3A_75 = tpu.memref_slice %arg11[%run_scoped3A_18, %dma_wait3A_73, %dma_wait3A_74] : memref<2x80x128xf32, #tpu.memory_space<vmem>> -> memref<1x80x128xf32, #tpu.memory_space<vmem>>
      %dma_wait3A_76 = tpu.memref_squeeze %dma_wait3A_75 : memref<1x80x128xf32, #tpu.memory_space<vmem>> -> memref<80x128xf32, #tpu.memory_space<vmem>>
      tpu.wait_dma2 semaphore(%run_scoped3A_54 : memref<!tpu.dma_semaphore, #tpu.memory_space<semaphore_mem>>) src(%dma_wait3A_76 : memref<80x128xf32, #tpu.memory_space<vmem>>) dst(%dma_wait3A_72 : memref<80x128xf32, #tpu.memory_space<vmem_shared>>)
      tpu.yield
    }) : () -> ()
    %add3A_19 = arith.constant 240 : i32
    %add3A_20 = arith.addi %mul3A_2, %add3A_19 : i32
    %run_scoped3A_21 = arith.constant 0 : i32
    "tpu.region"() ({
      %run_scoped3A_54 = tpu.sem_alloc : memref<!tpu.dma_semaphore, #tpu.memory_space<semaphore_mem>>
      %dma_start3A = arith.constant 0 : i32
      %dma_start3A_55 = arith.constant 0 : i32
      %dma_start3A_56 = tpu.memref_slice %arg11[%run_scoped3A_21, %dma_start3A, %dma_start3A_55] : memref<2x80x128xf32, #tpu.memory_space<vmem>> -> memref<1x80x128xf32, #tpu.memory_space<vmem>>
      %dma_start3A_57 = tpu.memref_squeeze %dma_start3A_56 : memref<1x80x128xf32, #tpu.memory_space<vmem>> -> memref<80x128xf32, #tpu.memory_space<vmem>>
      %dma_start3A_58 = arith.constant 0 : i32
      %dma_start3A_59 = tpu.memref_slice %arg6[%add3A_20, %dma_start3A_58] : memref<10000x128xf32, #tpu.memory_space<vmem_shared>> -> memref<80x128xf32, #tpu.memory_space<vmem_shared>>
      %dma_start3A_60 = arith.constant 0 : i32
      %dma_start3A_61 = tpu.memref_slice %arg6[%add3A_20, %dma_start3A_60] : memref<10000x128xf32, #tpu.memory_space<vmem_shared>> -> memref<80x128xf32, #tpu.memory_space<vmem_shared>>
      %dma_start3A_62 = arith.constant 0 : i32
      %dma_start3A_63 = arith.constant 0 : i32
      %dma_start3A_64 = tpu.memref_slice %arg11[%run_scoped3A_21, %dma_start3A_62, %dma_start3A_63] : memref<2x80x128xf32, #tpu.memory_space<vmem>> -> memref<1x80x128xf32, #tpu.memory_space<vmem>>
      %dma_start3A_65 = tpu.memref_squeeze %dma_start3A_64 : memref<1x80x128xf32, #tpu.memory_space<vmem>> -> memref<80x128xf32, #tpu.memory_space<vmem>>
      tpu.enqueue_dma source(%dma_start3A_65 : memref<80x128xf32, #tpu.memory_space<vmem>>) target(%dma_start3A_61 : memref<80x128xf32, #tpu.memory_space<vmem_shared>>) target_semaphore(%run_scoped3A_54 : memref<!tpu.dma_semaphore, #tpu.memory_space<semaphore_mem>>)
      %dma_wait3A = arith.constant 0 : i32
      %dma_wait3A_66 = arith.constant 0 : i32
      %dma_wait3A_67 = tpu.memref_slice %arg11[%run_scoped3A_21, %dma_wait3A, %dma_wait3A_66] : memref<2x80x128xf32, #tpu.memory_space<vmem>> -> memref<1x80x128xf32, #tpu.memory_space<vmem>>
      %dma_wait3A_68 = tpu.memref_squeeze %dma_wait3A_67 : memref<1x80x128xf32, #tpu.memory_space<vmem>> -> memref<80x128xf32, #tpu.memory_space<vmem>>
      %dma_wait3A_69 = arith.constant 0 : i32
      %dma_wait3A_70 = tpu.memref_slice %arg6[%add3A_20, %dma_wait3A_69] : memref<10000x128xf32, #tpu.memory_space<vmem_shared>> -> memref<80x128xf32, #tpu.memory_space<vmem_shared>>
      %dma_wait3A_71 = arith.constant 0 : i32
      %dma_wait3A_72 = tpu.memref_slice %arg6[%add3A_20, %dma_wait3A_71] : memref<10000x128xf32, #tpu.memory_space<vmem_shared>> -> memref<80x128xf32, #tpu.memory_space<vmem_shared>>
      %dma_wait3A_73 = arith.constant 0 : i32
      %dma_wait3A_74 = arith.constant 0 : i32
      %dma_wait3A_75 = tpu.memref_slice %arg11[%run_scoped3A_21, %dma_wait3A_73, %dma_wait3A_74] : memref<2x80x128xf32, #tpu.memory_space<vmem>> -> memref<1x80x128xf32, #tpu.memory_space<vmem>>
      %dma_wait3A_76 = tpu.memref_squeeze %dma_wait3A_75 : memref<1x80x128xf32, #tpu.memory_space<vmem>> -> memref<80x128xf32, #tpu.memory_space<vmem>>
      tpu.wait_dma2 semaphore(%run_scoped3A_54 : memref<!tpu.dma_semaphore, #tpu.memory_space<semaphore_mem>>) src(%dma_wait3A_76 : memref<80x128xf32, #tpu.memory_space<vmem>>) dst(%dma_wait3A_72 : memref<80x128xf32, #tpu.memory_space<vmem_shared>>)
      tpu.yield
    }) : () -> ()
    %add3A_22 = arith.constant 320 : i32
    %add3A_23 = arith.addi %mul3A_2, %add3A_22 : i32
    %run_scoped3A_24 = arith.constant 0 : i32
    "tpu.region"() ({
      %run_scoped3A_54 = tpu.sem_alloc : memref<!tpu.dma_semaphore, #tpu.memory_space<semaphore_mem>>
      %dma_start3A = arith.constant 0 : i32
      %dma_start3A_55 = arith.constant 0 : i32
      %dma_start3A_56 = tpu.memref_slice %arg11[%run_scoped3A_24, %dma_start3A, %dma_start3A_55] : memref<2x80x128xf32, #tpu.memory_space<vmem>> -> memref<1x80x128xf32, #tpu.memory_space<vmem>>
      %dma_start3A_57 = tpu.memref_squeeze %dma_start3A_56 : memref<1x80x128xf32, #tpu.memory_space<vmem>> -> memref<80x128xf32, #tpu.memory_space<vmem>>
      %dma_start3A_58 = arith.constant 0 : i32
      %dma_start3A_59 = tpu.memref_slice %arg6[%add3A_23, %dma_start3A_58] : memref<10000x128xf32, #tpu.memory_space<vmem_shared>> -> memref<80x128xf32, #tpu.memory_space<vmem_shared>>
      %dma_start3A_60 = arith.constant 0 : i32
      %dma_start3A_61 = tpu.memref_slice %arg6[%add3A_23, %dma_start3A_60] : memref<10000x128xf32, #tpu.memory_space<vmem_shared>> -> memref<80x128xf32, #tpu.memory_space<vmem_shared>>
      %dma_start3A_62 = arith.constant 0 : i32
      %dma_start3A_63 = arith.constant 0 : i32
      %dma_start3A_64 = tpu.memref_slice %arg11[%run_scoped3A_24, %dma_start3A_62, %dma_start3A_63] : memref<2x80x128xf32, #tpu.memory_space<vmem>> -> memref<1x80x128xf32, #tpu.memory_space<vmem>>
      %dma_start3A_65 = tpu.memref_squeeze %dma_start3A_64 : memref<1x80x128xf32, #tpu.memory_space<vmem>> -> memref<80x128xf32, #tpu.memory_space<vmem>>
      tpu.enqueue_dma source(%dma_start3A_65 : memref<80x128xf32, #tpu.memory_space<vmem>>) target(%dma_start3A_61 : memref<80x128xf32, #tpu.memory_space<vmem_shared>>) target_semaphore(%run_scoped3A_54 : memref<!tpu.dma_semaphore, #tpu.memory_space<semaphore_mem>>)
      %dma_wait3A = arith.constant 0 : i32
      %dma_wait3A_66 = arith.constant 0 : i32
      %dma_wait3A_67 = tpu.memref_slice %arg11[%run_scoped3A_24, %dma_wait3A, %dma_wait3A_66] : memref<2x80x128xf32, #tpu.memory_space<vmem>> -> memref<1x80x128xf32, #tpu.memory_space<vmem>>
      %dma_wait3A_68 = tpu.memref_squeeze %dma_wait3A_67 : memref<1x80x128xf32, #tpu.memory_space<vmem>> -> memref<80x128xf32, #tpu.memory_space<vmem>>
      %dma_wait3A_69 = arith.constant 0 : i32
      %dma_wait3A_70 = tpu.memref_slice %arg6[%add3A_23, %dma_wait3A_69] : memref<10000x128xf32, #tpu.memory_space<vmem_shared>> -> memref<80x128xf32, #tpu.memory_space<vmem_shared>>
      %dma_wait3A_71 = arith.constant 0 : i32
      %dma_wait3A_72 = tpu.memref_slice %arg6[%add3A_23, %dma_wait3A_71] : memref<10000x128xf32, #tpu.memory_space<vmem_shared>> -> memref<80x128xf32, #tpu.memory_space<vmem_shared>>
      %dma_wait3A_73 = arith.constant 0 : i32
      %dma_wait3A_74 = arith.constant 0 : i32
      %dma_wait3A_75 = tpu.memref_slice %arg11[%run_scoped3A_24, %dma_wait3A_73, %dma_wait3A_74] : memref<2x80x128xf32, #tpu.memory_space<vmem>> -> memref<1x80x128xf32, #tpu.memory_space<vmem>>
      %dma_wait3A_76 = tpu.memref_squeeze %dma_wait3A_75 : memref<1x80x128xf32, #tpu.memory_space<vmem>> -> memref<80x128xf32, #tpu.memory_space<vmem>>
      tpu.wait_dma2 semaphore(%run_scoped3A_54 : memref<!tpu.dma_semaphore, #tpu.memory_space<semaphore_mem>>) src(%dma_wait3A_76 : memref<80x128xf32, #tpu.memory_space<vmem>>) dst(%dma_wait3A_72 : memref<80x128xf32, #tpu.memory_space<vmem_shared>>)
      tpu.yield
    }) : () -> ()
    %add3A_25 = arith.constant 400 : i32
    %add3A_26 = arith.addi %mul3A_2, %add3A_25 : i32
    %run_scoped3A_27 = arith.constant 0 : i32
    "tpu.region"() ({
      %run_scoped3A_54 = tpu.sem_alloc : memref<!tpu.dma_semaphore, #tpu.memory_space<semaphore_mem>>
      %dma_start3A = arith.constant 0 : i32
      %dma_start3A_55 = arith.constant 0 : i32
      %dma_start3A_56 = tpu.memref_slice %arg11[%run_scoped3A_27, %dma_start3A, %dma_start3A_55] : memref<2x80x128xf32, #tpu.memory_space<vmem>> -> memref<1x80x128xf32, #tpu.memory_space<vmem>>
      %dma_start3A_57 = tpu.memref_squeeze %dma_start3A_56 : memref<1x80x128xf32, #tpu.memory_space<vmem>> -> memref<80x128xf32, #tpu.memory_space<vmem>>
      %dma_start3A_58 = arith.constant 0 : i32
      %dma_start3A_59 = tpu.memref_slice %arg6[%add3A_26, %dma_start3A_58] : memref<10000x128xf32, #tpu.memory_space<vmem_shared>> -> memref<80x128xf32, #tpu.memory_space<vmem_shared>>
      %dma_start3A_60 = arith.constant 0 : i32
      %dma_start3A_61 = tpu.memref_slice %arg6[%add3A_26, %dma_start3A_60] : memref<10000x128xf32, #tpu.memory_space<vmem_shared>> -> memref<80x128xf32, #tpu.memory_space<vmem_shared>>
      %dma_start3A_62 = arith.constant 0 : i32
      %dma_start3A_63 = arith.constant 0 : i32
      %dma_start3A_64 = tpu.memref_slice %arg11[%run_scoped3A_27, %dma_start3A_62, %dma_start3A_63] : memref<2x80x128xf32, #tpu.memory_space<vmem>> -> memref<1x80x128xf32, #tpu.memory_space<vmem>>
      %dma_start3A_65 = tpu.memref_squeeze %dma_start3A_64 : memref<1x80x128xf32, #tpu.memory_space<vmem>> -> memref<80x128xf32, #tpu.memory_space<vmem>>
      tpu.enqueue_dma source(%dma_start3A_65 : memref<80x128xf32, #tpu.memory_space<vmem>>) target(%dma_start3A_61 : memref<80x128xf32, #tpu.memory_space<vmem_shared>>) target_semaphore(%run_scoped3A_54 : memref<!tpu.dma_semaphore, #tpu.memory_space<semaphore_mem>>)
      %dma_wait3A = arith.constant 0 : i32
      %dma_wait3A_66 = arith.constant 0 : i32
      %dma_wait3A_67 = tpu.memref_slice %arg11[%run_scoped3A_27, %dma_wait3A, %dma_wait3A_66] : memref<2x80x128xf32, #tpu.memory_space<vmem>> -> memref<1x80x128xf32, #tpu.memory_space<vmem>>
      %dma_wait3A_68 = tpu.memref_squeeze %dma_wait3A_67 : memref<1x80x128xf32, #tpu.memory_space<vmem>> -> memref<80x128xf32, #tpu.memory_space<vmem>>
      %dma_wait3A_69 = arith.constant 0 : i32
      %dma_wait3A_70 = tpu.memref_slice %arg6[%add3A_26, %dma_wait3A_69] : memref<10000x128xf32, #tpu.memory_space<vmem_shared>> -> memref<80x128xf32, #tpu.memory_space<vmem_shared>>
      %dma_wait3A_71 = arith.constant 0 : i32
      %dma_wait3A_72 = tpu.memref_slice %arg6[%add3A_26, %dma_wait3A_71] : memref<10000x128xf32, #tpu.memory_space<vmem_shared>> -> memref<80x128xf32, #tpu.memory_space<vmem_shared>>
      %dma_wait3A_73 = arith.constant 0 : i32
      %dma_wait3A_74 = arith.constant 0 : i32
      %dma_wait3A_75 = tpu.memref_slice %arg11[%run_scoped3A_27, %dma_wait3A_73, %dma_wait3A_74] : memref<2x80x128xf32, #tpu.memory_space<vmem>> -> memref<1x80x128xf32, #tpu.memory_space<vmem>>
      %dma_wait3A_76 = tpu.memref_squeeze %dma_wait3A_75 : memref<1x80x128xf32, #tpu.memory_space<vmem>> -> memref<80x128xf32, #tpu.memory_space<vmem>>
      tpu.wait_dma2 semaphore(%run_scoped3A_54 : memref<!tpu.dma_semaphore, #tpu.memory_space<semaphore_mem>>) src(%dma_wait3A_76 : memref<80x128xf32, #tpu.memory_space<vmem>>) dst(%dma_wait3A_72 : memref<80x128xf32, #tpu.memory_space<vmem_shared>>)
      tpu.yield
    }) : () -> ()
    %add3A_28 = arith.constant 480 : i32
    %add3A_29 = arith.addi %mul3A_2, %add3A_28 : i32
    %run_scoped3A_30 = arith.constant 0 : i32
    "tpu.region"() ({
      %run_scoped3A_54 = tpu.sem_alloc : memref<!tpu.dma_semaphore, #tpu.memory_space<semaphore_mem>>
      %dma_start3A = arith.constant 0 : i32
      %dma_start3A_55 = arith.constant 0 : i32
      %dma_start3A_56 = tpu.memref_slice %arg11[%run_scoped3A_30, %dma_start3A, %dma_start3A_55] : memref<2x80x128xf32, #tpu.memory_space<vmem>> -> memref<1x80x128xf32, #tpu.memory_space<vmem>>
      %dma_start3A_57 = tpu.memref_squeeze %dma_start3A_56 : memref<1x80x128xf32, #tpu.memory_space<vmem>> -> memref<80x128xf32, #tpu.memory_space<vmem>>
      %dma_start3A_58 = arith.constant 0 : i32
      %dma_start3A_59 = tpu.memref_slice %arg6[%add3A_29, %dma_start3A_58] : memref<10000x128xf32, #tpu.memory_space<vmem_shared>> -> memref<80x128xf32, #tpu.memory_space<vmem_shared>>
      %dma_start3A_60 = arith.constant 0 : i32
      %dma_start3A_61 = tpu.memref_slice %arg6[%add3A_29, %dma_start3A_60] : memref<10000x128xf32, #tpu.memory_space<vmem_shared>> -> memref<80x128xf32, #tpu.memory_space<vmem_shared>>
      %dma_start3A_62 = arith.constant 0 : i32
      %dma_start3A_63 = arith.constant 0 : i32
      %dma_start3A_64 = tpu.memref_slice %arg11[%run_scoped3A_30, %dma_start3A_62, %dma_start3A_63] : memref<2x80x128xf32, #tpu.memory_space<vmem>> -> memref<1x80x128xf32, #tpu.memory_space<vmem>>
      %dma_start3A_65 = tpu.memref_squeeze %dma_start3A_64 : memref<1x80x128xf32, #tpu.memory_space<vmem>> -> memref<80x128xf32, #tpu.memory_space<vmem>>
      tpu.enqueue_dma source(%dma_start3A_65 : memref<80x128xf32, #tpu.memory_space<vmem>>) target(%dma_start3A_61 : memref<80x128xf32, #tpu.memory_space<vmem_shared>>) target_semaphore(%run_scoped3A_54 : memref<!tpu.dma_semaphore, #tpu.memory_space<semaphore_mem>>)
      %dma_wait3A = arith.constant 0 : i32
      %dma_wait3A_66 = arith.constant 0 : i32
      %dma_wait3A_67 = tpu.memref_slice %arg11[%run_scoped3A_30, %dma_wait3A, %dma_wait3A_66] : memref<2x80x128xf32, #tpu.memory_space<vmem>> -> memref<1x80x128xf32, #tpu.memory_space<vmem>>
      %dma_wait3A_68 = tpu.memref_squeeze %dma_wait3A_67 : memref<1x80x128xf32, #tpu.memory_space<vmem>> -> memref<80x128xf32, #tpu.memory_space<vmem>>
      %dma_wait3A_69 = arith.constant 0 : i32
      %dma_wait3A_70 = tpu.memref_slice %arg6[%add3A_29, %dma_wait3A_69] : memref<10000x128xf32, #tpu.memory_space<vmem_shared>> -> memref<80x128xf32, #tpu.memory_space<vmem_shared>>
      %dma_wait3A_71 = arith.constant 0 : i32
      %dma_wait3A_72 = tpu.memref_slice %arg6[%add3A_29, %dma_wait3A_71] : memref<10000x128xf32, #tpu.memory_space<vmem_shared>> -> memref<80x128xf32, #tpu.memory_space<vmem_shared>>
      %dma_wait3A_73 = arith.constant 0 : i32
      %dma_wait3A_74 = arith.constant 0 : i32
      %dma_wait3A_75 = tpu.memref_slice %arg11[%run_scoped3A_30, %dma_wait3A_73, %dma_wait3A_74] : memref<2x80x128xf32, #tpu.memory_space<vmem>> -> memref<1x80x128xf32, #tpu.memory_space<vmem>>
      %dma_wait3A_76 = tpu.memref_squeeze %dma_wait3A_75 : memref<1x80x128xf32, #tpu.memory_space<vmem>> -> memref<80x128xf32, #tpu.memory_space<vmem>>
      tpu.wait_dma2 semaphore(%run_scoped3A_54 : memref<!tpu.dma_semaphore, #tpu.memory_space<semaphore_mem>>) src(%dma_wait3A_76 : memref<80x128xf32, #tpu.memory_space<vmem>>) dst(%dma_wait3A_72 : memref<80x128xf32, #tpu.memory_space<vmem_shared>>)
      tpu.yield
    }) : () -> ()
    %not3A = arith.constant true
    %not3A_31 = arith.xori %eq3A_3, %not3A : i1
    %convert_element_type3A = arith.extui %not3A_31 : i1 to i32
    %cond3A = arith.constant 0 : i32
    %cond3A_32 = arith.constant 0 : i32
    %cond3A_33 = arith.cmpi ne, %convert_element_type3A, %cond3A_32 : i32
    scf.if %cond3A_33 {
      %add3A_54 = arith.constant 624 : i32
      %add3A_55 = arith.addi %mul3A_2, %add3A_54 : i32
      %sub3A = arith.constant 64 : i32
      %sub3A_56 = arith.subi %add3A_55, %sub3A : i32
      "tpu.region"() ({
        %run_scoped3A_57 = tpu.sem_alloc : memref<!tpu.dma_semaphore, #tpu.memory_space<semaphore_mem>>
        %dma_start3A = arith.constant 0 : i32
        %dma_start3A_58 = arith.constant 0 : i32
        %dma_start3A_59 = tpu.memref_slice %arg11[%cond3A, %dma_start3A, %dma_start3A_58] : memref<2x80x128xf32, #tpu.memory_space<vmem>> -> memref<1x80x128xf32, #tpu.memory_space<vmem>>
        %dma_start3A_60 = tpu.memref_squeeze %dma_start3A_59 : memref<1x80x128xf32, #tpu.memory_space<vmem>> -> memref<80x128xf32, #tpu.memory_space<vmem>>
        %dma_start3A_61 = arith.constant 0 : i32
        %dma_start3A_62 = arith.constant 0 : i32
        %dma_start3A_63 = tpu.memref_slice %dma_start3A_60[%dma_start3A_61, %dma_start3A_62] : memref<80x128xf32, #tpu.memory_space<vmem>> -> memref<64x128xf32, #tpu.memory_space<vmem>>
        %dma_start3A_64 = arith.constant 0 : i32
        %dma_start3A_65 = tpu.memref_slice %arg6[%sub3A_56, %dma_start3A_64] : memref<10000x128xf32, #tpu.memory_space<vmem_shared>> -> memref<64x128xf32, #tpu.memory_space<vmem_shared>>
        %dma_start3A_66 = arith.constant 0 : i32
        %dma_start3A_67 = tpu.memref_slice %arg6[%sub3A_56, %dma_start3A_66] : memref<10000x128xf32, #tpu.memory_space<vmem_shared>> -> memref<64x128xf32, #tpu.memory_space<vmem_shared>>
        %dma_start3A_68 = arith.constant 0 : i32
        %dma_start3A_69 = arith.constant 0 : i32
        %dma_start3A_70 = tpu.memref_slice %arg11[%cond3A, %dma_start3A_68, %dma_start3A_69] : memref<2x80x128xf32, #tpu.memory_space<vmem>> -> memref<1x80x128xf32, #tpu.memory_space<vmem>>
        %dma_start3A_71 = tpu.memref_squeeze %dma_start3A_70 : memref<1x80x128xf32, #tpu.memory_space<vmem>> -> memref<80x128xf32, #tpu.memory_space<vmem>>
        %dma_start3A_72 = arith.constant 0 : i32
        %dma_start3A_73 = arith.constant 0 : i32
        %dma_start3A_74 = tpu.memref_slice %dma_start3A_71[%dma_start3A_72, %dma_start3A_73] : memref<80x128xf32, #tpu.memory_space<vmem>> -> memref<64x128xf32, #tpu.memory_space<vmem>>
        tpu.enqueue_dma source(%dma_start3A_74 : memref<64x128xf32, #tpu.memory_space<vmem>>) target(%dma_start3A_67 : memref<64x128xf32, #tpu.memory_space<vmem_shared>>) target_semaphore(%run_scoped3A_57 : memref<!tpu.dma_semaphore, #tpu.memory_space<semaphore_mem>>)
        %dma_wait3A = arith.constant 0 : i32
        %dma_wait3A_75 = arith.constant 0 : i32
        %dma_wait3A_76 = tpu.memref_slice %arg11[%cond3A, %dma_wait3A, %dma_wait3A_75] : memref<2x80x128xf32, #tpu.memory_space<vmem>> -> memref<1x80x128xf32, #tpu.memory_space<vmem>>
        %dma_wait3A_77 = tpu.memref_squeeze %dma_wait3A_76 : memref<1x80x128xf32, #tpu.memory_space<vmem>> -> memref<80x128xf32, #tpu.memory_space<vmem>>
        %dma_wait3A_78 = arith.constant 0 : i32
        %dma_wait3A_79 = arith.constant 0 : i32
        %dma_wait3A_80 = tpu.memref_slice %dma_wait3A_77[%dma_wait3A_78, %dma_wait3A_79] : memref<80x128xf32, #tpu.memory_space<vmem>> -> memref<64x128xf32, #tpu.memory_space<vmem>>
        %dma_wait3A_81 = arith.constant 0 : i32
        %dma_wait3A_82 = tpu.memref_slice %arg6[%sub3A_56, %dma_wait3A_81] : memref<10000x128xf32, #tpu.memory_space<vmem_shared>> -> memref<64x128xf32, #tpu.memory_space<vmem_shared>>
        %dma_wait3A_83 = arith.constant 0 : i32
        %dma_wait3A_84 = tpu.memref_slice %arg6[%sub3A_56, %dma_wait3A_83] : memref<10000x128xf32, #tpu.memory_space<vmem_shared>> -> memref<64x128xf32, #tpu.memory_space<vmem_shared>>
        %dma_wait3A_85 = arith.constant 0 : i32
        %dma_wait3A_86 = arith.constant 0 : i32
        %dma_wait3A_87 = tpu.memref_slice %arg11[%cond3A, %dma_wait3A_85, %dma_wait3A_86] : memref<2x80x128xf32, #tpu.memory_space<vmem>> -> memref<1x80x128xf32, #tpu.memory_space<vmem>>
        %dma_wait3A_88 = tpu.memref_squeeze %dma_wait3A_87 : memref<1x80x128xf32, #tpu.memory_space<vmem>> -> memref<80x128xf32, #tpu.memory_space<vmem>>
        %dma_wait3A_89 = arith.constant 0 : i32
        %dma_wait3A_90 = arith.constant 0 : i32
        %dma_wait3A_91 = tpu.memref_slice %dma_wait3A_88[%dma_wait3A_89, %dma_wait3A_90] : memref<80x128xf32, #tpu.memory_space<vmem>> -> memref<64x128xf32, #tpu.memory_space<vmem>>
        tpu.wait_dma2 semaphore(%run_scoped3A_57 : memref<!tpu.dma_semaphore, #tpu.memory_space<semaphore_mem>>) src(%dma_wait3A_91 : memref<64x128xf32, #tpu.memory_space<vmem>>) dst(%dma_wait3A_84 : memref<64x128xf32, #tpu.memory_space<vmem_shared>>)
        tpu.yield
      }) : () -> ()
    } else {
    }
    %convert_element_type3A_34 = arith.extui %eq3A_3 : i1 to i32
    %cond3A_35 = arith.constant 0 : i32
    %cond3A_36 = arith.constant 0 : i32
    %cond3A_37 = arith.cmpi ne, %convert_element_type3A_34, %cond3A_36 : i32
    scf.if %cond3A_37 {
      %add3A_54 = arith.constant 624 : i32
      %add3A_55 = arith.addi %mul3A_2, %add3A_54 : i32
      %sub3A = arith.constant 64 : i32
      %sub3A_56 = arith.subi %add3A_55, %sub3A : i32
      "tpu.region"() ({
        %run_scoped3A_59 = tpu.sem_alloc : memref<!tpu.dma_semaphore, #tpu.memory_space<semaphore_mem>>
        %dma_start3A = arith.constant 0 : i32
        %dma_start3A_60 = arith.constant 0 : i32
        %dma_start3A_61 = tpu.memref_slice %arg11[%cond3A_35, %dma_start3A, %dma_start3A_60] : memref<2x80x128xf32, #tpu.memory_space<vmem>> -> memref<1x80x128xf32, #tpu.memory_space<vmem>>
        %dma_start3A_62 = tpu.memref_squeeze %dma_start3A_61 : memref<1x80x128xf32, #tpu.memory_space<vmem>> -> memref<80x128xf32, #tpu.memory_space<vmem>>
        %dma_start3A_63 = arith.constant 0 : i32
        %dma_start3A_64 = tpu.memref_slice %arg6[%sub3A_56, %dma_start3A_63] : memref<10000x128xf32, #tpu.memory_space<vmem_shared>> -> memref<80x128xf32, #tpu.memory_space<vmem_shared>>
        %dma_start3A_65 = arith.constant 0 : i32
        %dma_start3A_66 = tpu.memref_slice %arg6[%sub3A_56, %dma_start3A_65] : memref<10000x128xf32, #tpu.memory_space<vmem_shared>> -> memref<80x128xf32, #tpu.memory_space<vmem_shared>>
        %dma_start3A_67 = arith.constant 0 : i32
        %dma_start3A_68 = arith.constant 0 : i32
        %dma_start3A_69 = tpu.memref_slice %arg11[%cond3A_35, %dma_start3A_67, %dma_start3A_68] : memref<2x80x128xf32, #tpu.memory_space<vmem>> -> memref<1x80x128xf32, #tpu.memory_space<vmem>>
        %dma_start3A_70 = tpu.memref_squeeze %dma_start3A_69 : memref<1x80x128xf32, #tpu.memory_space<vmem>> -> memref<80x128xf32, #tpu.memory_space<vmem>>
        tpu.enqueue_dma source(%dma_start3A_70 : memref<80x128xf32, #tpu.memory_space<vmem>>) target(%dma_start3A_66 : memref<80x128xf32, #tpu.memory_space<vmem_shared>>) target_semaphore(%run_scoped3A_59 : memref<!tpu.dma_semaphore, #tpu.memory_space<semaphore_mem>>)
        %dma_wait3A = arith.constant 0 : i32
        %dma_wait3A_71 = arith.constant 0 : i32
        %dma_wait3A_72 = tpu.memref_slice %arg11[%cond3A_35, %dma_wait3A, %dma_wait3A_71] : memref<2x80x128xf32, #tpu.memory_space<vmem>> -> memref<1x80x128xf32, #tpu.memory_space<vmem>>
        %dma_wait3A_73 = tpu.memref_squeeze %dma_wait3A_72 : memref<1x80x128xf32, #tpu.memory_space<vmem>> -> memref<80x128xf32, #tpu.memory_space<vmem>>
        %dma_wait3A_74 = arith.constant 0 : i32
        %dma_wait3A_75 = tpu.memref_slice %arg6[%sub3A_56, %dma_wait3A_74] : memref<10000x128xf32, #tpu.memory_space<vmem_shared>> -> memref<80x128xf32, #tpu.memory_space<vmem_shared>>
        %dma_wait3A_76 = arith.constant 0 : i32
        %dma_wait3A_77 = tpu.memref_slice %arg6[%sub3A_56, %dma_wait3A_76] : memref<10000x128xf32, #tpu.memory_space<vmem_shared>> -> memref<80x128xf32, #tpu.memory_space<vmem_shared>>
        %dma_wait3A_78 = arith.constant 0 : i32
        %dma_wait3A_79 = arith.constant 0 : i32
        %dma_wait3A_80 = tpu.memref_slice %arg11[%cond3A_35, %dma_wait3A_78, %dma_wait3A_79] : memref<2x80x128xf32, #tpu.memory_space<vmem>> -> memref<1x80x128xf32, #tpu.memory_space<vmem>>
        %dma_wait3A_81 = tpu.memref_squeeze %dma_wait3A_80 : memref<1x80x128xf32, #tpu.memory_space<vmem>> -> memref<80x128xf32, #tpu.memory_space<vmem>>
        tpu.wait_dma2 semaphore(%run_scoped3A_59 : memref<!tpu.dma_semaphore, #tpu.memory_space<semaphore_mem>>) src(%dma_wait3A_81 : memref<80x128xf32, #tpu.memory_space<vmem>>) dst(%dma_wait3A_77 : memref<80x128xf32, #tpu.memory_space<vmem_shared>>)
        tpu.yield
      }) : () -> ()
      %add3A_57 = arith.constant 80 : i32
      %add3A_58 = arith.addi %sub3A_56, %add3A_57 : i32
    } else {
    }
    %barrier3A = arith.constant 0 : index
    tpu.barrier barrier_id(%barrier3A)
    %scan3A_38 = arith.constant 0 : i32
    %scan3A_39 = arith.constant 0 : i32
    %scan3A_40 = arith.constant 5 : i32
    %scan3A_41 = arith.addi %scan3A_39, %scan3A_40 : i32
    %scan3A_42 = arith.constant 1 : i32
    %scan3A_43 = scf.for %scan3A_54 = %scan3A_39 to %scan3A_41 step %scan3A_42 iter_args(%scan3A_55 = %scan3A_38) -> (i32)  : i32 {
      %mul3A_56 = arith.constant 10000 : i32
      %mul3A_57 = arith.muli %add3A, %mul3A_56 : i32
      %mul3A_58 = arith.constant 2000 : i32
      %mul3A_59 = arith.muli %scan3A_54, %mul3A_58 : i32
      %add3A_60 = arith.addi %mul3A_57, %mul3A_59 : i32
      "tpu.region"() ({
        %run_scoped3A_125 = tpu.sem_alloc : memref<!tpu.dma_semaphore, #tpu.memory_space<semaphore_mem>>
        %dma_start3A_126 = tpu.memref_slice %arg3[%add3A_60] : memref<320000xi32, #tpu.memory_space<hbm>> -> memref<2000xi32, #tpu.memory_space<hbm>>
        %dma_start3A_127 = tpu.memref_slice %arg3[%add3A_60] : memref<320000xi32, #tpu.memory_space<hbm>> -> memref<2000xi32, #tpu.memory_space<hbm>>
        tpu.enqueue_dma source(%dma_start3A_127 : memref<2000xi32, #tpu.memory_space<hbm>>) target(%arg7 : memref<2000xi32, #tpu.memory_space<vmem>>) target_semaphore(%run_scoped3A_125 : memref<!tpu.dma_semaphore, #tpu.memory_space<semaphore_mem>>)
        %dma_wait3A_128 = tpu.memref_slice %arg3[%add3A_60] : memref<320000xi32, #tpu.memory_space<hbm>> -> memref<2000xi32, #tpu.memory_space<hbm>>
        %dma_wait3A_129 = tpu.memref_slice %arg3[%add3A_60] : memref<320000xi32, #tpu.memory_space<hbm>> -> memref<2000xi32, #tpu.memory_space<hbm>>
        tpu.wait_dma2 semaphore(%run_scoped3A_125 : memref<!tpu.dma_semaphore, #tpu.memory_space<semaphore_mem>>) src(%dma_wait3A_129 : memref<2000xi32, #tpu.memory_space<hbm>>) dst(%arg7 : memref<2000xi32, #tpu.memory_space<vmem>>)
        tpu.yield
      }) : () -> ()
      "tpu.region"() ({
        %run_scoped3A_125 = tpu.sem_alloc : memref<!tpu.dma_semaphore, #tpu.memory_space<semaphore_mem>>
        %dma_start3A_126 = arith.constant 0 : i32
        %dma_start3A_127 = arith.constant 0 : i32
        %dma_start3A_128 = tpu.memref_slice %arg4[%add3A, %scan3A_54, %dma_start3A_126, %dma_start3A_127] : memref<32x5x25x80xi32, #tpu.memory_space<hbm>> -> memref<1x1x25x80xi32, #tpu.memory_space<hbm>>
        %dma_start3A_129 = tpu.memref_squeeze %dma_start3A_128 : memref<1x1x25x80xi32, #tpu.memory_space<hbm>> -> memref<25x80xi32, #tpu.memory_space<hbm>>
        %dma_start3A_130 = arith.constant 0 : i32
        %dma_start3A_131 = arith.constant 0 : i32
        %dma_start3A_132 = tpu.memref_slice %arg4[%add3A, %scan3A_54, %dma_start3A_130, %dma_start3A_131] : memref<32x5x25x80xi32, #tpu.memory_space<hbm>> -> memref<1x1x25x80xi32, #tpu.memory_space<hbm>>
        %dma_start3A_133 = tpu.memref_squeeze %dma_start3A_132 : memref<1x1x25x80xi32, #tpu.memory_space<hbm>> -> memref<25x80xi32, #tpu.memory_space<hbm>>
        tpu.enqueue_dma source(%dma_start3A_133 : memref<25x80xi32, #tpu.memory_space<hbm>>) target(%arg8 : memref<25x80xi32, #tpu.memory_space<vmem>>) target_semaphore(%run_scoped3A_125 : memref<!tpu.dma_semaphore, #tpu.memory_space<semaphore_mem>>)
        %dma_wait3A_134 = arith.constant 0 : i32
        %dma_wait3A_135 = arith.constant 0 : i32
        %dma_wait3A_136 = tpu.memref_slice %arg4[%add3A, %scan3A_54, %dma_wait3A_134, %dma_wait3A_135] : memref<32x5x25x80xi32, #tpu.memory_space<hbm>> -> memref<1x1x25x80xi32, #tpu.memory_space<hbm>>
        %dma_wait3A_137 = tpu.memref_squeeze %dma_wait3A_136 : memref<1x1x25x80xi32, #tpu.memory_space<hbm>> -> memref<25x80xi32, #tpu.memory_space<hbm>>
        %dma_wait3A_138 = arith.constant 0 : i32
        %dma_wait3A_139 = arith.constant 0 : i32
        %dma_wait3A_140 = tpu.memref_slice %arg4[%add3A, %scan3A_54, %dma_wait3A_138, %dma_wait3A_139] : memref<32x5x25x80xi32, #tpu.memory_space<hbm>> -> memref<1x1x25x80xi32, #tpu.memory_space<hbm>>
        %dma_wait3A_141 = tpu.memref_squeeze %dma_wait3A_140 : memref<1x1x25x80xi32, #tpu.memory_space<hbm>> -> memref<25x80xi32, #tpu.memory_space<hbm>>
        tpu.wait_dma2 semaphore(%run_scoped3A_125 : memref<!tpu.dma_semaphore, #tpu.memory_space<semaphore_mem>>) src(%dma_wait3A_141 : memref<25x80xi32, #tpu.memory_space<hbm>>) dst(%arg8 : memref<25x80xi32, #tpu.memory_space<vmem>>)
        tpu.yield
      }) : () -> ()
      %dma_start3A = arith.constant 0 : i32
      %dma_start3A_61 = arith.constant 0 : i32
      %dma_start3A_62 = arith.constant 0 : i32
      %dma_start3A_63 = arith.constant 0 : i32
      %dma_start3A_64 = tpu.memref_slice %arg9[%dma_start3A, %dma_start3A_62, %dma_start3A_63] : memref<2x80x64xi32, #tpu.memory_space<vmem>> -> memref<1x80x64xi32, #tpu.memory_space<vmem>>
      %dma_start3A_65 = tpu.memref_squeeze %dma_start3A_64 : memref<1x80x64xi32, #tpu.memory_space<vmem>> -> memref<80x64xi32, #tpu.memory_space<vmem>>
      %dma_start3A_66 = arith.constant 0 : i32
      %dma_start3A_67 = tpu.memref_slice %arg7[%dma_start3A_66] : memref<2000xi32, #tpu.memory_space<vmem>> -> memref<80xi32, #tpu.memory_space<vmem>>
      %dma_start3A_68 = arith.constant 0 : i32
      %dma_start3A_69 = arith.constant 0 : i32
      %dma_start3A_70 = tpu.memref_slice %arg2[%dma_start3A_68, %dma_start3A_69] : memref<10000x64xi32, #tpu.memory_space<hbm>> -> memref<10000x64xi32, #tpu.memory_space<hbm>>
      %dma_start3A_71 = tpu.memref_slice %arg12[%dma_start3A_61] : memref<2x!tpu.dma_semaphore, #tpu.memory_space<semaphore_mem>> -> memref<1x!tpu.dma_semaphore, #tpu.memory_space<semaphore_mem>>
      %dma_start3A_72 = tpu.memref_squeeze %dma_start3A_71 : memref<1x!tpu.dma_semaphore, #tpu.memory_space<semaphore_mem>> -> memref<!tpu.dma_semaphore, #tpu.memory_space<semaphore_mem>>
      tpu.enqueue_indirect_dma source(%dma_start3A_70 : memref<10000x64xi32, #tpu.memory_space<hbm>>) target(%dma_start3A_65 : memref<80x64xi32, #tpu.memory_space<vmem>>) offsets(%dma_start3A_67 : memref<80xi32, #tpu.memory_space<vmem>>) semaphore(%dma_start3A_72 : memref<!tpu.dma_semaphore, #tpu.memory_space<semaphore_mem>>)
      %dma_start3A_73 = arith.constant 0 : i32
      %dma_start3A_74 = arith.constant 0 : i32
      %dma_start3A_75 = arith.constant 0 : i32
      %dma_start3A_76 = arith.constant 0 : i32
      %dma_start3A_77 = arith.constant 0 : i32
      %dma_start3A_78 = tpu.memref_slice %arg10[%dma_start3A_74, %dma_start3A_76, %dma_start3A_77] : memref<2x80x64xi32, #tpu.memory_space<vmem>> -> memref<1x80x64xi32, #tpu.memory_space<vmem>>
      %dma_start3A_79 = tpu.memref_squeeze %dma_start3A_78 : memref<1x80x64xi32, #tpu.memory_space<vmem>> -> memref<80x64xi32, #tpu.memory_space<vmem>>
      %dma_start3A_80 = arith.constant 0 : i32
      %dma_start3A_81 = tpu.memref_slice %arg8[%dma_start3A_73, %dma_start3A_80] : memref<25x80xi32, #tpu.memory_space<vmem>> -> memref<1x80xi32, #tpu.memory_space<vmem>>
      %dma_start3A_82 = tpu.memref_squeeze %dma_start3A_81 : memref<1x80xi32, #tpu.memory_space<vmem>> -> memref<80xi32, #tpu.memory_space<vmem>>
      %dma_start3A_83 = arith.constant 0 : i32
      %dma_start3A_84 = arith.constant 0 : i32
      %dma_start3A_85 = tpu.memref_slice %arg2[%dma_start3A_83, %dma_start3A_84] : memref<10000x64xi32, #tpu.memory_space<hbm>> -> memref<10000x64xi32, #tpu.memory_space<hbm>>
      %dma_start3A_86 = tpu.memref_slice %arg13[%dma_start3A_75] : memref<2x!tpu.dma_semaphore, #tpu.memory_space<semaphore_mem>> -> memref<1x!tpu.dma_semaphore, #tpu.memory_space<semaphore_mem>>
      %dma_start3A_87 = tpu.memref_squeeze %dma_start3A_86 : memref<1x!tpu.dma_semaphore, #tpu.memory_space<semaphore_mem>> -> memref<!tpu.dma_semaphore, #tpu.memory_space<semaphore_mem>>
      tpu.enqueue_indirect_dma source(%dma_start3A_85 : memref<10000x64xi32, #tpu.memory_space<hbm>>) target(%dma_start3A_79 : memref<80x64xi32, #tpu.memory_space<vmem>>) offsets(%dma_start3A_82 : memref<80xi32, #tpu.memory_space<vmem>>) semaphore(%dma_start3A_87 : memref<!tpu.dma_semaphore, #tpu.memory_space<semaphore_mem>>)
      %scan3A_88 = arith.constant 0 : i32
      %scan3A_89 = arith.constant 0 : i32
      %scan3A_90 = arith.constant 25 : i32
      %scan3A_91 = arith.addi %scan3A_89, %scan3A_90 : i32
      %scan3A_92 = arith.constant 1 : i32
      %scan3A_93 = scf.for %scan3A_125 = %scan3A_89 to %scan3A_91 step %scan3A_92 iter_args(%scan3A_126 = %scan3A_88) -> (i32)  : i32 {
        %rem3A = arith.constant 2 : i32
        %rem3A_127 = arith.remsi %scan3A_125, %rem3A : i32
        %sub3A = arith.constant 1 : i32
        %sub3A_128 = arith.subi %sub3A, %rem3A_127 : i32
        %add3A_129 = arith.constant 1 : i32
        %add3A_130 = arith.addi %scan3A_125, %add3A_129 : i32
        %lt3A = arith.constant 25 : i32
        %lt3A_131 = arith.cmpi slt, %add3A_130, %lt3A : i32
        %convert_element_type3A_132 = arith.extui %lt3A_131 : i1 to i32
        %cond3A_133 = arith.constant 0 : i32
        %cond3A_134 = arith.cmpi ne, %convert_element_type3A_132, %cond3A_133 : i32
        scf.if %cond3A_134 {
          %add3A_186 = arith.constant 1 : i32
          %add3A_187 = arith.addi %scan3A_125, %add3A_186 : i32
          %mul3A_188 = arith.constant 80 : i32
          %mul3A_189 = arith.muli %add3A_187, %mul3A_188 : i32
          %dma_start3A_190 = arith.constant 0 : i32
          %dma_start3A_191 = arith.constant 0 : i32
          %dma_start3A_192 = tpu.memref_slice %arg9[%sub3A_128, %dma_start3A_190, %dma_start3A_191] : memref<2x80x64xi32, #tpu.memory_space<vmem>> -> memref<1x80x64xi32, #tpu.memory_space<vmem>>
          %dma_start3A_193 = tpu.memref_squeeze %dma_start3A_192 : memref<1x80x64xi32, #tpu.memory_space<vmem>> -> memref<80x64xi32, #tpu.memory_space<vmem>>
          %dma_start3A_194 = tpu.memref_slice %arg7[%mul3A_189] : memref<2000xi32, #tpu.memory_space<vmem>> -> memref<80xi32, #tpu.memory_space<vmem>>
          %dma_start3A_195 = arith.constant 0 : i32
          %dma_start3A_196 = arith.constant 0 : i32
          %dma_start3A_197 = tpu.memref_slice %arg2[%dma_start3A_195, %dma_start3A_196] : memref<10000x64xi32, #tpu.memory_space<hbm>> -> memref<10000x64xi32, #tpu.memory_space<hbm>>
          %dma_start3A_198 = tpu.memref_slice %arg12[%sub3A_128] : memref<2x!tpu.dma_semaphore, #tpu.memory_space<semaphore_mem>> -> memref<1x!tpu.dma_semaphore, #tpu.memory_space<semaphore_mem>>
          %dma_start3A_199 = tpu.memref_squeeze %dma_start3A_198 : memref<1x!tpu.dma_semaphore, #tpu.memory_space<semaphore_mem>> -> memref<!tpu.dma_semaphore, #tpu.memory_space<semaphore_mem>>
          tpu.enqueue_indirect_dma source(%dma_start3A_197 : memref<10000x64xi32, #tpu.memory_space<hbm>>) target(%dma_start3A_193 : memref<80x64xi32, #tpu.memory_space<vmem>>) offsets(%dma_start3A_194 : memref<80xi32, #tpu.memory_space<vmem>>) semaphore(%dma_start3A_199 : memref<!tpu.dma_semaphore, #tpu.memory_space<semaphore_mem>>)
          %dma_start3A_200 = arith.constant 0 : i32
          %dma_start3A_201 = arith.constant 0 : i32
          %dma_start3A_202 = tpu.memref_slice %arg10[%sub3A_128, %dma_start3A_200, %dma_start3A_201] : memref<2x80x64xi32, #tpu.memory_space<vmem>> -> memref<1x80x64xi32, #tpu.memory_space<vmem>>
          %dma_start3A_203 = tpu.memref_squeeze %dma_start3A_202 : memref<1x80x64xi32, #tpu.memory_space<vmem>> -> memref<80x64xi32, #tpu.memory_space<vmem>>
          %dma_start3A_204 = arith.constant 0 : i32
          %dma_start3A_205 = tpu.memref_slice %arg8[%add3A_187, %dma_start3A_204] : memref<25x80xi32, #tpu.memory_space<vmem>> -> memref<1x80xi32, #tpu.memory_space<vmem>>
          %dma_start3A_206 = tpu.memref_squeeze %dma_start3A_205 : memref<1x80xi32, #tpu.memory_space<vmem>> -> memref<80xi32, #tpu.memory_space<vmem>>
          %dma_start3A_207 = arith.constant 0 : i32
          %dma_start3A_208 = arith.constant 0 : i32
          %dma_start3A_209 = tpu.memref_slice %arg2[%dma_start3A_207, %dma_start3A_208] : memref<10000x64xi32, #tpu.memory_space<hbm>> -> memref<10000x64xi32, #tpu.memory_space<hbm>>
          %dma_start3A_210 = tpu.memref_slice %arg13[%sub3A_128] : memref<2x!tpu.dma_semaphore, #tpu.memory_space<semaphore_mem>> -> memref<1x!tpu.dma_semaphore, #tpu.memory_space<semaphore_mem>>
          %dma_start3A_211 = tpu.memref_squeeze %dma_start3A_210 : memref<1x!tpu.dma_semaphore, #tpu.memory_space<semaphore_mem>> -> memref<!tpu.dma_semaphore, #tpu.memory_space<semaphore_mem>>
          tpu.enqueue_indirect_dma source(%dma_start3A_209 : memref<10000x64xi32, #tpu.memory_space<hbm>>) target(%dma_start3A_203 : memref<80x64xi32, #tpu.memory_space<vmem>>) offsets(%dma_start3A_206 : memref<80xi32, #tpu.memory_space<vmem>>) semaphore(%dma_start3A_211 : memref<!tpu.dma_semaphore, #tpu.memory_space<semaphore_mem>>)
        } else {
        }
        %dma_wait3A_135 = arith.constant 0 : i32
        %dma_wait3A_136 = arith.constant 0 : i32
        %dma_wait3A_137 = tpu.memref_slice %arg9[%rem3A_127, %dma_wait3A_135, %dma_wait3A_136] : memref<2x80x64xi32, #tpu.memory_space<vmem>> -> memref<1x80x64xi32, #tpu.memory_space<vmem>>
        %dma_wait3A_138 = tpu.memref_squeeze %dma_wait3A_137 : memref<1x80x64xi32, #tpu.memory_space<vmem>> -> memref<80x64xi32, #tpu.memory_space<vmem>>
        %dma_wait3A_139 = arith.constant 0 : i32
        %dma_wait3A_140 = arith.constant 0 : i32
        %dma_wait3A_141 = tpu.memref_slice %arg2[%dma_wait3A_139, %dma_wait3A_140] : memref<10000x64xi32, #tpu.memory_space<hbm>> -> memref<80x64xi32, #tpu.memory_space<hbm>>
        %dma_wait3A_142 = tpu.memref_slice %arg12[%rem3A_127] : memref<2x!tpu.dma_semaphore, #tpu.memory_space<semaphore_mem>> -> memref<1x!tpu.dma_semaphore, #tpu.memory_space<semaphore_mem>>
        %dma_wait3A_143 = tpu.memref_squeeze %dma_wait3A_142 : memref<1x!tpu.dma_semaphore, #tpu.memory_space<semaphore_mem>> -> memref<!tpu.dma_semaphore, #tpu.memory_space<semaphore_mem>>
        %dma_wait3A_144 = arith.constant 0 : i32
        %dma_wait3A_145 = arith.constant 0 : i32
        %dma_wait3A_146 = tpu.memref_slice %arg9[%rem3A_127, %dma_wait3A_144, %dma_wait3A_145] : memref<2x80x64xi32, #tpu.memory_space<vmem>> -> memref<1x80x64xi32, #tpu.memory_space<vmem>>
        %dma_wait3A_147 = tpu.memref_squeeze %dma_wait3A_146 : memref<1x80x64xi32, #tpu.memory_space<vmem>> -> memref<80x64xi32, #tpu.memory_space<vmem>>
        %dma_wait3A_148 = arith.constant 0 : i32
        %dma_wait3A_149 = arith.constant 0 : i32
        %dma_wait3A_150 = tpu.memref_slice %arg2[%dma_wait3A_148, %dma_wait3A_149] : memref<10000x64xi32, #tpu.memory_space<hbm>> -> memref<80x64xi32, #tpu.memory_space<hbm>>
        tpu.wait_dma2 semaphore(%dma_wait3A_143 : memref<!tpu.dma_semaphore, #tpu.memory_space<semaphore_mem>>) src(%dma_wait3A_150 : memref<80x64xi32, #tpu.memory_space<hbm>>) dst(%dma_wait3A_147 : memref<80x64xi32, #tpu.memory_space<vmem>>)
        %dma_wait3A_151 = arith.constant 0 : i32
        %dma_wait3A_152 = arith.constant 0 : i32
        %dma_wait3A_153 = tpu.memref_slice %arg10[%rem3A_127, %dma_wait3A_151, %dma_wait3A_152] : memref<2x80x64xi32, #tpu.memory_space<vmem>> -> memref<1x80x64xi32, #tpu.memory_space<vmem>>
        %dma_wait3A_154 = tpu.memref_squeeze %dma_wait3A_153 : memref<1x80x64xi32, #tpu.memory_space<vmem>> -> memref<80x64xi32, #tpu.memory_space<vmem>>
        %dma_wait3A_155 = arith.constant 0 : i32
        %dma_wait3A_156 = arith.constant 0 : i32
        %dma_wait3A_157 = tpu.memref_slice %arg2[%dma_wait3A_155, %dma_wait3A_156] : memref<10000x64xi32, #tpu.memory_space<hbm>> -> memref<80x64xi32, #tpu.memory_space<hbm>>
        %dma_wait3A_158 = tpu.memref_slice %arg13[%rem3A_127] : memref<2x!tpu.dma_semaphore, #tpu.memory_space<semaphore_mem>> -> memref<1x!tpu.dma_semaphore, #tpu.memory_space<semaphore_mem>>
        %dma_wait3A_159 = tpu.memref_squeeze %dma_wait3A_158 : memref<1x!tpu.dma_semaphore, #tpu.memory_space<semaphore_mem>> -> memref<!tpu.dma_semaphore, #tpu.memory_space<semaphore_mem>>
        %dma_wait3A_160 = arith.constant 0 : i32
        %dma_wait3A_161 = arith.constant 0 : i32
        %dma_wait3A_162 = tpu.memref_slice %arg10[%rem3A_127, %dma_wait3A_160, %dma_wait3A_161] : memref<2x80x64xi32, #tpu.memory_space<vmem>> -> memref<1x80x64xi32, #tpu.memory_space<vmem>>
        %dma_wait3A_163 = tpu.memref_squeeze %dma_wait3A_162 : memref<1x80x64xi32, #tpu.memory_space<vmem>> -> memref<80x64xi32, #tpu.memory_space<vmem>>
        %dma_wait3A_164 = arith.constant 0 : i32
        %dma_wait3A_165 = arith.constant 0 : i32
        %dma_wait3A_166 = tpu.memref_slice %arg2[%dma_wait3A_164, %dma_wait3A_165] : memref<10000x64xi32, #tpu.memory_space<hbm>> -> memref<80x64xi32, #tpu.memory_space<hbm>>
        tpu.wait_dma2 semaphore(%dma_wait3A_159 : memref<!tpu.dma_semaphore, #tpu.memory_space<semaphore_mem>>) src(%dma_wait3A_166 : memref<80x64xi32, #tpu.memory_space<hbm>>) dst(%dma_wait3A_163 : memref<80x64xi32, #tpu.memory_space<vmem>>)
        %ge3A = arith.constant 2 : i32
        %ge3A_167 = arith.cmpi sge, %scan3A_125, %ge3A : i32
        %convert_element_type3A_168 = arith.extui %ge3A_167 : i1 to i32
        %cond3A_169 = arith.constant 0 : i32
        %cond3A_170 = arith.cmpi ne, %convert_element_type3A_168, %cond3A_169 : i32
        scf.if %cond3A_170 {
          %sub3A_186 = arith.constant 2 : i32
          %sub3A_187 = arith.subi %scan3A_125, %sub3A_186 : i32
          %dma_wait3A_188 = arith.constant 0 : i32
          %dma_wait3A_189 = arith.constant 0 : i32
          %dma_wait3A_190 = tpu.memref_slice %arg11[%rem3A_127, %dma_wait3A_188, %dma_wait3A_189] : memref<2x80x128xf32, #tpu.memory_space<vmem>> -> memref<1x80x128xf32, #tpu.memory_space<vmem>>
          %dma_wait3A_191 = tpu.memref_squeeze %dma_wait3A_190 : memref<1x80x128xf32, #tpu.memory_space<vmem>> -> memref<80x128xf32, #tpu.memory_space<vmem>>
          %dma_wait3A_192 = arith.constant 0 : i32
          %dma_wait3A_193 = tpu.memref_slice %arg8[%sub3A_187, %dma_wait3A_192] : memref<25x80xi32, #tpu.memory_space<vmem>> -> memref<1x80xi32, #tpu.memory_space<vmem>>
          %dma_wait3A_194 = tpu.memref_squeeze %dma_wait3A_193 : memref<1x80xi32, #tpu.memory_space<vmem>> -> memref<80xi32, #tpu.memory_space<vmem>>
          %dma_wait3A_195 = arith.constant 0 : i32
          %dma_wait3A_196 = arith.constant 0 : i32
          %dma_wait3A_197 = tpu.memref_slice %arg6[%dma_wait3A_195, %dma_wait3A_196] : memref<10000x128xf32, #tpu.memory_space<vmem_shared>> -> memref<10000x128xf32, #tpu.memory_space<vmem_shared>>
          %dma_wait3A_198 = tpu.memref_slice %arg14[%rem3A_127] : memref<2x!tpu.dma_semaphore, #tpu.memory_space<semaphore_mem>> -> memref<1x!tpu.dma_semaphore, #tpu.memory_space<semaphore_mem>>
          %dma_wait3A_199 = tpu.memref_squeeze %dma_wait3A_198 : memref<1x!tpu.dma_semaphore, #tpu.memory_space<semaphore_mem>> -> memref<!tpu.dma_semaphore, #tpu.memory_space<semaphore_mem>>
          tpu.wait_indirect_dma semaphore(%dma_wait3A_199 : memref<!tpu.dma_semaphore, #tpu.memory_space<semaphore_mem>>) src(%dma_wait3A_191 : memref<80x128xf32, #tpu.memory_space<vmem>>) dst(%dma_wait3A_197 : memref<10000x128xf32, #tpu.memory_space<vmem_shared>>)
        } else {
        }
        %parallel_loop3A = arith.constant 0 : i32
        %parallel_loop3A_171 = arith.constant 80 : i32
        %parallel_loop3A_172 = arith.constant 1 : i32
        scf.for %parallel_loop3A_186 = %parallel_loop3A to %parallel_loop3A_171 step %parallel_loop3A_172  : i32 {
          %parallel_loop3A_187 = arith.index_cast %rem3A_127 : i32 to index
          %parallel_loop3A_188 = arith.index_cast %parallel_loop3A_186 : i32 to index
          %parallel_loop3A_189 = arith.constant 0 : index
          %parallel_loop3A_190 = tpu.vector_load %arg9[%parallel_loop3A_187, %parallel_loop3A_188, %parallel_loop3A_189] {strides = array<i32>} : memref<2x80x64xi32, #tpu.memory_space<vmem>>, vector<1x1x16xi32>,
          %parallel_loop3A_191 = vector.shape_cast %parallel_loop3A_190 : vector<1x1x16xi32> to vector<16xi32>
          %parallel_loop3A_192 = arith.index_cast %rem3A_127 : i32 to index
          %parallel_loop3A_193 = arith.index_cast %parallel_loop3A_186 : i32 to index
          %parallel_loop3A_194 = arith.constant 16 : index
          %parallel_loop3A_195 = tpu.vector_load %arg9[%parallel_loop3A_192, %parallel_loop3A_193, %parallel_loop3A_194] {strides = array<i32>} : memref<2x80x64xi32, #tpu.memory_space<vmem>>, vector<1x1x16xi32>,
          %parallel_loop3A_196 = vector.shape_cast %parallel_loop3A_195 : vector<1x1x16xi32> to vector<16xi32>
          %parallel_loop3A_197 = arith.index_cast %rem3A_127 : i32 to index
          %parallel_loop3A_198 = arith.index_cast %parallel_loop3A_186 : i32 to index
          %parallel_loop3A_199 = arith.constant 32 : index
          %parallel_loop3A_200 = tpu.vector_load %arg9[%parallel_loop3A_197, %parallel_loop3A_198, %parallel_loop3A_199] {strides = array<i32>} : memref<2x80x64xi32, #tpu.memory_space<vmem>>, vector<1x1x16xi32>,
          %parallel_loop3A_201 = vector.shape_cast %parallel_loop3A_200 : vector<1x1x16xi32> to vector<16xi32>
          %parallel_loop3A_202 = arith.index_cast %rem3A_127 : i32 to index
          %parallel_loop3A_203 = arith.index_cast %parallel_loop3A_186 : i32 to index
          %parallel_loop3A_204 = arith.constant 48 : index
          %parallel_loop3A_205 = tpu.vector_load %arg9[%parallel_loop3A_202, %parallel_loop3A_203, %parallel_loop3A_204] {strides = array<i32>} : memref<2x80x64xi32, #tpu.memory_space<vmem>>, vector<1x1x16xi32>,
          %parallel_loop3A_206 = vector.shape_cast %parallel_loop3A_205 : vector<1x1x16xi32> to vector<16xi32>
          %parallel_loop3A_207 = arith.index_cast %rem3A_127 : i32 to index
          %parallel_loop3A_208 = arith.index_cast %parallel_loop3A_186 : i32 to index
          %parallel_loop3A_209 = arith.constant 0 : index
          %parallel_loop3A_210 = tpu.vector_load %arg10[%parallel_loop3A_207, %parallel_loop3A_208, %parallel_loop3A_209] {strides = array<i32>} : memref<2x80x64xi32, #tpu.memory_space<vmem>>, vector<1x1x16xi32>,
          %parallel_loop3A_211 = vector.shape_cast %parallel_loop3A_210 : vector<1x1x16xi32> to vector<16xi32>
          %parallel_loop3A_212 = arith.index_cast %rem3A_127 : i32 to index
          %parallel_loop3A_213 = arith.index_cast %parallel_loop3A_186 : i32 to index
          %parallel_loop3A_214 = arith.constant 16 : index
          %parallel_loop3A_215 = tpu.vector_load %arg10[%parallel_loop3A_212, %parallel_loop3A_213, %parallel_loop3A_214] {strides = array<i32>} : memref<2x80x64xi32, #tpu.memory_space<vmem>>, vector<1x1x16xi32>,
          %parallel_loop3A_216 = vector.shape_cast %parallel_loop3A_215 : vector<1x1x16xi32> to vector<16xi32>
          %parallel_loop3A_217 = arith.index_cast %rem3A_127 : i32 to index
          %parallel_loop3A_218 = arith.index_cast %parallel_loop3A_186 : i32 to index
          %parallel_loop3A_219 = arith.constant 32 : index
          %parallel_loop3A_220 = tpu.vector_load %arg10[%parallel_loop3A_217, %parallel_loop3A_218, %parallel_loop3A_219] {strides = array<i32>} : memref<2x80x64xi32, #tpu.memory_space<vmem>>, vector<1x1x16xi32>,
          %parallel_loop3A_221 = vector.shape_cast %parallel_loop3A_220 : vector<1x1x16xi32> to vector<16xi32>
          %parallel_loop3A_222 = arith.index_cast %rem3A_127 : i32 to index
          %parallel_loop3A_223 = arith.index_cast %parallel_loop3A_186 : i32 to index
          %parallel_loop3A_224 = arith.constant 48 : index
          %parallel_loop3A_225 = tpu.vector_load %arg10[%parallel_loop3A_222, %parallel_loop3A_223, %parallel_loop3A_224] {strides = array<i32>} : memref<2x80x64xi32, #tpu.memory_space<vmem>>, vector<1x1x16xi32>,
          %parallel_loop3A_226 = vector.shape_cast %parallel_loop3A_225 : vector<1x1x16xi32> to vector<16xi32>
          %parallel_loop3A_227 = arith.constant 16 : i32
          %parallel_loop3A_228 = vector.broadcast %parallel_loop3A_227 : i32 to vector<16xi32>
          %parallel_loop3A_229 = arith.shli %parallel_loop3A_191, %parallel_loop3A_228 : vector<16xi32>
          %parallel_loop3A_230 = tpu.bitcast %parallel_loop3A_229 : vector<16xi32> -> vector<16xf32>
          %parallel_loop3A_231 = arith.constant 16 : i32
          %parallel_loop3A_232 = vector.broadcast %parallel_loop3A_231 : i32 to vector<16xi32>
          %parallel_loop3A_233 = arith.shli %parallel_loop3A_196, %parallel_loop3A_232 : vector<16xi32>
          %parallel_loop3A_234 = tpu.bitcast %parallel_loop3A_233 : vector<16xi32> -> vector<16xf32>
          %parallel_loop3A_235 = arith.constant 16 : i32
          %parallel_loop3A_236 = vector.broadcast %parallel_loop3A_235 : i32 to vector<16xi32>
          %parallel_loop3A_237 = arith.shli %parallel_loop3A_201, %parallel_loop3A_236 : vector<16xi32>
          %parallel_loop3A_238 = tpu.bitcast %parallel_loop3A_237 : vector<16xi32> -> vector<16xf32>
          %parallel_loop3A_239 = arith.constant 16 : i32
          %parallel_loop3A_240 = vector.broadcast %parallel_loop3A_239 : i32 to vector<16xi32>
          %parallel_loop3A_241 = arith.shli %parallel_loop3A_206, %parallel_loop3A_240 : vector<16xi32>
          %parallel_loop3A_242 = tpu.bitcast %parallel_loop3A_241 : vector<16xi32> -> vector<16xf32>
          %parallel_loop3A_243 = arith.constant -65536 : i32
          %parallel_loop3A_244 = vector.broadcast %parallel_loop3A_243 : i32 to vector<16xi32>
          %parallel_loop3A_245 = arith.andi %parallel_loop3A_191, %parallel_loop3A_244 : vector<16xi32>
          %parallel_loop3A_246 = tpu.bitcast %parallel_loop3A_245 : vector<16xi32> -> vector<16xf32>
          %parallel_loop3A_247 = arith.constant -65536 : i32
          %parallel_loop3A_248 = vector.broadcast %parallel_loop3A_247 : i32 to vector<16xi32>
          %parallel_loop3A_249 = arith.andi %parallel_loop3A_196, %parallel_loop3A_248 : vector<16xi32>
          %parallel_loop3A_250 = tpu.bitcast %parallel_loop3A_249 : vector<16xi32> -> vector<16xf32>
          %parallel_loop3A_251 = arith.constant -65536 : i32
          %parallel_loop3A_252 = vector.broadcast %parallel_loop3A_251 : i32 to vector<16xi32>
          %parallel_loop3A_253 = arith.andi %parallel_loop3A_201, %parallel_loop3A_252 : vector<16xi32>
          %parallel_loop3A_254 = tpu.bitcast %parallel_loop3A_253 : vector<16xi32> -> vector<16xf32>
          %parallel_loop3A_255 = arith.constant -65536 : i32
          %parallel_loop3A_256 = vector.broadcast %parallel_loop3A_255 : i32 to vector<16xi32>
          %parallel_loop3A_257 = arith.andi %parallel_loop3A_206, %parallel_loop3A_256 : vector<16xi32>
          %parallel_loop3A_258 = tpu.bitcast %parallel_loop3A_257 : vector<16xi32> -> vector<16xf32>
          %parallel_loop3A_259 = arith.constant 16 : i32
          %parallel_loop3A_260 = vector.broadcast %parallel_loop3A_259 : i32 to vector<16xi32>
          %parallel_loop3A_261 = arith.shli %parallel_loop3A_211, %parallel_loop3A_260 : vector<16xi32>
          %parallel_loop3A_262 = tpu.bitcast %parallel_loop3A_261 : vector<16xi32> -> vector<16xf32>
          %parallel_loop3A_263 = arith.constant 16 : i32
          %parallel_loop3A_264 = vector.broadcast %parallel_loop3A_263 : i32 to vector<16xi32>
          %parallel_loop3A_265 = arith.shli %parallel_loop3A_216, %parallel_loop3A_264 : vector<16xi32>
          %parallel_loop3A_266 = tpu.bitcast %parallel_loop3A_265 : vector<16xi32> -> vector<16xf32>
          %parallel_loop3A_267 = arith.constant 16 : i32
          %parallel_loop3A_268 = vector.broadcast %parallel_loop3A_267 : i32 to vector<16xi32>
          %parallel_loop3A_269 = arith.shli %parallel_loop3A_221, %parallel_loop3A_268 : vector<16xi32>
          %parallel_loop3A_270 = tpu.bitcast %parallel_loop3A_269 : vector<16xi32> -> vector<16xf32>
          %parallel_loop3A_271 = arith.constant 16 : i32
          %parallel_loop3A_272 = vector.broadcast %parallel_loop3A_271 : i32 to vector<16xi32>
          %parallel_loop3A_273 = arith.shli %parallel_loop3A_226, %parallel_loop3A_272 : vector<16xi32>
          %parallel_loop3A_274 = tpu.bitcast %parallel_loop3A_273 : vector<16xi32> -> vector<16xf32>
          %parallel_loop3A_275 = arith.constant -65536 : i32
          %parallel_loop3A_276 = vector.broadcast %parallel_loop3A_275 : i32 to vector<16xi32>
          %parallel_loop3A_277 = arith.andi %parallel_loop3A_211, %parallel_loop3A_276 : vector<16xi32>
          %parallel_loop3A_278 = tpu.bitcast %parallel_loop3A_277 : vector<16xi32> -> vector<16xf32>
          %parallel_loop3A_279 = arith.constant -65536 : i32
          %parallel_loop3A_280 = vector.broadcast %parallel_loop3A_279 : i32 to vector<16xi32>
          %parallel_loop3A_281 = arith.andi %parallel_loop3A_216, %parallel_loop3A_280 : vector<16xi32>
          %parallel_loop3A_282 = tpu.bitcast %parallel_loop3A_281 : vector<16xi32> -> vector<16xf32>
          %parallel_loop3A_283 = arith.constant -65536 : i32
          %parallel_loop3A_284 = vector.broadcast %parallel_loop3A_283 : i32 to vector<16xi32>
          %parallel_loop3A_285 = arith.andi %parallel_loop3A_221, %parallel_loop3A_284 : vector<16xi32>
          %parallel_loop3A_286 = tpu.bitcast %parallel_loop3A_285 : vector<16xi32> -> vector<16xf32>
          %parallel_loop3A_287 = arith.constant -65536 : i32
          %parallel_loop3A_288 = vector.broadcast %parallel_loop3A_287 : i32 to vector<16xi32>
          %parallel_loop3A_289 = arith.andi %parallel_loop3A_226, %parallel_loop3A_288 : vector<16xi32>
          %parallel_loop3A_290 = tpu.bitcast %parallel_loop3A_289 : vector<16xi32> -> vector<16xf32>
          %parallel_loop3A_291 = arith.mulf %parallel_loop3A_230, %parallel_loop3A_262 : vector<16xf32>
          %parallel_loop3A_292 = arith.mulf %parallel_loop3A_246, %parallel_loop3A_278 : vector<16xf32>
          %parallel_loop3A_293 = arith.addf %parallel_loop3A_291, %parallel_loop3A_292 : vector<16xf32>
          %parallel_loop3A_294 = arith.mulf %parallel_loop3A_234, %parallel_loop3A_266 : vector<16xf32>
          %parallel_loop3A_295 = arith.addf %parallel_loop3A_293, %parallel_loop3A_294 : vector<16xf32>
          %parallel_loop3A_296 = arith.mulf %parallel_loop3A_250, %parallel_loop3A_282 : vector<16xf32>
          %parallel_loop3A_297 = arith.addf %parallel_loop3A_295, %parallel_loop3A_296 : vector<16xf32>
          %parallel_loop3A_298 = arith.mulf %parallel_loop3A_238, %parallel_loop3A_270 : vector<16xf32>
          %parallel_loop3A_299 = arith.addf %parallel_loop3A_297, %parallel_loop3A_298 : vector<16xf32>
          %parallel_loop3A_300 = arith.mulf %parallel_loop3A_254, %parallel_loop3A_286 : vector<16xf32>
          %parallel_loop3A_301 = arith.addf %parallel_loop3A_299, %parallel_loop3A_300 : vector<16xf32>
          %parallel_loop3A_302 = arith.mulf %parallel_loop3A_242, %parallel_loop3A_274 : vector<16xf32>
          %parallel_loop3A_303 = arith.addf %parallel_loop3A_301, %parallel_loop3A_302 : vector<16xf32>
          %parallel_loop3A_304 = arith.mulf %parallel_loop3A_258, %parallel_loop3A_290 : vector<16xf32>
          %parallel_loop3A_305 = arith.addf %parallel_loop3A_303, %parallel_loop3A_304 : vector<16xf32>
          %parallel_loop3A_306 = tpu.iota {dimensions = array<i32: 0>} : vector<16xi32>
          %parallel_loop3A_307 = arith.constant 8 : i32
          %parallel_loop3A_308 = vector.broadcast %parallel_loop3A_307 : i32 to vector<16xi32>
          %parallel_loop3A_309 = arith.xori %parallel_loop3A_306, %parallel_loop3A_308 : vector<16xi32>
          %parallel_loop3A_310 = vector.shape_cast %parallel_loop3A_309 : vector<16xi32> to vector<16x1xi32>
          %parallel_loop3A_311 = vector.shape_cast %parallel_loop3A_310 : vector<16x1xi32> to vector<16xi32>
          %parallel_loop3A_312 = tpu.dynamic_gather %parallel_loop3A_305[%parallel_loop3A_311] in [0] : vector<16xf32>, vector<16xi32> -> vector<16xf32>
          %parallel_loop3A_313 = arith.addf %parallel_loop3A_305, %parallel_loop3A_312 : vector<16xf32>
          %parallel_loop3A_314 = arith.constant 4 : i32
          %parallel_loop3A_315 = vector.broadcast %parallel_loop3A_314 : i32 to vector<16xi32>
          %parallel_loop3A_316 = arith.xori %parallel_loop3A_306, %parallel_loop3A_315 : vector<16xi32>
          %parallel_loop3A_317 = vector.shape_cast %parallel_loop3A_316 : vector<16xi32> to vector<16x1xi32>
          %parallel_loop3A_318 = vector.shape_cast %parallel_loop3A_317 : vector<16x1xi32> to vector<16xi32>
          %parallel_loop3A_319 = tpu.dynamic_gather %parallel_loop3A_313[%parallel_loop3A_318] in [0] : vector<16xf32>, vector<16xi32> -> vector<16xf32>
          %parallel_loop3A_320 = arith.addf %parallel_loop3A_313, %parallel_loop3A_319 : vector<16xf32>
          %parallel_loop3A_321 = arith.constant 2 : i32
          %parallel_loop3A_322 = vector.broadcast %parallel_loop3A_321 : i32 to vector<16xi32>
          %parallel_loop3A_323 = arith.xori %parallel_loop3A_306, %parallel_loop3A_322 : vector<16xi32>
          %parallel_loop3A_324 = vector.shape_cast %parallel_loop3A_323 : vector<16xi32> to vector<16x1xi32>
          %parallel_loop3A_325 = vector.shape_cast %parallel_loop3A_324 : vector<16x1xi32> to vector<16xi32>
          %parallel_loop3A_326 = tpu.dynamic_gather %parallel_loop3A_320[%parallel_loop3A_325] in [0] : vector<16xf32>, vector<16xi32> -> vector<16xf32>
          %parallel_loop3A_327 = arith.addf %parallel_loop3A_320, %parallel_loop3A_326 : vector<16xf32>
          %parallel_loop3A_328 = arith.constant 1 : i32
          %parallel_loop3A_329 = vector.broadcast %parallel_loop3A_328 : i32 to vector<16xi32>
          %parallel_loop3A_330 = arith.xori %parallel_loop3A_306, %parallel_loop3A_329 : vector<16xi32>
          %parallel_loop3A_331 = vector.shape_cast %parallel_loop3A_330 : vector<16xi32> to vector<16x1xi32>
          %parallel_loop3A_332 = vector.shape_cast %parallel_loop3A_331 : vector<16x1xi32> to vector<16xi32>
          %parallel_loop3A_333 = tpu.dynamic_gather %parallel_loop3A_327[%parallel_loop3A_332] in [0] : vector<16xf32>, vector<16xi32> -> vector<16xf32>
          %parallel_loop3A_334 = arith.addf %parallel_loop3A_327, %parallel_loop3A_333 : vector<16xf32>
          %parallel_loop3A_335 = arith.constant 0.000000e+00 : f32
          %parallel_loop3A_336 = vector.broadcast %parallel_loop3A_335 : f32 to vector<16xf32>
          %parallel_loop3A_337 = arith.subf %parallel_loop3A_336, %parallel_loop3A_334 : vector<16xf32>
          %parallel_loop3A_338 = math.exp %parallel_loop3A_337 : vector<16xf32>
          %parallel_loop3A_339 = arith.constant 1.000000e+00 : f32
          %parallel_loop3A_340 = vector.broadcast %parallel_loop3A_339 : f32 to vector<16xf32>
          %parallel_loop3A_341 = arith.addf %parallel_loop3A_340, %parallel_loop3A_338 : vector<16xf32>
          %parallel_loop3A_342 = arith.constant 1.000000e+00 : f32
          %parallel_loop3A_343 = vector.broadcast %parallel_loop3A_342 : f32 to vector<16xf32>
          %parallel_loop3A_344 = arith.divf %parallel_loop3A_343, %parallel_loop3A_341 : vector<16xf32>
          %parallel_loop3A_345 = arith.mulf %parallel_loop3A_230, %parallel_loop3A_344 : vector<16xf32>
          %parallel_loop3A_346 = arith.index_cast %rem3A_127 : i32 to index
          %parallel_loop3A_347 = arith.index_cast %parallel_loop3A_186 : i32 to index
          %parallel_loop3A_348 = arith.constant 0 : index
          %parallel_loop3A_349 = tpu.vector_load %arg11[%parallel_loop3A_346, %parallel_loop3A_347, %parallel_loop3A_348] {strides = array<i32>} : memref<2x80x128xf32, #tpu.memory_space<vmem>>, vector<1x1x16xf32>,
          %parallel_loop3A_350 = vector.shape_cast %parallel_loop3A_349 : vector<1x1x16xf32> to vector<16xf32>
          %parallel_loop3A_351 = vector.shape_cast %parallel_loop3A_345 : vector<16xf32> to vector<1x1x16xf32>
          tpu.vector_store %arg11[%parallel_loop3A_346, %parallel_loop3A_347, %parallel_loop3A_348], %parallel_loop3A_351 {strides = array<i32>} : memref<2x80x128xf32, #tpu.memory_space<vmem>>, vector<1x1x16xf32>,
          %parallel_loop3A_352 = arith.mulf %parallel_loop3A_246, %parallel_loop3A_344 : vector<16xf32>
          %parallel_loop3A_353 = arith.index_cast %rem3A_127 : i32 to index
          %parallel_loop3A_354 = arith.index_cast %parallel_loop3A_186 : i32 to index
          %parallel_loop3A_355 = arith.constant 16 : index
          %parallel_loop3A_356 = tpu.vector_load %arg11[%parallel_loop3A_353, %parallel_loop3A_354, %parallel_loop3A_355] {strides = array<i32>} : memref<2x80x128xf32, #tpu.memory_space<vmem>>, vector<1x1x16xf32>,
          %parallel_loop3A_357 = vector.shape_cast %parallel_loop3A_356 : vector<1x1x16xf32> to vector<16xf32>
          %parallel_loop3A_358 = vector.shape_cast %parallel_loop3A_352 : vector<16xf32> to vector<1x1x16xf32>
          tpu.vector_store %arg11[%parallel_loop3A_353, %parallel_loop3A_354, %parallel_loop3A_355], %parallel_loop3A_358 {strides = array<i32>} : memref<2x80x128xf32, #tpu.memory_space<vmem>>, vector<1x1x16xf32>,
          %parallel_loop3A_359 = arith.mulf %parallel_loop3A_234, %parallel_loop3A_344 : vector<16xf32>
          %parallel_loop3A_360 = arith.index_cast %rem3A_127 : i32 to index
          %parallel_loop3A_361 = arith.index_cast %parallel_loop3A_186 : i32 to index
          %parallel_loop3A_362 = arith.constant 32 : index
          %parallel_loop3A_363 = tpu.vector_load %arg11[%parallel_loop3A_360, %parallel_loop3A_361, %parallel_loop3A_362] {strides = array<i32>} : memref<2x80x128xf32, #tpu.memory_space<vmem>>, vector<1x1x16xf32>,
          %parallel_loop3A_364 = vector.shape_cast %parallel_loop3A_363 : vector<1x1x16xf32> to vector<16xf32>
          %parallel_loop3A_365 = vector.shape_cast %parallel_loop3A_359 : vector<16xf32> to vector<1x1x16xf32>
          tpu.vector_store %arg11[%parallel_loop3A_360, %parallel_loop3A_361, %parallel_loop3A_362], %parallel_loop3A_365 {strides = array<i32>} : memref<2x80x128xf32, #tpu.memory_space<vmem>>, vector<1x1x16xf32>,
          %parallel_loop3A_366 = arith.mulf %parallel_loop3A_250, %parallel_loop3A_344 : vector<16xf32>
          %parallel_loop3A_367 = arith.index_cast %rem3A_127 : i32 to index
          %parallel_loop3A_368 = arith.index_cast %parallel_loop3A_186 : i32 to index
          %parallel_loop3A_369 = arith.constant 48 : index
          %parallel_loop3A_370 = tpu.vector_load %arg11[%parallel_loop3A_367, %parallel_loop3A_368, %parallel_loop3A_369] {strides = array<i32>} : memref<2x80x128xf32, #tpu.memory_space<vmem>>, vector<1x1x16xf32>,
          %parallel_loop3A_371 = vector.shape_cast %parallel_loop3A_370 : vector<1x1x16xf32> to vector<16xf32>
          %parallel_loop3A_372 = vector.shape_cast %parallel_loop3A_366 : vector<16xf32> to vector<1x1x16xf32>
          tpu.vector_store %arg11[%parallel_loop3A_367, %parallel_loop3A_368, %parallel_loop3A_369], %parallel_loop3A_372 {strides = array<i32>} : memref<2x80x128xf32, #tpu.memory_space<vmem>>, vector<1x1x16xf32>,
          %parallel_loop3A_373 = arith.mulf %parallel_loop3A_238, %parallel_loop3A_344 : vector<16xf32>
          %parallel_loop3A_374 = arith.index_cast %rem3A_127 : i32 to index
          %parallel_loop3A_375 = arith.index_cast %parallel_loop3A_186 : i32 to index
          %parallel_loop3A_376 = arith.constant 64 : index
          %parallel_loop3A_377 = tpu.vector_load %arg11[%parallel_loop3A_374, %parallel_loop3A_375, %parallel_loop3A_376] {strides = array<i32>} : memref<2x80x128xf32, #tpu.memory_space<vmem>>, vector<1x1x16xf32>,
          %parallel_loop3A_378 = vector.shape_cast %parallel_loop3A_377 : vector<1x1x16xf32> to vector<16xf32>
          %parallel_loop3A_379 = vector.shape_cast %parallel_loop3A_373 : vector<16xf32> to vector<1x1x16xf32>
          tpu.vector_store %arg11[%parallel_loop3A_374, %parallel_loop3A_375, %parallel_loop3A_376], %parallel_loop3A_379 {strides = array<i32>} : memref<2x80x128xf32, #tpu.memory_space<vmem>>, vector<1x1x16xf32>,
          %parallel_loop3A_380 = arith.mulf %parallel_loop3A_254, %parallel_loop3A_344 : vector<16xf32>
          %parallel_loop3A_381 = arith.index_cast %rem3A_127 : i32 to index
          %parallel_loop3A_382 = arith.index_cast %parallel_loop3A_186 : i32 to index
          %parallel_loop3A_383 = arith.constant 80 : index
          %parallel_loop3A_384 = tpu.vector_load %arg11[%parallel_loop3A_381, %parallel_loop3A_382, %parallel_loop3A_383] {strides = array<i32>} : memref<2x80x128xf32, #tpu.memory_space<vmem>>, vector<1x1x16xf32>,
          %parallel_loop3A_385 = vector.shape_cast %parallel_loop3A_384 : vector<1x1x16xf32> to vector<16xf32>
          %parallel_loop3A_386 = vector.shape_cast %parallel_loop3A_380 : vector<16xf32> to vector<1x1x16xf32>
          tpu.vector_store %arg11[%parallel_loop3A_381, %parallel_loop3A_382, %parallel_loop3A_383], %parallel_loop3A_386 {strides = array<i32>} : memref<2x80x128xf32, #tpu.memory_space<vmem>>, vector<1x1x16xf32>,
          %parallel_loop3A_387 = arith.mulf %parallel_loop3A_242, %parallel_loop3A_344 : vector<16xf32>
          %parallel_loop3A_388 = arith.index_cast %rem3A_127 : i32 to index
          %parallel_loop3A_389 = arith.index_cast %parallel_loop3A_186 : i32 to index
          %parallel_loop3A_390 = arith.constant 96 : index
          %parallel_loop3A_391 = tpu.vector_load %arg11[%parallel_loop3A_388, %parallel_loop3A_389, %parallel_loop3A_390] {strides = array<i32>} : memref<2x80x128xf32, #tpu.memory_space<vmem>>, vector<1x1x16xf32>,
          %parallel_loop3A_392 = vector.shape_cast %parallel_loop3A_391 : vector<1x1x16xf32> to vector<16xf32>
          %parallel_loop3A_393 = vector.shape_cast %parallel_loop3A_387 : vector<16xf32> to vector<1x1x16xf32>
          tpu.vector_store %arg11[%parallel_loop3A_388, %parallel_loop3A_389, %parallel_loop3A_390], %parallel_loop3A_393 {strides = array<i32>} : memref<2x80x128xf32, #tpu.memory_space<vmem>>, vector<1x1x16xf32>,
          %parallel_loop3A_394 = arith.mulf %parallel_loop3A_258, %parallel_loop3A_344 : vector<16xf32>
          %parallel_loop3A_395 = arith.index_cast %rem3A_127 : i32 to index
          %parallel_loop3A_396 = arith.index_cast %parallel_loop3A_186 : i32 to index
          %parallel_loop3A_397 = arith.constant 112 : index
          %parallel_loop3A_398 = tpu.vector_load %arg11[%parallel_loop3A_395, %parallel_loop3A_396, %parallel_loop3A_397] {strides = array<i32>} : memref<2x80x128xf32, #tpu.memory_space<vmem>>, vector<1x1x16xf32>,
          %parallel_loop3A_399 = vector.shape_cast %parallel_loop3A_398 : vector<1x1x16xf32> to vector<16xf32>
          %parallel_loop3A_400 = vector.shape_cast %parallel_loop3A_394 : vector<16xf32> to vector<1x1x16xf32>
          tpu.vector_store %arg11[%parallel_loop3A_395, %parallel_loop3A_396, %parallel_loop3A_397], %parallel_loop3A_400 {strides = array<i32>} : memref<2x80x128xf32, #tpu.memory_space<vmem>>, vector<1x1x16xf32>,
        } {sc.loop_unroll_factor = 4 : i64, sc.parallel_access}
        %dma_start3A_173 = arith.constant 0 : i32
        %dma_start3A_174 = arith.constant 0 : i32
        %dma_start3A_175 = tpu.memref_slice %arg11[%rem3A_127, %dma_start3A_173, %dma_start3A_174] : memref<2x80x128xf32, #tpu.memory_space<vmem>> -> memref<1x80x128xf32, #tpu.memory_space<vmem>>
        %dma_start3A_176 = tpu.memref_squeeze %dma_start3A_175 : memref<1x80x128xf32, #tpu.memory_space<vmem>> -> memref<80x128xf32, #tpu.memory_space<vmem>>
        %dma_start3A_177 = arith.constant 0 : i32
        %dma_start3A_178 = tpu.memref_slice %arg8[%scan3A_125, %dma_start3A_177] : memref<25x80xi32, #tpu.memory_space<vmem>> -> memref<1x80xi32, #tpu.memory_space<vmem>>
        %dma_start3A_179 = tpu.memref_squeeze %dma_start3A_178 : memref<1x80xi32, #tpu.memory_space<vmem>> -> memref<80xi32, #tpu.memory_space<vmem>>
        %dma_start3A_180 = arith.constant 0 : i32
        %dma_start3A_181 = arith.constant 0 : i32
        %dma_start3A_182 = tpu.memref_slice %arg6[%dma_start3A_180, %dma_start3A_181] : memref<10000x128xf32, #tpu.memory_space<vmem_shared>> -> memref<10000x128xf32, #tpu.memory_space<vmem_shared>>
        %dma_start3A_183 = tpu.memref_slice %arg14[%rem3A_127] : memref<2x!tpu.dma_semaphore, #tpu.memory_space<semaphore_mem>> -> memref<1x!tpu.dma_semaphore, #tpu.memory_space<semaphore_mem>>
        %dma_start3A_184 = tpu.memref_squeeze %dma_start3A_183 : memref<1x!tpu.dma_semaphore, #tpu.memory_space<semaphore_mem>> -> memref<!tpu.dma_semaphore, #tpu.memory_space<semaphore_mem>>
        tpu.enqueue_indirect_dma source(%dma_start3A_176 : memref<80x128xf32, #tpu.memory_space<vmem>>) target(%dma_start3A_182 : memref<10000x128xf32, #tpu.memory_space<vmem_shared>>) offsets(%dma_start3A_179 : memref<80xi32, #tpu.memory_space<vmem>>) semaphore(%dma_start3A_184 : memref<!tpu.dma_semaphore, #tpu.memory_space<semaphore_mem>>) {add = true}
        %scan3A_185 = arith.constant 0 : i32
        scf.yield %scan3A_185 : i32
      }
      %scan3A_94 = arith.constant 25 : i32
      %dma_wait3A = arith.constant 1 : i32
      %dma_wait3A_95 = arith.constant 23 : i32
      %dma_wait3A_96 = arith.constant 1 : i32
      %dma_wait3A_97 = arith.constant 0 : i32
      %dma_wait3A_98 = arith.constant 0 : i32
      %dma_wait3A_99 = tpu.memref_slice %arg11[%dma_wait3A, %dma_wait3A_97, %dma_wait3A_98] : memref<2x80x128xf32, #tpu.memory_space<vmem>> -> memref<1x80x128xf32, #tpu.memory_space<vmem>>
      %dma_wait3A_100 = tpu.memref_squeeze %dma_wait3A_99 : memref<1x80x128xf32, #tpu.memory_space<vmem>> -> memref<80x128xf32, #tpu.memory_space<vmem>>
      %dma_wait3A_101 = arith.constant 0 : i32
      %dma_wait3A_102 = tpu.memref_slice %arg8[%dma_wait3A_95, %dma_wait3A_101] : memref<25x80xi32, #tpu.memory_space<vmem>> -> memref<1x80xi32, #tpu.memory_space<vmem>>
      %dma_wait3A_103 = tpu.memref_squeeze %dma_wait3A_102 : memref<1x80xi32, #tpu.memory_space<vmem>> -> memref<80xi32, #tpu.memory_space<vmem>>
      %dma_wait3A_104 = arith.constant 0 : i32
      %dma_wait3A_105 = arith.constant 0 : i32
      %dma_wait3A_106 = tpu.memref_slice %arg6[%dma_wait3A_104, %dma_wait3A_105] : memref<10000x128xf32, #tpu.memory_space<vmem_shared>> -> memref<10000x128xf32, #tpu.memory_space<vmem_shared>>
      %dma_wait3A_107 = tpu.memref_slice %arg14[%dma_wait3A_96] : memref<2x!tpu.dma_semaphore, #tpu.memory_space<semaphore_mem>> -> memref<1x!tpu.dma_semaphore, #tpu.memory_space<semaphore_mem>>
      %dma_wait3A_108 = tpu.memref_squeeze %dma_wait3A_107 : memref<1x!tpu.dma_semaphore, #tpu.memory_space<semaphore_mem>> -> memref<!tpu.dma_semaphore, #tpu.memory_space<semaphore_mem>>
      tpu.wait_indirect_dma semaphore(%dma_wait3A_108 : memref<!tpu.dma_semaphore, #tpu.memory_space<semaphore_mem>>) src(%dma_wait3A_100 : memref<80x128xf32, #tpu.memory_space<vmem>>) dst(%dma_wait3A_106 : memref<10000x128xf32, #tpu.memory_space<vmem_shared>>)
      %dma_wait3A_109 = arith.constant 0 : i32
      %dma_wait3A_110 = arith.constant 24 : i32
      %dma_wait3A_111 = arith.constant 0 : i32
      %dma_wait3A_112 = arith.constant 0 : i32
      %dma_wait3A_113 = arith.constant 0 : i32
      %dma_wait3A_114 = tpu.memref_slice %arg11[%dma_wait3A_109, %dma_wait3A_112, %dma_wait3A_113] : memref<2x80x128xf32, #tpu.memory_space<vmem>> -> memref<1x80x128xf32, #tpu.memory_space<vmem>>
      %dma_wait3A_115 = tpu.memref_squeeze %dma_wait3A_114 : memref<1x80x128xf32, #tpu.memory_space<vmem>> -> memref<80x128xf32, #tpu.memory_space<vmem>>
      %dma_wait3A_116 = arith.constant 0 : i32
      %dma_wait3A_117 = tpu.memref_slice %arg8[%dma_wait3A_110, %dma_wait3A_116] : memref<25x80xi32, #tpu.memory_space<vmem>> -> memref<1x80xi32, #tpu.memory_space<vmem>>
      %dma_wait3A_118 = tpu.memref_squeeze %dma_wait3A_117 : memref<1x80xi32, #tpu.memory_space<vmem>> -> memref<80xi32, #tpu.memory_space<vmem>>
      %dma_wait3A_119 = arith.constant 0 : i32
      %dma_wait3A_120 = arith.constant 0 : i32
      %dma_wait3A_121 = tpu.memref_slice %arg6[%dma_wait3A_119, %dma_wait3A_120] : memref<10000x128xf32, #tpu.memory_space<vmem_shared>> -> memref<10000x128xf32, #tpu.memory_space<vmem_shared>>
      %dma_wait3A_122 = tpu.memref_slice %arg14[%dma_wait3A_111] : memref<2x!tpu.dma_semaphore, #tpu.memory_space<semaphore_mem>> -> memref<1x!tpu.dma_semaphore, #tpu.memory_space<semaphore_mem>>
      %dma_wait3A_123 = tpu.memref_squeeze %dma_wait3A_122 : memref<1x!tpu.dma_semaphore, #tpu.memory_space<semaphore_mem>> -> memref<!tpu.dma_semaphore, #tpu.memory_space<semaphore_mem>>
      tpu.wait_indirect_dma semaphore(%dma_wait3A_123 : memref<!tpu.dma_semaphore, #tpu.memory_space<semaphore_mem>>) src(%dma_wait3A_115 : memref<80x128xf32, #tpu.memory_space<vmem>>) dst(%dma_wait3A_121 : memref<10000x128xf32, #tpu.memory_space<vmem_shared>>)
      %scan3A_124 = arith.constant 0 : i32
      scf.yield %scan3A_124 : i32
    }
    %scan3A_44 = arith.constant 5 : i32
    %barrier3A_45 = arith.constant 0 : index
    tpu.barrier barrier_id(%barrier3A_45)
    %not3A_46 = arith.constant true
    %not3A_47 = arith.xori %eq3A_3, %not3A_46 : i1
    %convert_element_type3A_48 = arith.extui %not3A_47 : i1 to i32
    %cond3A_49 = arith.constant 0 : i32
    %cond3A_50 = arith.cmpi ne, %convert_element_type3A_48, %cond3A_49 : i32
    scf.if %cond3A_50 {
      "tpu.region"() ({
        %run_scoped3A_54 = tpu.sem_alloc : memref<!tpu.dma_semaphore, #tpu.memory_space<semaphore_mem>>
        %dma_start3A = arith.constant 0 : i32
        %dma_start3A_55 = tpu.memref_slice %arg5[%arg0, %mul3A_2, %dma_start3A] : memref<2x10000x128xf32, #tpu.memory_space<hbm>> -> memref<1x624x128xf32, #tpu.memory_space<hbm>>
        %dma_start3A_56 = tpu.memref_squeeze %dma_start3A_55 : memref<1x624x128xf32, #tpu.memory_space<hbm>> -> memref<624x128xf32, #tpu.memory_space<hbm>>
        %dma_start3A_57 = arith.constant 0 : i32
        %dma_start3A_58 = tpu.memref_slice %arg6[%mul3A_2, %dma_start3A_57] : memref<10000x128xf32, #tpu.memory_space<vmem_shared>> -> memref<624x128xf32, #tpu.memory_space<vmem_shared>>
        tpu.enqueue_dma source(%dma_start3A_58 : memref<624x128xf32, #tpu.memory_space<vmem_shared>>) target(%dma_start3A_56 : memref<624x128xf32, #tpu.memory_space<hbm>>) target_semaphore(%run_scoped3A_54 : memref<!tpu.dma_semaphore, #tpu.memory_space<semaphore_mem>>)
        %dma_wait3A = arith.constant 0 : i32
        %dma_wait3A_59 = tpu.memref_slice %arg5[%arg0, %mul3A_2, %dma_wait3A] : memref<2x10000x128xf32, #tpu.memory_space<hbm>> -> memref<1x624x128xf32, #tpu.memory_space<hbm>>
        %dma_wait3A_60 = tpu.memref_squeeze %dma_wait3A_59 : memref<1x624x128xf32, #tpu.memory_space<hbm>> -> memref<624x128xf32, #tpu.memory_space<hbm>>
        %dma_wait3A_61 = arith.constant 0 : i32
        %dma_wait3A_62 = tpu.memref_slice %arg6[%mul3A_2, %dma_wait3A_61] : memref<10000x128xf32, #tpu.memory_space<vmem_shared>> -> memref<624x128xf32, #tpu.memory_space<vmem_shared>>
        tpu.wait_dma2 semaphore(%run_scoped3A_54 : memref<!tpu.dma_semaphore, #tpu.memory_space<semaphore_mem>>) src(%dma_wait3A_62 : memref<624x128xf32, #tpu.memory_space<vmem_shared>>) dst(%dma_wait3A_60 : memref<624x128xf32, #tpu.memory_space<hbm>>)
        tpu.yield
      }) : () -> ()
    } else {
    }
    %convert_element_type3A_51 = arith.extui %eq3A_3 : i1 to i32
    %cond3A_52 = arith.constant 0 : i32
    %cond3A_53 = arith.cmpi ne, %convert_element_type3A_51, %cond3A_52 : i32
    scf.if %cond3A_53 {
      "tpu.region"() ({
        %run_scoped3A_54 = tpu.sem_alloc : memref<!tpu.dma_semaphore, #tpu.memory_space<semaphore_mem>>
        %dma_start3A = arith.constant 0 : i32
        %dma_start3A_55 = tpu.memref_slice %arg5[%arg0, %mul3A_2, %dma_start3A] : memref<2x10000x128xf32, #tpu.memory_space<hbm>> -> memref<1x640x128xf32, #tpu.memory_space<hbm>>
        %dma_start3A_56 = tpu.memref_squeeze %dma_start3A_55 : memref<1x640x128xf32, #tpu.memory_space<hbm>> -> memref<640x128xf32, #tpu.memory_space<hbm>>
        %dma_start3A_57 = arith.constant 0 : i32
        %dma_start3A_58 = tpu.memref_slice %arg6[%mul3A_2, %dma_start3A_57] : memref<10000x128xf32, #tpu.memory_space<vmem_shared>> -> memref<640x128xf32, #tpu.memory_space<vmem_shared>>
        tpu.enqueue_dma source(%dma_start3A_58 : memref<640x128xf32, #tpu.memory_space<vmem_shared>>) target(%dma_start3A_56 : memref<640x128xf32, #tpu.memory_space<hbm>>) target_semaphore(%run_scoped3A_54 : memref<!tpu.dma_semaphore, #tpu.memory_space<semaphore_mem>>)
        %dma_wait3A = arith.constant 0 : i32
        %dma_wait3A_59 = tpu.memref_slice %arg5[%arg0, %mul3A_2, %dma_wait3A] : memref<2x10000x128xf32, #tpu.memory_space<hbm>> -> memref<1x640x128xf32, #tpu.memory_space<hbm>>
        %dma_wait3A_60 = tpu.memref_squeeze %dma_wait3A_59 : memref<1x640x128xf32, #tpu.memory_space<hbm>> -> memref<640x128xf32, #tpu.memory_space<hbm>>
        %dma_wait3A_61 = arith.constant 0 : i32
        %dma_wait3A_62 = tpu.memref_slice %arg6[%mul3A_2, %dma_wait3A_61] : memref<10000x128xf32, #tpu.memory_space<vmem_shared>> -> memref<640x128xf32, #tpu.memory_space<vmem_shared>>
        tpu.wait_dma2 semaphore(%run_scoped3A_54 : memref<!tpu.dma_semaphore, #tpu.memory_space<semaphore_mem>>) src(%dma_wait3A_62 : memref<640x128xf32, #tpu.memory_space<vmem_shared>>) dst(%dma_wait3A_60 : memref<640x128xf32, #tpu.memory_space<hbm>>)
        tpu.yield
      }) : () -> ()
    } else {
    }
    return
  }
}

#map = affine_map<(d0, d1) -> (0, 0)>
#map1 = affine_map<(d0, d1) -> (0)>
#map2 = affine_map<(d0, d1) -> (0, 0, 0, 0)>
#map3 = affine_map<(d0, d1) -> (0, 0, 0)>
module attributes {stable_mosaic.version = 14 : i64} {
  func.func @hop(%arg0: i32, %arg1: i32, %arg2: memref<10000x64xi32, #tpu.memory_space<hbm>>, %arg3: memref<320000xi32, #tpu.memory_space<hbm>>, %arg4: memref<32x5x25x80xi32, #tpu.memory_space<hbm>>, %arg5: memref<2x10000x128xf32, #tpu.memory_space<hbm>>, %arg6: memref<10000x128xf32, #tpu.memory_space<vmem_shared>>, %arg7: memref<2000xi32, #tpu.memory_space<vmem>>, %arg8: memref<25x80xi32, #tpu.memory_space<vmem>>, %arg9: memref<2x80x64xi32, #tpu.memory_space<vmem>>, %arg10: memref<2x80x64xi32, #tpu.memory_space<vmem>>, %arg11: memref<2x80x128xf32, #tpu.memory_space<vmem>>, %arg12: memref<2x!tpu.dma_semaphore, #tpu.memory_space<semaphore_mem>>, %arg13: memref<2x!tpu.dma_semaphore, #tpu.memory_space<semaphore_mem>>, %arg14: memref<2x!tpu.dma_semaphore, #tpu.memory_space<semaphore_mem>>) attributes {dimension_semantics = [#tpu.dimension_semantics<core_parallel>, #tpu.dimension_semantics<subcore_parallel>], iteration_bounds = array<i64: 2, 16>, scalar_prefetch = 0 : i64, scratch_operands = 9 : i64, tpu.core_type = #tpu.core_type<sc_vector_subcore>, window_params = [{transform_indices = #map}, {transform_indices = #map1}, {transform_indices = #map2}, {transform_indices = #map3}]} {
    %mul3A = arith.constant 2 : i32
    %mul3A_0 = arith.muli %arg1, %mul3A : i32
    %add3A = arith.addi %mul3A_0, %arg0 : i32
    %mul3A_1 = arith.constant 624 : i32
    %mul3A_2 = arith.muli %arg1, %mul3A_1 : i32
    %eq3A = arith.constant 15 : i32
    %eq3A_3 = arith.cmpi eq, %arg1, %eq3A : i32
    %broadcast_in_dim3A = arith.constant 0.000000e+00 : f32
    %broadcast_in_dim3A_4 = vector.broadcast %broadcast_in_dim3A : f32 to vector<16xf32>
    %scan3A = arith.constant 0 : i32
    %scan3A_5 = arith.constant 0 : i32
    %scan3A_6 = arith.constant 80 : i32
    %scan3A_7 = arith.addi %scan3A_5, %scan3A_6 : i32
    %scan3A_8 = arith.constant 1 : i32
    %scan3A_9 = scf.for %scan3A_54 = %scan3A_5 to %scan3A_7 step %scan3A_8 iter_args(%scan3A_55 = %scan3A) -> (i32)  : i32 {
      %swap3A = arith.constant 0 : i32
      %swap3A_56 = arith.index_cast %swap3A : i32 to index
      %swap3A_57 = arith.index_cast %scan3A_54 : i32 to index
      %swap3A_58 = arith.constant 0 : index
      %swap3A_59 = tpu.vector_load %arg11[%swap3A_56, %swap3A_57, %swap3A_58] {strides = array<i32>} : memref<2x80x128xf32, #tpu.memory_space<vmem>>, vector<1x1x16xf32>,
      %swap3A_60 = vector.shape_cast %swap3A_59 : vector<1x1x16xf32> to vector<16xf32>
      %swap3A_61 = vector.shape_cast %broadcast_in_dim3A_4 : vector<16xf32> to vector<1x1x16xf32>
      tpu.vector_store %arg11[%swap3A_56, %swap3A_57, %swap3A_58], %swap3A_61 {strides = array<i32>} : memref<2x80x128xf32, #tpu.memory_space<vmem>>, vector<1x1x16xf32>,
      %swap3A_62 = arith.constant 0 : i32
      %swap3A_63 = arith.index_cast %swap3A_62 : i32 to index
      %swap3A_64 = arith.index_cast %scan3A_54 : i32 to index
      %swap3A_65 = arith.constant 16 : index
      %swap3A_66 = tpu.vector_load %arg11[%swap3A_63, %swap3A_64, %swap3A_65] {strides = array<i32>} : memref<2x80x128xf32, #tpu.memory_space<vmem>>, vector<1x1x16xf32>,
      %swap3A_67 = vector.shape_cast %swap3A_66 : vector<1x1x16xf32> to vector<16xf32>
      %swap3A_68 = vector.shape_cast %broadcast_in_dim3A_4 : vector<16xf32> to vector<1x1x16xf32>
      tpu.vector_store %arg11[%swap3A_63, %swap3A_64, %swap3A_65], %swap3A_68 {strides = array<i32>} : memref<2x80x128xf32, #tpu.memory_space<vmem>>, vector<1x1x16xf32>,
      %swap3A_69 = arith.constant 0 : i32
      %swap3A_70 = arith.index_cast %swap3A_69 : i32 to index
      %swap3A_71 = arith.index_cast %scan3A_54 : i32 to index
      %swap3A_72 = arith.constant 32 : index
      %swap3A_73 = tpu.vector_load %arg11[%swap3A_70, %swap3A_71, %swap3A_72] {strides = array<i32>} : memref<2x80x128xf32, #tpu.memory_space<vmem>>, vector<1x1x16xf32>,
      %swap3A_74 = vector.shape_cast %swap3A_73 : vector<1x1x16xf32> to vector<16xf32>
      %swap3A_75 = vector.shape_cast %broadcast_in_dim3A_4 : vector<16xf32> to vector<1x1x16xf32>
      tpu.vector_store %arg11[%swap3A_70, %swap3A_71, %swap3A_72], %swap3A_75 {strides = array<i32>} : memref<2x80x128xf32, #tpu.memory_space<vmem>>, vector<1x1x16xf32>,
      %swap3A_76 = arith.constant 0 : i32
      %swap3A_77 = arith.index_cast %swap3A_76 : i32 to index
      %swap3A_78 = arith.index_cast %scan3A_54 : i32 to index
      %swap3A_79 = arith.constant 48 : index
      %swap3A_80 = tpu.vector_load %arg11[%swap3A_77, %swap3A_78, %swap3A_79] {strides = array<i32>} : memref<2x80x128xf32, #tpu.memory_space<vmem>>, vector<1x1x16xf32>,
      %swap3A_81 = vector.shape_cast %swap3A_80 : vector<1x1x16xf32> to vector<16xf32>
      %swap3A_82 = vector.shape_cast %broadcast_in_dim3A_4 : vector<16xf32> to vector<1x1x16xf32>
      tpu.vector_store %arg11[%swap3A_77, %swap3A_78, %swap3A_79], %swap3A_82 {strides = array<i32>} : memref<2x80x128xf32, #tpu.memory_space<vmem>>, vector<1x1x16xf32>,
      %swap3A_83 = arith.constant 0 : i32
      %swap3A_84 = arith.index_cast %swap3A_83 : i32 to index
      %swap3A_85 = arith.index_cast %scan3A_54 : i32 to index
      %swap3A_86 = arith.constant 64 : index
      %swap3A_87 = tpu.vector_load %arg11[%swap3A_84, %swap3A_85, %swap3A_86] {strides = array<i32>} : memref<2x80x128xf32, #tpu.memory_space<vmem>>, vector<1x1x16xf32>,
      %swap3A_88 = vector.shape_cast %swap3A_87 : vector<1x1x16xf32> to vector<16xf32>
      %swap3A_89 = vector.shape_cast %broadcast_in_dim3A_4 : vector<16xf32> to vector<1x1x16xf32>
      tpu.vector_store %arg11[%swap3A_84, %swap3A_85, %swap3A_86], %swap3A_89 {strides = array<i32>} : memref<2x80x128xf32, #tpu.memory_space<vmem>>, vector<1x1x16xf32>,
      %swap3A_90 = arith.constant 0 : i32
      %swap3A_91 = arith.index_cast %swap3A_90 : i32 to index
      %swap3A_92 = arith.index_cast %scan3A_54 : i32 to index
      %swap3A_93 = arith.constant 80 : index
      %swap3A_94 = tpu.vector_load %arg11[%swap3A_91, %swap3A_92, %swap3A_93] {strides = array<i32>} : memref<2x80x128xf32, #tpu.memory_space<vmem>>, vector<1x1x16xf32>,
      %swap3A_95 = vector.shape_cast %swap3A_94 : vector<1x1x16xf32> to vector<16xf32>
      %swap3A_96 = vector.shape_cast %broadcast_in_dim3A_4 : vector<16xf32> to vector<1x1x16xf32>
      tpu.vector_store %arg11[%swap3A_91, %swap3A_92, %swap3A_93], %swap3A_96 {strides = array<i32>} : memref<2x80x128xf32, #tpu.memory_space<vmem>>, vector<1x1x16xf32>,
      %swap3A_97 = arith.constant 0 : i32
      %swap3A_98 = arith.index_cast %swap3A_97 : i32 to index
      %swap3A_99 = arith.index_cast %scan3A_54 : i32 to index
      %swap3A_100 = arith.constant 96 : index
      %swap3A_101 = tpu.vector_load %arg11[%swap3A_98, %swap3A_99, %swap3A_100] {strides = array<i32>} : memref<2x80x128xf32, #tpu.memory_space<vmem>>, vector<1x1x16xf32>,
      %swap3A_102 = vector.shape_cast %swap3A_101 : vector<1x1x16xf32> to vector<16xf32>
      %swap3A_103 = vector.shape_cast %broadcast_in_dim3A_4 : vector<16xf32> to vector<1x1x16xf32>
      tpu.vector_store %arg11[%swap3A_98, %swap3A_99, %swap3A_100], %swap3A_103 {strides = array<i32>} : memref<2x80x128xf32, #tpu.memory_space<vmem>>, vector<1x1x16xf32>,
      %swap3A_104 = arith.constant 0 : i32
      %swap3A_105 = arith.index_cast %swap3A_104 : i32 to index
      %swap3A_106 = arith.index_cast %scan3A_54 : i32 to index
      %swap3A_107 = arith.constant 112 : index
      %swap3A_108 = tpu.vector_load %arg11[%swap3A_105, %swap3A_106, %swap3A_107] {strides = array<i32>} : memref<2x80x128xf32, #tpu.memory_space<vmem>>, vector<1x1x16xf32>,
      %swap3A_109 = vector.shape_cast %swap3A_108 : vector<1x1x16xf32> to vector<16xf32>
      %swap3A_110 = vector.shape_cast %broadcast_in_dim3A_4 : vector<16xf32> to vector<1x1x16xf32>
      tpu.vector_store %arg11[%swap3A_105, %swap3A_106, %swap3A_107], %swap3A_110 {strides = array<i32>} : memref<2x80x128xf32, #tpu.memory_space<vmem>>, vector<1x1x16xf32>,
      %scan3A_111 = arith.constant 0 : i32
      scf.yield %scan3A_111 : i32
    }
    %scan3A_10 = arith.constant 80 : i32
    %add3A_11 = arith.constant 0 : i32
    %add3A_12 = arith.addi %mul3A_2, %add3A_11 : i32
    %run_scoped3A = arith.constant 0 : i32
    "tpu.region"() ({
      %run_scoped3A_54 = tpu.sem_alloc : memref<!tpu.dma_semaphore, #tpu.memory_space<semaphore_mem>>
      %dma_start3A = arith.constant 0 : i32
      %dma_start3A_55 = arith.constant 0 : i32
      %dma_start3A_56 = tpu.memref_slice %arg11[%run_scoped3A, %dma_start3A, %dma_start3A_55] : memref<2x80x128xf32, #tpu.memory_space<vmem>> -> memref<1x80x128xf32, #tpu.memory_space<vmem>>
      %dma_start3A_57 = tpu.memref_squeeze %dma_start3A_56 : memref<1x80x128xf32, #tpu.memory_space<vmem>> -> memref<80x128xf32, #tpu.memory_space<vmem>>
      %dma_start3A_58 = arith.constant 0 : i32
      %dma_start3A_59 = tpu.memref_slice %arg6[%add3A_12, %dma_start3A_58] : memref<10000x128xf32, #tpu.memory_space<vmem_shared>> -> memref<80x128xf32, #tpu.memory_space<vmem_shared>>
      %dma_start3A_60 = arith.constant 0 : i32
      %dma_start3A_61 = tpu.memref_slice %arg6[%add3A_12, %dma_start3A_60] : memref<10000x128xf32, #tpu.memory_space<vmem_shared>> -> memref<80x128xf32, #tpu.memory_space<vmem_shared>>
      %dma_start3A_62 = arith.constant 0 : i32
      %dma_start3A_63 = arith.constant 0 : i32
      %dma_start3A_64 = tpu.memref_slice %arg11[%run_scoped3A, %dma_start3A_62, %dma_start3A_63] : memref<2x80x128xf32, #tpu.memory_space<vmem>> -> memref<1x80x128xf32, #tpu.memory_space<vmem>>
      %dma_start3A_65 = tpu.memref_squeeze %dma_start3A_64 : memref<1x80x128xf32, #tpu.memory_space<vmem>> -> memref<80x128xf32, #tpu.memory_space<vmem>>
      tpu.enqueue_dma source(%dma_start3A_65 : memref<80x128xf32, #tpu.memory_space<vmem>>) target(%dma_start3A_61 : memref<80x128xf32, #tpu.memory_space<vmem_shared>>) target_semaphore(%run_scoped3A_54 : memref<!tpu.dma_semaphore, #tpu.memory_space<semaphore_mem>>)
      %dma_wait3A = arith.constant 0 : i32
      %dma_wait3A_66 = arith.constant 0 : i32
      %dma_wait3A_67 = tpu.memref_slice %arg11[%run_scoped3A, %dma_wait3A, %dma_wait3A_66] : memref<2x80x128xf32, #tpu.memory_space<vmem>> -> memref<1x80x128xf32, #tpu.memory_space<vmem>>
      %dma_wait3A_68 = tpu.memref_squeeze %dma_wait3A_67 : memref<1x80x128xf32, #tpu.memory_space<vmem>> -> memref<80x128xf32, #tpu.memory_space<vmem>>
      %dma_wait3A_69 = arith.constant 0 : i32
      %dma_wait3A_70 = tpu.memref_slice %arg6[%add3A_12, %dma_wait3A_69] : memref<10000x128xf32, #tpu.memory_space<vmem_shared>> -> memref<80x128xf32, #tpu.memory_space<vmem_shared>>
      %dma_wait3A_71 = arith.constant 0 : i32
      %dma_wait3A_72 = tpu.memref_slice %arg6[%add3A_12, %dma_wait3A_71] : memref<10000x128xf32, #tpu.memory_space<vmem_shared>> -> memref<80x128xf32, #tpu.memory_space<vmem_shared>>
      %dma_wait3A_73 = arith.constant 0 : i32
      %dma_wait3A_74 = arith.constant 0 : i32
      %dma_wait3A_75 = tpu.memref_slice %arg11[%run_scoped3A, %dma_wait3A_73, %dma_wait3A_74] : memref<2x80x128xf32, #tpu.memory_space<vmem>> -> memref<1x80x128xf32, #tpu.memory_space<vmem>>
      %dma_wait3A_76 = tpu.memref_squeeze %dma_wait3A_75 : memref<1x80x128xf32, #tpu.memory_space<vmem>> -> memref<80x128xf32, #tpu.memory_space<vmem>>
      tpu.wait_dma2 semaphore(%run_scoped3A_54 : memref<!tpu.dma_semaphore, #tpu.memory_space<semaphore_mem>>) src(%dma_wait3A_76 : memref<80x128xf32, #tpu.memory_space<vmem>>) dst(%dma_wait3A_72 : memref<80x128xf32, #tpu.memory_space<vmem_shared>>)
      tpu.yield
    }) : () -> ()
    %add3A_13 = arith.constant 80 : i32
    %add3A_14 = arith.addi %mul3A_2, %add3A_13 : i32
    %run_scoped3A_15 = arith.constant 0 : i32
    "tpu.region"() ({
      %run_scoped3A_54 = tpu.sem_alloc : memref<!tpu.dma_semaphore, #tpu.memory_space<semaphore_mem>>
      %dma_start3A = arith.constant 0 : i32
      %dma_start3A_55 = arith.constant 0 : i32
      %dma_start3A_56 = tpu.memref_slice %arg11[%run_scoped3A_15, %dma_start3A, %dma_start3A_55] : memref<2x80x128xf32, #tpu.memory_space<vmem>> -> memref<1x80x128xf32, #tpu.memory_space<vmem>>
      %dma_start3A_57 = tpu.memref_squeeze %dma_start3A_56 : memref<1x80x128xf32, #tpu.memory_space<vmem>> -> memref<80x128xf32, #tpu.memory_space<vmem>>
      %dma_start3A_58 = arith.constant 0 : i32
      %dma_start3A_59 = tpu.memref_slice %arg6[%add3A_14, %dma_start3A_58] : memref<10000x128xf32, #tpu.memory_space<vmem_shared>> -> memref<80x128xf32, #tpu.memory_space<vmem_shared>>
      %dma_start3A_60 = arith.constant 0 : i32
      %dma_start3A_61 = tpu.memref_slice %arg6[%add3A_14, %dma_start3A_60] : memref<10000x128xf32, #tpu.memory_space<vmem_shared>> -> memref<80x128xf32, #tpu.memory_space<vmem_shared>>
      %dma_start3A_62 = arith.constant 0 : i32
      %dma_start3A_63 = arith.constant 0 : i32
      %dma_start3A_64 = tpu.memref_slice %arg11[%run_scoped3A_15, %dma_start3A_62, %dma_start3A_63] : memref<2x80x128xf32, #tpu.memory_space<vmem>> -> memref<1x80x128xf32, #tpu.memory_space<vmem>>
      %dma_start3A_65 = tpu.memref_squeeze %dma_start3A_64 : memref<1x80x128xf32, #tpu.memory_space<vmem>> -> memref<80x128xf32, #tpu.memory_space<vmem>>
      tpu.enqueue_dma source(%dma_start3A_65 : memref<80x128xf32, #tpu.memory_space<vmem>>) target(%dma_start3A_61 : memref<80x128xf32, #tpu.memory_space<vmem_shared>>) target_semaphore(%run_scoped3A_54 : memref<!tpu.dma_semaphore, #tpu.memory_space<semaphore_mem>>)
      %dma_wait3A = arith.constant 0 : i32
      %dma_wait3A_66 = arith.constant 0 : i32
      %dma_wait3A_67 = tpu.memref_slice %arg11[%run_scoped3A_15, %dma_wait3A, %dma_wait3A_66] : memref<2x80x128xf32, #tpu.memory_space<vmem>> -> memref<1x80x128xf32, #tpu.memory_space<vmem>>
      %dma_wait3A_68 = tpu.memref_squeeze %dma_wait3A_67 : memref<1x80x128xf32, #tpu.memory_space<vmem>> -> memref<80x128xf32, #tpu.memory_space<vmem>>
      %dma_wait3A_69 = arith.constant 0 : i32
      %dma_wait3A_70 = tpu.memref_slice %arg6[%add3A_14, %dma_wait3A_69] : memref<10000x128xf32, #tpu.memory_space<vmem_shared>> -> memref<80x128xf32, #tpu.memory_space<vmem_shared>>
      %dma_wait3A_71 = arith.constant 0 : i32
      %dma_wait3A_72 = tpu.memref_slice %arg6[%add3A_14, %dma_wait3A_71] : memref<10000x128xf32, #tpu.memory_space<vmem_shared>> -> memref<80x128xf32, #tpu.memory_space<vmem_shared>>
      %dma_wait3A_73 = arith.constant 0 : i32
      %dma_wait3A_74 = arith.constant 0 : i32
      %dma_wait3A_75 = tpu.memref_slice %arg11[%run_scoped3A_15, %dma_wait3A_73, %dma_wait3A_74] : memref<2x80x128xf32, #tpu.memory_space<vmem>> -> memref<1x80x128xf32, #tpu.memory_space<vmem>>
      %dma_wait3A_76 = tpu.memref_squeeze %dma_wait3A_75 : memref<1x80x128xf32, #tpu.memory_space<vmem>> -> memref<80x128xf32, #tpu.memory_space<vmem>>
      tpu.wait_dma2 semaphore(%run_scoped3A_54 : memref<!tpu.dma_semaphore, #tpu.memory_space<semaphore_mem>>) src(%dma_wait3A_76 : memref<80x128xf32, #tpu.memory_space<vmem>>) dst(%dma_wait3A_72 : memref<80x128xf32, #tpu.memory_space<vmem_shared>>)
      tpu.yield
    }) : () -> ()
    %add3A_16 = arith.constant 160 : i32
    %add3A_17 = arith.addi %mul3A_2, %add3A_16 : i32
    %run_scoped3A_18 = arith.constant 0 : i32
    "tpu.region"() ({
      %run_scoped3A_54 = tpu.sem_alloc : memref<!tpu.dma_semaphore, #tpu.memory_space<semaphore_mem>>
      %dma_start3A = arith.constant 0 : i32
      %dma_start3A_55 = arith.constant 0 : i32
      %dma_start3A_56 = tpu.memref_slice %arg11[%run_scoped3A_18, %dma_start3A, %dma_start3A_55] : memref<2x80x128xf32, #tpu.memory_space<vmem>> -> memref<1x80x128xf32, #tpu.memory_space<vmem>>
      %dma_start3A_57 = tpu.memref_squeeze %dma_start3A_56 : memref<1x80x128xf32, #tpu.memory_space<vmem>> -> memref<80x128xf32, #tpu.memory_space<vmem>>
      %dma_start3A_58 = arith.constant 0 : i32
      %dma_start3A_59 = tpu.memref_slice %arg6[%add3A_17, %dma_start3A_58] : memref<10000x128xf32, #tpu.memory_space<vmem_shared>> -> memref<80x128xf32, #tpu.memory_space<vmem_shared>>
      %dma_start3A_60 = arith.constant 0 : i32
      %dma_start3A_61 = tpu.memref_slice %arg6[%add3A_17, %dma_start3A_60] : memref<10000x128xf32, #tpu.memory_space<vmem_shared>> -> memref<80x128xf32, #tpu.memory_space<vmem_shared>>
      %dma_start3A_62 = arith.constant 0 : i32
      %dma_start3A_63 = arith.constant 0 : i32
      %dma_start3A_64 = tpu.memref_slice %arg11[%run_scoped3A_18, %dma_start3A_62, %dma_start3A_63] : memref<2x80x128xf32, #tpu.memory_space<vmem>> -> memref<1x80x128xf32, #tpu.memory_space<vmem>>
      %dma_start3A_65 = tpu.memref_squeeze %dma_start3A_64 : memref<1x80x128xf32, #tpu.memory_space<vmem>> -> memref<80x128xf32, #tpu.memory_space<vmem>>
      tpu.enqueue_dma source(%dma_start3A_65 : memref<80x128xf32, #tpu.memory_space<vmem>>) target(%dma_start3A_61 : memref<80x128xf32, #tpu.memory_space<vmem_shared>>) target_semaphore(%run_scoped3A_54 : memref<!tpu.dma_semaphore, #tpu.memory_space<semaphore_mem>>)
      %dma_wait3A = arith.constant 0 : i32
      %dma_wait3A_66 = arith.constant 0 : i32
      %dma_wait3A_67 = tpu.memref_slice %arg11[%run_scoped3A_18, %dma_wait3A, %dma_wait3A_66] : memref<2x80x128xf32, #tpu.memory_space<vmem>> -> memref<1x80x128xf32, #tpu.memory_space<vmem>>
      %dma_wait3A_68 = tpu.memref_squeeze %dma_wait3A_67 : memref<1x80x128xf32, #tpu.memory_space<vmem>> -> memref<80x128xf32, #tpu.memory_space<vmem>>
      %dma_wait3A_69 = arith.constant 0 : i32
      %dma_wait3A_70 = tpu.memref_slice %arg6[%add3A_17, %dma_wait3A_69] : memref<10000x128xf32, #tpu.memory_space<vmem_shared>> -> memref<80x128xf32, #tpu.memory_space<vmem_shared>>
      %dma_wait3A_71 = arith.constant 0 : i32
      %dma_wait3A_72 = tpu.memref_slice %arg6[%add3A_17, %dma_wait3A_71] : memref<10000x128xf32, #tpu.memory_space<vmem_shared>> -> memref<80x128xf32, #tpu.memory_space<vmem_shared>>
      %dma_wait3A_73 = arith.constant 0 : i32
      %dma_wait3A_74 = arith.constant 0 : i32
      %dma_wait3A_75 = tpu.memref_slice %arg11[%run_scoped3A_18, %dma_wait3A_73, %dma_wait3A_74] : memref<2x80x128xf32, #tpu.memory_space<vmem>> -> memref<1x80x128xf32, #tpu.memory_space<vmem>>
      %dma_wait3A_76 = tpu.memref_squeeze %dma_wait3A_75 : memref<1x80x128xf32, #tpu.memory_space<vmem>> -> memref<80x128xf32, #tpu.memory_space<vmem>>
      tpu.wait_dma2 semaphore(%run_scoped3A_54 : memref<!tpu.dma_semaphore, #tpu.memory_space<semaphore_mem>>) src(%dma_wait3A_76 : memref<80x128xf32, #tpu.memory_space<vmem>>) dst(%dma_wait3A_72 : memref<80x128xf32, #tpu.memory_space<vmem_shared>>)
      tpu.yield
    }) : () -> ()
    %add3A_19 = arith.constant 240 : i32
    %add3A_20 = arith.addi %mul3A_2, %add3A_19 : i32
    %run_scoped3A_21 = arith.constant 0 : i32
    "tpu.region"() ({
      %run_scoped3A_54 = tpu.sem_alloc : memref<!tpu.dma_semaphore, #tpu.memory_space<semaphore_mem>>
      %dma_start3A = arith.constant 0 : i32
      %dma_start3A_55 = arith.constant 0 : i32
      %dma_start3A_56 = tpu.memref_slice %arg11[%run_scoped3A_21, %dma_start3A, %dma_start3A_55] : memref<2x80x128xf32, #tpu.memory_space<vmem>> -> memref<1x80x128xf32, #tpu.memory_space<vmem>>
      %dma_start3A_57 = tpu.memref_squeeze %dma_start3A_56 : memref<1x80x128xf32, #tpu.memory_space<vmem>> -> memref<80x128xf32, #tpu.memory_space<vmem>>
      %dma_start3A_58 = arith.constant 0 : i32
      %dma_start3A_59 = tpu.memref_slice %arg6[%add3A_20, %dma_start3A_58] : memref<10000x128xf32, #tpu.memory_space<vmem_shared>> -> memref<80x128xf32, #tpu.memory_space<vmem_shared>>
      %dma_start3A_60 = arith.constant 0 : i32
      %dma_start3A_61 = tpu.memref_slice %arg6[%add3A_20, %dma_start3A_60] : memref<10000x128xf32, #tpu.memory_space<vmem_shared>> -> memref<80x128xf32, #tpu.memory_space<vmem_shared>>
      %dma_start3A_62 = arith.constant 0 : i32
      %dma_start3A_63 = arith.constant 0 : i32
      %dma_start3A_64 = tpu.memref_slice %arg11[%run_scoped3A_21, %dma_start3A_62, %dma_start3A_63] : memref<2x80x128xf32, #tpu.memory_space<vmem>> -> memref<1x80x128xf32, #tpu.memory_space<vmem>>
      %dma_start3A_65 = tpu.memref_squeeze %dma_start3A_64 : memref<1x80x128xf32, #tpu.memory_space<vmem>> -> memref<80x128xf32, #tpu.memory_space<vmem>>
      tpu.enqueue_dma source(%dma_start3A_65 : memref<80x128xf32, #tpu.memory_space<vmem>>) target(%dma_start3A_61 : memref<80x128xf32, #tpu.memory_space<vmem_shared>>) target_semaphore(%run_scoped3A_54 : memref<!tpu.dma_semaphore, #tpu.memory_space<semaphore_mem>>)
      %dma_wait3A = arith.constant 0 : i32
      %dma_wait3A_66 = arith.constant 0 : i32
      %dma_wait3A_67 = tpu.memref_slice %arg11[%run_scoped3A_21, %dma_wait3A, %dma_wait3A_66] : memref<2x80x128xf32, #tpu.memory_space<vmem>> -> memref<1x80x128xf32, #tpu.memory_space<vmem>>
      %dma_wait3A_68 = tpu.memref_squeeze %dma_wait3A_67 : memref<1x80x128xf32, #tpu.memory_space<vmem>> -> memref<80x128xf32, #tpu.memory_space<vmem>>
      %dma_wait3A_69 = arith.constant 0 : i32
      %dma_wait3A_70 = tpu.memref_slice %arg6[%add3A_20, %dma_wait3A_69] : memref<10000x128xf32, #tpu.memory_space<vmem_shared>> -> memref<80x128xf32, #tpu.memory_space<vmem_shared>>
      %dma_wait3A_71 = arith.constant 0 : i32
      %dma_wait3A_72 = tpu.memref_slice %arg6[%add3A_20, %dma_wait3A_71] : memref<10000x128xf32, #tpu.memory_space<vmem_shared>> -> memref<80x128xf32, #tpu.memory_space<vmem_shared>>
      %dma_wait3A_73 = arith.constant 0 : i32
      %dma_wait3A_74 = arith.constant 0 : i32
      %dma_wait3A_75 = tpu.memref_slice %arg11[%run_scoped3A_21, %dma_wait3A_73, %dma_wait3A_74] : memref<2x80x128xf32, #tpu.memory_space<vmem>> -> memref<1x80x128xf32, #tpu.memory_space<vmem>>
      %dma_wait3A_76 = tpu.memref_squeeze %dma_wait3A_75 : memref<1x80x128xf32, #tpu.memory_space<vmem>> -> memref<80x128xf32, #tpu.memory_space<vmem>>
      tpu.wait_dma2 semaphore(%run_scoped3A_54 : memref<!tpu.dma_semaphore, #tpu.memory_space<semaphore_mem>>) src(%dma_wait3A_76 : memref<80x128xf32, #tpu.memory_space<vmem>>) dst(%dma_wait3A_72 : memref<80x128xf32, #tpu.memory_space<vmem_shared>>)
      tpu.yield
    }) : () -> ()
    %add3A_22 = arith.constant 320 : i32
    %add3A_23 = arith.addi %mul3A_2, %add3A_22 : i32
    %run_scoped3A_24 = arith.constant 0 : i32
    "tpu.region"() ({
      %run_scoped3A_54 = tpu.sem_alloc : memref<!tpu.dma_semaphore, #tpu.memory_space<semaphore_mem>>
      %dma_start3A = arith.constant 0 : i32
      %dma_start3A_55 = arith.constant 0 : i32
      %dma_start3A_56 = tpu.memref_slice %arg11[%run_scoped3A_24, %dma_start3A, %dma_start3A_55] : memref<2x80x128xf32, #tpu.memory_space<vmem>> -> memref<1x80x128xf32, #tpu.memory_space<vmem>>
      %dma_start3A_57 = tpu.memref_squeeze %dma_start3A_56 : memref<1x80x128xf32, #tpu.memory_space<vmem>> -> memref<80x128xf32, #tpu.memory_space<vmem>>
      %dma_start3A_58 = arith.constant 0 : i32
      %dma_start3A_59 = tpu.memref_slice %arg6[%add3A_23, %dma_start3A_58] : memref<10000x128xf32, #tpu.memory_space<vmem_shared>> -> memref<80x128xf32, #tpu.memory_space<vmem_shared>>
      %dma_start3A_60 = arith.constant 0 : i32
      %dma_start3A_61 = tpu.memref_slice %arg6[%add3A_23, %dma_start3A_60] : memref<10000x128xf32, #tpu.memory_space<vmem_shared>> -> memref<80x128xf32, #tpu.memory_space<vmem_shared>>
      %dma_start3A_62 = arith.constant 0 : i32
      %dma_start3A_63 = arith.constant 0 : i32
      %dma_start3A_64 = tpu.memref_slice %arg11[%run_scoped3A_24, %dma_start3A_62, %dma_start3A_63] : memref<2x80x128xf32, #tpu.memory_space<vmem>> -> memref<1x80x128xf32, #tpu.memory_space<vmem>>
      %dma_start3A_65 = tpu.memref_squeeze %dma_start3A_64 : memref<1x80x128xf32, #tpu.memory_space<vmem>> -> memref<80x128xf32, #tpu.memory_space<vmem>>
      tpu.enqueue_dma source(%dma_start3A_65 : memref<80x128xf32, #tpu.memory_space<vmem>>) target(%dma_start3A_61 : memref<80x128xf32, #tpu.memory_space<vmem_shared>>) target_semaphore(%run_scoped3A_54 : memref<!tpu.dma_semaphore, #tpu.memory_space<semaphore_mem>>)
      %dma_wait3A = arith.constant 0 : i32
      %dma_wait3A_66 = arith.constant 0 : i32
      %dma_wait3A_67 = tpu.memref_slice %arg11[%run_scoped3A_24, %dma_wait3A, %dma_wait3A_66] : memref<2x80x128xf32, #tpu.memory_space<vmem>> -> memref<1x80x128xf32, #tpu.memory_space<vmem>>
      %dma_wait3A_68 = tpu.memref_squeeze %dma_wait3A_67 : memref<1x80x128xf32, #tpu.memory_space<vmem>> -> memref<80x128xf32, #tpu.memory_space<vmem>>
      %dma_wait3A_69 = arith.constant 0 : i32
      %dma_wait3A_70 = tpu.memref_slice %arg6[%add3A_23, %dma_wait3A_69] : memref<10000x128xf32, #tpu.memory_space<vmem_shared>> -> memref<80x128xf32, #tpu.memory_space<vmem_shared>>
      %dma_wait3A_71 = arith.constant 0 : i32
      %dma_wait3A_72 = tpu.memref_slice %arg6[%add3A_23, %dma_wait3A_71] : memref<10000x128xf32, #tpu.memory_space<vmem_shared>> -> memref<80x128xf32, #tpu.memory_space<vmem_shared>>
      %dma_wait3A_73 = arith.constant 0 : i32
      %dma_wait3A_74 = arith.constant 0 : i32
      %dma_wait3A_75 = tpu.memref_slice %arg11[%run_scoped3A_24, %dma_wait3A_73, %dma_wait3A_74] : memref<2x80x128xf32, #tpu.memory_space<vmem>> -> memref<1x80x128xf32, #tpu.memory_space<vmem>>
      %dma_wait3A_76 = tpu.memref_squeeze %dma_wait3A_75 : memref<1x80x128xf32, #tpu.memory_space<vmem>> -> memref<80x128xf32, #tpu.memory_space<vmem>>
      tpu.wait_dma2 semaphore(%run_scoped3A_54 : memref<!tpu.dma_semaphore, #tpu.memory_space<semaphore_mem>>) src(%dma_wait3A_76 : memref<80x128xf32, #tpu.memory_space<vmem>>) dst(%dma_wait3A_72 : memref<80x128xf32, #tpu.memory_space<vmem_shared>>)
      tpu.yield
    }) : () -> ()
    %add3A_25 = arith.constant 400 : i32
    %add3A_26 = arith.addi %mul3A_2, %add3A_25 : i32
    %run_scoped3A_27 = arith.constant 0 : i32
    "tpu.region"() ({
      %run_scoped3A_54 = tpu.sem_alloc : memref<!tpu.dma_semaphore, #tpu.memory_space<semaphore_mem>>
      %dma_start3A = arith.constant 0 : i32
      %dma_start3A_55 = arith.constant 0 : i32
      %dma_start3A_56 = tpu.memref_slice %arg11[%run_scoped3A_27, %dma_start3A, %dma_start3A_55] : memref<2x80x128xf32, #tpu.memory_space<vmem>> -> memref<1x80x128xf32, #tpu.memory_space<vmem>>
      %dma_start3A_57 = tpu.memref_squeeze %dma_start3A_56 : memref<1x80x128xf32, #tpu.memory_space<vmem>> -> memref<80x128xf32, #tpu.memory_space<vmem>>
      %dma_start3A_58 = arith.constant 0 : i32
      %dma_start3A_59 = tpu.memref_slice %arg6[%add3A_26, %dma_start3A_58] : memref<10000x128xf32, #tpu.memory_space<vmem_shared>> -> memref<80x128xf32, #tpu.memory_space<vmem_shared>>
      %dma_start3A_60 = arith.constant 0 : i32
      %dma_start3A_61 = tpu.memref_slice %arg6[%add3A_26, %dma_start3A_60] : memref<10000x128xf32, #tpu.memory_space<vmem_shared>> -> memref<80x128xf32, #tpu.memory_space<vmem_shared>>
      %dma_start3A_62 = arith.constant 0 : i32
      %dma_start3A_63 = arith.constant 0 : i32
      %dma_start3A_64 = tpu.memref_slice %arg11[%run_scoped3A_27, %dma_start3A_62, %dma_start3A_63] : memref<2x80x128xf32, #tpu.memory_space<vmem>> -> memref<1x80x128xf32, #tpu.memory_space<vmem>>
      %dma_start3A_65 = tpu.memref_squeeze %dma_start3A_64 : memref<1x80x128xf32, #tpu.memory_space<vmem>> -> memref<80x128xf32, #tpu.memory_space<vmem>>
      tpu.enqueue_dma source(%dma_start3A_65 : memref<80x128xf32, #tpu.memory_space<vmem>>) target(%dma_start3A_61 : memref<80x128xf32, #tpu.memory_space<vmem_shared>>) target_semaphore(%run_scoped3A_54 : memref<!tpu.dma_semaphore, #tpu.memory_space<semaphore_mem>>)
      %dma_wait3A = arith.constant 0 : i32
      %dma_wait3A_66 = arith.constant 0 : i32
      %dma_wait3A_67 = tpu.memref_slice %arg11[%run_scoped3A_27, %dma_wait3A, %dma_wait3A_66] : memref<2x80x128xf32, #tpu.memory_space<vmem>> -> memref<1x80x128xf32, #tpu.memory_space<vmem>>
      %dma_wait3A_68 = tpu.memref_squeeze %dma_wait3A_67 : memref<1x80x128xf32, #tpu.memory_space<vmem>> -> memref<80x128xf32, #tpu.memory_space<vmem>>
      %dma_wait3A_69 = arith.constant 0 : i32
      %dma_wait3A_70 = tpu.memref_slice %arg6[%add3A_26, %dma_wait3A_69] : memref<10000x128xf32, #tpu.memory_space<vmem_shared>> -> memref<80x128xf32, #tpu.memory_space<vmem_shared>>
      %dma_wait3A_71 = arith.constant 0 : i32
      %dma_wait3A_72 = tpu.memref_slice %arg6[%add3A_26, %dma_wait3A_71] : memref<10000x128xf32, #tpu.memory_space<vmem_shared>> -> memref<80x128xf32, #tpu.memory_space<vmem_shared>>
      %dma_wait3A_73 = arith.constant 0 : i32
      %dma_wait3A_74 = arith.constant 0 : i32
      %dma_wait3A_75 = tpu.memref_slice %arg11[%run_scoped3A_27, %dma_wait3A_73, %dma_wait3A_74] : memref<2x80x128xf32, #tpu.memory_space<vmem>> -> memref<1x80x128xf32, #tpu.memory_space<vmem>>
      %dma_wait3A_76 = tpu.memref_squeeze %dma_wait3A_75 : memref<1x80x128xf32, #tpu.memory_space<vmem>> -> memref<80x128xf32, #tpu.memory_space<vmem>>
      tpu.wait_dma2 semaphore(%run_scoped3A_54 : memref<!tpu.dma_semaphore, #tpu.memory_space<semaphore_mem>>) src(%dma_wait3A_76 : memref<80x128xf32, #tpu.memory_space<vmem>>) dst(%dma_wait3A_72 : memref<80x128xf32, #tpu.memory_space<vmem_shared>>)
      tpu.yield
    }) : () -> ()
    %add3A_28 = arith.constant 480 : i32
    %add3A_29 = arith.addi %mul3A_2, %add3A_28 : i32
    %run_scoped3A_30 = arith.constant 0 : i32
    "tpu.region"() ({
      %run_scoped3A_54 = tpu.sem_alloc : memref<!tpu.dma_semaphore, #tpu.memory_space<semaphore_mem>>
      %dma_start3A = arith.constant 0 : i32
      %dma_start3A_55 = arith.constant 0 : i32
      %dma_start3A_56 = tpu.memref_slice %arg11[%run_scoped3A_30, %dma_start3A, %dma_start3A_55] : memref<2x80x128xf32, #tpu.memory_space<vmem>> -> memref<1x80x128xf32, #tpu.memory_space<vmem>>
      %dma_start3A_57 = tpu.memref_squeeze %dma_start3A_56 : memref<1x80x128xf32, #tpu.memory_space<vmem>> -> memref<80x128xf32, #tpu.memory_space<vmem>>
      %dma_start3A_58 = arith.constant 0 : i32
      %dma_start3A_59 = tpu.memref_slice %arg6[%add3A_29, %dma_start3A_58] : memref<10000x128xf32, #tpu.memory_space<vmem_shared>> -> memref<80x128xf32, #tpu.memory_space<vmem_shared>>
      %dma_start3A_60 = arith.constant 0 : i32
      %dma_start3A_61 = tpu.memref_slice %arg6[%add3A_29, %dma_start3A_60] : memref<10000x128xf32, #tpu.memory_space<vmem_shared>> -> memref<80x128xf32, #tpu.memory_space<vmem_shared>>
      %dma_start3A_62 = arith.constant 0 : i32
      %dma_start3A_63 = arith.constant 0 : i32
      %dma_start3A_64 = tpu.memref_slice %arg11[%run_scoped3A_30, %dma_start3A_62, %dma_start3A_63] : memref<2x80x128xf32, #tpu.memory_space<vmem>> -> memref<1x80x128xf32, #tpu.memory_space<vmem>>
      %dma_start3A_65 = tpu.memref_squeeze %dma_start3A_64 : memref<1x80x128xf32, #tpu.memory_space<vmem>> -> memref<80x128xf32, #tpu.memory_space<vmem>>
      tpu.enqueue_dma source(%dma_start3A_65 : memref<80x128xf32, #tpu.memory_space<vmem>>) target(%dma_start3A_61 : memref<80x128xf32, #tpu.memory_space<vmem_shared>>) target_semaphore(%run_scoped3A_54 : memref<!tpu.dma_semaphore, #tpu.memory_space<semaphore_mem>>)
      %dma_wait3A = arith.constant 0 : i32
      %dma_wait3A_66 = arith.constant 0 : i32
      %dma_wait3A_67 = tpu.memref_slice %arg11[%run_scoped3A_30, %dma_wait3A, %dma_wait3A_66] : memref<2x80x128xf32, #tpu.memory_space<vmem>> -> memref<1x80x128xf32, #tpu.memory_space<vmem>>
      %dma_wait3A_68 = tpu.memref_squeeze %dma_wait3A_67 : memref<1x80x128xf32, #tpu.memory_space<vmem>> -> memref<80x128xf32, #tpu.memory_space<vmem>>
      %dma_wait3A_69 = arith.constant 0 : i32
      %dma_wait3A_70 = tpu.memref_slice %arg6[%add3A_29, %dma_wait3A_69] : memref<10000x128xf32, #tpu.memory_space<vmem_shared>> -> memref<80x128xf32, #tpu.memory_space<vmem_shared>>
      %dma_wait3A_71 = arith.constant 0 : i32
      %dma_wait3A_72 = tpu.memref_slice %arg6[%add3A_29, %dma_wait3A_71] : memref<10000x128xf32, #tpu.memory_space<vmem_shared>> -> memref<80x128xf32, #tpu.memory_space<vmem_shared>>
      %dma_wait3A_73 = arith.constant 0 : i32
      %dma_wait3A_74 = arith.constant 0 : i32
      %dma_wait3A_75 = tpu.memref_slice %arg11[%run_scoped3A_30, %dma_wait3A_73, %dma_wait3A_74] : memref<2x80x128xf32, #tpu.memory_space<vmem>> -> memref<1x80x128xf32, #tpu.memory_space<vmem>>
      %dma_wait3A_76 = tpu.memref_squeeze %dma_wait3A_75 : memref<1x80x128xf32, #tpu.memory_space<vmem>> -> memref<80x128xf32, #tpu.memory_space<vmem>>
      tpu.wait_dma2 semaphore(%run_scoped3A_54 : memref<!tpu.dma_semaphore, #tpu.memory_space<semaphore_mem>>) src(%dma_wait3A_76 : memref<80x128xf32, #tpu.memory_space<vmem>>) dst(%dma_wait3A_72 : memref<80x128xf32, #tpu.memory_space<vmem_shared>>)
      tpu.yield
    }) : () -> ()
    %not3A = arith.constant true
    %not3A_31 = arith.xori %eq3A_3, %not3A : i1
    %convert_element_type3A = arith.extui %not3A_31 : i1 to i32
    %cond3A = arith.constant 0 : i32
    %cond3A_32 = arith.constant 0 : i32
    %cond3A_33 = arith.cmpi ne, %convert_element_type3A, %cond3A_32 : i32
    scf.if %cond3A_33 {
      %add3A_54 = arith.constant 624 : i32
      %add3A_55 = arith.addi %mul3A_2, %add3A_54 : i32
      %sub3A = arith.constant 64 : i32
      %sub3A_56 = arith.subi %add3A_55, %sub3A : i32
      "tpu.region"() ({
        %run_scoped3A_57 = tpu.sem_alloc : memref<!tpu.dma_semaphore, #tpu.memory_space<semaphore_mem>>
        %dma_start3A = arith.constant 0 : i32
        %dma_start3A_58 = arith.constant 0 : i32
        %dma_start3A_59 = tpu.memref_slice %arg11[%cond3A, %dma_start3A, %dma_start3A_58] : memref<2x80x128xf32, #tpu.memory_space<vmem>> -> memref<1x80x128xf32, #tpu.memory_space<vmem>>
        %dma_start3A_60 = tpu.memref_squeeze %dma_start3A_59 : memref<1x80x128xf32, #tpu.memory_space<vmem>> -> memref<80x128xf32, #tpu.memory_space<vmem>>
        %dma_start3A_61 = arith.constant 0 : i32
        %dma_start3A_62 = arith.constant 0 : i32
        %dma_start3A_63 = tpu.memref_slice %dma_start3A_60[%dma_start3A_61, %dma_start3A_62] : memref<80x128xf32, #tpu.memory_space<vmem>> -> memref<64x128xf32, #tpu.memory_space<vmem>>
        %dma_start3A_64 = arith.constant 0 : i32
        %dma_start3A_65 = tpu.memref_slice %arg6[%sub3A_56, %dma_start3A_64] : memref<10000x128xf32, #tpu.memory_space<vmem_shared>> -> memref<64x128xf32, #tpu.memory_space<vmem_shared>>
        %dma_start3A_66 = arith.constant 0 : i32
        %dma_start3A_67 = tpu.memref_slice %arg6[%sub3A_56, %dma_start3A_66] : memref<10000x128xf32, #tpu.memory_space<vmem_shared>> -> memref<64x128xf32, #tpu.memory_space<vmem_shared>>
        %dma_start3A_68 = arith.constant 0 : i32
        %dma_start3A_69 = arith.constant 0 : i32
        %dma_start3A_70 = tpu.memref_slice %arg11[%cond3A, %dma_start3A_68, %dma_start3A_69] : memref<2x80x128xf32, #tpu.memory_space<vmem>> -> memref<1x80x128xf32, #tpu.memory_space<vmem>>
        %dma_start3A_71 = tpu.memref_squeeze %dma_start3A_70 : memref<1x80x128xf32, #tpu.memory_space<vmem>> -> memref<80x128xf32, #tpu.memory_space<vmem>>
        %dma_start3A_72 = arith.constant 0 : i32
        %dma_start3A_73 = arith.constant 0 : i32
        %dma_start3A_74 = tpu.memref_slice %dma_start3A_71[%dma_start3A_72, %dma_start3A_73] : memref<80x128xf32, #tpu.memory_space<vmem>> -> memref<64x128xf32, #tpu.memory_space<vmem>>
        tpu.enqueue_dma source(%dma_start3A_74 : memref<64x128xf32, #tpu.memory_space<vmem>>) target(%dma_start3A_67 : memref<64x128xf32, #tpu.memory_space<vmem_shared>>) target_semaphore(%run_scoped3A_57 : memref<!tpu.dma_semaphore, #tpu.memory_space<semaphore_mem>>)
        %dma_wait3A = arith.constant 0 : i32
        %dma_wait3A_75 = arith.constant 0 : i32
        %dma_wait3A_76 = tpu.memref_slice %arg11[%cond3A, %dma_wait3A, %dma_wait3A_75] : memref<2x80x128xf32, #tpu.memory_space<vmem>> -> memref<1x80x128xf32, #tpu.memory_space<vmem>>
        %dma_wait3A_77 = tpu.memref_squeeze %dma_wait3A_76 : memref<1x80x128xf32, #tpu.memory_space<vmem>> -> memref<80x128xf32, #tpu.memory_space<vmem>>
        %dma_wait3A_78 = arith.constant 0 : i32
        %dma_wait3A_79 = arith.constant 0 : i32
        %dma_wait3A_80 = tpu.memref_slice %dma_wait3A_77[%dma_wait3A_78, %dma_wait3A_79] : memref<80x128xf32, #tpu.memory_space<vmem>> -> memref<64x128xf32, #tpu.memory_space<vmem>>
        %dma_wait3A_81 = arith.constant 0 : i32
        %dma_wait3A_82 = tpu.memref_slice %arg6[%sub3A_56, %dma_wait3A_81] : memref<10000x128xf32, #tpu.memory_space<vmem_shared>> -> memref<64x128xf32, #tpu.memory_space<vmem_shared>>
        %dma_wait3A_83 = arith.constant 0 : i32
        %dma_wait3A_84 = tpu.memref_slice %arg6[%sub3A_56, %dma_wait3A_83] : memref<10000x128xf32, #tpu.memory_space<vmem_shared>> -> memref<64x128xf32, #tpu.memory_space<vmem_shared>>
        %dma_wait3A_85 = arith.constant 0 : i32
        %dma_wait3A_86 = arith.constant 0 : i32
        %dma_wait3A_87 = tpu.memref_slice %arg11[%cond3A, %dma_wait3A_85, %dma_wait3A_86] : memref<2x80x128xf32, #tpu.memory_space<vmem>> -> memref<1x80x128xf32, #tpu.memory_space<vmem>>
        %dma_wait3A_88 = tpu.memref_squeeze %dma_wait3A_87 : memref<1x80x128xf32, #tpu.memory_space<vmem>> -> memref<80x128xf32, #tpu.memory_space<vmem>>
        %dma_wait3A_89 = arith.constant 0 : i32
        %dma_wait3A_90 = arith.constant 0 : i32
        %dma_wait3A_91 = tpu.memref_slice %dma_wait3A_88[%dma_wait3A_89, %dma_wait3A_90] : memref<80x128xf32, #tpu.memory_space<vmem>> -> memref<64x128xf32, #tpu.memory_space<vmem>>
        tpu.wait_dma2 semaphore(%run_scoped3A_57 : memref<!tpu.dma_semaphore, #tpu.memory_space<semaphore_mem>>) src(%dma_wait3A_91 : memref<64x128xf32, #tpu.memory_space<vmem>>) dst(%dma_wait3A_84 : memref<64x128xf32, #tpu.memory_space<vmem_shared>>)
        tpu.yield
      }) : () -> ()
    } else {
    }
    %convert_element_type3A_34 = arith.extui %eq3A_3 : i1 to i32
    %cond3A_35 = arith.constant 0 : i32
    %cond3A_36 = arith.constant 0 : i32
    %cond3A_37 = arith.cmpi ne, %convert_element_type3A_34, %cond3A_36 : i32
    scf.if %cond3A_37 {
      %add3A_54 = arith.constant 624 : i32
      %add3A_55 = arith.addi %mul3A_2, %add3A_54 : i32
      %sub3A = arith.constant 64 : i32
      %sub3A_56 = arith.subi %add3A_55, %sub3A : i32
      "tpu.region"() ({
        %run_scoped3A_59 = tpu.sem_alloc : memref<!tpu.dma_semaphore, #tpu.memory_space<semaphore_mem>>
        %dma_start3A = arith.constant 0 : i32
        %dma_start3A_60 = arith.constant 0 : i32
        %dma_start3A_61 = tpu.memref_slice %arg11[%cond3A_35, %dma_start3A, %dma_start3A_60] : memref<2x80x128xf32, #tpu.memory_space<vmem>> -> memref<1x80x128xf32, #tpu.memory_space<vmem>>
        %dma_start3A_62 = tpu.memref_squeeze %dma_start3A_61 : memref<1x80x128xf32, #tpu.memory_space<vmem>> -> memref<80x128xf32, #tpu.memory_space<vmem>>
        %dma_start3A_63 = arith.constant 0 : i32
        %dma_start3A_64 = tpu.memref_slice %arg6[%sub3A_56, %dma_start3A_63] : memref<10000x128xf32, #tpu.memory_space<vmem_shared>> -> memref<80x128xf32, #tpu.memory_space<vmem_shared>>
        %dma_start3A_65 = arith.constant 0 : i32
        %dma_start3A_66 = tpu.memref_slice %arg6[%sub3A_56, %dma_start3A_65] : memref<10000x128xf32, #tpu.memory_space<vmem_shared>> -> memref<80x128xf32, #tpu.memory_space<vmem_shared>>
        %dma_start3A_67 = arith.constant 0 : i32
        %dma_start3A_68 = arith.constant 0 : i32
        %dma_start3A_69 = tpu.memref_slice %arg11[%cond3A_35, %dma_start3A_67, %dma_start3A_68] : memref<2x80x128xf32, #tpu.memory_space<vmem>> -> memref<1x80x128xf32, #tpu.memory_space<vmem>>
        %dma_start3A_70 = tpu.memref_squeeze %dma_start3A_69 : memref<1x80x128xf32, #tpu.memory_space<vmem>> -> memref<80x128xf32, #tpu.memory_space<vmem>>
        tpu.enqueue_dma source(%dma_start3A_70 : memref<80x128xf32, #tpu.memory_space<vmem>>) target(%dma_start3A_66 : memref<80x128xf32, #tpu.memory_space<vmem_shared>>) target_semaphore(%run_scoped3A_59 : memref<!tpu.dma_semaphore, #tpu.memory_space<semaphore_mem>>)
        %dma_wait3A = arith.constant 0 : i32
        %dma_wait3A_71 = arith.constant 0 : i32
        %dma_wait3A_72 = tpu.memref_slice %arg11[%cond3A_35, %dma_wait3A, %dma_wait3A_71] : memref<2x80x128xf32, #tpu.memory_space<vmem>> -> memref<1x80x128xf32, #tpu.memory_space<vmem>>
        %dma_wait3A_73 = tpu.memref_squeeze %dma_wait3A_72 : memref<1x80x128xf32, #tpu.memory_space<vmem>> -> memref<80x128xf32, #tpu.memory_space<vmem>>
        %dma_wait3A_74 = arith.constant 0 : i32
        %dma_wait3A_75 = tpu.memref_slice %arg6[%sub3A_56, %dma_wait3A_74] : memref<10000x128xf32, #tpu.memory_space<vmem_shared>> -> memref<80x128xf32, #tpu.memory_space<vmem_shared>>
        %dma_wait3A_76 = arith.constant 0 : i32
        %dma_wait3A_77 = tpu.memref_slice %arg6[%sub3A_56, %dma_wait3A_76] : memref<10000x128xf32, #tpu.memory_space<vmem_shared>> -> memref<80x128xf32, #tpu.memory_space<vmem_shared>>
        %dma_wait3A_78 = arith.constant 0 : i32
        %dma_wait3A_79 = arith.constant 0 : i32
        %dma_wait3A_80 = tpu.memref_slice %arg11[%cond3A_35, %dma_wait3A_78, %dma_wait3A_79] : memref<2x80x128xf32, #tpu.memory_space<vmem>> -> memref<1x80x128xf32, #tpu.memory_space<vmem>>
        %dma_wait3A_81 = tpu.memref_squeeze %dma_wait3A_80 : memref<1x80x128xf32, #tpu.memory_space<vmem>> -> memref<80x128xf32, #tpu.memory_space<vmem>>
        tpu.wait_dma2 semaphore(%run_scoped3A_59 : memref<!tpu.dma_semaphore, #tpu.memory_space<semaphore_mem>>) src(%dma_wait3A_81 : memref<80x128xf32, #tpu.memory_space<vmem>>) dst(%dma_wait3A_77 : memref<80x128xf32, #tpu.memory_space<vmem_shared>>)
        tpu.yield
      }) : () -> ()
      %add3A_57 = arith.constant 80 : i32
      %add3A_58 = arith.addi %sub3A_56, %add3A_57 : i32
    } else {
    }
    %barrier3A = arith.constant 0 : index
    tpu.barrier barrier_id(%barrier3A)
    %scan3A_38 = arith.constant 0 : i32
    %scan3A_39 = arith.constant 0 : i32
    %scan3A_40 = arith.constant 5 : i32
    %scan3A_41 = arith.addi %scan3A_39, %scan3A_40 : i32
    %scan3A_42 = arith.constant 1 : i32
    %scan3A_43 = scf.for %scan3A_54 = %scan3A_39 to %scan3A_41 step %scan3A_42 iter_args(%scan3A_55 = %scan3A_38) -> (i32)  : i32 {
      %mul3A_56 = arith.constant 10000 : i32
      %mul3A_57 = arith.muli %add3A, %mul3A_56 : i32
      %mul3A_58 = arith.constant 2000 : i32
      %mul3A_59 = arith.muli %scan3A_54, %mul3A_58 : i32
      %add3A_60 = arith.addi %mul3A_57, %mul3A_59 : i32
      "tpu.region"() ({
        %run_scoped3A_125 = tpu.sem_alloc : memref<!tpu.dma_semaphore, #tpu.memory_space<semaphore_mem>>
        %dma_start3A_126 = tpu.memref_slice %arg3[%add3A_60] : memref<320000xi32, #tpu.memory_space<hbm>> -> memref<2000xi32, #tpu.memory_space<hbm>>
        %dma_start3A_127 = tpu.memref_slice %arg3[%add3A_60] : memref<320000xi32, #tpu.memory_space<hbm>> -> memref<2000xi32, #tpu.memory_space<hbm>>
        tpu.enqueue_dma source(%dma_start3A_127 : memref<2000xi32, #tpu.memory_space<hbm>>) target(%arg7 : memref<2000xi32, #tpu.memory_space<vmem>>) target_semaphore(%run_scoped3A_125 : memref<!tpu.dma_semaphore, #tpu.memory_space<semaphore_mem>>)
        %dma_wait3A_128 = tpu.memref_slice %arg3[%add3A_60] : memref<320000xi32, #tpu.memory_space<hbm>> -> memref<2000xi32, #tpu.memory_space<hbm>>
        %dma_wait3A_129 = tpu.memref_slice %arg3[%add3A_60] : memref<320000xi32, #tpu.memory_space<hbm>> -> memref<2000xi32, #tpu.memory_space<hbm>>
        tpu.wait_dma2 semaphore(%run_scoped3A_125 : memref<!tpu.dma_semaphore, #tpu.memory_space<semaphore_mem>>) src(%dma_wait3A_129 : memref<2000xi32, #tpu.memory_space<hbm>>) dst(%arg7 : memref<2000xi32, #tpu.memory_space<vmem>>)
        tpu.yield
      }) : () -> ()
      "tpu.region"() ({
        %run_scoped3A_125 = tpu.sem_alloc : memref<!tpu.dma_semaphore, #tpu.memory_space<semaphore_mem>>
        %dma_start3A_126 = arith.constant 0 : i32
        %dma_start3A_127 = arith.constant 0 : i32
        %dma_start3A_128 = tpu.memref_slice %arg4[%add3A, %scan3A_54, %dma_start3A_126, %dma_start3A_127] : memref<32x5x25x80xi32, #tpu.memory_space<hbm>> -> memref<1x1x25x80xi32, #tpu.memory_space<hbm>>
        %dma_start3A_129 = tpu.memref_squeeze %dma_start3A_128 : memref<1x1x25x80xi32, #tpu.memory_space<hbm>> -> memref<25x80xi32, #tpu.memory_space<hbm>>
        %dma_start3A_130 = arith.constant 0 : i32
        %dma_start3A_131 = arith.constant 0 : i32
        %dma_start3A_132 = tpu.memref_slice %arg4[%add3A, %scan3A_54, %dma_start3A_130, %dma_start3A_131] : memref<32x5x25x80xi32, #tpu.memory_space<hbm>> -> memref<1x1x25x80xi32, #tpu.memory_space<hbm>>
        %dma_start3A_133 = tpu.memref_squeeze %dma_start3A_132 : memref<1x1x25x80xi32, #tpu.memory_space<hbm>> -> memref<25x80xi32, #tpu.memory_space<hbm>>
        tpu.enqueue_dma source(%dma_start3A_133 : memref<25x80xi32, #tpu.memory_space<hbm>>) target(%arg8 : memref<25x80xi32, #tpu.memory_space<vmem>>) target_semaphore(%run_scoped3A_125 : memref<!tpu.dma_semaphore, #tpu.memory_space<semaphore_mem>>)
        %dma_wait3A_134 = arith.constant 0 : i32
        %dma_wait3A_135 = arith.constant 0 : i32
        %dma_wait3A_136 = tpu.memref_slice %arg4[%add3A, %scan3A_54, %dma_wait3A_134, %dma_wait3A_135] : memref<32x5x25x80xi32, #tpu.memory_space<hbm>> -> memref<1x1x25x80xi32, #tpu.memory_space<hbm>>
        %dma_wait3A_137 = tpu.memref_squeeze %dma_wait3A_136 : memref<1x1x25x80xi32, #tpu.memory_space<hbm>> -> memref<25x80xi32, #tpu.memory_space<hbm>>
        %dma_wait3A_138 = arith.constant 0 : i32
        %dma_wait3A_139 = arith.constant 0 : i32
        %dma_wait3A_140 = tpu.memref_slice %arg4[%add3A, %scan3A_54, %dma_wait3A_138, %dma_wait3A_139] : memref<32x5x25x80xi32, #tpu.memory_space<hbm>> -> memref<1x1x25x80xi32, #tpu.memory_space<hbm>>
        %dma_wait3A_141 = tpu.memref_squeeze %dma_wait3A_140 : memref<1x1x25x80xi32, #tpu.memory_space<hbm>> -> memref<25x80xi32, #tpu.memory_space<hbm>>
        tpu.wait_dma2 semaphore(%run_scoped3A_125 : memref<!tpu.dma_semaphore, #tpu.memory_space<semaphore_mem>>) src(%dma_wait3A_141 : memref<25x80xi32, #tpu.memory_space<hbm>>) dst(%arg8 : memref<25x80xi32, #tpu.memory_space<vmem>>)
        tpu.yield
      }) : () -> ()
      %dma_start3A = arith.constant 0 : i32
      %dma_start3A_61 = arith.constant 0 : i32
      %dma_start3A_62 = arith.constant 0 : i32
      %dma_start3A_63 = arith.constant 0 : i32
      %dma_start3A_64 = tpu.memref_slice %arg9[%dma_start3A, %dma_start3A_62, %dma_start3A_63] : memref<2x80x64xi32, #tpu.memory_space<vmem>> -> memref<1x80x64xi32, #tpu.memory_space<vmem>>
      %dma_start3A_65 = tpu.memref_squeeze %dma_start3A_64 : memref<1x80x64xi32, #tpu.memory_space<vmem>> -> memref<80x64xi32, #tpu.memory_space<vmem>>
      %dma_start3A_66 = arith.constant 0 : i32
      %dma_start3A_67 = tpu.memref_slice %arg7[%dma_start3A_66] : memref<2000xi32, #tpu.memory_space<vmem>> -> memref<80xi32, #tpu.memory_space<vmem>>
      %dma_start3A_68 = arith.constant 0 : i32
      %dma_start3A_69 = arith.constant 0 : i32
      %dma_start3A_70 = tpu.memref_slice %arg2[%dma_start3A_68, %dma_start3A_69] : memref<10000x64xi32, #tpu.memory_space<hbm>> -> memref<10000x64xi32, #tpu.memory_space<hbm>>
      %dma_start3A_71 = tpu.memref_slice %arg12[%dma_start3A_61] : memref<2x!tpu.dma_semaphore, #tpu.memory_space<semaphore_mem>> -> memref<1x!tpu.dma_semaphore, #tpu.memory_space<semaphore_mem>>
      %dma_start3A_72 = tpu.memref_squeeze %dma_start3A_71 : memref<1x!tpu.dma_semaphore, #tpu.memory_space<semaphore_mem>> -> memref<!tpu.dma_semaphore, #tpu.memory_space<semaphore_mem>>
      tpu.enqueue_indirect_dma source(%dma_start3A_70 : memref<10000x64xi32, #tpu.memory_space<hbm>>) target(%dma_start3A_65 : memref<80x64xi32, #tpu.memory_space<vmem>>) offsets(%dma_start3A_67 : memref<80xi32, #tpu.memory_space<vmem>>) semaphore(%dma_start3A_72 : memref<!tpu.dma_semaphore, #tpu.memory_space<semaphore_mem>>)
      %dma_start3A_73 = arith.constant 0 : i32
      %dma_start3A_74 = arith.constant 0 : i32
      %dma_start3A_75 = arith.constant 0 : i32
      %dma_start3A_76 = arith.constant 0 : i32
      %dma_start3A_77 = arith.constant 0 : i32
      %dma_start3A_78 = tpu.memref_slice %arg10[%dma_start3A_74, %dma_start3A_76, %dma_start3A_77] : memref<2x80x64xi32, #tpu.memory_space<vmem>> -> memref<1x80x64xi32, #tpu.memory_space<vmem>>
      %dma_start3A_79 = tpu.memref_squeeze %dma_start3A_78 : memref<1x80x64xi32, #tpu.memory_space<vmem>> -> memref<80x64xi32, #tpu.memory_space<vmem>>
      %dma_start3A_80 = arith.constant 0 : i32
      %dma_start3A_81 = tpu.memref_slice %arg8[%dma_start3A_73, %dma_start3A_80] : memref<25x80xi32, #tpu.memory_space<vmem>> -> memref<1x80xi32, #tpu.memory_space<vmem>>
      %dma_start3A_82 = tpu.memref_squeeze %dma_start3A_81 : memref<1x80xi32, #tpu.memory_space<vmem>> -> memref<80xi32, #tpu.memory_space<vmem>>
      %dma_start3A_83 = arith.constant 0 : i32
      %dma_start3A_84 = arith.constant 0 : i32
      %dma_start3A_85 = tpu.memref_slice %arg2[%dma_start3A_83, %dma_start3A_84] : memref<10000x64xi32, #tpu.memory_space<hbm>> -> memref<10000x64xi32, #tpu.memory_space<hbm>>
      %dma_start3A_86 = tpu.memref_slice %arg13[%dma_start3A_75] : memref<2x!tpu.dma_semaphore, #tpu.memory_space<semaphore_mem>> -> memref<1x!tpu.dma_semaphore, #tpu.memory_space<semaphore_mem>>
      %dma_start3A_87 = tpu.memref_squeeze %dma_start3A_86 : memref<1x!tpu.dma_semaphore, #tpu.memory_space<semaphore_mem>> -> memref<!tpu.dma_semaphore, #tpu.memory_space<semaphore_mem>>
      tpu.enqueue_indirect_dma source(%dma_start3A_85 : memref<10000x64xi32, #tpu.memory_space<hbm>>) target(%dma_start3A_79 : memref<80x64xi32, #tpu.memory_space<vmem>>) offsets(%dma_start3A_82 : memref<80xi32, #tpu.memory_space<vmem>>) semaphore(%dma_start3A_87 : memref<!tpu.dma_semaphore, #tpu.memory_space<semaphore_mem>>)
      %scan3A_88 = arith.constant 0 : i32
      %scan3A_89 = arith.constant 0 : i32
      %scan3A_90 = arith.constant 25 : i32
      %scan3A_91 = arith.addi %scan3A_89, %scan3A_90 : i32
      %scan3A_92 = arith.constant 1 : i32
      %scan3A_93 = scf.for %scan3A_125 = %scan3A_89 to %scan3A_91 step %scan3A_92 iter_args(%scan3A_126 = %scan3A_88) -> (i32)  : i32 {
        %rem3A = arith.constant 2 : i32
        %rem3A_127 = arith.remsi %scan3A_125, %rem3A : i32
        %sub3A = arith.constant 1 : i32
        %sub3A_128 = arith.subi %sub3A, %rem3A_127 : i32
        %add3A_129 = arith.constant 1 : i32
        %add3A_130 = arith.addi %scan3A_125, %add3A_129 : i32
        %lt3A = arith.constant 25 : i32
        %lt3A_131 = arith.cmpi slt, %add3A_130, %lt3A : i32
        %convert_element_type3A_132 = arith.extui %lt3A_131 : i1 to i32
        %cond3A_133 = arith.constant 0 : i32
        %cond3A_134 = arith.cmpi ne, %convert_element_type3A_132, %cond3A_133 : i32
        scf.if %cond3A_134 {
          %add3A_186 = arith.constant 1 : i32
          %add3A_187 = arith.addi %scan3A_125, %add3A_186 : i32
          %mul3A_188 = arith.constant 80 : i32
          %mul3A_189 = arith.muli %add3A_187, %mul3A_188 : i32
          %dma_start3A_190 = arith.constant 0 : i32
          %dma_start3A_191 = arith.constant 0 : i32
          %dma_start3A_192 = tpu.memref_slice %arg9[%sub3A_128, %dma_start3A_190, %dma_start3A_191] : memref<2x80x64xi32, #tpu.memory_space<vmem>> -> memref<1x80x64xi32, #tpu.memory_space<vmem>>
          %dma_start3A_193 = tpu.memref_squeeze %dma_start3A_192 : memref<1x80x64xi32, #tpu.memory_space<vmem>> -> memref<80x64xi32, #tpu.memory_space<vmem>>
          %dma_start3A_194 = tpu.memref_slice %arg7[%mul3A_189] : memref<2000xi32, #tpu.memory_space<vmem>> -> memref<80xi32, #tpu.memory_space<vmem>>
          %dma_start3A_195 = arith.constant 0 : i32
          %dma_start3A_196 = arith.constant 0 : i32
          %dma_start3A_197 = tpu.memref_slice %arg2[%dma_start3A_195, %dma_start3A_196] : memref<10000x64xi32, #tpu.memory_space<hbm>> -> memref<10000x64xi32, #tpu.memory_space<hbm>>
          %dma_start3A_198 = tpu.memref_slice %arg12[%sub3A_128] : memref<2x!tpu.dma_semaphore, #tpu.memory_space<semaphore_mem>> -> memref<1x!tpu.dma_semaphore, #tpu.memory_space<semaphore_mem>>
          %dma_start3A_199 = tpu.memref_squeeze %dma_start3A_198 : memref<1x!tpu.dma_semaphore, #tpu.memory_space<semaphore_mem>> -> memref<!tpu.dma_semaphore, #tpu.memory_space<semaphore_mem>>
          tpu.enqueue_indirect_dma source(%dma_start3A_197 : memref<10000x64xi32, #tpu.memory_space<hbm>>) target(%dma_start3A_193 : memref<80x64xi32, #tpu.memory_space<vmem>>) offsets(%dma_start3A_194 : memref<80xi32, #tpu.memory_space<vmem>>) semaphore(%dma_start3A_199 : memref<!tpu.dma_semaphore, #tpu.memory_space<semaphore_mem>>)
          %dma_start3A_200 = arith.constant 0 : i32
          %dma_start3A_201 = arith.constant 0 : i32
          %dma_start3A_202 = tpu.memref_slice %arg10[%sub3A_128, %dma_start3A_200, %dma_start3A_201] : memref<2x80x64xi32, #tpu.memory_space<vmem>> -> memref<1x80x64xi32, #tpu.memory_space<vmem>>
          %dma_start3A_203 = tpu.memref_squeeze %dma_start3A_202 : memref<1x80x64xi32, #tpu.memory_space<vmem>> -> memref<80x64xi32, #tpu.memory_space<vmem>>
          %dma_start3A_204 = arith.constant 0 : i32
          %dma_start3A_205 = tpu.memref_slice %arg8[%add3A_187, %dma_start3A_204] : memref<25x80xi32, #tpu.memory_space<vmem>> -> memref<1x80xi32, #tpu.memory_space<vmem>>
          %dma_start3A_206 = tpu.memref_squeeze %dma_start3A_205 : memref<1x80xi32, #tpu.memory_space<vmem>> -> memref<80xi32, #tpu.memory_space<vmem>>
          %dma_start3A_207 = arith.constant 0 : i32
          %dma_start3A_208 = arith.constant 0 : i32
          %dma_start3A_209 = tpu.memref_slice %arg2[%dma_start3A_207, %dma_start3A_208] : memref<10000x64xi32, #tpu.memory_space<hbm>> -> memref<10000x64xi32, #tpu.memory_space<hbm>>
          %dma_start3A_210 = tpu.memref_slice %arg13[%sub3A_128] : memref<2x!tpu.dma_semaphore, #tpu.memory_space<semaphore_mem>> -> memref<1x!tpu.dma_semaphore, #tpu.memory_space<semaphore_mem>>
          %dma_start3A_211 = tpu.memref_squeeze %dma_start3A_210 : memref<1x!tpu.dma_semaphore, #tpu.memory_space<semaphore_mem>> -> memref<!tpu.dma_semaphore, #tpu.memory_space<semaphore_mem>>
          tpu.enqueue_indirect_dma source(%dma_start3A_209 : memref<10000x64xi32, #tpu.memory_space<hbm>>) target(%dma_start3A_203 : memref<80x64xi32, #tpu.memory_space<vmem>>) offsets(%dma_start3A_206 : memref<80xi32, #tpu.memory_space<vmem>>) semaphore(%dma_start3A_211 : memref<!tpu.dma_semaphore, #tpu.memory_space<semaphore_mem>>)
        } else {
        }
        %dma_wait3A_135 = arith.constant 0 : i32
        %dma_wait3A_136 = arith.constant 0 : i32
        %dma_wait3A_137 = tpu.memref_slice %arg9[%rem3A_127, %dma_wait3A_135, %dma_wait3A_136] : memref<2x80x64xi32, #tpu.memory_space<vmem>> -> memref<1x80x64xi32, #tpu.memory_space<vmem>>
        %dma_wait3A_138 = tpu.memref_squeeze %dma_wait3A_137 : memref<1x80x64xi32, #tpu.memory_space<vmem>> -> memref<80x64xi32, #tpu.memory_space<vmem>>
        %dma_wait3A_139 = arith.constant 0 : i32
        %dma_wait3A_140 = arith.constant 0 : i32
        %dma_wait3A_141 = tpu.memref_slice %arg2[%dma_wait3A_139, %dma_wait3A_140] : memref<10000x64xi32, #tpu.memory_space<hbm>> -> memref<80x64xi32, #tpu.memory_space<hbm>>
        %dma_wait3A_142 = tpu.memref_slice %arg12[%rem3A_127] : memref<2x!tpu.dma_semaphore, #tpu.memory_space<semaphore_mem>> -> memref<1x!tpu.dma_semaphore, #tpu.memory_space<semaphore_mem>>
        %dma_wait3A_143 = tpu.memref_squeeze %dma_wait3A_142 : memref<1x!tpu.dma_semaphore, #tpu.memory_space<semaphore_mem>> -> memref<!tpu.dma_semaphore, #tpu.memory_space<semaphore_mem>>
        %dma_wait3A_144 = arith.constant 0 : i32
        %dma_wait3A_145 = arith.constant 0 : i32
        %dma_wait3A_146 = tpu.memref_slice %arg9[%rem3A_127, %dma_wait3A_144, %dma_wait3A_145] : memref<2x80x64xi32, #tpu.memory_space<vmem>> -> memref<1x80x64xi32, #tpu.memory_space<vmem>>
        %dma_wait3A_147 = tpu.memref_squeeze %dma_wait3A_146 : memref<1x80x64xi32, #tpu.memory_space<vmem>> -> memref<80x64xi32, #tpu.memory_space<vmem>>
        %dma_wait3A_148 = arith.constant 0 : i32
        %dma_wait3A_149 = arith.constant 0 : i32
        %dma_wait3A_150 = tpu.memref_slice %arg2[%dma_wait3A_148, %dma_wait3A_149] : memref<10000x64xi32, #tpu.memory_space<hbm>> -> memref<80x64xi32, #tpu.memory_space<hbm>>
        tpu.wait_dma2 semaphore(%dma_wait3A_143 : memref<!tpu.dma_semaphore, #tpu.memory_space<semaphore_mem>>) src(%dma_wait3A_150 : memref<80x64xi32, #tpu.memory_space<hbm>>) dst(%dma_wait3A_147 : memref<80x64xi32, #tpu.memory_space<vmem>>)
        %dma_wait3A_151 = arith.constant 0 : i32
        %dma_wait3A_152 = arith.constant 0 : i32
        %dma_wait3A_153 = tpu.memref_slice %arg10[%rem3A_127, %dma_wait3A_151, %dma_wait3A_152] : memref<2x80x64xi32, #tpu.memory_space<vmem>> -> memref<1x80x64xi32, #tpu.memory_space<vmem>>
        %dma_wait3A_154 = tpu.memref_squeeze %dma_wait3A_153 : memref<1x80x64xi32, #tpu.memory_space<vmem>> -> memref<80x64xi32, #tpu.memory_space<vmem>>
        %dma_wait3A_155 = arith.constant 0 : i32
        %dma_wait3A_156 = arith.constant 0 : i32
        %dma_wait3A_157 = tpu.memref_slice %arg2[%dma_wait3A_155, %dma_wait3A_156] : memref<10000x64xi32, #tpu.memory_space<hbm>> -> memref<80x64xi32, #tpu.memory_space<hbm>>
        %dma_wait3A_158 = tpu.memref_slice %arg13[%rem3A_127] : memref<2x!tpu.dma_semaphore, #tpu.memory_space<semaphore_mem>> -> memref<1x!tpu.dma_semaphore, #tpu.memory_space<semaphore_mem>>
        %dma_wait3A_159 = tpu.memref_squeeze %dma_wait3A_158 : memref<1x!tpu.dma_semaphore, #tpu.memory_space<semaphore_mem>> -> memref<!tpu.dma_semaphore, #tpu.memory_space<semaphore_mem>>
        %dma_wait3A_160 = arith.constant 0 : i32
        %dma_wait3A_161 = arith.constant 0 : i32
        %dma_wait3A_162 = tpu.memref_slice %arg10[%rem3A_127, %dma_wait3A_160, %dma_wait3A_161] : memref<2x80x64xi32, #tpu.memory_space<vmem>> -> memref<1x80x64xi32, #tpu.memory_space<vmem>>
        %dma_wait3A_163 = tpu.memref_squeeze %dma_wait3A_162 : memref<1x80x64xi32, #tpu.memory_space<vmem>> -> memref<80x64xi32, #tpu.memory_space<vmem>>
        %dma_wait3A_164 = arith.constant 0 : i32
        %dma_wait3A_165 = arith.constant 0 : i32
        %dma_wait3A_166 = tpu.memref_slice %arg2[%dma_wait3A_164, %dma_wait3A_165] : memref<10000x64xi32, #tpu.memory_space<hbm>> -> memref<80x64xi32, #tpu.memory_space<hbm>>
        tpu.wait_dma2 semaphore(%dma_wait3A_159 : memref<!tpu.dma_semaphore, #tpu.memory_space<semaphore_mem>>) src(%dma_wait3A_166 : memref<80x64xi32, #tpu.memory_space<hbm>>) dst(%dma_wait3A_163 : memref<80x64xi32, #tpu.memory_space<vmem>>)
        %ge3A = arith.constant 2 : i32
        %ge3A_167 = arith.cmpi sge, %scan3A_125, %ge3A : i32
        %convert_element_type3A_168 = arith.extui %ge3A_167 : i1 to i32
        %cond3A_169 = arith.constant 0 : i32
        %cond3A_170 = arith.cmpi ne, %convert_element_type3A_168, %cond3A_169 : i32
        scf.if %cond3A_170 {
          %sub3A_186 = arith.constant 2 : i32
          %sub3A_187 = arith.subi %scan3A_125, %sub3A_186 : i32
          %dma_wait3A_188 = arith.constant 0 : i32
          %dma_wait3A_189 = arith.constant 0 : i32
          %dma_wait3A_190 = tpu.memref_slice %arg11[%rem3A_127, %dma_wait3A_188, %dma_wait3A_189] : memref<2x80x128xf32, #tpu.memory_space<vmem>> -> memref<1x80x128xf32, #tpu.memory_space<vmem>>
          %dma_wait3A_191 = tpu.memref_squeeze %dma_wait3A_190 : memref<1x80x128xf32, #tpu.memory_space<vmem>> -> memref<80x128xf32, #tpu.memory_space<vmem>>
          %dma_wait3A_192 = arith.constant 0 : i32
          %dma_wait3A_193 = tpu.memref_slice %arg8[%sub3A_187, %dma_wait3A_192] : memref<25x80xi32, #tpu.memory_space<vmem>> -> memref<1x80xi32, #tpu.memory_space<vmem>>
          %dma_wait3A_194 = tpu.memref_squeeze %dma_wait3A_193 : memref<1x80xi32, #tpu.memory_space<vmem>> -> memref<80xi32, #tpu.memory_space<vmem>>
          %dma_wait3A_195 = arith.constant 0 : i32
          %dma_wait3A_196 = arith.constant 0 : i32
          %dma_wait3A_197 = tpu.memref_slice %arg6[%dma_wait3A_195, %dma_wait3A_196] : memref<10000x128xf32, #tpu.memory_space<vmem_shared>> -> memref<10000x128xf32, #tpu.memory_space<vmem_shared>>
          %dma_wait3A_198 = tpu.memref_slice %arg14[%rem3A_127] : memref<2x!tpu.dma_semaphore, #tpu.memory_space<semaphore_mem>> -> memref<1x!tpu.dma_semaphore, #tpu.memory_space<semaphore_mem>>
          %dma_wait3A_199 = tpu.memref_squeeze %dma_wait3A_198 : memref<1x!tpu.dma_semaphore, #tpu.memory_space<semaphore_mem>> -> memref<!tpu.dma_semaphore, #tpu.memory_space<semaphore_mem>>
          tpu.wait_indirect_dma semaphore(%dma_wait3A_199 : memref<!tpu.dma_semaphore, #tpu.memory_space<semaphore_mem>>) src(%dma_wait3A_191 : memref<80x128xf32, #tpu.memory_space<vmem>>) dst(%dma_wait3A_197 : memref<10000x128xf32, #tpu.memory_space<vmem_shared>>)
        } else {
        }
        %parallel_loop3A = arith.constant 0 : i32
        %parallel_loop3A_171 = arith.constant 80 : i32
        %parallel_loop3A_172 = arith.constant 1 : i32
        scf.for %parallel_loop3A_186 = %parallel_loop3A to %parallel_loop3A_171 step %parallel_loop3A_172  : i32 {
          %parallel_loop3A_187 = arith.index_cast %rem3A_127 : i32 to index
          %parallel_loop3A_188 = arith.index_cast %parallel_loop3A_186 : i32 to index
          %parallel_loop3A_189 = arith.constant 0 : index
          %parallel_loop3A_190 = tpu.vector_load %arg9[%parallel_loop3A_187, %parallel_loop3A_188, %parallel_loop3A_189] {strides = array<i32>} : memref<2x80x64xi32, #tpu.memory_space<vmem>>, vector<1x1x16xi32>,
          %parallel_loop3A_191 = vector.shape_cast %parallel_loop3A_190 : vector<1x1x16xi32> to vector<16xi32>
          %parallel_loop3A_192 = arith.index_cast %rem3A_127 : i32 to index
          %parallel_loop3A_193 = arith.index_cast %parallel_loop3A_186 : i32 to index
          %parallel_loop3A_194 = arith.constant 16 : index
          %parallel_loop3A_195 = tpu.vector_load %arg9[%parallel_loop3A_192, %parallel_loop3A_193, %parallel_loop3A_194] {strides = array<i32>} : memref<2x80x64xi32, #tpu.memory_space<vmem>>, vector<1x1x16xi32>,
          %parallel_loop3A_196 = vector.shape_cast %parallel_loop3A_195 : vector<1x1x16xi32> to vector<16xi32>
          %parallel_loop3A_197 = arith.index_cast %rem3A_127 : i32 to index
          %parallel_loop3A_198 = arith.index_cast %parallel_loop3A_186 : i32 to index
          %parallel_loop3A_199 = arith.constant 32 : index
          %parallel_loop3A_200 = tpu.vector_load %arg9[%parallel_loop3A_197, %parallel_loop3A_198, %parallel_loop3A_199] {strides = array<i32>} : memref<2x80x64xi32, #tpu.memory_space<vmem>>, vector<1x1x16xi32>,
          %parallel_loop3A_201 = vector.shape_cast %parallel_loop3A_200 : vector<1x1x16xi32> to vector<16xi32>
          %parallel_loop3A_202 = arith.index_cast %rem3A_127 : i32 to index
          %parallel_loop3A_203 = arith.index_cast %parallel_loop3A_186 : i32 to index
          %parallel_loop3A_204 = arith.constant 48 : index
          %parallel_loop3A_205 = tpu.vector_load %arg9[%parallel_loop3A_202, %parallel_loop3A_203, %parallel_loop3A_204] {strides = array<i32>} : memref<2x80x64xi32, #tpu.memory_space<vmem>>, vector<1x1x16xi32>,
          %parallel_loop3A_206 = vector.shape_cast %parallel_loop3A_205 : vector<1x1x16xi32> to vector<16xi32>
          %parallel_loop3A_207 = arith.index_cast %rem3A_127 : i32 to index
          %parallel_loop3A_208 = arith.index_cast %parallel_loop3A_186 : i32 to index
          %parallel_loop3A_209 = arith.constant 0 : index
          %parallel_loop3A_210 = tpu.vector_load %arg10[%parallel_loop3A_207, %parallel_loop3A_208, %parallel_loop3A_209] {strides = array<i32>} : memref<2x80x64xi32, #tpu.memory_space<vmem>>, vector<1x1x16xi32>,
          %parallel_loop3A_211 = vector.shape_cast %parallel_loop3A_210 : vector<1x1x16xi32> to vector<16xi32>
          %parallel_loop3A_212 = arith.index_cast %rem3A_127 : i32 to index
          %parallel_loop3A_213 = arith.index_cast %parallel_loop3A_186 : i32 to index
          %parallel_loop3A_214 = arith.constant 16 : index
          %parallel_loop3A_215 = tpu.vector_load %arg10[%parallel_loop3A_212, %parallel_loop3A_213, %parallel_loop3A_214] {strides = array<i32>} : memref<2x80x64xi32, #tpu.memory_space<vmem>>, vector<1x1x16xi32>,
          %parallel_loop3A_216 = vector.shape_cast %parallel_loop3A_215 : vector<1x1x16xi32> to vector<16xi32>
          %parallel_loop3A_217 = arith.index_cast %rem3A_127 : i32 to index
          %parallel_loop3A_218 = arith.index_cast %parallel_loop3A_186 : i32 to index
          %parallel_loop3A_219 = arith.constant 32 : index
          %parallel_loop3A_220 = tpu.vector_load %arg10[%parallel_loop3A_217, %parallel_loop3A_218, %parallel_loop3A_219] {strides = array<i32>} : memref<2x80x64xi32, #tpu.memory_space<vmem>>, vector<1x1x16xi32>,
          %parallel_loop3A_221 = vector.shape_cast %parallel_loop3A_220 : vector<1x1x16xi32> to vector<16xi32>
          %parallel_loop3A_222 = arith.index_cast %rem3A_127 : i32 to index
          %parallel_loop3A_223 = arith.index_cast %parallel_loop3A_186 : i32 to index
          %parallel_loop3A_224 = arith.constant 48 : index
          %parallel_loop3A_225 = tpu.vector_load %arg10[%parallel_loop3A_222, %parallel_loop3A_223, %parallel_loop3A_224] {strides = array<i32>} : memref<2x80x64xi32, #tpu.memory_space<vmem>>, vector<1x1x16xi32>,
          %parallel_loop3A_226 = vector.shape_cast %parallel_loop3A_225 : vector<1x1x16xi32> to vector<16xi32>
          %parallel_loop3A_227 = arith.constant 16 : i32
          %parallel_loop3A_228 = vector.broadcast %parallel_loop3A_227 : i32 to vector<16xi32>
          %parallel_loop3A_229 = arith.shli %parallel_loop3A_191, %parallel_loop3A_228 : vector<16xi32>
          %parallel_loop3A_230 = tpu.bitcast %parallel_loop3A_229 : vector<16xi32> -> vector<16xf32>
          %parallel_loop3A_231 = arith.constant 16 : i32
          %parallel_loop3A_232 = vector.broadcast %parallel_loop3A_231 : i32 to vector<16xi32>
          %parallel_loop3A_233 = arith.shli %parallel_loop3A_196, %parallel_loop3A_232 : vector<16xi32>
          %parallel_loop3A_234 = tpu.bitcast %parallel_loop3A_233 : vector<16xi32> -> vector<16xf32>
          %parallel_loop3A_235 = arith.constant 16 : i32
          %parallel_loop3A_236 = vector.broadcast %parallel_loop3A_235 : i32 to vector<16xi32>
          %parallel_loop3A_237 = arith.shli %parallel_loop3A_201, %parallel_loop3A_236 : vector<16xi32>
          %parallel_loop3A_238 = tpu.bitcast %parallel_loop3A_237 : vector<16xi32> -> vector<16xf32>
          %parallel_loop3A_239 = arith.constant 16 : i32
          %parallel_loop3A_240 = vector.broadcast %parallel_loop3A_239 : i32 to vector<16xi32>
          %parallel_loop3A_241 = arith.shli %parallel_loop3A_206, %parallel_loop3A_240 : vector<16xi32>
          %parallel_loop3A_242 = tpu.bitcast %parallel_loop3A_241 : vector<16xi32> -> vector<16xf32>
          %parallel_loop3A_243 = arith.constant -65536 : i32
          %parallel_loop3A_244 = vector.broadcast %parallel_loop3A_243 : i32 to vector<16xi32>
          %parallel_loop3A_245 = arith.andi %parallel_loop3A_191, %parallel_loop3A_244 : vector<16xi32>
          %parallel_loop3A_246 = tpu.bitcast %parallel_loop3A_245 : vector<16xi32> -> vector<16xf32>
          %parallel_loop3A_247 = arith.constant -65536 : i32
          %parallel_loop3A_248 = vector.broadcast %parallel_loop3A_247 : i32 to vector<16xi32>
          %parallel_loop3A_249 = arith.andi %parallel_loop3A_196, %parallel_loop3A_248 : vector<16xi32>
          %parallel_loop3A_250 = tpu.bitcast %parallel_loop3A_249 : vector<16xi32> -> vector<16xf32>
          %parallel_loop3A_251 = arith.constant -65536 : i32
          %parallel_loop3A_252 = vector.broadcast %parallel_loop3A_251 : i32 to vector<16xi32>
          %parallel_loop3A_253 = arith.andi %parallel_loop3A_201, %parallel_loop3A_252 : vector<16xi32>
          %parallel_loop3A_254 = tpu.bitcast %parallel_loop3A_253 : vector<16xi32> -> vector<16xf32>
          %parallel_loop3A_255 = arith.constant -65536 : i32
          %parallel_loop3A_256 = vector.broadcast %parallel_loop3A_255 : i32 to vector<16xi32>
          %parallel_loop3A_257 = arith.andi %parallel_loop3A_206, %parallel_loop3A_256 : vector<16xi32>
          %parallel_loop3A_258 = tpu.bitcast %parallel_loop3A_257 : vector<16xi32> -> vector<16xf32>
          %parallel_loop3A_259 = arith.constant 16 : i32
          %parallel_loop3A_260 = vector.broadcast %parallel_loop3A_259 : i32 to vector<16xi32>
          %parallel_loop3A_261 = arith.shli %parallel_loop3A_211, %parallel_loop3A_260 : vector<16xi32>
          %parallel_loop3A_262 = tpu.bitcast %parallel_loop3A_261 : vector<16xi32> -> vector<16xf32>
          %parallel_loop3A_263 = arith.constant 16 : i32
          %parallel_loop3A_264 = vector.broadcast %parallel_loop3A_263 : i32 to vector<16xi32>
          %parallel_loop3A_265 = arith.shli %parallel_loop3A_216, %parallel_loop3A_264 : vector<16xi32>
          %parallel_loop3A_266 = tpu.bitcast %parallel_loop3A_265 : vector<16xi32> -> vector<16xf32>
          %parallel_loop3A_267 = arith.constant 16 : i32
          %parallel_loop3A_268 = vector.broadcast %parallel_loop3A_267 : i32 to vector<16xi32>
          %parallel_loop3A_269 = arith.shli %parallel_loop3A_221, %parallel_loop3A_268 : vector<16xi32>
          %parallel_loop3A_270 = tpu.bitcast %parallel_loop3A_269 : vector<16xi32> -> vector<16xf32>
          %parallel_loop3A_271 = arith.constant 16 : i32
          %parallel_loop3A_272 = vector.broadcast %parallel_loop3A_271 : i32 to vector<16xi32>
          %parallel_loop3A_273 = arith.shli %parallel_loop3A_226, %parallel_loop3A_272 : vector<16xi32>
          %parallel_loop3A_274 = tpu.bitcast %parallel_loop3A_273 : vector<16xi32> -> vector<16xf32>
          %parallel_loop3A_275 = arith.constant -65536 : i32
          %parallel_loop3A_276 = vector.broadcast %parallel_loop3A_275 : i32 to vector<16xi32>
          %parallel_loop3A_277 = arith.andi %parallel_loop3A_211, %parallel_loop3A_276 : vector<16xi32>
          %parallel_loop3A_278 = tpu.bitcast %parallel_loop3A_277 : vector<16xi32> -> vector<16xf32>
          %parallel_loop3A_279 = arith.constant -65536 : i32
          %parallel_loop3A_280 = vector.broadcast %parallel_loop3A_279 : i32 to vector<16xi32>
          %parallel_loop3A_281 = arith.andi %parallel_loop3A_216, %parallel_loop3A_280 : vector<16xi32>
          %parallel_loop3A_282 = tpu.bitcast %parallel_loop3A_281 : vector<16xi32> -> vector<16xf32>
          %parallel_loop3A_283 = arith.constant -65536 : i32
          %parallel_loop3A_284 = vector.broadcast %parallel_loop3A_283 : i32 to vector<16xi32>
          %parallel_loop3A_285 = arith.andi %parallel_loop3A_221, %parallel_loop3A_284 : vector<16xi32>
          %parallel_loop3A_286 = tpu.bitcast %parallel_loop3A_285 : vector<16xi32> -> vector<16xf32>
          %parallel_loop3A_287 = arith.constant -65536 : i32
          %parallel_loop3A_288 = vector.broadcast %parallel_loop3A_287 : i32 to vector<16xi32>
          %parallel_loop3A_289 = arith.andi %parallel_loop3A_226, %parallel_loop3A_288 : vector<16xi32>
          %parallel_loop3A_290 = tpu.bitcast %parallel_loop3A_289 : vector<16xi32> -> vector<16xf32>
          %parallel_loop3A_291 = arith.mulf %parallel_loop3A_230, %parallel_loop3A_262 : vector<16xf32>
          %parallel_loop3A_292 = arith.mulf %parallel_loop3A_246, %parallel_loop3A_278 : vector<16xf32>
          %parallel_loop3A_293 = arith.addf %parallel_loop3A_291, %parallel_loop3A_292 : vector<16xf32>
          %parallel_loop3A_294 = arith.mulf %parallel_loop3A_234, %parallel_loop3A_266 : vector<16xf32>
          %parallel_loop3A_295 = arith.addf %parallel_loop3A_293, %parallel_loop3A_294 : vector<16xf32>
          %parallel_loop3A_296 = arith.mulf %parallel_loop3A_250, %parallel_loop3A_282 : vector<16xf32>
          %parallel_loop3A_297 = arith.addf %parallel_loop3A_295, %parallel_loop3A_296 : vector<16xf32>
          %parallel_loop3A_298 = arith.mulf %parallel_loop3A_238, %parallel_loop3A_270 : vector<16xf32>
          %parallel_loop3A_299 = arith.addf %parallel_loop3A_297, %parallel_loop3A_298 : vector<16xf32>
          %parallel_loop3A_300 = arith.mulf %parallel_loop3A_254, %parallel_loop3A_286 : vector<16xf32>
          %parallel_loop3A_301 = arith.addf %parallel_loop3A_299, %parallel_loop3A_300 : vector<16xf32>
          %parallel_loop3A_302 = arith.mulf %parallel_loop3A_242, %parallel_loop3A_274 : vector<16xf32>
          %parallel_loop3A_303 = arith.addf %parallel_loop3A_301, %parallel_loop3A_302 : vector<16xf32>
          %parallel_loop3A_304 = arith.mulf %parallel_loop3A_258, %parallel_loop3A_290 : vector<16xf32>
          %parallel_loop3A_305 = arith.addf %parallel_loop3A_303, %parallel_loop3A_304 : vector<16xf32>
          %parallel_loop3A_306 = tpu.iota {dimensions = array<i32: 0>} : vector<16xi32>
          %parallel_loop3A_307 = arith.constant 8 : i32
          %parallel_loop3A_308 = vector.broadcast %parallel_loop3A_307 : i32 to vector<16xi32>
          %parallel_loop3A_309 = arith.xori %parallel_loop3A_306, %parallel_loop3A_308 : vector<16xi32>
          %parallel_loop3A_310 = vector.shape_cast %parallel_loop3A_309 : vector<16xi32> to vector<16x1xi32>
          %parallel_loop3A_311 = vector.shape_cast %parallel_loop3A_310 : vector<16x1xi32> to vector<16xi32>
          %parallel_loop3A_312 = tpu.dynamic_gather %parallel_loop3A_305[%parallel_loop3A_311] in [0] : vector<16xf32>, vector<16xi32> -> vector<16xf32>
          %parallel_loop3A_313 = arith.addf %parallel_loop3A_305, %parallel_loop3A_312 : vector<16xf32>
          %parallel_loop3A_314 = arith.constant 4 : i32
          %parallel_loop3A_315 = vector.broadcast %parallel_loop3A_314 : i32 to vector<16xi32>
          %parallel_loop3A_316 = arith.xori %parallel_loop3A_306, %parallel_loop3A_315 : vector<16xi32>
          %parallel_loop3A_317 = vector.shape_cast %parallel_loop3A_316 : vector<16xi32> to vector<16x1xi32>
          %parallel_loop3A_318 = vector.shape_cast %parallel_loop3A_317 : vector<16x1xi32> to vector<16xi32>
          %parallel_loop3A_319 = tpu.dynamic_gather %parallel_loop3A_313[%parallel_loop3A_318] in [0] : vector<16xf32>, vector<16xi32> -> vector<16xf32>
          %parallel_loop3A_320 = arith.addf %parallel_loop3A_313, %parallel_loop3A_319 : vector<16xf32>
          %parallel_loop3A_321 = arith.constant 2 : i32
          %parallel_loop3A_322 = vector.broadcast %parallel_loop3A_321 : i32 to vector<16xi32>
          %parallel_loop3A_323 = arith.xori %parallel_loop3A_306, %parallel_loop3A_322 : vector<16xi32>
          %parallel_loop3A_324 = vector.shape_cast %parallel_loop3A_323 : vector<16xi32> to vector<16x1xi32>
          %parallel_loop3A_325 = vector.shape_cast %parallel_loop3A_324 : vector<16x1xi32> to vector<16xi32>
          %parallel_loop3A_326 = tpu.dynamic_gather %parallel_loop3A_320[%parallel_loop3A_325] in [0] : vector<16xf32>, vector<16xi32> -> vector<16xf32>
          %parallel_loop3A_327 = arith.addf %parallel_loop3A_320, %parallel_loop3A_326 : vector<16xf32>
          %parallel_loop3A_328 = arith.constant 1 : i32
          %parallel_loop3A_329 = vector.broadcast %parallel_loop3A_328 : i32 to vector<16xi32>
          %parallel_loop3A_330 = arith.xori %parallel_loop3A_306, %parallel_loop3A_329 : vector<16xi32>
          %parallel_loop3A_331 = vector.shape_cast %parallel_loop3A_330 : vector<16xi32> to vector<16x1xi32>
          %parallel_loop3A_332 = vector.shape_cast %parallel_loop3A_331 : vector<16x1xi32> to vector<16xi32>
          %parallel_loop3A_333 = tpu.dynamic_gather %parallel_loop3A_327[%parallel_loop3A_332] in [0] : vector<16xf32>, vector<16xi32> -> vector<16xf32>
          %parallel_loop3A_334 = arith.addf %parallel_loop3A_327, %parallel_loop3A_333 : vector<16xf32>
          %parallel_loop3A_335 = arith.constant 0.000000e+00 : f32
          %parallel_loop3A_336 = vector.broadcast %parallel_loop3A_335 : f32 to vector<16xf32>
          %parallel_loop3A_337 = arith.subf %parallel_loop3A_336, %parallel_loop3A_334 : vector<16xf32>
          %parallel_loop3A_338 = math.exp %parallel_loop3A_337 : vector<16xf32>
          %parallel_loop3A_339 = arith.constant 1.000000e+00 : f32
          %parallel_loop3A_340 = vector.broadcast %parallel_loop3A_339 : f32 to vector<16xf32>
          %parallel_loop3A_341 = arith.addf %parallel_loop3A_340, %parallel_loop3A_338 : vector<16xf32>
          %parallel_loop3A_342 = arith.constant 1.000000e+00 : f32
          %parallel_loop3A_343 = vector.broadcast %parallel_loop3A_342 : f32 to vector<16xf32>
          %parallel_loop3A_344 = arith.divf %parallel_loop3A_343, %parallel_loop3A_341 : vector<16xf32>
          %parallel_loop3A_345 = arith.mulf %parallel_loop3A_230, %parallel_loop3A_344 : vector<16xf32>
          %parallel_loop3A_346 = arith.index_cast %rem3A_127 : i32 to index
          %parallel_loop3A_347 = arith.index_cast %parallel_loop3A_186 : i32 to index
          %parallel_loop3A_348 = arith.constant 0 : index
          %parallel_loop3A_349 = tpu.vector_load %arg11[%parallel_loop3A_346, %parallel_loop3A_347, %parallel_loop3A_348] {strides = array<i32>} : memref<2x80x128xf32, #tpu.memory_space<vmem>>, vector<1x1x16xf32>,
          %parallel_loop3A_350 = vector.shape_cast %parallel_loop3A_349 : vector<1x1x16xf32> to vector<16xf32>
          %parallel_loop3A_351 = vector.shape_cast %parallel_loop3A_345 : vector<16xf32> to vector<1x1x16xf32>
          tpu.vector_store %arg11[%parallel_loop3A_346, %parallel_loop3A_347, %parallel_loop3A_348], %parallel_loop3A_351 {strides = array<i32>} : memref<2x80x128xf32, #tpu.memory_space<vmem>>, vector<1x1x16xf32>,
          %parallel_loop3A_352 = arith.mulf %parallel_loop3A_246, %parallel_loop3A_344 : vector<16xf32>
          %parallel_loop3A_353 = arith.index_cast %rem3A_127 : i32 to index
          %parallel_loop3A_354 = arith.index_cast %parallel_loop3A_186 : i32 to index
          %parallel_loop3A_355 = arith.constant 16 : index
          %parallel_loop3A_356 = tpu.vector_load %arg11[%parallel_loop3A_353, %parallel_loop3A_354, %parallel_loop3A_355] {strides = array<i32>} : memref<2x80x128xf32, #tpu.memory_space<vmem>>, vector<1x1x16xf32>,
          %parallel_loop3A_357 = vector.shape_cast %parallel_loop3A_356 : vector<1x1x16xf32> to vector<16xf32>
          %parallel_loop3A_358 = vector.shape_cast %parallel_loop3A_352 : vector<16xf32> to vector<1x1x16xf32>
          tpu.vector_store %arg11[%parallel_loop3A_353, %parallel_loop3A_354, %parallel_loop3A_355], %parallel_loop3A_358 {strides = array<i32>} : memref<2x80x128xf32, #tpu.memory_space<vmem>>, vector<1x1x16xf32>,
          %parallel_loop3A_359 = arith.mulf %parallel_loop3A_234, %parallel_loop3A_344 : vector<16xf32>
          %parallel_loop3A_360 = arith.index_cast %rem3A_127 : i32 to index
          %parallel_loop3A_361 = arith.index_cast %parallel_loop3A_186 : i32 to index
          %parallel_loop3A_362 = arith.constant 32 : index
          %parallel_loop3A_363 = tpu.vector_load %arg11[%parallel_loop3A_360, %parallel_loop3A_361, %parallel_loop3A_362] {strides = array<i32>} : memref<2x80x128xf32, #tpu.memory_space<vmem>>, vector<1x1x16xf32>,
          %parallel_loop3A_364 = vector.shape_cast %parallel_loop3A_363 : vector<1x1x16xf32> to vector<16xf32>
          %parallel_loop3A_365 = vector.shape_cast %parallel_loop3A_359 : vector<16xf32> to vector<1x1x16xf32>
          tpu.vector_store %arg11[%parallel_loop3A_360, %parallel_loop3A_361, %parallel_loop3A_362], %parallel_loop3A_365 {strides = array<i32>} : memref<2x80x128xf32, #tpu.memory_space<vmem>>, vector<1x1x16xf32>,
          %parallel_loop3A_366 = arith.mulf %parallel_loop3A_250, %parallel_loop3A_344 : vector<16xf32>
          %parallel_loop3A_367 = arith.index_cast %rem3A_127 : i32 to index
          %parallel_loop3A_368 = arith.index_cast %parallel_loop3A_186 : i32 to index
          %parallel_loop3A_369 = arith.constant 48 : index
          %parallel_loop3A_370 = tpu.vector_load %arg11[%parallel_loop3A_367, %parallel_loop3A_368, %parallel_loop3A_369] {strides = array<i32>} : memref<2x80x128xf32, #tpu.memory_space<vmem>>, vector<1x1x16xf32>,
          %parallel_loop3A_371 = vector.shape_cast %parallel_loop3A_370 : vector<1x1x16xf32> to vector<16xf32>
          %parallel_loop3A_372 = vector.shape_cast %parallel_loop3A_366 : vector<16xf32> to vector<1x1x16xf32>
          tpu.vector_store %arg11[%parallel_loop3A_367, %parallel_loop3A_368, %parallel_loop3A_369], %parallel_loop3A_372 {strides = array<i32>} : memref<2x80x128xf32, #tpu.memory_space<vmem>>, vector<1x1x16xf32>,
          %parallel_loop3A_373 = arith.mulf %parallel_loop3A_238, %parallel_loop3A_344 : vector<16xf32>
          %parallel_loop3A_374 = arith.index_cast %rem3A_127 : i32 to index
          %parallel_loop3A_375 = arith.index_cast %parallel_loop3A_186 : i32 to index
          %parallel_loop3A_376 = arith.constant 64 : index
          %parallel_loop3A_377 = tpu.vector_load %arg11[%parallel_loop3A_374, %parallel_loop3A_375, %parallel_loop3A_376] {strides = array<i32>} : memref<2x80x128xf32, #tpu.memory_space<vmem>>, vector<1x1x16xf32>,
          %parallel_loop3A_378 = vector.shape_cast %parallel_loop3A_377 : vector<1x1x16xf32> to vector<16xf32>
          %parallel_loop3A_379 = vector.shape_cast %parallel_loop3A_373 : vector<16xf32> to vector<1x1x16xf32>
          tpu.vector_store %arg11[%parallel_loop3A_374, %parallel_loop3A_375, %parallel_loop3A_376], %parallel_loop3A_379 {strides = array<i32>} : memref<2x80x128xf32, #tpu.memory_space<vmem>>, vector<1x1x16xf32>,
          %parallel_loop3A_380 = arith.mulf %parallel_loop3A_254, %parallel_loop3A_344 : vector<16xf32>
          %parallel_loop3A_381 = arith.index_cast %rem3A_127 : i32 to index
          %parallel_loop3A_382 = arith.index_cast %parallel_loop3A_186 : i32 to index
          %parallel_loop3A_383 = arith.constant 80 : index
          %parallel_loop3A_384 = tpu.vector_load %arg11[%parallel_loop3A_381, %parallel_loop3A_382, %parallel_loop3A_383] {strides = array<i32>} : memref<2x80x128xf32, #tpu.memory_space<vmem>>, vector<1x1x16xf32>,
          %parallel_loop3A_385 = vector.shape_cast %parallel_loop3A_384 : vector<1x1x16xf32> to vector<16xf32>
          %parallel_loop3A_386 = vector.shape_cast %parallel_loop3A_380 : vector<16xf32> to vector<1x1x16xf32>
          tpu.vector_store %arg11[%parallel_loop3A_381, %parallel_loop3A_382, %parallel_loop3A_383], %parallel_loop3A_386 {strides = array<i32>} : memref<2x80x128xf32, #tpu.memory_space<vmem>>, vector<1x1x16xf32>,
          %parallel_loop3A_387 = arith.mulf %parallel_loop3A_242, %parallel_loop3A_344 : vector<16xf32>
          %parallel_loop3A_388 = arith.index_cast %rem3A_127 : i32 to index
          %parallel_loop3A_389 = arith.index_cast %parallel_loop3A_186 : i32 to index
          %parallel_loop3A_390 = arith.constant 96 : index
          %parallel_loop3A_391 = tpu.vector_load %arg11[%parallel_loop3A_388, %parallel_loop3A_389, %parallel_loop3A_390] {strides = array<i32>} : memref<2x80x128xf32, #tpu.memory_space<vmem>>, vector<1x1x16xf32>,
          %parallel_loop3A_392 = vector.shape_cast %parallel_loop3A_391 : vector<1x1x16xf32> to vector<16xf32>
          %parallel_loop3A_393 = vector.shape_cast %parallel_loop3A_387 : vector<16xf32> to vector<1x1x16xf32>
          tpu.vector_store %arg11[%parallel_loop3A_388, %parallel_loop3A_389, %parallel_loop3A_390], %parallel_loop3A_393 {strides = array<i32>} : memref<2x80x128xf32, #tpu.memory_space<vmem>>, vector<1x1x16xf32>,
          %parallel_loop3A_394 = arith.mulf %parallel_loop3A_258, %parallel_loop3A_344 : vector<16xf32>
          %parallel_loop3A_395 = arith.index_cast %rem3A_127 : i32 to index
          %parallel_loop3A_396 = arith.index_cast %parallel_loop3A_186 : i32 to index
          %parallel_loop3A_397 = arith.constant 112 : index
          %parallel_loop3A_398 = tpu.vector_load %arg11[%parallel_loop3A_395, %parallel_loop3A_396, %parallel_loop3A_397] {strides = array<i32>} : memref<2x80x128xf32, #tpu.memory_space<vmem>>, vector<1x1x16xf32>,
          %parallel_loop3A_399 = vector.shape_cast %parallel_loop3A_398 : vector<1x1x16xf32> to vector<16xf32>
          %parallel_loop3A_400 = vector.shape_cast %parallel_loop3A_394 : vector<16xf32> to vector<1x1x16xf32>
          tpu.vector_store %arg11[%parallel_loop3A_395, %parallel_loop3A_396, %parallel_loop3A_397], %parallel_loop3A_400 {strides = array<i32>} : memref<2x80x128xf32, #tpu.memory_space<vmem>>, vector<1x1x16xf32>,
        } {sc.loop_unroll_factor = 4 : i64, sc.parallel_access}
        %dma_start3A_173 = arith.constant 0 : i32
        %dma_start3A_174 = arith.constant 0 : i32
        %dma_start3A_175 = tpu.memref_slice %arg11[%rem3A_127, %dma_start3A_173, %dma_start3A_174] : memref<2x80x128xf32, #tpu.memory_space<vmem>> -> memref<1x80x128xf32, #tpu.memory_space<vmem>>
        %dma_start3A_176 = tpu.memref_squeeze %dma_start3A_175 : memref<1x80x128xf32, #tpu.memory_space<vmem>> -> memref<80x128xf32, #tpu.memory_space<vmem>>
        %dma_start3A_177 = arith.constant 0 : i32
        %dma_start3A_178 = tpu.memref_slice %arg8[%scan3A_125, %dma_start3A_177] : memref<25x80xi32, #tpu.memory_space<vmem>> -> memref<1x80xi32, #tpu.memory_space<vmem>>
        %dma_start3A_179 = tpu.memref_squeeze %dma_start3A_178 : memref<1x80xi32, #tpu.memory_space<vmem>> -> memref<80xi32, #tpu.memory_space<vmem>>
        %dma_start3A_180 = arith.constant 0 : i32
        %dma_start3A_181 = arith.constant 0 : i32
        %dma_start3A_182 = tpu.memref_slice %arg6[%dma_start3A_180, %dma_start3A_181] : memref<10000x128xf32, #tpu.memory_space<vmem_shared>> -> memref<10000x128xf32, #tpu.memory_space<vmem_shared>>
        %dma_start3A_183 = tpu.memref_slice %arg14[%rem3A_127] : memref<2x!tpu.dma_semaphore, #tpu.memory_space<semaphore_mem>> -> memref<1x!tpu.dma_semaphore, #tpu.memory_space<semaphore_mem>>
        %dma_start3A_184 = tpu.memref_squeeze %dma_start3A_183 : memref<1x!tpu.dma_semaphore, #tpu.memory_space<semaphore_mem>> -> memref<!tpu.dma_semaphore, #tpu.memory_space<semaphore_mem>>
        tpu.enqueue_indirect_dma source(%dma_start3A_176 : memref<80x128xf32, #tpu.memory_space<vmem>>) target(%dma_start3A_182 : memref<10000x128xf32, #tpu.memory_space<vmem_shared>>) offsets(%dma_start3A_179 : memref<80xi32, #tpu.memory_space<vmem>>) semaphore(%dma_start3A_184 : memref<!tpu.dma_semaphore, #tpu.memory_space<semaphore_mem>>) {add = true}
        %scan3A_185 = arith.constant 0 : i32
        scf.yield %scan3A_185 : i32
      }
      %scan3A_94 = arith.constant 25 : i32
      %dma_wait3A = arith.constant 1 : i32
      %dma_wait3A_95 = arith.constant 23 : i32
      %dma_wait3A_96 = arith.constant 1 : i32
      %dma_wait3A_97 = arith.constant 0 : i32
      %dma_wait3A_98 = arith.constant 0 : i32
      %dma_wait3A_99 = tpu.memref_slice %arg11[%dma_wait3A, %dma_wait3A_97, %dma_wait3A_98] : memref<2x80x128xf32, #tpu.memory_space<vmem>> -> memref<1x80x128xf32, #tpu.memory_space<vmem>>
      %dma_wait3A_100 = tpu.memref_squeeze %dma_wait3A_99 : memref<1x80x128xf32, #tpu.memory_space<vmem>> -> memref<80x128xf32, #tpu.memory_space<vmem>>
      %dma_wait3A_101 = arith.constant 0 : i32
      %dma_wait3A_102 = tpu.memref_slice %arg8[%dma_wait3A_95, %dma_wait3A_101] : memref<25x80xi32, #tpu.memory_space<vmem>> -> memref<1x80xi32, #tpu.memory_space<vmem>>
      %dma_wait3A_103 = tpu.memref_squeeze %dma_wait3A_102 : memref<1x80xi32, #tpu.memory_space<vmem>> -> memref<80xi32, #tpu.memory_space<vmem>>
      %dma_wait3A_104 = arith.constant 0 : i32
      %dma_wait3A_105 = arith.constant 0 : i32
      %dma_wait3A_106 = tpu.memref_slice %arg6[%dma_wait3A_104, %dma_wait3A_105] : memref<10000x128xf32, #tpu.memory_space<vmem_shared>> -> memref<10000x128xf32, #tpu.memory_space<vmem_shared>>
      %dma_wait3A_107 = tpu.memref_slice %arg14[%dma_wait3A_96] : memref<2x!tpu.dma_semaphore, #tpu.memory_space<semaphore_mem>> -> memref<1x!tpu.dma_semaphore, #tpu.memory_space<semaphore_mem>>
      %dma_wait3A_108 = tpu.memref_squeeze %dma_wait3A_107 : memref<1x!tpu.dma_semaphore, #tpu.memory_space<semaphore_mem>> -> memref<!tpu.dma_semaphore, #tpu.memory_space<semaphore_mem>>
      tpu.wait_indirect_dma semaphore(%dma_wait3A_108 : memref<!tpu.dma_semaphore, #tpu.memory_space<semaphore_mem>>) src(%dma_wait3A_100 : memref<80x128xf32, #tpu.memory_space<vmem>>) dst(%dma_wait3A_106 : memref<10000x128xf32, #tpu.memory_space<vmem_shared>>)
      %dma_wait3A_109 = arith.constant 0 : i32
      %dma_wait3A_110 = arith.constant 24 : i32
      %dma_wait3A_111 = arith.constant 0 : i32
      %dma_wait3A_112 = arith.constant 0 : i32
      %dma_wait3A_113 = arith.constant 0 : i32
      %dma_wait3A_114 = tpu.memref_slice %arg11[%dma_wait3A_109, %dma_wait3A_112, %dma_wait3A_113] : memref<2x80x128xf32, #tpu.memory_space<vmem>> -> memref<1x80x128xf32, #tpu.memory_space<vmem>>
      %dma_wait3A_115 = tpu.memref_squeeze %dma_wait3A_114 : memref<1x80x128xf32, #tpu.memory_space<vmem>> -> memref<80x128xf32, #tpu.memory_space<vmem>>
      %dma_wait3A_116 = arith.constant 0 : i32
      %dma_wait3A_117 = tpu.memref_slice %arg8[%dma_wait3A_110, %dma_wait3A_116] : memref<25x80xi32, #tpu.memory_space<vmem>> -> memref<1x80xi32, #tpu.memory_space<vmem>>
      %dma_wait3A_118 = tpu.memref_squeeze %dma_wait3A_117 : memref<1x80xi32, #tpu.memory_space<vmem>> -> memref<80xi32, #tpu.memory_space<vmem>>
      %dma_wait3A_119 = arith.constant 0 : i32
      %dma_wait3A_120 = arith.constant 0 : i32
      %dma_wait3A_121 = tpu.memref_slice %arg6[%dma_wait3A_119, %dma_wait3A_120] : memref<10000x128xf32, #tpu.memory_space<vmem_shared>> -> memref<10000x128xf32, #tpu.memory_space<vmem_shared>>
      %dma_wait3A_122 = tpu.memref_slice %arg14[%dma_wait3A_111] : memref<2x!tpu.dma_semaphore, #tpu.memory_space<semaphore_mem>> -> memref<1x!tpu.dma_semaphore, #tpu.memory_space<semaphore_mem>>
      %dma_wait3A_123 = tpu.memref_squeeze %dma_wait3A_122 : memref<1x!tpu.dma_semaphore, #tpu.memory_space<semaphore_mem>> -> memref<!tpu.dma_semaphore, #tpu.memory_space<semaphore_mem>>
      tpu.wait_indirect_dma semaphore(%dma_wait3A_123 : memref<!tpu.dma_semaphore, #tpu.memory_space<semaphore_mem>>) src(%dma_wait3A_115 : memref<80x128xf32, #tpu.memory_space<vmem>>) dst(%dma_wait3A_121 : memref<10000x128xf32, #tpu.memory_space<vmem_shared>>)
      %scan3A_124 = arith.constant 0 : i32
      scf.yield %scan3A_124 : i32
    }
    %scan3A_44 = arith.constant 5 : i32
    %barrier3A_45 = arith.constant 0 : index
    tpu.barrier barrier_id(%barrier3A_45)
    %not3A_46 = arith.constant true
    %not3A_47 = arith.xori %eq3A_3, %not3A_46 : i1
    %convert_element_type3A_48 = arith.extui %not3A_47 : i1 to i32
    %cond3A_49 = arith.constant 0 : i32
    %cond3A_50 = arith.cmpi ne, %convert_element_type3A_48, %cond3A_49 : i32
    scf.if %cond3A_50 {
      "tpu.region"() ({
        %run_scoped3A_54 = tpu.sem_alloc : memref<!tpu.dma_semaphore, #tpu.memory_space<semaphore_mem>>
        %dma_start3A = arith.constant 0 : i32
        %dma_start3A_55 = tpu.memref_slice %arg5[%arg0, %mul3A_2, %dma_start3A] : memref<2x10000x128xf32, #tpu.memory_space<hbm>> -> memref<1x624x128xf32, #tpu.memory_space<hbm>>
        %dma_start3A_56 = tpu.memref_squeeze %dma_start3A_55 : memref<1x624x128xf32, #tpu.memory_space<hbm>> -> memref<624x128xf32, #tpu.memory_space<hbm>>
        %dma_start3A_57 = arith.constant 0 : i32
        %dma_start3A_58 = tpu.memref_slice %arg6[%mul3A_2, %dma_start3A_57] : memref<10000x128xf32, #tpu.memory_space<vmem_shared>> -> memref<624x128xf32, #tpu.memory_space<vmem_shared>>
        tpu.enqueue_dma source(%dma_start3A_58 : memref<624x128xf32, #tpu.memory_space<vmem_shared>>) target(%dma_start3A_56 : memref<624x128xf32, #tpu.memory_space<hbm>>) target_semaphore(%run_scoped3A_54 : memref<!tpu.dma_semaphore, #tpu.memory_space<semaphore_mem>>)
        %dma_wait3A = arith.constant 0 : i32
        %dma_wait3A_59 = tpu.memref_slice %arg5[%arg0, %mul3A_2, %dma_wait3A] : memref<2x10000x128xf32, #tpu.memory_space<hbm>> -> memref<1x624x128xf32, #tpu.memory_space<hbm>>
        %dma_wait3A_60 = tpu.memref_squeeze %dma_wait3A_59 : memref<1x624x128xf32, #tpu.memory_space<hbm>> -> memref<624x128xf32, #tpu.memory_space<hbm>>
        %dma_wait3A_61 = arith.constant 0 : i32
        %dma_wait3A_62 = tpu.memref_slice %arg6[%mul3A_2, %dma_wait3A_61] : memref<10000x128xf32, #tpu.memory_space<vmem_shared>> -> memref<624x128xf32, #tpu.memory_space<vmem_shared>>
        tpu.wait_dma2 semaphore(%run_scoped3A_54 : memref<!tpu.dma_semaphore, #tpu.memory_space<semaphore_mem>>) src(%dma_wait3A_62 : memref<624x128xf32, #tpu.memory_space<vmem_shared>>) dst(%dma_wait3A_60 : memref<624x128xf32, #tpu.memory_space<hbm>>)
        tpu.yield
      }) : () -> ()
    } else {
    }
    %convert_element_type3A_51 = arith.extui %eq3A_3 : i1 to i32
    %cond3A_52 = arith.constant 0 : i32
    %cond3A_53 = arith.cmpi ne, %convert_element_type3A_51, %cond3A_52 : i32
    scf.if %cond3A_53 {
      "tpu.region"() ({
        %run_scoped3A_54 = tpu.sem_alloc : memref<!tpu.dma_semaphore, #tpu.memory_space<semaphore_mem>>
        %dma_start3A = arith.constant 0 : i32
        %dma_start3A_55 = tpu.memref_slice %arg5[%arg0, %mul3A_2, %dma_start3A] : memref<2x10000x128xf32, #tpu.memory_space<hbm>> -> memref<1x640x128xf32, #tpu.memory_space<hbm>>
        %dma_start3A_56 = tpu.memref_squeeze %dma_start3A_55 : memref<1x640x128xf32, #tpu.memory_space<hbm>> -> memref<640x128xf32, #tpu.memory_space<hbm>>
        %dma_start3A_57 = arith.constant 0 : i32
        %dma_start3A_58 = tpu.memref_slice %arg6[%mul3A_2, %dma_start3A_57] : memref<10000x128xf32, #tpu.memory_space<vmem_shared>> -> memref<640x128xf32, #tpu.memory_space<vmem_shared>>
        tpu.enqueue_dma source(%dma_start3A_58 : memref<640x128xf32, #tpu.memory_space<vmem_shared>>) target(%dma_start3A_56 : memref<640x128xf32, #tpu.memory_space<hbm>>) target_semaphore(%run_scoped3A_54 : memref<!tpu.dma_semaphore, #tpu.memory_space<semaphore_mem>>)
        %dma_wait3A = arith.constant 0 : i32
        %dma_wait3A_59 = tpu.memref_slice %arg5[%arg0, %mul3A_2, %dma_wait3A] : memref<2x10000x128xf32, #tpu.memory_space<hbm>> -> memref<1x640x128xf32, #tpu.memory_space<hbm>>
        %dma_wait3A_60 = tpu.memref_squeeze %dma_wait3A_59 : memref<1x640x128xf32, #tpu.memory_space<hbm>> -> memref<640x128xf32, #tpu.memory_space<hbm>>
        %dma_wait3A_61 = arith.constant 0 : i32
        %dma_wait3A_62 = tpu.memref_slice %arg6[%mul3A_2, %dma_wait3A_61] : memref<10000x128xf32, #tpu.memory_space<vmem_shared>> -> memref<640x128xf32, #tpu.memory_space<vmem_shared>>
        tpu.wait_dma2 semaphore(%run_scoped3A_54 : memref<!tpu.dma_semaphore, #tpu.memory_space<semaphore_mem>>) src(%dma_wait3A_62 : memref<640x128xf32, #tpu.memory_space<vmem_shared>>) dst(%dma_wait3A_60 : memref<640x128xf32, #tpu.memory_space<hbm>>)
        tpu.yield
      }) : () -> ()
    } else {
    }
    return
  }
}

module attributes {stable_mosaic.version = 14 : i64} {
  func.func @body(%arg0: i32, %arg1: memref<1000x128xf32, #tpu.memory_space<vmem>>, %arg2: memref<1000x128xf32, #tpu.memory_space<vmem>>) attributes {dimension_semantics = [#tpu.dimension_semantics<arbitrary>], iteration_bounds = array<i64: 10>, scalar_prefetch = 0 : i64, scratch_operands = 0 : i64, tpu.core_type = #tpu.core_type<tc>, window_params = [{transform_indices = @transform_0, window_bounds = array<i64: 1000, 128>}, {transform_indices = @transform_1, window_bounds = array<i64: 1000, 128>}]} {
    %get3A = arith.constant 0 : index
    %get3A_0 = arith.constant 0 : index
    %get3A_1 = vector.load %arg1[%get3A, %get3A_0] : memref<1000x128xf32, #tpu.memory_space<vmem>>, vector<1000x128xf32>
    %mul3A = arith.mulf %get3A_1, %get3A_1 : vector<1000x128xf32>
    %reduce_sum3A = arith.constant dense<0.000000e+00> : vector<1000xf32>
    %reduce_sum3A_2 = vector.multi_reduction <add>, %mul3A, %reduce_sum3A [1] : vector<1000x128xf32> to vector<1000xf32>
    %broadcast_in_dim3A = vector.shape_cast %reduce_sum3A_2 : vector<1000xf32> to vector<1000x1xf32>
    %sqrt3A = math.sqrt %broadcast_in_dim3A : vector<1000x1xf32>
    %max3A = arith.constant 9.99999996E-13 : f32
    %max3A_3 = vector.broadcast %max3A : f32 to vector<1000x1xf32>
    %max3A_4 = arith.maximumf %sqrt3A, %max3A_3 : vector<1000x1xf32>
    %div3A = vector.broadcast %max3A_4 : vector<1000x1xf32> to vector<1000x128xf32>
    %div3A_5 = arith.divf %get3A_1, %div3A : vector<1000x128xf32>
    %swap3A = arith.constant 0 : index
    %swap3A_6 = arith.constant 0 : index
    %swap3A_7 = vector.load %arg2[%swap3A, %swap3A_6] : memref<1000x128xf32, #tpu.memory_space<vmem>>, vector<1000x128xf32>
    tpu.vector_store %arg2[%swap3A, %swap3A_6], %div3A_5 {strides = array<i32>} : memref<1000x128xf32, #tpu.memory_space<vmem>>, vector<1000x128xf32>,
    return
  }
  func.func @transform_0(%arg0: i32) -> (i32, i32) {
    %c0_i32 = arith.constant 0 : i32
    %c0_i32_0 = arith.constant 0 : i32
    return %arg0, %c0_i32 : i32, i32
  }
  func.func @transform_1(%arg0: i32) -> (i32, i32) {
    %c0_i32 = arith.constant 0 : i32
    %c0_i32_0 = arith.constant 0 : i32
    return %arg0, %c0_i32 : i32, i32
  }
}

module attributes {stable_mosaic.version = 14 : i64} {
  func.func @body(%arg0: i32, %arg1: memref<2x1000x128xf32, #tpu.memory_space<vmem>>, %arg2: memref<1000x128xf32, #tpu.memory_space<vmem>>, %arg3: memref<1000x128xf32, #tpu.memory_space<vmem>>) attributes {dimension_semantics = [#tpu.dimension_semantics<arbitrary>], iteration_bounds = array<i64: 10>, scalar_prefetch = 0 : i64, scratch_operands = 0 : i64, tpu.core_type = #tpu.core_type<tc>, window_params = [{transform_indices = @transform_0, window_bounds = array<i64: 2, 1000, 128>}, {transform_indices = @transform_1, window_bounds = array<i64: 1000, 128>}, {transform_indices = @transform_2, window_bounds = array<i64: 1000, 128>}]} {
    %get3A = arith.constant 0 : index
    %get3A_0 = arith.constant 0 : index
    %get3A_1 = arith.constant 0 : index
    %get3A_2 = vector.load %arg1[%get3A, %get3A_0, %get3A_1] : memref<2x1000x128xf32, #tpu.memory_space<vmem>>, vector<1x1000x128xf32>
    %get3A_3 = vector.shape_cast %get3A_2 : vector<1x1000x128xf32> to vector<1000x128xf32>
    %get3A_4 = arith.constant 1 : index
    %get3A_5 = arith.constant 0 : index
    %get3A_6 = arith.constant 0 : index
    %get3A_7 = vector.load %arg1[%get3A_4, %get3A_5, %get3A_6] : memref<2x1000x128xf32, #tpu.memory_space<vmem>>, vector<1x1000x128xf32>
    %get3A_8 = vector.shape_cast %get3A_7 : vector<1x1000x128xf32> to vector<1000x128xf32>
    %add3A = arith.addf %get3A_3, %get3A_8 : vector<1000x128xf32>
    %get3A_9 = arith.constant 0 : index
    %get3A_10 = arith.constant 0 : index
    %get3A_11 = vector.load %arg2[%get3A_9, %get3A_10] : memref<1000x128xf32, #tpu.memory_space<vmem>>, vector<1000x128xf32>
    %add3A_12 = arith.addf %add3A, %get3A_11 : vector<1000x128xf32>
    %mul3A = arith.mulf %add3A_12, %add3A_12 : vector<1000x128xf32>
    %reduce_sum3A = arith.constant dense<0.000000e+00> : vector<1000xf32>
    %reduce_sum3A_13 = vector.multi_reduction <add>, %mul3A, %reduce_sum3A [1] : vector<1000x128xf32> to vector<1000xf32>
    %broadcast_in_dim3A = vector.shape_cast %reduce_sum3A_13 : vector<1000xf32> to vector<1000x1xf32>
    %sqrt3A = math.sqrt %broadcast_in_dim3A : vector<1000x1xf32>
    %max3A = arith.constant 9.99999996E-13 : f32
    %max3A_14 = vector.broadcast %max3A : f32 to vector<1000x1xf32>
    %max3A_15 = arith.maximumf %sqrt3A, %max3A_14 : vector<1000x1xf32>
    %div3A = vector.broadcast %max3A_15 : vector<1000x1xf32> to vector<1000x128xf32>
    %div3A_16 = arith.divf %add3A_12, %div3A : vector<1000x128xf32>
    %swap3A = arith.constant 0 : index
    %swap3A_17 = arith.constant 0 : index
    %swap3A_18 = vector.load %arg3[%swap3A, %swap3A_17] : memref<1000x128xf32, #tpu.memory_space<vmem>>, vector<1000x128xf32>
    tpu.vector_store %arg3[%swap3A, %swap3A_17], %div3A_16 {strides = array<i32>} : memref<1000x128xf32, #tpu.memory_space<vmem>>, vector<1000x128xf32>,
    return
  }
  func.func @transform_0(%arg0: i32) -> (i32, i32, i32) {
    %c0_i32 = arith.constant 0 : i32
    %c0_i32_0 = arith.constant 0 : i32
    %c0_i32_1 = arith.constant 0 : i32
    return %c0_i32, %arg0, %c0_i32_0 : i32, i32, i32
  }
  func.func @transform_1(%arg0: i32) -> (i32, i32) {
    %c0_i32 = arith.constant 0 : i32
    %c0_i32_0 = arith.constant 0 : i32
    return %arg0, %c0_i32 : i32, i32
  }
  func.func @transform_2(%arg0: i32) -> (i32, i32) {
    %c0_i32 = arith.constant 0 : i32
    %c0_i32_0 = arith.constant 0 : i32
    return %arg0, %c0_i32 : i32, i32
  }
}

</mosaic_0001>

<sc_bundles>
// kernel: kernel.10.cloned.1.call-start
scs
__scs_entry_jumppad:
0x0: {  	(pc) =	sbr.rel $0x88, $3  }
0x1: {  	(tag) =	ssettag $0x0;
	lr =	simm.s32 $0x1  }
0x2: {  	[smem:$0x3F9F] =	sst lr;
	_ =	strace $0xD0000000  }
0x3: {  	_ = 	snop  }
0x4: {  	_ = 	snop  }
0x5: {  	_ = 	snop  }
0x6: {  	_ = 	snop  }
0x7: {  	_ = 	snop  }
__scs_overlays_trampoline_lowered:
0x8: {  	[smem:$0x3FAE] =	sst s0  }
0x9: {  	[smem:$0x3FAF] =	sst s1  }
0xa: {  	[smem:$0x3FB0] =	sst s2  }
0xb: {  	[smem:$0x3FB1] =	sst s3  }
0xc: {  	[smem:$0x3FB2] =	sst s4  }
0xd: {  	[smem:$0x3FB3] =	sst s5  }
0xe: {  	[smem:$0x3FB4] =	sst s6  }
0xf: {  	[smem:$0x3FB5] =	sst s7  }
0x10: {  	[smem:$0x3FB6] =	sst s8  }
0x11: {  	[smem:$0x3FB7] =	sst s9;
	s0 =	simm.s32 @!p0 $0x0  }
0x12: {  	s1 =	sld [smem:$0x3F9D];
	s0 =	simm.s32 @p0 $0x1  }
0x13: {  	[smem:$0x3FB8] =	sst s0;
	s0 =	simm.s32 @!p1 $0x0  }
0x14: {  	s2 =	sld [smem:$0x3F9C];
	s0 =	simm.s32 @p1 $0x1  }
0x15: {  	[smem:$0x3FB9] =	sst s0;
	s0 =	simm.s32 @!p2 $0x0  }
0x16: {  	s3 =	sld [smem:$0x3FDB];
	s0 =	simm.s32 @p2 $0x1  }
0x17: {  	s4 =	simm.s32 $0x1BF5;
	[smem:$0x3FBB] =	sst s0  }
0x18: {  	s0 =	sld [smem:$0x3F9E];
	_ =	swait.ge [sflag:s4], $0x0  }
0x19: {  	s7 =	sld [smem:$0x3F9F]  }
0x1a: {  	s8 =	sadd.s32 $0xFFFFE003, lr  }
0x1b: {  	s9 =	sadd.s32 $0xFFFFFEF7, lr;
	s5 =	simm.s32 $0xFFFFFFFF;
	p2 =	slt.u32 s8, $0xFFFFF086  }
0x1c: {  	p1 =	slt.u32 s9, $0xF7A;
	s5 =	simm.s32 @!p2 $0x0  }
0x1d: {  	s5 =	simm.s32 @p1 $0x1;
	p0 =	seq.s32 s7, s2  }
0x1e: {  	s7 =	smul.u32 @!p0 $0xF7A, s2;
	p2 =	seq.s32 @!p0 s5, $0x0  }
0x1f: {  	s9 =	smul.u32 $0xF7A, s1;
	s8 =	simm.s32 @!p0 $0x1BF5;
	p2 =	por !p2, p0  }
0x20: {  	[sflag:s8] =	ssyncset.s32 @!p0 $0xFFFFF086;
	s6 =	sadd.s32 @!p0 s3, s7;
	s7 =	simm.s32 @!p0 $0x108  }
0x21: {  	s3 =	sadd.s32 s3, s9;
	s6 =	sadd.s32 @!p0 $0x88, s6;
	s7 =	simm.s32 @p2 $0x1082  }
0x22: {  	[simem:s7], [sflag:s8] =	dma.local @!p0 [hbm:s6], $0xF7A  }
0x23: {  	s9 =	sor.u32 $0xD0000000, s2;
	s6 =	simm.s32 $0x108;
	_ =	swait.ge @!p0 [sflag:s8], $0x0  }
0x24: {  	s3 =	sadd.s32 $0x88, s3;
	s6 =	simm.s32 @!p1 $0x1082;
	[sflag:s4] =	ssyncset.s32 $0xFFFFF086  }
0x25: {  	[simem:s6], [sflag:s4] =	dma.local [hbm:s3], $0xF7A  }
0x26: {  	[smem:$0x3F9F] =	sst s1;
	(tag) =	ssettag s2;
	_ =	strace s9  }
0x27: {  	s1 =	sld [smem:$0x3FAF]  }
0x28: {  	s2 =	sld [smem:$0x3FB0]  }
0x29: {  	s4 =	sld [smem:$0x3FB2]  }
0x2a: {  	p0 =	seq.s32 s5, $0x0;
	s5 =	sld [smem:$0x3FB3]  }
0x2b: {  	s6 =	sld [smem:$0x3FB4]  }
0x2c: {  	s7 =	sld [smem:$0x3FB5]  }
0x2d: {  	s3 =	simm.s32 $0x108;
	s8 =	sld [smem:$0x3FB6]  }
0x2e: {  	s3 =	simm.s32 @!p0 $0x1082;
	s9 =	sld [smem:$0x3FB7]  }
0x2f: {  	lr =	sadd.s32 s0, s3;
	s0 =	sld [smem:$0x3FAE]  }
0x30: {  	s3 =	sld [smem:$0x3FB1]  }
0x31: {  	[smem:$0x3FBA] =	sst s10  }
0x32: {  	s10 =	sld [smem:$0x3FB8];
	_ =	sdelay $0x3  }
0x33: {  	p0 =	seq.s32 s10, $0x1;
	s10 =	sld [smem:$0x3FBA];
	_ =	sdelay $0x3  }
0x34: {  	[smem:$0x3FBA] =	sst s10  }
0x35: {  	s10 =	sld [smem:$0x3FB9];
	_ =	sdelay $0x3  }
0x36: {  	p1 =	seq.s32 s10, $0x1;
	s10 =	sld [smem:$0x3FBA];
	_ =	sdelay $0x3  }
0x37: {  	[smem:$0x3FBA] =	sst s10  }
0x38: {  	s10 =	sld [smem:$0x3FBB]  }
0x39: {  	_ = 	snop;
	(pc) =	sbr.ind lr, $3  }
0x3a: {  	_ = 	snop  }
0x3b: {  	_ = 	snop  }
0x3c: {  	p2 =	seq.s32 s10, $0x1;
	s10 =	sld [smem:$0x3FBA]  }
0x3d: {  	_ =	shalt  }
0x3e: {  	_ =	shalt  }
0x3f: {  	_ =	shalt  }
0x40: {  	_ =	shalt  }
0x41: {  	_ =	shalt  }
0x42: {  	_ =	shalt  }
0x43: {  	_ =	shalt  }
0x44: {  	_ =	shalt  }
0x45: {  	_ =	shalt  }
0x46: {  	_ =	shalt  }
0x47: {  	_ =	shalt  }
0x48: {  	_ =	shalt  }
0x49: {  	_ =	shalt  }
0x4a: {  	_ =	shalt  }
0x4b: {  	_ =	shalt  }
0x4c: {  	_ =	shalt  }
0x4d: {  	_ =	shalt  }
0x4e: {  	_ =	shalt  }
0x4f: {  	_ =	shalt  }
0x50: {  	_ =	shalt  }
0x51: {  	_ =	shalt  }
0x52: {  	_ =	shalt  }
0x53: {  	_ =	shalt  }
0x54: {  	_ =	shalt  }
0x55: {  	_ =	shalt  }
0x56: {  	_ =	shalt  }
0x57: {  	_ =	shalt  }
0x58: {  	_ =	shalt  }
0x59: {  	_ =	shalt  }
0x5a: {  	_ =	shalt  }
0x5b: {  	_ =	shalt  }
0x5c: {  	_ =	shalt  }
0x5d: {  	_ =	shalt  }
0x5e: {  	_ =	shalt  }
0x5f: {  	_ =	shalt  }
0x60: {  	_ =	shalt  }
0x61: {  	_ =	shalt  }
0x62: {  	_ =	shalt  }
0x63: {  	_ =	shalt  }
0x64: {  	_ =	shalt  }
0x65: {  	_ =	shalt  }
0x66: {  	_ =	shalt  }
0x67: {  	_ =	shalt  }
0x68: {  	_ =	shalt  }
0x69: {  	_ =	shalt  }
0x6a: {  	_ =	shalt  }
0x6b: {  	_ =	shalt  }
0x6c: {  	_ =	shalt  }
0x6d: {  	_ =	shalt  }
0x6e: {  	_ =	shalt  }
0x6f: {  	_ =	shalt  }
0x70: {  	_ =	shalt  }
0x71: {  	_ =	shalt  }
0x72: {  	_ =	shalt  }
0x73: {  	_ =	shalt  }
0x74: {  	_ =	shalt  }
0x75: {  	_ =	shalt  }
0x76: {  	_ =	shalt  }
0x77: {  	_ =	shalt  }
0x78: {  	_ =	shalt  }
0x79: {  	_ =	shalt  }
0x7a: {  	_ =	shalt  }
0x7b: {  	_ =	shalt  }
0x7c: {  	_ =	shalt  }
0x7d: {  	_ =	shalt  }
0x7e: {  	_ =	shalt  }
0x7f: {  	_ =	shalt  }
0x80: {  	_ =	shalt  }
0x81: {  	_ =	shalt  }
0x82: {  	_ =	shalt  }
0x83: {  	_ =	shalt  }
0x84: {  	_ =	shalt  }
0x85: {  	_ =	shalt  }
0x86: {  	_ =	shalt  }
0x87: {  	_ =	shalt  }
.Lfunc_end0:
.L_simem_size_0:
called_computation.1_lowered:
.L_overlay_start_0:
0x88: {  	s2 =	sld [smem:$0x3FD9]  }
0x89: {  	s3 =	sld [smem:$0x3FFE];
	_ =	sdelay $0x1  }
0x8a: {  	s1 =	srdreg.scid  }
0x8b: {  	s0 =	sand.u32 $0x1, s1  }
0x8c: {  	s17 =	sshll.u32 s0, $0xA;
	s2 =	sadd.s32 s3, s2  }
0x8d: {  	s2 =	sadd.s32 s2, s17  }
0x8e: {  	[smem:$0x3FC6] =	sst s2  }
0x8f: {  	_ = 	snop  }
0x90: {  	s2 =	sld [smem:$0x3FD0];
	(tm) =	ssettm $0x1  }
0x91: {  	s18 =	sld [smem:$0x3FFB];
	_ =	sdelay $0x3  }
0x92: {  	_ =	strace s18  }
0x93: {  	s3 =	sld [smem:$0x3FFC];
	_ =	sdelay $0x3  }
0x94: {  	_ =	strace s3  }
0x95: {  	s3 =	sld [smem:$0x3FFD];
	_ =	sdelay $0x3  }
0x96: {  	_ =	strace s3  }
0x97: {  	_ =	strace $0x8FFFFFFF  }
0x98: {  	s19 =	sld [smem:$0x3FDB];
	_ =	sdelay $0x1  }
0x99: {  	s4 =	simm.s32 $_scs_section_size  }
0x9a: {  	s5 =	simm.s32 $_size__tile_overlayer_lowered;
	s6 =	simm.s32 $_tile_overlayer_lowered  }
0x9b: {  	s22 =	simm.s32 $0x1BFF;
	s21 =	sshll.u32 s6, $0x1;
	s3 =	sadd.s32 s4, s19  }
0x9c: {  	s7 =	simm.s32 $0x0;
	s20 =	sshll.u32 s5, $0x1;
	s5 =	sadd.s32 s21, s3  }
0x9d: {  	[timem:s7], [sflag:s22] =	dma.local [hbm:s5], s20  }
0x9e: {  	_ =	swait.ge [sflag:s22], s20  }
0x9f: {  	s4 =	ssub.s32 $0x0, s20;
	[sflag:s22] =	ssyncset.done $0x0  }
0xa0: {  	[sflag:s22] =	ssyncadd.s32 s4;
	_ =	sdelay $0x1  }
0xa1: {  	s23 =	simm.s32 $0x1B8B  }
0xa2: {  	_ =	swait.ge [sflag:s23], $0x1  }
0xa3: {  	[sflag:s23] =	ssyncset.done $0x0  }
0xa4: {  	s25 =	simm.s32 $0x1B8E;
	s24 =	sld [smem:$0x3FFE];
	[sflag:s23] =	ssyncadd.s32 $0xFFFFFFFF  }
0xa5: {  	s26 =	simm.s32 $execute0_lowered;
	[smem:$0x3FD2] =	sst s25  }
0xa6: {  	s5 =	sshll.u32 s26, $0x1;
	_ =	strace $0x80000049;
	[dreg:$0x1] =	wrdreg $0xFFFFFFFF  }
0xa7: {  	s28 =	simm.s32 $_size_execute0_lowered;
	s3 =	sadd.s32 s3, s5;
	[dreg:$0x0] =	wrdreg $0x0  }
0xa8: {  	s5 =	sshll.u32 s28, $0x1;
	[dreg:$0x2] =	wrdreg s3  }
0xa9: {  	[dreg:$0x3] =	wrdreg s5  }
0xaa: {  	[dreg:$0x4] =	wrdreg $0xC0  }
0xab: {  	_ =	task [dreg:s7], $0x5FFFF  }
0xac: {  	[dreg:$0x1] =	wrdreg $0xFFFFFFFF  }
0xad: {  	[dreg:$0x0] =	wrdreg $0x60  }
0xae: {  	[dreg:$0x2] =	wrdreg s24  }
0xaf: {  	[dreg:$0x3] =	wrdreg s2  }
0xb0: {  	[dreg:$0x4] =	wrdreg $0x0  }
0xb1: {  	[dreg:$0x5] =	wrdreg $0x9  }
0xb2: {  	_ =	task.clear_ibuf [dreg:s7], $0x6FFFF;
	_ =	strace $0x90000049  }
0xb3: {  	s29 =	simm.s32 $0x9;
	_ =	strace $0x8000004B  }
0xb4: {  	_ =	swait.ge [sflag:s29], $0x1  }
0xb5: {  	[sflag:s29] =	ssyncadd.s32 $0xFFFFFFFF  }
0xb6: {  	_ =	strace $0x9000004B  }
0xb7: {  	_ =	sfence  }
0xb8: {  	s30 =	sld [smem:$0x0];
	_ =	sdelay $0x2  }
0xb9: {  	s31 =	sshll.u32 s1, $0xD;
	s1 =	sshrl.u32 s1, $0x2  }
0xba: {  	s3 =	sand.u32 $0x4000, s31;
	s1 =	sadd.s32 s1, s30  }
0xbb: {  	s0 =	sor.u32 s3, s0;
	s1 =	sshll.u32 s1, $0x11  }
0xbc: {  	s0 =	sor.u32 s1, s0  }
0xbd: {  	s0 =	sadd.s32 $0x8F2B, s0  }
0xbe: {  	[sflag:s0] =	ssyncadd.remote.s32 $0x1  }
0xbf: {  	_ =	sfence.sel $0xFFFF  }
0xc0: {  	[dreg:$0x0] =	wrdreg $0xFFFFFFFF;
	(pc) =	sbr.abs _section_cstart, $3  }
0xc1: {  	[dreg:$0x1] =	wrdreg $0xFFFFFFFF  }
0xc2: {  	_ =	task.clear_ibuf [dreg:s7], $0x2FFFF;
	_ =	strace $0x9FFFFFFF  }
0xc3: {  	(tm) =	ssettm $0x7FFFFFFF  }
tec
execute0_lowered:
.L_overlay_start_1:
0x0: {  	(tag) =	ssettag $0x1  }
0x1: {  	s0 =	rddreg [dreg:$0x0]  }
0x2: {  	s1 =	rddreg [dreg:$0x1]  }
0x3: {  	s2 =	rddreg [dreg:$0x2];
	s3 =	simm.s32 $0x0;
	s14 =	stileid.u32  }
0x4: {  	s7 =	srdreg.scid;
	s28 =	simm.s32 $0x6;
	s29 =	simm.s32 $0x5  }
0x5: {  	s30 =	simm.s32 $0x0;
	[smem:$0x7FF] =	sst s3;
	s6 =	smul.u32 $0x4E000, s14  }
0x6: {  	v0 =	vimm.s32 $0xFEDCBA98;
	s4 =	sadd.s32 $0x14A00, s0;
	s5 =	sadd.s32 $0xAC00, s0;
	s16 =	sand.u32 $0x1, s7  }
0x7: {  	v1 =	vimm.s32 $0x76543210;
	v2 =	vimm.s32 $0xBA98FEDC;
	s9 =	smul.u32 $0x13800, s14;
	s11 =	sshll.u32 s14, $0x1;
	s31 =	sadd.s32 $0x136000, s2  }
0x8: {  	v3 =	vimm.s32 $0x32107654;
	p0 =	sne.s32 s14, $0xF;
	p1 =	seq.s32 s14, $0xF;
	_ =	strace $0x8000004A  }
0x9: {  	v4 =	vimm.s32 $0xDCFE98BA;
	v5 =	vimm.s32 $0x54761032;
	s18 =	ssub.s32 $0x2, s16;
	s24 =	smul.u32 $0x138800, s16;
	[dreg:$0xb] =	wrdreg s31  }
0xa: {  	v6 =	vimm.s32 $0xEFCDAB89;
	v7 =	vimm.s32 $0x67452301;
	v0 =	vunpack.c.l.s4.s8 v0;
	s8 =	sshrl.u32 s6, $0x2;
	s6 =	sadd.s32 $0xE00, s0;
	s22 =	sshrl.u32 s18, $0x1  }
0xb: {  	v1 =	vunpack.c.l.s4.s8 v1;
	v2 =	vunpack.c.l.s4.s8 v2;
	v3 =	vunpack.c.l.s4.s8 v3;
	s0 =	sor.u32 s16, s11;
	s13 =	sadd.s32 s9, s2;
	s17 =	sadd.s32 s8, s2  }
0xc: {  	v4 =	vunpack.c.l.s4.s8 v4;
	v5 =	vunpack.c.l.s4.s8 v5;
	v6 =	vunpack.c.l.s4.s8 v6;
	s8 =	ssub.s32 s18, s22;
	s25 =	sadd.s32 s9, s24;
	s10 =	sadd.s32 $0x2800, s17  }
0xd: {  	v7 =	vunpack.c.l.s4.s8 v7;
	v0 =	vunpack.c.0.s8.s32 v0;
	v2 =	vunpack.c.0.s8.s32 v2;
	s26 =	sshrl.u32 s24, $0x3;
	s19 =	sadd.s32 $0x5000, s17;
	[dreg:$0x4] =	wrdreg s10  }
0xe: {  	v3 =	vunpack.c.0.s8.s32 v3;
	v4 =	vunpack.c.0.s8.s32 v4;
	v1 =	vunpack.c.0.s8.s32 v1;
	s16 =	smul.u32 $0x2710, s0;
	s20 =	sadd.s32 $0x7800, s17;
	[dreg:$0x5] =	wrdreg s19  }
0xf: {  	v5 =	vunpack.c.0.s8.s32 v5;
	v6 =	vunpack.c.0.s8.s32 v6;
	s22 =	simm.s32 $0x13880;
	s21 =	sadd.s32 $0xA000, s17;
	v0 =	vand.u32 $0xF, v0;
	[dreg:$0x6] =	wrdreg s20  }
0x10: {  	v7 =	vunpack.c.0.s8.s32 v7;
	s24 =	simm.s32 $0x50;
	s12 =	sadd.s32 $0xC800, s17;
	v2 =	vcombine.low v3, v2;
	[dreg:$0x7] =	wrdreg s21;
	v18 =	vcombine.low v0, v1  }
0x11: {  	s23 =	sadd.s32 $0xF000, s17;
	s7 =	sadd.s32 $0x11800, s17;
	v3 =	vcombine.low v5, v4;
	[dreg:$0x8] =	wrdreg s12  }
0x12: {  	s9 =	sadd.s32 s1, s26;
	v4 =	vcombine.low v7, v6;
	s26 =	simm.s32 $0x17020;
	[dreg:$0x9] =	wrdreg s23;
	v19 =	vand.u32 $0xF, v2;
	[tilespmem:$0x1FFC0] =	vst v18  }
0x13: {  	[dreg:$0xa] =	wrdreg s7;
	s7 =	sshrl.u32 s25, $0x3;
	s18 =	sadd.s32 $0x24900, s9;
	v20 =	vand.u32 $0xF, v3;
	[tilespmem:$0x1FFD0] =	vst v19  }
0x14: {  	s19 =	smax.u32 s8, $0x1;
	s20 =	simm.s32 $0x19820;
	s21 =	simm.s32 $0x7;
	v21 =	vand.u32 $0xF, v4;
	[tilespmem:$0x1FFE0] =	vst v20  }
0x15: {  	v5 =	vimm.f32 $0.0e+00;
	s23 =	simm.s32 $0x14050;
	s25 =	simm.s32 $0x14820;
	s17 =	sadd.s32 s1, s7;
	[tilespmem:$0x1FFF0] =	vst v21  }
.LBB2_1:
0x16: {  	s0 =	simm.s32 $0x0;
	s1 =	simm.s32 $0x200  }
.LBB2_2:
0x17: {  	p2 =	sne.s32 s1, $0x9E00;
	[tilespmem:s0+$0x19890] =	vst v5  }
0x18: {  	[tilespmem:s0+$0x19820] =	vst v5  }
0x19: {  	[tilespmem:s0+$0x19830] =	vst v5  }
.Ltmp0:
0x1a: {  	[tilespmem:s0+$0x19840] =	vst v5;
	(pc) =	sbr.rel @p2 .LBB2_2-.Ltmp0, $4  }
0x1b: {  	[tilespmem:s0+$0x19850] =	vst v5  }
0x1c: {  	[tilespmem:s0+$0x19860] =	vst v5  }
0x1d: {  	[tilespmem:s0+$0x19870] =	vst v5  }
0x1e: {  	[tilespmem:s0+$0x19880] =	vst v5;
	s0 =	sshra.s32 s1, $0x2;
	s1 =	sadd.s32 $0x200, s1  }
0x1f: {  	[tilespmem:s0+$0x19890] =	vst v5  }
0x20: {  	[tilespmem:s0+$0x19820] =	vst v5  }
0x21: {  	[tilespmem:s0+$0x19830] =	vst v5  }
0x22: {  	[tilespmem:s0+$0x19840] =	vst v5  }
0x23: {  	[tilespmem:s0+$0x19850] =	vst v5  }
0x24: {  	[tilespmem:s0+$0x19860] =	vst v5  }
0x25: {  	[tilespmem:s0+$0x19870] =	vst v5  }
0x26: {  	[tilespmem:s0+$0x19880] =	vst v5  }
0x27: {  	[spmem:s13] =	stream.linear.scatter [tilespmem:s20], [sflag:$0x7], $0x2800, $0x38;
	[tilespmem:$0x1E820] =	vst v63  }
0x28: {  	_ =	swait.ge [sflag:s21], $0x2800  }
0x29: {  	[sflag:s21] =	ssyncset.done $0x0  }
0x2a: {  	s9 =	rddreg [dreg:$0x4];
	[sflag:s21] =	ssyncadd.s32 $0xFFFFD800  }
0x2b: {  	[spmem:s9] =	stream.linear.scatter [tilespmem:s20], [sflag:$0x7], $0x2800, $0x38;
	[tilespmem:$0x1E820] =	vst v63  }
0x2c: {  	_ =	swait.ge [sflag:s21], $0x2800  }
0x2d: {  	[sflag:s21] =	ssyncset.done $0x0  }
0x2e: {  	s10 =	rddreg [dreg:$0x5];
	[sflag:s21] =	ssyncadd.s32 $0xFFFFD800  }
0x2f: {  	[spmem:s10] =	stream.linear.scatter [tilespmem:s20], [sflag:$0x7], $0x2800, $0x38;
	[tilespmem:$0x1E820] =	vst v63  }
0x30: {  	_ =	swait.ge [sflag:s21], $0x2800  }
0x31: {  	[sflag:s21] =	ssyncset.done $0x0  }
0x32: {  	s11 =	rddreg [dreg:$0x6];
	[sflag:s21] =	ssyncadd.s32 $0xFFFFD800  }
0x33: {  	[spmem:s11] =	stream.linear.scatter [tilespmem:s20], [sflag:$0x7], $0x2800, $0x38;
	[tilespmem:$0x1E820] =	vst v63  }
0x34: {  	_ =	swait.ge [sflag:s21], $0x2800  }
0x35: {  	[sflag:s21] =	ssyncset.done $0x0  }
0x36: {  	s12 =	rddreg [dreg:$0x7];
	[sflag:s21] =	ssyncadd.s32 $0xFFFFD800  }
0x37: {  	[spmem:s12] =	stream.linear.scatter [tilespmem:s20], [sflag:$0x7], $0x2800, $0x38;
	[tilespmem:$0x1E820] =	vst v63  }
0x38: {  	_ =	swait.ge [sflag:s21], $0x2800  }
0x39: {  	[sflag:s21] =	ssyncset.done $0x0  }
0x3a: {  	s14 =	rddreg [dreg:$0x8];
	[sflag:s21] =	ssyncadd.s32 $0xFFFFD800  }
0x3b: {  	[spmem:s14] =	stream.linear.scatter [tilespmem:s20], [sflag:$0x7], $0x2800, $0x38;
	[tilespmem:$0x1E820] =	vst v63  }
0x3c: {  	_ =	swait.ge [sflag:s21], $0x2800  }
0x3d: {  	[sflag:s21] =	ssyncset.done $0x0  }
0x3e: {  	s15 =	rddreg [dreg:$0x9];
	[sflag:s21] =	ssyncadd.s32 $0xFFFFD800  }
0x3f: {  	[spmem:s15] =	stream.linear.scatter [tilespmem:s20], [sflag:$0x7], $0x2800, $0x38;
	[tilespmem:$0x1E820] =	vst v63  }
0x40: {  	_ =	swait.ge [sflag:s21], $0x2800  }
0x41: {  	[sflag:s21] =	ssyncset.done $0x0  }
0x42: {  	s0 =	simm.s32 @p0 $0x19820;
	s1 =	rddreg [dreg:$0xa];
	[sflag:s21] =	ssyncadd.s32 $0xFFFFD800  }
0x43: {  	[spmem:s1] =	stream.linear.scatter @p0 [tilespmem:s0], [sflag:$0x7], $0x2000, $0x38;
	[tilespmem:$0x1E820] =	vst v63  }
0x44: {  	s0 =	simm.s32 @p0 $0x7  }
0x45: {  	_ =	swait.ge @p0 [sflag:s0], $0x2000  }
0x46: {  	[sflag:s0] =	ssyncset.done @p0 $0x0  }
0x47: {  	s1 =	rddreg [dreg:$0xb];
	[sflag:s0] =	ssyncadd.s32 @p0 $0xFFFFE000;
	s0 =	simm.s32 @!p0 $0x19820  }
0x48: {  	[spmem:s1] =	stream.linear.scatter @!p0 [tilespmem:s0], [sflag:$0x7], $0x2800, $0x38;
	[tilespmem:$0x1E820] =	vst v63  }
0x49: {  	s0 =	simm.s32 @!p0 $0x7  }
0x4a: {  	_ =	swait.ge @!p0 [sflag:s0], $0x2800  }
0x4b: {  	[sflag:s0] =	ssyncset.done @!p0 $0x0  }
0x4c: {  	[sflag:s0] =	ssyncadd.s32 @!p0 $0xFFFFD800  }
0x4d: {  	s31 =	simm.s32 $0x0;
	[bflag:$0x0] =	sbarrier.arrive $0xFFFF  }
.LBB2_4:
0x4e: {  	s0 =	smul.u32 $0x7D0, s31;
	_ =	sdelay $0x1  }
0x4f: {  	s0 =	sadd.s32 s16, s0  }
0x50: {  	s0 =	sshrl.u32 s0, $0x3  }
0x51: {  	s1 =	sadd.s32 s5, s0  }
0x52: {  	[tilespmem:s22], [sflag:$0x7] =	stream.linear.gather [hbm4b:s1+s30], $0x7D0, $0x38;
	[tilespmem:$0x1E820] =	vst v63  }
0x53: {  	_ =	swait.ge [sflag:s21], $0x7D0  }
0x54: {  	[sflag:s21] =	ssyncset.done $0x0  }
0x55: {  	s0 =	sadd.s32 s6, s0;
	[sflag:s21] =	ssyncadd.s32 $0xFFFFF830  }
0x56: {  	[tilespmem:s23], [sflag:$0x7] =	stream.linear.gather [hbm4b:s0+s30], $0x7D0, $0x38;
	[tilespmem:$0x1E820] =	vst v63  }
0x57: {  	_ =	swait.ge [sflag:s21], $0x7D0  }
0x58: {  	[sflag:s21] =	ssyncset.done $0x0  }
0x59: {  	[sflag:s21] =	ssyncadd.s32 $0xFFFFF830  }
0x5a: {  	[tilespmem:s25], [sflag:$0x1] =	stream.indirect.gather [hbm4b:s4+s24], $0x40, s22, s24, $0xb8;
	[tilespmem:$0x1E820] =	vst v63  }
0x5b: {  	p2 =	por $0x0, $0x0;
	s0 =	simm.s32 $0x0  }
0x5c: {  	[tilespmem:s26], [sflag:$0x3] =	stream.indirect.gather [hbm4b:s4+s24], $0x40, s23, s24, $0xb8;
	[tilespmem:$0x1E820] =	vst v63  }
.LBB2_5:
0x5d: {  	s1 =	sand.u32 $0x1, s0;
	p3 =	seq.s32 s0, $0x18;
	s7 =	sadd.s32 $0x1, s0  }
0x5e: {  	s8 =	sxor.u32 @!p3 $0x1, s1;
	s10 =	smul.u32 @!p3 $0x50, s7  }
0x5f: {  	s9 =	smul.u32 @!p3 $0x1400, s8  }
0x60: {  	s15 =	simm.s32 @!p3 $0x50;
	s14 =	sadd.s32 @!p3 $0x1, s8  }
0x61: {  	s8 =	sadd.s32 @!p3 $0x3, s8;
	s12 =	sadd.s32 @!p3 $0x13880, s10;
	s11 =	sadd.s32 @!p3 $0x14820, s9  }
0x62: {  	[tilespmem:s11], [sflag:s14] =	stream.indirect.gather @!p3 [hbm4b:s4+s15], $0x40, s12, s15, $0xb8;
	[tilespmem:$0x1E820] =	vst v63  }
0x63: {  	s10 =	sadd.s32 @!p3 $0x14050, s10;
	s9 =	sadd.s32 @!p3 $0x17020, s9;
	s11 =	sadd.s32 $0x1, s1  }
0x64: {  	[tilespmem:s9], [sflag:s8] =	stream.indirect.gather @!p3 [hbm4b:s4+s15], $0x40, s10, s15, $0xb8;
	[tilespmem:$0x1E820] =	vst v63  }
0x65: {  	_ =	swait.ge [sflag:s11], $0x1400  }
0x66: {  	[sflag:s11] =	ssyncset.done $0x0  }
0x67: {  	s12 =	sadd.s32 $0x3, s1;
	[sflag:s11] =	ssyncadd.s32 $0xFFFFEC00  }
0x68: {  	s9 =	simm.s32 $0x1;
	_ =	swait.ge [sflag:s12], $0x1400  }
0x69: {  	p3 =	slt.u32 s0, $0x2;
	s9 =	simm.s32 @!p2 $0x0;
	[sflag:s12] =	ssyncset.done $0x0  }
0x6a: {  	s8 =	sadd.s32 @!p3 $0x5, s1;
	s14 =	smul.u32 $0x5000, s9;
	[sflag:s12] =	ssyncadd.s32 $0xFFFFEC00  }
0x6b: {  	_ =	swait.ge @!p3 [sflag:s8], $0x2800  }
0x6c: {  	s15 =	sshrl.u32 s14, $0x2;
	[sflag:s8] =	ssyncset.done @!p3 $0x0  }
0x6d: {  	s10 =	sadd.s32 $0x148A0, s15;
	[sflag:s8] =	ssyncadd.s32 @!p3 $0xFFFFD800  }
0x6e: {  	v0 =	vld [tilespmem:s10+$0x40]  }
0x6f: {  	s12 =	sadd.s32 $0x170A0, s15  }
0x70: {  	v1 =	vld [tilespmem:s12+$0x40]  }
0x71: {  	v2 =	vld [tilespmem:s10+$0x50]  }
0x72: {  	v3 =	vld [tilespmem:s12+$0x50]  }
0x73: {  	v4 =	vld [tilespmem:s12+$0xFFFFFF80];
	v9 =	vshll.u32 v0, $0x10  }
0x74: {  	v5 =	vld [tilespmem:s10+$0xFFFFFFC0];
	v8 =	vand.u32 $0xFFFF0000, v0;
	[tilespmem:$0x1FF60] =	vst v9  }
0x75: {  	v0 =	vshll.u32 v1, $0x10;
	v1 =	vand.u32 $0xFFFF0000, v1;
	v6 =	vld [tilespmem:s10+$0x60];
	[tilespmem:$0x1FF70] =	vst v8  }
0x76: {  	v11 =	vshll.u32 v2, $0x10;
	v0 =	vmul.f32 v0, v9;
	v1 =	vmul.f32 v1, v8;
	v7 =	vld [tilespmem:s12+$0x60]  }
0x77: {  	v9 =	vshll.u32 v3, $0x10;
	v8 =	vld [tilespmem:s12+$0xFFFFFFC0];
	[tilespmem:$0x1FF80] =	vst v11  }
0x78: {  	v12 =	vand.u32 $0xFFFF0000, v2;
	v0 =	vadd.f32 v1, v0;
	v1 =	vmul.f32 v9, v11;
	v10 =	vld [tilespmem:s10+$0x0]  }
0x79: {  	v2 =	vand.u32 $0xFFFF0000, v3;
	v3 =	vand.u32 $0xFFFF0000, v4;
	v11 =	vld [tilespmem:s10+$0x70];
	[tilespmem:$0x1FF90] =	vst v12  }
0x7a: {  	v9 =	vshll.u32 v4, $0x10;
	v4 =	vld [tilespmem:s12+$0x70];
	v0 =	vadd.f32 v1, v0;
	v1 =	vmul.f32 v2, v12  }
0x7b: {  	v52 =	vshll.u32 v6, $0x10;
	v12 =	vshll.u32 v7, $0x10  }
0x7c: {  	v24 =	vshll.u32 v5, $0x10;
	v0 =	vadd.f32 v0, v1;
	v1 =	vmul.f32 v12, v52  }
0x7d: {  	v17 =	vand.u32 $0xFFFF0000, v5;
	v2 =	vld [tilespmem:s12+$0x0];
	v55 =	vand.u32 $0xFFFF0000, v6;
	v6 =	vand.u32 $0xFFFF0000, v7  }
0x7e: {  	[tilespmem:$0x1FFA0] =	vst v17;
	v12 =	vshll.u32 v8, $0x10;
	v0 =	vadd.f32 v0, v1;
	v1 =	vmul.f32 v6, v55  }
0x7f: {  	v5 =	vld [tilespmem:s10+$0xFFFFFF80];
	v8 =	vand.u32 $0xFFFF0000, v8;
	v56 =	vshll.u32 v11, $0x10;
	v13 =	vshll.u32 v4, $0x10  }
0x80: {  	v16 =	vshll.u32 v10, $0x10;
	v13 =	vmul.f32 v13, v56;
	v0 =	vadd.f32 v0, v1  }
0x81: {  	v7 =	vld [tilespmem:s10+$0xFFFFFF90];
	v15 =	vand.u32 $0xFFFF0000, v10;
	v63 =	vand.u32 $0xFFFF0000, v11;
	v4 =	vand.u32 $0xFFFF0000, v4  }
0x82: {  	v10 =	vld [tilespmem:s10+$0xFFFFFFD0];
	v14 =	vshll.u32 v2, $0x10;
	v4 =	vmul.f32 v4, v63;
	v0 =	vadd.f32 v0, v13  }
0x83: {  	v11 =	vld [tilespmem:s10+$0x10];
	v2 =	vand.u32 $0xFFFF0000, v2;
	v12 =	vmul.f32 v12, v24;
	v8 =	vmul.f32 v8, v17  }
0x84: {  	v57 =	vshll.u32 v5, $0x10;
	v58 =	vand.u32 $0xFFFF0000, v5;
	v5 =	vld [tilespmem:s12+$0x10];
	v0 =	vadd.f32 v0, v4  }
0x85: {  	v2 =	vmul.f32 v2, v15;
	v9 =	vmul.f32 v9, v57  }
0x86: {  	v6 =	vld [tilespmem:s12+$0xFFFFFF90];
	v4 =	vmul.f32 v14, v16;
	v14 =	vperm.xlane v0, v18  }
0x87: {  	v3 =	vmul.f32 v3, v58;
	v12 =	vadd.f32 v8, v12;
	v60 =	vshll.u32 v7, $0x10  }
0x88: {  	v1 =	vld [tilespmem:s12+$0xFFFFFFD0];
	[tilespmem:$0x1FEB0] =	vst v16;
	v62 =	vand.u32 $0xFFFF0000, v7;
	v22 =	vshll.u32 v10, $0x10;
	v0 =	vadd.f32 v0, v14  }
0x89: {  	[tilespmem:$0x1FEC0] =	vst v15;
	v3 =	vadd.f32 v3, v9;
	v17 =	vshll.u32 v5, $0x10;
	v18 =	vshll.u32 v11, $0x10  }
0x8a: {  	[tilespmem:$0x1FFB0] =	vst v22;
	v2 =	vadd.f32 v2, v4;
	v4 =	vmul.f32 v17, v18;
	v17 =	vperm.xlane v0, v19  }
0x8b: {  	v53 =	vand.u32 $0xFFFF0000, v10;
	v8 =	vand.u32 $0xFFFF0000, v11;
	v13 =	vshll.u32 v6, $0x10;
	v16 =	vld [tilespmem:s10+$0xFFFFFFA0]  }
0x8c: {  	v6 =	vand.u32 $0xFFFF0000, v6;
	v9 =	vmul.f32 v13, v60;
	v13 =	vld [tilespmem:s12+$0xFFFFFFA0];
	v0 =	vadd.f32 v0, v17  }
0x8d: {  	v5 =	vand.u32 $0xFFFF0000, v5;
	v6 =	vmul.f32 v6, v62;
	v15 =	vshll.u32 v1, $0x10  }
0x8e: {  	v14 =	vmul.f32 v15, v22;
	v15 =	vld [tilespmem:s10+$0xFFFFFFE0];
	[tilespmem:$0x1FED0] =	vst v18;
	v2 =	vadd.f32 v4, v2;
	v4 =	vperm.xlane v0, v20  }
0x8f: {  	v5 =	vmul.f32 v5, v8;
	v1 =	vand.u32 $0xFFFF0000, v1;
	v3 =	vadd.f32 v9, v3;
	v7 =	vld [tilespmem:s12+$0xFFFFFFE0]  }
0x90: {  	v1 =	vmul.f32 v1, v53;
	v10 =	vld [tilespmem:s10+$0x20];
	v12 =	vadd.f32 v14, v12;
	v0 =	vadd.f32 v0, v4  }
0x91: {  	v3 =	vadd.f32 v3, v6;
	v11 =	vld [tilespmem:s12+$0x20];
	v51 =	vshll.u32 v16, $0x10;
	v14 =	vshll.u32 v13, $0x10  }
0x92: {  	v14 =	vmul.f32 v14, v51;
	v1 =	vadd.f32 v12, v1;
	v12 =	vperm.xlane v0, v21  }
0x93: {  	v18 =	vld [tilespmem:s10+$0xFFFFFFB0];
	v50 =	vand.u32 $0xFFFF0000, v16;
	v13 =	vand.u32 $0xFFFF0000, v13;
	v2 =	vadd.f32 v2, v5  }
0x94: {  	v16 =	vld [tilespmem:s12+$0xFFFFFFF0];
	v59 =	vshll.u32 v15, $0x10;
	v3 =	vadd.f32 v3, v14;
	v0 =	vadd.f32 v0, v12  }
0x95: {  	v9 =	vmovc v8;
	v5 =	vld [tilespmem:s10+$0xFFFFFFF0];
	v14 =	vmul.f32 v13, v50;
	v17 =	vshll.u32 v7, $0x10;
	v8 =	vshll.u32 v10, $0x10  }
0x96: {  	v6 =	vshll.u32 v11, $0x10;
	v7 =	vand.u32 $0xFFFF0000, v7;
	v4 =	vld [tilespmem:s12+$0xFFFFFFB0];
	v0 =	vsub.f32 $0.0e+00, v0  }
0x97: {  	v11 =	vand.u32 $0xFFFF0000, v11;
	v17 =	vmul.f32 v17, v59;
	v6 =	vmul.f32 v6, v8  }
0x98: {  	v49 =	vshll.u32 v18, $0x10;
	[tilespmem:$0x1FEE0] =	vst v8;
	v8 =	vand.u32 $0xFFFF0000, v15;
	v0 =	vmul.f32 $1.442695020e+00, v0  }
0x99: {  	v1 =	vadd.f32 v1, v17;
	v2 =	vadd.f32 v2, v6;
	v6 =	vmul.f32 v7, v8  }
0x9a: {  	v48 =	vand.u32 $0xFFFF0000, v18;
	v19 =	vld [tilespmem:s10+$0x30];
	v13 =	vmovc v8;
	v8 =	vshll.u32 v5, $0x10;
	(erf) = vpow2.f32 v0  }
0x9b: {  	v20 =	vld [tilespmem:s12+$0x30];
	v17 =	vshll.u32 v16, $0x10;
	v1 =	vadd.f32 v1, v6;
	v7 =	vshll.u32 v4, $0x10  }
0x9c: {  	v12 =	vand.u32 $0xFFFF0000, v10;
	v6 =	vmul.f32 v7, v49;
	v7 =	vmul.f32 v17, v8  }
0x9d: {  	v18 =	vld [tilespmem:$0x1FFC0];
	v4 =	vand.u32 $0xFFFF0000, v4;
	v17 =	vand.u32 $0xFFFF0000, v5;
	v5 =	vand.u32 $0xFFFF0000, v16  }
0x9e: {  	v5 =	vmul.f32 v5, v17;
	v1 =	vadd.f32 v1, v7;
	v0 =	vadd.f32 v3, v14  }
0x9f: {  	v15 =	vmul.f32 v11, v12;
	v11 =	vshll.u32 v19, $0x10;
	v4 =	vmul.f32 v4, v48  }
0xa0: {  	v3 =	vshll.u32 v20, $0x10;
	v1 =	vadd.f32 v1, v5;
	v0 =	vadd.f32 v0, v6  }
0xa1: {  	v2 =	vadd.f32 v2, v15;
	v15 =	vand.u32 $0xFFFF0000, v19;
	v3 =	vmul.f32 v3, v11  }
0xa2: {  	v6 =	vand.u32 $0xFFFF0000, v20;
	v0 =	vadd.f32 v0, v4;
	v4 =	vperm.xlane v1, v18  }
0xa3: {  	v2 =	vadd.f32 v2, v3;
	v3 =	vmul.f32 v6, v15;
	v7 =	vpop (erf)  }
0xa4: {  	v14 =	vmov v8;
	v8 =	vld [tilespmem:$0x1FFD0];
	v1 =	vadd.f32 v1, v4;
	v4 =	vadd.f32 $1.000000000e+00, v7  }
0xa5: {  	v2 =	vadd.f32 v2, v3;
	v7 =	vld [tilespmem:$0x1FFD0]  }
0xa6: {  	s14 =	sadd.s32 $0x100, s10;
	v3 =	vperm.xlane v0, v18;
	(erf) = vrcp.f32 v4;
	v4 =	vld [tilespmem:$0x1FFD0]  }
0xa7: {  	s8 =	sadd.s32 $0x100, s12;
	v6 =	vld [tilespmem:s14+$0x40];
	v5 =	vperm.xlane v2, v18  }
0xa8: {  	v0 =	vadd.f32 v0, v3;
	v3 =	vld [tilespmem:s8+$0x40]  }
0xa9: {  	v2 =	vadd.f32 v2, v5  }
0xaa: {  	v20 =	vld [tilespmem:s8+$0x50];
	v7 =	vperm.xlane v0, v7  }
0xab: {  	v16 =	vperm.xlane v1, v8;
	v5 =	vld [tilespmem:s14+$0x50];
	v4 =	vperm.xlane v2, v4  }
0xac: {  	v10 =	vshll.u32 v6, $0x10;
	v8 =	vand.u32 $0xFFFF0000, v6;
	v0 =	vadd.f32 v0, v7;
	v7 =	vld [tilespmem:s14+$0x60]  }
0xad: {  	v6 =	vshll.u32 v3, $0x10;
	v3 =	vand.u32 $0xFFFF0000, v3;
	v2 =	vadd.f32 v2, v4;
	v4 =	vld [tilespmem:s8+$0x60]  }
0xae: {  	v3 =	vmul.f32 v3, v8;
	[tilespmem:$0x1FF00] =	vst v8;
	v8 =	vld [tilespmem:$0x1FFE0];
	_ =	sdelay $0x4  }
0xaf: {  	v6 =	vmul.f32 v6, v10;
	[tilespmem:$0x1FEF0] =	vst v10;
	v10 =	vmov v21;
	v21 =	vperm.xlane v0, v8;
	v8 =	vld [tilespmem:$0x1FFE0];
	_ =	sdelay $0x2  }
0xb0: {  	v1 =	vadd.f32 v1, v16;
	_ =	sdelay $0x1  }
0xb1: {  	v22 =	vperm.xlane v1, v8;
	v8 =	vld [tilespmem:$0x1FFE0];
	_ =	sdelay $0x2  }
0xb2: {  	v19 =	vshll.u32 v20, $0x10;
	v16 =	vshll.u32 v5, $0x10  }
0xb3: {  	v3 =	vadd.f32 v3, v6;
	v6 =	vmul.f32 v19, v16;
	[tilespmem:$0x1FF10] =	vst v16  }
0xb4: {  	v25 =	vld [tilespmem:s14+$0x70];
	v23 =	vperm.xlane v2, v8;
	v8 =	vand.u32 $0xFFFF0000, v5;
	v5 =	vand.u32 $0xFFFF0000, v20  }
0xb5: {  	v3 =	vadd.f32 v6, v3;
	v20 =	vld [tilespmem:s8+$0x70];
	[tilespmem:$0x1FF20] =	vst v8;
	v5 =	vmul.f32 v5, v8;
	v8 =	vshll.u32 v7, $0x10  }
0xb6: {  	v6 =	vshll.u32 v4, $0x10;
	v4 =	vand.u32 $0xFFFF0000, v4;
	v0 =	vadd.f32 v0, v21;
	[tilespmem:$0x1FF30] =	vst v8  }
0xb7: {  	v3 =	vadd.f32 v3, v5;
	v5 =	vmul.f32 v6, v8;
	v21 =	vld [tilespmem:s8+$0xFFFFFF80];
	v8 =	vand.u32 $0xFFFF0000, v7  }
0xb8: {  	v1 =	vadd.f32 v1, v22;
	v2 =	vadd.f32 v2, v23;
	v6 =	vperm.xlane v0, v10;
	v26 =	vld [tilespmem:s14+$0xFFFFFFC0];
	[tilespmem:$0x1FF40] =	vst v8  }
0xb9: {  	v4 =	vmul.f32 v4, v8;
	v8 =	vshll.u32 v25, $0x10;
	v3 =	vadd.f32 v3, v5;
	v5 =	vld [tilespmem:s8+$0xFFFFFFC0]  }
0xba: {  	v7 =	vperm.xlane v1, v10;
	v27 =	vperm.xlane v2, v10;
	v28 =	vld [tilespmem:s14+$0x0];
	[tilespmem:$0x1FF50] =	vst v8  }
0xbb: {  	v44 =	vand.u32 $0xFFFF0000, v25;
	v0 =	vadd.f32 v0, v6;
	v6 =	vshll.u32 v20, $0x10;
	v29 =	vld [tilespmem:s14+$0xFFFFFF80]  }
0xbc: {  	v20 =	vand.u32 $0xFFFF0000, v20;
	v1 =	vadd.f32 v1, v7;
	v7 =	vld [tilespmem:s8+$0x0];
	v2 =	vadd.f32 v2, v27  }
0xbd: {  	v32 =	vld [tilespmem:s14+$0xFFFFFF90];
	v3 =	vadd.f32 v3, v4;
	v4 =	vmul.f32 v6, v8;
	v6 =	vsub.f32 $0.0e+00, v0  }
0xbe: {  	v35 =	vld [tilespmem:s14+$0xFFFFFFD0];
	v25 =	vshll.u32 v21, $0x10;
	v30 =	vand.u32 $0xFFFF0000, v21;
	v21 =	vshll.u32 v26, $0x10  }
0xbf: {  	v36 =	vld [tilespmem:s8+$0xFFFFFFD0];
	v16 =	vand.u32 $0xFFFF0000, v26;
	v3 =	vadd.f32 v3, v4;
	v4 =	vmul.f32 v20, v44  }
0xc0: {  	v40 =	vld [tilespmem:s8+$0x10];
	v6 =	vmul.f32 $1.442695020e+00, v6;
	v31 =	vshll.u32 v28, $0x10;
	v33 =	vand.u32 $0xFFFF0000, v28  }
0xc1: {  	v3 =	vadd.f32 v3, v4;
	v4 =	vshll.u32 v5, $0x10;
	v5 =	vand.u32 $0xFFFF0000, v5  }
0xc2: {  	v19 =	vld [tilespmem:$0x1FFD0];
	v28 =	vshll.u32 v29, $0x10;
	v38 =	vshll.u32 v7, $0x10;
	v26 =	vand.u32 $0xFFFF0000, v29  }
0xc3: {  	v34 =	vld [tilespmem:s8+$0xFFFFFF90];
	v7 =	vand.u32 $0xFFFF0000, v7;
	v29 =	vshll.u32 v32, $0x10;
	v22 =	vshll.u32 v35, $0x10  }
0xc4: {  	v39 =	vld [tilespmem:s14+$0x10];
	v42 =	vshll.u32 v36, $0x10;
	v25 =	vmul.f32 v25, v28;
	v30 =	vmul.f32 v30, v26  }
0xc5: {  	v45 =	vshll.u32 v40, $0x10;
	v4 =	vmul.f32 v4, v21;
	v37 =	vperm.xlane v3, v18  }
0xc6: {  	v32 =	vand.u32 $0xFFFF0000, v32;
	v5 =	vmul.f32 v5, v16;
	v38 =	vmul.f32 v38, v31  }
0xc7: {  	v7 =	vmul.f32 v7, v33;
	v54 =	vmul.f32 v42, v22;
	v3 =	vadd.f32 v3, v37  }
0xc8: {  	v20 =	vld [tilespmem:$0x1FFE0];
	v30 =	vadd.f32 v30, v25;
	v4 =	vadd.f32 v5, v4;
	v5 =	vshll.u32 v34, $0x10  }
0xc9: {  	v46 =	vld [tilespmem:s8+$0xFFFFFFA0];
	v5 =	vmul.f32 v5, v29;
	v37 =	vshll.u32 v39, $0x10;
	v25 =	vperm.xlane v3, v19  }
0xca: {  	v42 =	vand.u32 $0xFFFF0000, v36;
	v36 =	vld [tilespmem:s14+$0x20];
	v7 =	vadd.f32 v7, v38;
	v61 =	vmul.f32 v45, v37  }
0xcb: {  	v38 =	vld [tilespmem:s8+$0xFFFFFFE0];
	v5 =	vadd.f32 v5, v30;
	v30 =	vand.u32 $0xFFFF0000, v34;
	v3 =	vadd.f32 v3, v25  }
0xcc: {  	(erf) = vpow2.f32 v6;
	v6 =	vadd.f32 v61, v7;
	v7 =	vld [tilespmem:s14+$0xFFFFFFE0];
	v30 =	vmul.f32 v30, v32  }
0xcd: {  	v1 =	vsub.f32 $0.0e+00, v1;
	v43 =	vand.u32 $0xFFFF0000, v40;
	v45 =	vld [tilespmem:s14+$0xFFFFFFA0];
	v27 =	vperm.xlane v3, v20  }
0xce: {  	v47 =	vld [tilespmem:s8+$0x20];
	v39 =	vand.u32 $0xFFFF0000, v39;
	v4 =	vadd.f32 v54, v4;
	v5 =	vadd.f32 v5, v30  }
0xcf: {  	v30 =	vmul.f32 v43, v39;
	v3 =	vadd.f32 v3, v27;
	v27 =	vand.u32 $0xFFFF0000, v35  }
0xd0: {  	v54 =	vshll.u32 v46, $0x10;
	v40 =	vshll.u32 v36, $0x10;
	v34 =	vmul.f32 v42, v27  }
0xd1: {  	v61 =	vshll.u32 v38, $0x10;
	v6 =	vadd.f32 v6, v30;
	v30 =	vshll.u32 v7, $0x10  }
0xd2: {  	v42 =	vperm.xlane v3, v10;
	v4 =	vadd.f32 v4, v34;
	v34 =	vshll.u32 v45, $0x10  }
0xd3: {  	v35 =	vmul.f32 v54, v34;
	v54 =	vmul.f32 v61, v30;
	v61 =	vshll.u32 v47, $0x10  }
0xd4: {  	v1 =	vmul.f32 $1.442695020e+00, v1;
	v3 =	vadd.f32 v3, v42;
	v42 =	vmul.f32 v61, v40;
	v61 =	vld [tilespmem:s14+$0xFFFFFFB0]  }
0xd5: {  	v2 =	vsub.f32 $0.0e+00, v2;
	v41 =	vadd.f32 v5, v35;
	v5 =	vld [tilespmem:s8+$0xFFFFFFB0]  }
0xd6: {  	(erf) = vpow2.f32 v1;
	v38 =	vand.u32 $0xFFFF0000, v38;
	v54 =	vadd.f32 v4, v54  }
0xd7: {  	v1 =	vld [tilespmem:s14+$0xFFFFFFF0];
	v35 =	vand.u32 $0xFFFF0000, v45;
	v45 =	vand.u32 $0xFFFF0000, v46;
	v46 =	vand.u32 $0xFFFF0000, v7  }
0xd8: {  	v3 =	vsub.f32 $0.0e+00, v3;
	v7 =	vld [tilespmem:s8+$0xFFFFFFF0];
	v43 =	vadd.f32 v6, v42;
	v6 =	vmul.f32 $1.442695020e+00, v2  }
0xd9: {  	v42 =	vand.u32 $0xFFFF0000, v36;
	v45 =	vmul.f32 v45, v35;
	v38 =	vmul.f32 v38, v46  }
0xda: {  	v3 =	vmul.f32 $1.442695020e+00, v3;
	v36 =	vshll.u32 v61, $0x10;
	v0 =	vshll.u32 v5, $0x10  }
0xdb: {  	(erf) = vpow2.f32 v6;
	v6 =	vadd.f32 v41, v45;
	v0 =	vmul.f32 v0, v36  }
0xdc: {  	(erf) = vpow2.f32 v3;
	v3 =	vadd.f32 v54, v38  }
0xdd: {  	v54 =	vshll.u32 v1, $0x10;
	v0 =	vadd.f32 v6, v0;
	v6 =	vshll.u32 v7, $0x10  }
0xde: {  	v4 =	vld [tilespmem:s14+$0x30];
	v38 =	vand.u32 $0xFFFF0000, v61;
	v5 =	vand.u32 $0xFFFF0000, v5;
	v6 =	vmul.f32 v6, v54  }
0xdf: {  	v2 =	vld [tilespmem:s8+$0x30];
	v5 =	vmul.f32 v5, v38  }
0xe0: {  	v47 =	vand.u32 $0xFFFF0000, v47  }
0xe1: {  	v47 =	vmul.f32 v47, v42;
	v61 =	vand.u32 $0xFFFF0000, v1;
	v1 =	vand.u32 $0xFFFF0000, v7  }
0xe2: {  	v1 =	vmul.f32 v1, v61;
	v3 =	vadd.f32 v3, v6;
	v6 =	vpop (erf)  }
0xe3: {  	v41 =	vadd.f32 v43, v47;
	v45 =	vshll.u32 v4, $0x10;
	v0 =	vadd.f32 v0, v5;
	v5 =	vpop (erf)  }
0xe4: {  	v47 =	vshll.u32 v2, $0x10;
	v1 =	vadd.f32 v3, v1;
	v3 =	vadd.f32 $1.000000000e+00, v5;
	v5 =	vpop (erf)  }
0xe5: {  	v43 =	vmul.f32 v47, v45;
	v47 =	vand.u32 $0xFFFF0000, v4;
	v4 =	vadd.f32 $1.000000000e+00, v5;
	v5 =	vpop (erf)  }
0xe6: {  	(erf) = vrcp.f32 v3;
	v3 =	vadd.f32 $1.000000000e+00, v5;
	v5 =	vpop (erf)  }
0xe7: {  	(erf) = vrcp.f32 v4;
	v4 =	vadd.f32 $1.000000000e+00, v5;
	v5 =	vperm.xlane v0, v18  }
0xe8: {  	s9 =	smul.u32 $0xA000, s9;
	(erf) = vrcp.f32 v3;
	v3 =	vperm.xlane v1, v18;
	_ =	sdelay $0x1  }
0xe9: {  	s9 =	sshrl.u32 s9, $0x2;
	v0 =	vadd.f32 v0, v5;
	v5 =	vld [tilespmem:$0x1FF60];
	v1 =	vadd.f32 v1, v3;
	v3 =	vmul.f32 v63, v6  }
0xea: {  	s11 =	sadd.s32 $0x19920, s9  }
0xeb: {  	[tilespmem:s11+$0xF0] =	vst v3  }
0xec: {  	v3 =	vld [tilespmem:$0x1FF70];
	_ =	sdelay $0x1  }
0xed: {  	v5 =	vmul.f32 v5, v6;
	_ =	sdelay $0x1  }
0xee: {  	v2 =	vand.u32 $0xFFFF0000, v2;
	[tilespmem:s11+$0x80] =	vst v5  }
0xef: {  	v2 =	vmul.f32 v2, v47;
	v7 =	vadd.f32 v41, v43;
	v5 =	vld [tilespmem:$0x1FF80];
	v3 =	vmul.f32 v3, v6;
	_ =	sdelay $0x1  }
0xf0: {  	v2 =	vadd.f32 v7, v2;
	[tilespmem:s11+$0x90] =	vst v3  }
0xf1: {  	v3 =	vld [tilespmem:$0x1FF90]  }
0xf2: {  	(erf) = vrcp.f32 v4;
	v4 =	vperm.xlane v2, v18  }
0xf3: {  	v7 =	vperm.xlane v0, v19;
	v5 =	vmul.f32 v5, v6  }
0xf4: {  	v2 =	vadd.f32 v2, v4;
	v4 =	vperm.xlane v1, v19  }
0xf5: {  	v0 =	vadd.f32 v0, v7;
	[tilespmem:s11+$0xA0] =	vst v5;
	v5 =	vmul.f32 v52, v6  }
0xf6: {  	v1 =	vadd.f32 v1, v4;
	v4 =	vperm.xlane v2, v19;
	v3 =	vmul.f32 v3, v6  }
0xf7: {  	v7 =	vperm.xlane v0, v20  }
0xf8: {  	v4 =	vadd.f32 v2, v4;
	[tilespmem:s11+$0xB0] =	vst v3;
	v3 =	vmul.f32 v55, v6  }
0xf9: {  	v0 =	vadd.f32 v0, v7;
	[tilespmem:s11+$0xC0] =	vst v5;
	v55 =	vperm.xlane v1, v20;
	v6 =	vmul.f32 v56, v6;
	v5 =	vpop (erf)  }
0xfa: {  	v2 =	vpop (erf);
	v7 =	vmul.f32 v57, v5;
	v58 =	vmul.f32 v58, v5;
	[tilespmem:s11+$0xD0] =	vst v3  }
0xfb: {  	v3 =	vperm.xlane v4, v20;
	v57 =	vadd.f32 v1, v55;
	[tilespmem:s11+$0xE0] =	vst v6;
	v1 =	vpop (erf);
	v6 =	vperm.xlane v0, v10  }
0xfc: {  	[tilespmem:s11+$0xFFFFFF00] =	vst v7;
	v41 =	vpop (erf);
	v7 =	vmul.f32 v60, v5  }
0xfd: {  	[tilespmem:s11+$0xFFFFFF10] =	vst v58;
	v3 =	vadd.f32 v4, v3;
	v0 =	vadd.f32 v0, v6;
	v4 =	vmul.f32 v44, v41  }
0xfe: {  	s9 =	sadd.s32 $0x200, s11;
	[tilespmem:s11+$0xFFFFFF20] =	vst v7;
	v7 =	vmul.f32 v62, v5  }
0xff: {  	v63 =	vmul.f32 v51, v5;
	[tilespmem:s9+$0xF0] =	vst v4;
	v4 =	vperm.xlane v3, v10;
	v0 =	vsub.f32 $0.0e+00, v0  }
0x100: {  	[tilespmem:s11+$0xFFFFFF30] =	vst v7;
	v7 =	vmul.f32 v50, v5  }
0x101: {  	[tilespmem:s11+$0xFFFFFF40] =	vst v63;
	v3 =	vadd.f32 v3, v4;
	v4 =	vmul.f32 v49, v5;
	v0 =	vmul.f32 $1.442695020e+00, v0  }
0x102: {  	v60 =	vperm.xlane v57, v10;
	v5 =	vmul.f32 v48, v5;
	[tilespmem:s11+$0xFFFFFF50] =	vst v7  }
0x103: {  	[tilespmem:s11+$0xFFFFFF60] =	vst v4;
	(erf) = vpow2.f32 v0;
	v0 =	vmul.f32 v24, v2  }
0x104: {  	v6 =	vadd.f32 v57, v60;
	[tilespmem:s11+$0xFFFFFF70] =	vst v5  }
0x105: {  	v4 =	vsub.f32 $0.0e+00, v3;
	v3 =	vld [tilespmem:$0x1FFA0];
	[tilespmem:s11+$0xFFFFFF80] =	vst v0  }
0x106: {  	v6 =	vsub.f32 $0.0e+00, v6;
	v0 =	vld [tilespmem:$0x1FFB0];
	_ =	sdelay $0x1  }
0x107: {  	v6 =	vmul.f32 $1.442695020e+00, v6  }
0x108: {  	s15 =	smul.u32 $0xA000, s1  }
0x109: {  	(erf) = vpow2.f32 v6;
	v5 =	vmul.f32 v3, v2  }
0x10a: {  	s10 =	sshrl.u32 s15, $0x2;
	v3 =	vmul.f32 v0, v2;
	v0 =	vmul.f32 $1.442695020e+00, v4  }
0x10b: {  	s12 =	simm.s32 $0x4;
	s10 =	sadd.s32 $0x19820, s10;
	s14 =	sadd.s32 $0x100, s14;
	[tilespmem:s11+$0xFFFFFF90] =	vst v5;
	v5 =	vmul.f32 v53, v2;
	v4 =	vmul.f32 v59, v2  }
.LBB2_6:
0x10c: {  	v6 =	vld [tilespmem:s14+$0x40]  }
0x10d: {  	v7 =	vmov v61;
	v59 =	vld [tilespmem:s14+$0x60]  }
0x10e: {  	[tilespmem:$0x1FE50] =	vst v7;
	v7 =	vld [tilespmem:s14+$0x50]  }
0x10f: {  	v8 =	vmov v54;
	[tilespmem:s11+$0xFFFFFFC0] =	vst v4;
	v4 =	vld [tilespmem:$0x1FEB0]  }
0x110: {  	s8 =	sadd.s32 $0x100, s8;
	[tilespmem:$0x1FE60] =	vst v8;
	v8 =	vld [tilespmem:$0x1FEC0]  }
0x111: {  	[tilespmem:s11+$0xFFFFFFA0] =	vst v3;
	v3 =	vmov v46;
	v56 =	vld [tilespmem:s8+$0xFFFFFF80]  }
0x112: {  	(erf) = vpow2.f32 v0;
	[tilespmem:$0x1FE70] =	vst v3;
	v3 =	vld [tilespmem:s8+$0x40];
	v0 =	vmul.f32 v13, v2  }
0x113: {  	v57 =	vmul.f32 v11, v1;
	[tilespmem:s11+$0xFFFFFFB0] =	vst v5;
	v46 =	vld [tilespmem:s14+$0xFFFFFF90]  }
0x114: {  	v58 =	vmul.f32 v15, v1;
	v5 =	vmul.f32 v14, v2;
	[tilespmem:s11+$0xFFFFFFD0] =	vst v0;
	v0 =	vld [tilespmem:$0x1FED0]  }
0x115: {  	[tilespmem:$0x1FE80] =	vst v22;
	v2 =	vmul.f32 v17, v2;
	v17 =	vmov v31;
	v31 =	vld [tilespmem:s8+$0x50];
	v55 =	vmul.f32 v9, v1  }
0x116: {  	v10 =	vmovc v39;
	v39 =	vmul.f32 v12, v1;
	v48 =	vshll.u32 v6, $0x10;
	v4 =	vmul.f32 v4, v1;
	[tilespmem:s11+$0xFFFFFFE0] =	vst v5;
	v5 =	vld [tilespmem:$0x1FEE0]  }
0x117: {  	v22 =	vmovc v45;
	v9 =	vmovc v40;
	v44 =	vand.u32 $0xFFFF0000, v6;
	v51 =	vshll.u32 v59, $0x10;
	v40 =	vld [tilespmem:s14+$0xFFFFFFC0];
	[tilespmem:s11+$0xFFFFFFF0] =	vst v2;
	v6 =	vshll.u32 v3, $0x10  }
0x118: {  	v45 =	vld [tilespmem:s8+$0xFFFFFF90];
	v43 =	vmul.f32 v8, v1;
	v8 =	vmovc v42;
	v2 =	vand.u32 $0xFFFF0000, v3;
	[tilespmem:s11+$0x0] =	vst v4;
	v4 =	vmul.f32 v6, v48  }
0x119: {  	v49 =	vshll.u32 v7, $0x10;
	[tilespmem:$0x1FEA0] =	vst v8;
	v3 =	vld [tilespmem:s8+$0x60];
	v8 =	vmul.f32 v2, v44;
	v0 =	vmul.f32 v0, v1  }
0x11a: {  	v23 =	vmovc v47;
	v54 =	vld [tilespmem:s14+$0x70];
	v13 =	vmovc v37;
	v47 =	vshll.u32 v56, $0x10;
	v37 =	vand.u32 $0xFFFF0000, v56;
	[tilespmem:s11+$0x10] =	vst v43;
	v52 =	vshll.u32 v31, $0x10  }
0x11b: {  	v6 =	vld [tilespmem:s8+$0xFFFFFFC0];
	v4 =	vadd.f32 v8, v4;
	v43 =	vmul.f32 v52, v49;
	v5 =	vmul.f32 v5, v1;
	[tilespmem:s11+$0x20] =	vst v0  }
0x11c: {  	[tilespmem:$0x1FEE0] =	vst v9;
	v60 =	vshll.u32 v46, $0x10;
	v52 =	vand.u32 $0xFFFF0000, v7;
	v7 =	vand.u32 $0xFFFF0000, v31;
	v50 =	vld [tilespmem:s14+$0x0]  }
0x11d: {  	v9 =	vshll.u32 v45, $0x10;
	v7 =	vmul.f32 v7, v52;
	v4 =	vadd.f32 v43, v4;
	[tilespmem:s11+$0x40] =	vst v5;
	v5 =	vld [tilespmem:s8+$0x70]  }
0x11e: {  	v45 =	vand.u32 $0xFFFF0000, v45;
	v9 =	vmul.f32 v9, v60;
	v1 =	vpop (erf);
	v31 =	vshll.u32 v3, $0x10  }
0x11f: {  	v61 =	vld [tilespmem:s8+$0xFFFFFFD0];
	v62 =	vadd.f32 $1.000000000e+00, v1;
	v4 =	vadd.f32 v4, v7;
	v7 =	vmul.f32 v31, v51  }
0x120: {  	v43 =	vand.u32 $0xFFFF0000, v40;
	v3 =	vand.u32 $0xFFFF0000, v3;
	[tilespmem:s11+$0x30] =	vst v55;
	v55 =	vand.u32 $0xFFFF0000, v59  }
0x121: {  	v0 =	vshll.u32 v40, $0x10;
	v40 =	vld [tilespmem:s14+$0xFFFFFF80];
	[tilespmem:s11+$0x50] =	vst v39;
	v3 =	vmul.f32 v3, v55;
	v4 =	vadd.f32 v4, v7  }
0x122: {  	v42 =	vshll.u32 v6, $0x10;
	v59 =	vshll.u32 v54, $0x10;
	v39 =	vld [tilespmem:s8+$0x0];
	[tilespmem:s11+$0x60] =	vst v57;
	v53 =	vshll.u32 v5, $0x10  }
0x123: {  	v6 =	vand.u32 $0xFFFF0000, v6;
	[tilespmem:s11+$0x70] =	vst v58;
	v3 =	vadd.f32 v4, v3;
	v4 =	vmul.f32 v53, v59  }
0x124: {  	v12 =	vshll.u32 v61, $0x10;
	v58 =	vand.u32 $0xFFFF0000, v54;
	v63 =	vld [tilespmem:s14+$0x10];
	v5 =	vand.u32 $0xFFFF0000, v5  }
0x125: {  	v6 =	vmul.f32 v6, v43;
	v3 =	vadd.f32 v3, v4;
	v4 =	vmul.f32 v5, v58  }
0x126: {  	v14 =	vmovc v33;
	v7 =	vld [tilespmem:s14+$0xFFFFFFD0];
	v56 =	vand.u32 $0xFFFF0000, v40;
	v31 =	vshll.u32 v50, $0x10;
	v33 =	vand.u32 $0xFFFF0000, v50  }
0x127: {  	v54 =	vmul.f32 v37, v56;
	v53 =	vshll.u32 v40, $0x10;
	v40 =	vld [tilespmem:s8+$0x10];
	v3 =	vadd.f32 v3, v4  }
0x128: {  	v8 =	vld [tilespmem:s8+$0xFFFFFFA0];
	v57 =	vshll.u32 v39, $0x10;
	v50 =	vand.u32 $0xFFFF0000, v39;
	v39 =	vmul.f32 v42, v0  }
0x129: {  	v42 =	vld [tilespmem:s14+$0xFFFFFFE0];
	v47 =	vmul.f32 v47, v53;
	v37 =	vshll.u32 v63, $0x10;
	v11 =	vperm.xlane v3, v18  }
0x12a: {  	v6 =	vadd.f32 v6, v39;
	v39 =	vand.u32 $0xFFFF0000, v63;
	v4 =	vmul.f32 v57, v31  }
0x12b: {  	[tilespmem:$0x1FEC0] =	vst v14;
	v57 =	vmul.f32 v50, v33;
	v50 =	vshll.u32 v7, $0x10;
	v11 =	vadd.f32 v3, v11  }
0x12c: {  	[tilespmem:$0x1FED0] =	vst v13;
	v13 =	vld [tilespmem:s14+$0x20];
	v47 =	vadd.f32 v54, v47;
	v14 =	vshll.u32 v40, $0x10;
	v12 =	vmul.f32 v12, v50  }
0x12d: {  	v40 =	vand.u32 $0xFFFF0000, v40;
	v3 =	vand.u32 $0xFFFF0000, v46;
	v46 =	vperm.xlane v11, v19  }
0x12e: {  	v5 =	vld [tilespmem:s14+$0xFFFFFFA0];
	v9 =	vadd.f32 v9, v47;
	v47 =	vshll.u32 v8, $0x10;
	v63 =	vshll.u32 v42, $0x10  }
0x12f: {  	v25 =	vmovc v21;
	v21 =	vld [tilespmem:$0x1FFF0];
	v8 =	vand.u32 $0xFFFF0000, v8;
	v4 =	vadd.f32 v57, v4;
	v11 =	vadd.f32 v11, v46  }
0x130: {  	v54 =	vld [tilespmem:s8+$0x20];
	v14 =	vmul.f32 v14, v37;
	v57 =	vand.u32 $0xFFFF0000, v7;
	v7 =	vand.u32 $0xFFFF0000, v61  }
0x131: {  	v18 =	vld [tilespmem:s8+$0xFFFFFFF0];
	v61 =	vmul.f32 v40, v39;
	v40 =	vshll.u32 v13, $0x10;
	v46 =	vperm.xlane v11, v20  }
0x132: {  	v6 =	vadd.f32 v12, v6;
	v7 =	vmul.f32 v7, v57;
	v14 =	vadd.f32 v14, v4  }
0x133: {  	[tilespmem:$0x1FE90] =	vst v10;
	v10 =	vld [tilespmem:s8+$0xFFFFFFE0];
	v4 =	vshll.u32 v5, $0x10;
	v45 =	vmul.f32 v45, v3;
	v11 =	vadd.f32 v11, v46  }
0x134: {  	v5 =	vand.u32 $0xFFFF0000, v5;
	v6 =	vadd.f32 v6, v7;
	v47 =	vmul.f32 v47, v4  }
0x135: {  	v12 =	vld [tilespmem:s14+$0x30];
	v7 =	vadd.f32 v14, v61;
	v9 =	vadd.f32 v9, v45;
	v14 =	vperm.xlane v11, v21  }
0x136: {  	v8 =	vmul.f32 v8, v5;
	v45 =	vshll.u32 v54, $0x10;
	v61 =	vshll.u32 v18, $0x10  }
0x137: {  	[tilespmem:$0x1FEB0] =	vst v17;
	v17 =	vld [tilespmem:s14+$0xFFFFFFF0];
	v45 =	vmul.f32 v45, v40;
	v9 =	vadd.f32 v9, v47;
	v11 =	vadd.f32 v11, v14  }
0x138: {  	v15 =	vld [tilespmem:s14+$0xFFFFFFB0];
	v20 =	vshll.u32 v10, $0x10;
	v10 =	vand.u32 $0xFFFF0000, v10;
	v46 =	vand.u32 $0xFFFF0000, v42  }
0x139: {  	v24 =	vmovc v16;
	v16 =	vld [tilespmem:s8+$0xFFFFFFB0];
	v42 =	vand.u32 $0xFFFF0000, v13;
	v13 =	vand.u32 $0xFFFF0000, v54;
	v11 =	vsub.f32 $0.0e+00, v11  }
0x13a: {  	v7 =	vadd.f32 v7, v45;
	v45 =	vshll.u32 v12, $0x10;
	v13 =	vmul.f32 v13, v42  }
0x13b: {  	v19 =	vld [tilespmem:s8+$0x30];
	v20 =	vmul.f32 v20, v63;
	v8 =	vadd.f32 v9, v8;
	v11 =	vmul.f32 $1.442695020e+00, v11  }
0x13c: {  	v1 =	vpop (erf);
	v54 =	vshll.u32 v17, $0x10;
	v10 =	vmul.f32 v10, v46;
	v13 =	vadd.f32 v7, v13  }
0x13d: {  	v2 =	vpop (erf);
	v7 =	vand.u32 $0xFFFF0000, v15;
	v14 =	vadd.f32 v6, v20;
	(erf) = vpow2.f32 v11  }
0x13e: {  	v6 =	vshll.u32 v15, $0x10;
	v20 =	vshll.u32 v16, $0x10;
	v15 =	vand.u32 $0xFFFF0000, v16  }
0x13f: {  	v16 =	vand.u32 $0xFFFF0000, v18;
	v9 =	vadd.f32 v14, v10;
	v14 =	vmul.f32 v61, v54  }
0x140: {  	v18 =	vld [tilespmem:$0x1FFC0];
	v10 =	vshll.u32 v19, $0x10;
	v61 =	vand.u32 $0xFFFF0000, v17;
	v11 =	vmul.f32 v20, v6  }
0x141: {  	v10 =	vmul.f32 v10, v45;
	v9 =	vadd.f32 v9, v14;
	v14 =	vmul.f32 v16, v61  }
0x142: {  	v47 =	vand.u32 $0xFFFF0000, v12;
	v8 =	vadd.f32 v8, v11;
	v11 =	vand.u32 $0xFFFF0000, v19  }
0x143: {  	v10 =	vadd.f32 v13, v10;
	v9 =	vadd.f32 v9, v14;
	v13 =	vmul.f32 v11, v47  }
0x144: {  	v1 =	vadd.f32 $1.000000000e+00, v1;
	v2 =	vadd.f32 $1.000000000e+00, v2  }
0x145: {  	(erf) = vrcp.f32 v62;
	v10 =	vadd.f32 v10, v13;
	v13 =	vperm.xlane v9, v18  }
0x146: {  	v11 =	vpop (erf);
	(erf) = vrcp.f32 v1  }
0x147: {  	(erf) = vrcp.f32 v2;
	v2 =	vadd.f32 v9, v13;
	v9 =	vld [tilespmem:$0x1FF00]  }
0x148: {  	v12 =	vmul.f32 v15, v7;
	_ =	sdelay $0x1  }
0x149: {  	v8 =	vadd.f32 v8, v12  }
0x14a: {  	v19 =	vld [tilespmem:$0x1FFD0]  }
0x14b: {  	v14 =	vmov v48;
	v12 =	vld [tilespmem:$0x1FEF0];
	v1 =	vperm.xlane v8, v18;
	v9 =	vmul.f32 v9, v41  }
0x14c: {  	[tilespmem:$0x1FEF0] =	vst v14;
	v14 =	vperm.xlane v10, v18;
	v15 =	vadd.f32 $1.000000000e+00, v11  }
0x14d: {  	v1 =	vadd.f32 v8, v1;
	[tilespmem:s9+$0x90] =	vst v9;
	v9 =	vld [tilespmem:$0x1FF20]  }
0x14e: {  	v11 =	vmov v44;
	v8 =	vadd.f32 v10, v14;
	v10 =	vld [tilespmem:$0x1FF10];
	(erf) = vrcp.f32 v15  }
0x14f: {  	[tilespmem:$0x1FF00] =	vst v11;
	v15 =	vperm.xlane v2, v19;
	v11 =	vperm.xlane v1, v19  }
0x150: {  	v12 =	vmul.f32 v12, v41  }
0x151: {  	v1 =	vadd.f32 v1, v11;
	v11 =	vadd.f32 v2, v15;
	v2 =	vld [tilespmem:$0x1FF30]  }
0x152: {  	v13 =	vmov v49;
	[tilespmem:s9+$0x80] =	vst v12;
	v9 =	vmul.f32 v9, v41  }
0x153: {  	v20 =	vld [tilespmem:$0x1FFE0];
	[tilespmem:$0x1FF10] =	vst v13;
	v10 =	vmul.f32 v10, v41  }
0x154: {  	[tilespmem:s9+$0xB0] =	vst v9;
	v9 =	vld [tilespmem:$0x1FF40]  }
0x155: {  	v14 =	vmov v52;
	[tilespmem:s9+$0xA0] =	vst v10;
	v10 =	vld [tilespmem:$0x1FF50]  }
0x156: {  	v13 =	vperm.xlane v8, v19;
	v15 =	vmov v51;
	[tilespmem:$0x1FF20] =	vst v14;
	v16 =	vmul.f32 v2, v41  }
0x157: {  	[tilespmem:$0x1FF30] =	vst v15  }
0x158: {  	v17 =	vmov v55;
	v12 =	vpop (erf);
	v8 =	vadd.f32 v8, v13;
	v13 =	vperm.xlane v1, v20;
	[tilespmem:s9+$0xC0] =	vst v16  }
0x159: {  	v16 =	vmul.f32 v28, v12;
	[tilespmem:$0x1FF40] =	vst v17;
	v52 =	vmul.f32 v9, v41;
	v9 =	vmov v59  }
0x15a: {  	v15 =	vperm.xlane v8, v20;
	v10 =	vmul.f32 v10, v41;
	[tilespmem:$0x1FF50] =	vst v9;
	v9 =	vadd.f32 v1, v13  }
0x15b: {  	v14 =	vperm.xlane v11, v20;
	[tilespmem:s9+$0xFFFFFF00] =	vst v16  }
0x15c: {  	v8 =	vadd.f32 v8, v15;
	v2 =	vpop (erf);
	[tilespmem:s9+$0xE0] =	vst v10;
	v13 =	vmul.f32 v26, v12;
	v62 =	vperm.xlane v9, v21  }
0x15d: {  	v11 =	vadd.f32 v11, v14;
	v14 =	vmul.f32 v32, v12;
	v10 =	vmul.f32 v29, v12;
	v1 =	vpop (erf);
	[tilespmem:s9+$0xD0] =	vst v52  }
0x15e: {  	s11 =	smov.u32 s9;
	v32 =	vmov v3;
	v17 =	vperm.xlane v8, v21;
	v41 =	vpop (erf);
	[tilespmem:s9+$0xFFFFFF10] =	vst v13;
	v3 =	vadd.f32 v9, v62  }
0x15f: {  	v16 =	vmul.f32 v58, v41;
	v13 =	vperm.xlane v11, v21;
	[tilespmem:s11+$0xFFFFFF20] =	vst v10  }
0x160: {  	v8 =	vadd.f32 v8, v17;
	s9 =	sadd.s32 $0x200, s9;
	v10 =	vmul.f32 v35, v12;
	[tilespmem:s11+$0xFFFFFF30] =	vst v14;
	v3 =	vsub.f32 $0.0e+00, v3  }
0x161: {  	s12 =	sadd.s32 $0x4, s12;
	v15 =	vmov v23;
	[tilespmem:s9+$0xF0] =	vst v16;
	v9 =	vmul.f32 v34, v12;
	v23 =	vadd.f32 v11, v13  }
0x162: {  	p3 =	slt.u32 s12, $0x4C;
	v8 =	vsub.f32 $0.0e+00, v8;
	v21 =	vmovc v0;
	v13 =	vmul.f32 v36, v12;
	v34 =	vmovc v4;
	[tilespmem:s11+$0xFFFFFF50] =	vst v10;
	v4 =	vmul.f32 $1.442695020e+00, v3;
	v3 =	vld [tilespmem:$0x1FE80]  }
.Ltmp1:
0x163: {  	v17 =	vld [tilespmem:$0x1FE50];
	v35 =	vmovc v5;
	v5 =	vmul.f32 v27, v2;
	v10 =	vmul.f32 v24, v2;
	[tilespmem:s11+$0xFFFFFF40] =	vst v9;
	v0 =	vsub.f32 $0.0e+00, v23;
	(pc) =	sbr.rel @p3 .LBB2_6-.Ltmp1, $4  }
0x164: {  	v28 =	vmov v53;
	v14 =	vld [tilespmem:$0x1FE60];
	v9 =	vmul.f32 v38, v12;
	v12 =	vmul.f32 v25, v2;
	[tilespmem:s11+$0xFFFFFF60] =	vst v13  }
0x165: {  	v29 =	vmovc v60;
	v26 =	vmovc v56;
	v36 =	vmov v6;
	v13 =	vld [tilespmem:$0x1FE70];
	[tilespmem:s11+$0xFFFFFF90] =	vst v10;
	v6 =	vmul.f32 $1.442695020e+00, v0;
	v0 =	vmul.f32 $1.442695020e+00, v8  }
0x166: {  	v27 =	vmovc v57;
	v11 =	vmovc v22;
	v22 =	vmov v50;
	[tilespmem:s11+$0xFFFFFF70] =	vst v9;
	v9 =	vld [tilespmem:$0x1FE90];
	(erf) = vpow2.f32 v4;
	v4 =	vmul.f32 v30, v2  }
0x167: {  	s14 =	sadd.s32 $0x100, s14;
	v16 =	vmovc v43;
	v38 =	vmovc v7;
	[tilespmem:s11+$0xFFFFFF80] =	vst v12;
	v12 =	vld [tilespmem:$0x1FEA0];
	v30 =	vmov v63;
	(erf) = vpow2.f32 v6;
	v3 =	vmul.f32 v3, v2  }
0x168: {  	_ = 	snop  }
0x169: {  	[tilespmem:s11+$0xFFFFFFB0] =	vst v5  }
0x16a: {  	[tilespmem:s11+$0xFFFFFFC0] =	vst v4;
	v58 =	vmul.f32 v13, v2  }
0x16b: {  	[tilespmem:s11+$0xFFFFFFA0] =	vst v3;
	v59 =	vmul.f32 v14, v2  }
0x16c: {  	[tilespmem:s11+$0xFFFFFFD0] =	vst v58  }
0x16d: {  	v3 =	vld [tilespmem:$0x1FEB0];
	[tilespmem:s11+$0xFFFFFFE0] =	vst v59  }
0x16e: {  	v4 =	vld [tilespmem:$0x1FEC0]  }
0x16f: {  	v60 =	vmul.f32 v17, v2;
	_ =	sdelay $0x1  }
0x170: {  	[tilespmem:s11+$0xFFFFFFF0] =	vst v60  }
0x171: {  	v2 =	vld [tilespmem:$0x1FED0];
	v3 =	vmul.f32 v3, v1  }
0x172: {  	v4 =	vmul.f32 v4, v1  }
0x173: {  	[tilespmem:s11+$0x0] =	vst v3  }
0x174: {  	[tilespmem:s11+$0x10] =	vst v4  }
0x175: {  	v8 =	vld [tilespmem:$0x1FEE0]  }
0x176: {  	v2 =	vmul.f32 v2, v1  }
0x177: {  	v63 =	vmul.f32 v9, v1  }
0x178: {  	v9 =	vmul.f32 v12, v1;
	[tilespmem:s11+$0x20] =	vst v2  }
0x179: {  	v10 =	vmul.f32 v11, v1;
	[tilespmem:s11+$0x30] =	vst v63  }
0x17a: {  	v62 =	vpop (erf);
	(erf) = vpow2.f32 v0;
	[tilespmem:s11+$0x50] =	vst v9;
	v0 =	vmul.f32 v8, v1  }
0x17b: {  	v11 =	vmul.f32 v15, v1;
	[tilespmem:s11+$0x60] =	vst v10  }
0x17c: {  	[tilespmem:s11+$0x40] =	vst v0  }
0x17d: {  	v12 =	vld [tilespmem:$0x1FEF0];
	[tilespmem:s11+$0x70] =	vst v11  }
0x17e: {  	v0 =	vld [tilespmem:$0x1FF00];
	_ =	sdelay $0x2  }
0x17f: {  	v3 =	vadd.f32 $1.000000000e+00, v62  }
0x180: {  	v1 =	vmul.f32 v12, v41  }
0x181: {  	(erf) = vrcp.f32 v3;
	v0 =	vmul.f32 v0, v41  }
0x182: {  	[tilespmem:s9+$0x80] =	vst v1  }
0x183: {  	v1 =	vld [tilespmem:$0x1FF10];
	[tilespmem:s9+$0x90] =	vst v0  }
0x184: {  	v0 =	vld [tilespmem:$0x1FF20]  }
0x185: {  	v13 =	vpop (erf)  }
0x186: {  	v2 =	vadd.f32 $1.000000000e+00, v13;
	_ =	sdelay $0x1  }
0x187: {  	(erf) = vrcp.f32 v2;
	v1 =	vmul.f32 v1, v41  }
0x188: {  	v14 =	vpop (erf);
	v0 =	vmul.f32 v0, v41  }
0x189: {  	v24 =	vpop (erf);
	[tilespmem:s9+$0xA0] =	vst v1  }
0x18a: {  	v25 =	vmul.f32 v28, v24;
	v1 =	vld [tilespmem:$0x1FF30];
	[tilespmem:s9+$0xB0] =	vst v0  }
0x18b: {  	v26 =	vmul.f32 v26, v24;
	v0 =	vld [tilespmem:$0x1FF40]  }
0x18c: {  	v28 =	vmul.f32 v29, v24;
	v29 =	vmul.f32 v32, v24;
	v32 =	vadd.f32 $1.000000000e+00, v14;
	v15 =	vld [tilespmem:$0x1FF50];
	[tilespmem:s9+$0xFFFFFF00] =	vst v25  }
0x18d: {  	[tilespmem:s9+$0xFFFFFF10] =	vst v26  }
0x18e: {  	v34 =	vmul.f32 v34, v24;
	(erf) = vrcp.f32 v32;
	[tilespmem:s9+$0xFFFFFF20] =	vst v28  }
0x18f: {  	v35 =	vmul.f32 v35, v24;
	[tilespmem:s9+$0xFFFFFF30] =	vst v29  }
0x190: {  	v44 =	vmul.f32 v38, v24;
	v43 =	vpop (erf);
	[tilespmem:s9+$0xFFFFFF40] =	vst v34  }
0x191: {  	v48 =	vmul.f32 v21, v43;
	[tilespmem:s9+$0xFFFFFF50] =	vst v35  }
0x192: {  	v49 =	vmul.f32 v16, v43;
	[tilespmem:s9+$0xFFFFFF70] =	vst v44  }
0x193: {  	v50 =	vmul.f32 v22, v43;
	[tilespmem:s9+$0xFFFFFF80] =	vst v48  }
0x194: {  	v51 =	vmul.f32 v27, v43;
	[tilespmem:s9+$0xFFFFFF90] =	vst v49  }
0x195: {  	v52 =	vmul.f32 v30, v43;
	[tilespmem:s9+$0xFFFFFFA0] =	vst v50  }
0x196: {  	v53 =	vmul.f32 v46, v43;
	[tilespmem:s9+$0xFFFFFFB0] =	vst v51  }
0x197: {  	v55 =	vmul.f32 v54, v43;
	v56 =	vpop (erf);
	[tilespmem:s9+$0xFFFFFFC0] =	vst v52  }
0x198: {  	v57 =	vmul.f32 v31, v56;
	[tilespmem:s9+$0xFFFFFFD0] =	vst v53  }
0x199: {  	v58 =	vmul.f32 v33, v56;
	[tilespmem:s9+$0xFFFFFFE0] =	vst v55  }
0x19a: {  	v59 =	vmul.f32 v37, v56;
	[tilespmem:s9+$0x0] =	vst v57  }
0x19b: {  	v60 =	vmul.f32 v39, v56;
	[tilespmem:s9+$0x10] =	vst v58  }
0x19c: {  	v62 =	vmul.f32 v42, v56;
	[tilespmem:s9+$0x20] =	vst v59  }
0x19d: {  	v63 =	vmul.f32 v45, v56;
	[tilespmem:s9+$0x30] =	vst v60  }
0x19e: {  	[tilespmem:s9+$0x50] =	vst v62;
	v1 =	vmul.f32 v1, v41  }
0x19f: {  	[tilespmem:s9+$0x60] =	vst v63;
	v0 =	vmul.f32 v0, v41  }
0x1a0: {  	v2 =	vmul.f32 v15, v41;
	[tilespmem:s9+$0xC0] =	vst v1  }
0x1a1: {  	v41 =	vmul.f32 v36, v24;
	[tilespmem:s9+$0xD0] =	vst v0  }
0x1a2: {  	v1 =	vmul.f32 v61, v43;
	[tilespmem:s9+$0xE0] =	vst v2  }
0x1a3: {  	s0 =	smul.u32 $0x140, s0;
	p3 =	sne.s32 s7, $0x19;
	v61 =	vmul.f32 v40, v56;
	[tilespmem:s9+$0xFFFFFF60] =	vst v41  }
.Ltmp2:
0x1a4: {  	v0 =	vmul.f32 v47, v56;
	[tilespmem:s9+$0xFFFFFFF0] =	vst v1;
	(pc) =	sbr.rel @p3 .LBB2_5-.Ltmp2, $4  }
0x1a5: {  	s0 =	sshra.s32 s0, $0x2;
	[tilespmem:s9+$0x40] =	vst v61  }
0x1a6: {  	s1 =	sadd.s32 $0x5, s1;
	s0 =	sadd.s32 $0x14050, s0;
	[tilespmem:s9+$0x70] =	vst v0  }
0x1a7: {  	[spmem:s2] =	stream.indirect.scatter.add.f32 [tilespmem:s10], [sflag:s1], $0x80, s0, s24, $0xb8;
	[tilespmem:$0x1E820] =	vst v63  }
0x1a8: {  	p2 =	por !p2, !p2;
	s0 =	smov.u32 s7;
	v21 =	vld [tilespmem:$0x1FFF0]  }
0x1a9: {  	s31 =	sadd.s32 $0x1, s31  }
0x1aa: {  	_ =	swait.ge [sflag:s28], $0x2800;
	p2 =	sne.s32 s31, $0x5  }
.Ltmp3:
0x1ab: {  	[sflag:s28] =	ssyncset.done $0x0;
	(pc) =	sbr.rel @p2 .LBB2_4-.Ltmp3, $4  }
0x1ac: {  	[sflag:s28] =	ssyncadd.s32 $0xFFFFD800  }
0x1ad: {  	_ =	swait.ge [sflag:s29], $0x2800  }
0x1ae: {  	[sflag:s29] =	ssyncset.done $0x0  }
0x1af: {  	[sflag:s29] =	ssyncadd.s32 $0xFFFFD800  }
0x1b0: {  	[bflag:$0x0] =	sbarrier.arrive $0xFFFF;
	s0 =	sshrl.u32 @p1 s13, $0x3;
	s1 =	simm.s32 @p1 $0x1FC7  }
0x1b1: {  	[hbm:s18], [sflag:s1] =	dma.local @p1 [spmem:s0], $0x2800  }
0x1b2: {  	s0 =	simm.s32 @p1 $0x7  }
0x1b3: {  	s3 =	sadd.s32 $0x1, s3;
	s1 =	stileid.u32;
	_ =	swait.ge @p1 [sflag:s0], $0x2800  }
0x1b4: {  	p2 =	sne.s32 s3, s19;
	s1 =	sshll.u32 @!p1 s1, $0x6;
	[sflag:s0] =	ssyncset.done @p1 $0x0  }
0x1b5: {  	[sflag:s0] =	ssyncadd.s32 @p1 $0xFFFFD800;
	s0 =	sor.u32 @!p1 $0x1C07, s1;
	s1 =	sshrl.u32 @!p1 s13, $0x3  }
0x1b6: {  	[hbm:s17], [sflag:s0] =	dma.local @!p1 [spmem:s1], $0x2700  }
.Ltmp4:
0x1b7: {  	_ = 	snop;
	(pc) =	sbr.rel @p2 .LBB2_1-.Ltmp4, $4  }
0x1b8: {  	s0 =	simm.s32 @!p1 $0x7  }
0x1b9: {  	_ =	swait.ge @!p1 [sflag:s0], $0x2700  }
0x1ba: {  	[sflag:s0] =	ssyncset.done @!p1 $0x0  }
0x1bb: {  	v5 =	vimm.f32 $0.0e+00;
	[sflag:s0] =	ssyncadd.s32 @!p1 $0xFFFFD900  }
0x1bc: {  	_ =	sfence.sel $0x180000  }
0x1bd: {  	[bflag:$0x0] =	sbarrier.arrive $0xFFFF  }
0x1be: {  	_ =	strace $0x9000004A  }
0x1bf: {  	s0 =	stileid.u32;
	[bflag:$0x2] =	sbarrier.arrive $0xFFFF  }
0x1c0: {  	p0 =	sne.s32 s0, $0x0;
	s0 =	rddreg [dreg:$0x3]  }
0x1c1: {  	s0 =	sadd.s32 @!p0 $0x100000, s0  }
0x1c2: {  	[sflag:s0] =	ssyncadd.tile.s32 @!p0 $0x1;
	_ =	shalt  }
.Lfunc_end2:
_tile_overlayer_lowered:
.L_overlay_start_2:
0x1c3: {  	(tag) =	ssettag $0x2  }
0x1c4: {  	s0 =	rddreg [dreg:$0x0];
	s2 =	stileid.u32  }
0x1c5: {  	s1 =	rddreg [dreg:$0x1];
	p0 =	sne.s32 s2, $0x0  }
0x1c6: {  	s3 =	rddreg [dreg:$0x2];
	[bflag:$0x3] =	sbarrier.arrive $0xFFFF;
	s2 =	simm.s32 @!p0 $0x1C07  }
0x1c7: {  	[timem:s3], [sflag:s2] =	dma.local @!p0 [hbm:s0], s1  }
0x1c8: {  	s0 =	simm.s32 @!p0 $0x7  }
0x1c9: {  	_ =	swait.ge @!p0 [sflag:s0], s1  }
0x1ca: {  	s1 =	ssub.s32 @!p0 $0x0, s1;
	[sflag:s0] =	ssyncset.done @!p0 $0x0  }
0x1cb: {  	[sflag:s0] =	ssyncadd.s32 @!p0 s1  }
0x1cc: {  	[bflag:$0x3] =	sbarrier.arrive $0xFFFF  }
0x1cd: {  	_ =	shalt  }

// kernel: kernel.7.cloned.1.call-start
scs
__scs_entry_jumppad:
0x0: {  	(pc) =	sbr.rel $0x88, $3  }
0x1: {  	(tag) =	ssettag $0x0;
	lr =	simm.s32 $0x1  }
0x2: {  	[smem:$0x3F9F] =	sst lr;
	_ =	strace $0xD0000000  }
0x3: {  	_ = 	snop  }
0x4: {  	_ = 	snop  }
0x5: {  	_ = 	snop  }
0x6: {  	_ = 	snop  }
0x7: {  	_ = 	snop  }
__scs_overlays_trampoline_lowered:
0x8: {  	[smem:$0x3FAE] =	sst s0  }
0x9: {  	[smem:$0x3FAF] =	sst s1  }
0xa: {  	[smem:$0x3FB0] =	sst s2  }
0xb: {  	[smem:$0x3FB1] =	sst s3  }
0xc: {  	[smem:$0x3FB2] =	sst s4  }
0xd: {  	[smem:$0x3FB3] =	sst s5  }
0xe: {  	[smem:$0x3FB4] =	sst s6  }
0xf: {  	[smem:$0x3FB5] =	sst s7  }
0x10: {  	[smem:$0x3FB6] =	sst s8  }
0x11: {  	[smem:$0x3FB7] =	sst s9;
	s0 =	simm.s32 @!p0 $0x0  }
0x12: {  	s1 =	sld [smem:$0x3F9D];
	s0 =	simm.s32 @p0 $0x1  }
0x13: {  	[smem:$0x3FB8] =	sst s0;
	s0 =	simm.s32 @!p1 $0x0  }
0x14: {  	s2 =	sld [smem:$0x3F9C];
	s0 =	simm.s32 @p1 $0x1  }
0x15: {  	[smem:$0x3FB9] =	sst s0;
	s0 =	simm.s32 @!p2 $0x0  }
0x16: {  	s3 =	sld [smem:$0x3FDB];
	s0 =	simm.s32 @p2 $0x1  }
0x17: {  	s4 =	simm.s32 $0x1BF5;
	[smem:$0x3FBB] =	sst s0  }
0x18: {  	s0 =	sld [smem:$0x3F9E];
	_ =	swait.ge [sflag:s4], $0x0  }
0x19: {  	s7 =	sld [smem:$0x3F9F]  }
0x1a: {  	s8 =	sadd.s32 $0xFFFFE003, lr  }
0x1b: {  	s9 =	sadd.s32 $0xFFFFFEF7, lr;
	s5 =	simm.s32 $0xFFFFFFFF;
	p2 =	slt.u32 s8, $0xFFFFF086  }
0x1c: {  	p1 =	slt.u32 s9, $0xF7A;
	s5 =	simm.s32 @!p2 $0x0  }
0x1d: {  	s5 =	simm.s32 @p1 $0x1;
	p0 =	seq.s32 s7, s2  }
0x1e: {  	s7 =	smul.u32 @!p0 $0xF7A, s2;
	p2 =	seq.s32 @!p0 s5, $0x0  }
0x1f: {  	s9 =	smul.u32 $0xF7A, s1;
	s8 =	simm.s32 @!p0 $0x1BF5;
	p2 =	por !p2, p0  }
0x20: {  	[sflag:s8] =	ssyncset.s32 @!p0 $0xFFFFF086;
	s6 =	sadd.s32 @!p0 s3, s7;
	s7 =	simm.s32 @!p0 $0x108  }
0x21: {  	s3 =	sadd.s32 s3, s9;
	s6 =	sadd.s32 @!p0 $0x88, s6;
	s7 =	simm.s32 @p2 $0x1082  }
0x22: {  	[simem:s7], [sflag:s8] =	dma.local @!p0 [hbm:s6], $0xF7A  }
0x23: {  	s9 =	sor.u32 $0xD0000000, s2;
	s6 =	simm.s32 $0x108;
	_ =	swait.ge @!p0 [sflag:s8], $0x0  }
0x24: {  	s3 =	sadd.s32 $0x88, s3;
	s6 =	simm.s32 @!p1 $0x1082;
	[sflag:s4] =	ssyncset.s32 $0xFFFFF086  }
0x25: {  	[simem:s6], [sflag:s4] =	dma.local [hbm:s3], $0xF7A  }
0x26: {  	[smem:$0x3F9F] =	sst s1;
	(tag) =	ssettag s2;
	_ =	strace s9  }
0x27: {  	s1 =	sld [smem:$0x3FAF]  }
0x28: {  	s2 =	sld [smem:$0x3FB0]  }
0x29: {  	s4 =	sld [smem:$0x3FB2]  }
0x2a: {  	p0 =	seq.s32 s5, $0x0;
	s5 =	sld [smem:$0x3FB3]  }
0x2b: {  	s6 =	sld [smem:$0x3FB4]  }
0x2c: {  	s7 =	sld [smem:$0x3FB5]  }
0x2d: {  	s3 =	simm.s32 $0x108;
	s8 =	sld [smem:$0x3FB6]  }
0x2e: {  	s3 =	simm.s32 @!p0 $0x1082;
	s9 =	sld [smem:$0x3FB7]  }
0x2f: {  	lr =	sadd.s32 s0, s3;
	s0 =	sld [smem:$0x3FAE]  }
0x30: {  	s3 =	sld [smem:$0x3FB1]  }
0x31: {  	[smem:$0x3FBA] =	sst s10  }
0x32: {  	s10 =	sld [smem:$0x3FB8];
	_ =	sdelay $0x3  }
0x33: {  	p0 =	seq.s32 s10, $0x1;
	s10 =	sld [smem:$0x3FBA];
	_ =	sdelay $0x3  }
0x34: {  	[smem:$0x3FBA] =	sst s10  }
0x35: {  	s10 =	sld [smem:$0x3FB9];
	_ =	sdelay $0x3  }
0x36: {  	p1 =	seq.s32 s10, $0x1;
	s10 =	sld [smem:$0x3FBA];
	_ =	sdelay $0x3  }
0x37: {  	[smem:$0x3FBA] =	sst s10  }
0x38: {  	s10 =	sld [smem:$0x3FBB]  }
0x39: {  	_ = 	snop;
	(pc) =	sbr.ind lr, $3  }
0x3a: {  	_ = 	snop  }
0x3b: {  	_ = 	snop  }
0x3c: {  	p2 =	seq.s32 s10, $0x1;
	s10 =	sld [smem:$0x3FBA]  }
0x3d: {  	_ =	shalt  }
0x3e: {  	_ =	shalt  }
0x3f: {  	_ =	shalt  }
0x40: {  	_ =	shalt  }
0x41: {  	_ =	shalt  }
0x42: {  	_ =	shalt  }
0x43: {  	_ =	shalt  }
0x44: {  	_ =	shalt  }
0x45: {  	_ =	shalt  }
0x46: {  	_ =	shalt  }
0x47: {  	_ =	shalt  }
0x48: {  	_ =	shalt  }
0x49: {  	_ =	shalt  }
0x4a: {  	_ =	shalt  }
0x4b: {  	_ =	shalt  }
0x4c: {  	_ =	shalt  }
0x4d: {  	_ =	shalt  }
0x4e: {  	_ =	shalt  }
0x4f: {  	_ =	shalt  }
0x50: {  	_ =	shalt  }
0x51: {  	_ =	shalt  }
0x52: {  	_ =	shalt  }
0x53: {  	_ =	shalt  }
0x54: {  	_ =	shalt  }
0x55: {  	_ =	shalt  }
0x56: {  	_ =	shalt  }
0x57: {  	_ =	shalt  }
0x58: {  	_ =	shalt  }
0x59: {  	_ =	shalt  }
0x5a: {  	_ =	shalt  }
0x5b: {  	_ =	shalt  }
0x5c: {  	_ =	shalt  }
0x5d: {  	_ =	shalt  }
0x5e: {  	_ =	shalt  }
0x5f: {  	_ =	shalt  }
0x60: {  	_ =	shalt  }
0x61: {  	_ =	shalt  }
0x62: {  	_ =	shalt  }
0x63: {  	_ =	shalt  }
0x64: {  	_ =	shalt  }
0x65: {  	_ =	shalt  }
0x66: {  	_ =	shalt  }
0x67: {  	_ =	shalt  }
0x68: {  	_ =	shalt  }
0x69: {  	_ =	shalt  }
0x6a: {  	_ =	shalt  }
0x6b: {  	_ =	shalt  }
0x6c: {  	_ =	shalt  }
0x6d: {  	_ =	shalt  }
0x6e: {  	_ =	shalt  }
0x6f: {  	_ =	shalt  }
0x70: {  	_ =	shalt  }
0x71: {  	_ =	shalt  }
0x72: {  	_ =	shalt  }
0x73: {  	_ =	shalt  }
0x74: {  	_ =	shalt  }
0x75: {  	_ =	shalt  }
0x76: {  	_ =	shalt  }
0x77: {  	_ =	shalt  }
0x78: {  	_ =	shalt  }
0x79: {  	_ =	shalt  }
0x7a: {  	_ =	shalt  }
0x7b: {  	_ =	shalt  }
0x7c: {  	_ =	shalt  }
0x7d: {  	_ =	shalt  }
0x7e: {  	_ =	shalt  }
0x7f: {  	_ =	shalt  }
0x80: {  	_ =	shalt  }
0x81: {  	_ =	shalt  }
0x82: {  	_ =	shalt  }
0x83: {  	_ =	shalt  }
0x84: {  	_ =	shalt  }
0x85: {  	_ =	shalt  }
0x86: {  	_ =	shalt  }
0x87: {  	_ =	shalt  }
.Lfunc_end0:
.L_simem_size_0:
called_computation_lowered:
.L_overlay_start_0:
0x88: {  	s2 =	sld [smem:$0x3FD9]  }
0x89: {  	s3 =	sld [smem:$0x3FFE];
	_ =	sdelay $0x1  }
0x8a: {  	s1 =	srdreg.scid  }
0x8b: {  	s0 =	sand.u32 $0x1, s1  }
0x8c: {  	s17 =	sshll.u32 s0, $0xA;
	s2 =	sadd.s32 s3, s2  }
0x8d: {  	s2 =	sadd.s32 s2, s17  }
0x8e: {  	[smem:$0x3FC6] =	sst s2  }
0x8f: {  	_ = 	snop  }
0x90: {  	s2 =	sld [smem:$0x3FD0];
	(tm) =	ssettm $0x1  }
0x91: {  	s18 =	sld [smem:$0x3FFB];
	_ =	sdelay $0x3  }
0x92: {  	_ =	strace s18  }
0x93: {  	s3 =	sld [smem:$0x3FFC];
	_ =	sdelay $0x3  }
0x94: {  	_ =	strace s3  }
0x95: {  	s3 =	sld [smem:$0x3FFD];
	_ =	sdelay $0x3  }
0x96: {  	_ =	strace s3  }
0x97: {  	_ =	strace $0x8FFFFFFF  }
0x98: {  	s19 =	sld [smem:$0x3FDB];
	_ =	sdelay $0x1  }
0x99: {  	s4 =	simm.s32 $_scs_section_size  }
0x9a: {  	s5 =	simm.s32 $_size__tile_overlayer_lowered;
	s6 =	simm.s32 $_tile_overlayer_lowered  }
0x9b: {  	s22 =	simm.s32 $0x1BFF;
	s21 =	sshll.u32 s6, $0x1;
	s3 =	sadd.s32 s4, s19  }
0x9c: {  	s7 =	simm.s32 $0x0;
	s20 =	sshll.u32 s5, $0x1;
	s5 =	sadd.s32 s21, s3  }
0x9d: {  	[timem:s7], [sflag:s22] =	dma.local [hbm:s5], s20  }
0x9e: {  	_ =	swait.ge [sflag:s22], s20  }
0x9f: {  	s4 =	ssub.s32 $0x0, s20;
	[sflag:s22] =	ssyncset.done $0x0  }
0xa0: {  	[sflag:s22] =	ssyncadd.s32 s4;
	_ =	sdelay $0x1  }
0xa1: {  	s23 =	simm.s32 $0x1B8B  }
0xa2: {  	_ =	swait.ge [sflag:s23], $0x1  }
0xa3: {  	[sflag:s23] =	ssyncset.done $0x0  }
0xa4: {  	s25 =	simm.s32 $0x1B8E;
	s24 =	sld [smem:$0x3FFE];
	[sflag:s23] =	ssyncadd.s32 $0xFFFFFFFF  }
0xa5: {  	s26 =	simm.s32 $execute0_lowered;
	[smem:$0x3FD2] =	sst s25  }
0xa6: {  	s5 =	sshll.u32 s26, $0x1;
	_ =	strace $0x80000046;
	[dreg:$0x1] =	wrdreg $0xFFFFFFFF  }
0xa7: {  	s28 =	simm.s32 $_size_execute0_lowered;
	s3 =	sadd.s32 s3, s5;
	[dreg:$0x0] =	wrdreg $0x0  }
0xa8: {  	s5 =	sshll.u32 s28, $0x1;
	[dreg:$0x2] =	wrdreg s3  }
0xa9: {  	[dreg:$0x3] =	wrdreg s5  }
0xaa: {  	[dreg:$0x4] =	wrdreg $0xC0  }
0xab: {  	_ =	task [dreg:s7], $0x5FFFF  }
0xac: {  	[dreg:$0x1] =	wrdreg $0xFFFFFFFF  }
0xad: {  	[dreg:$0x0] =	wrdreg $0x60  }
0xae: {  	[dreg:$0x2] =	wrdreg s24  }
0xaf: {  	[dreg:$0x3] =	wrdreg s2  }
0xb0: {  	[dreg:$0x4] =	wrdreg $0x0  }
0xb1: {  	[dreg:$0x5] =	wrdreg $0x9  }
0xb2: {  	_ =	task.clear_ibuf [dreg:s7], $0x6FFFF;
	_ =	strace $0x90000046  }
0xb3: {  	s29 =	simm.s32 $0x9;
	_ =	strace $0x80000048  }
0xb4: {  	_ =	swait.ge [sflag:s29], $0x1  }
0xb5: {  	[sflag:s29] =	ssyncadd.s32 $0xFFFFFFFF  }
0xb6: {  	_ =	strace $0x90000048  }
0xb7: {  	_ =	sfence  }
0xb8: {  	s30 =	sld [smem:$0x0];
	_ =	sdelay $0x2  }
0xb9: {  	s31 =	sshll.u32 s1, $0xD;
	s1 =	sshrl.u32 s1, $0x2  }
0xba: {  	s3 =	sand.u32 $0x4000, s31;
	s1 =	sadd.s32 s1, s30  }
0xbb: {  	s0 =	sor.u32 s3, s0;
	s1 =	sshll.u32 s1, $0x11  }
0xbc: {  	s0 =	sor.u32 s1, s0  }
0xbd: {  	s0 =	sadd.s32 $0x8F2B, s0  }
0xbe: {  	[sflag:s0] =	ssyncadd.remote.s32 $0x1  }
0xbf: {  	_ =	sfence.sel $0xFFFF  }
0xc0: {  	[dreg:$0x0] =	wrdreg $0xFFFFFFFF;
	(pc) =	sbr.abs _section_cstart, $3  }
0xc1: {  	[dreg:$0x1] =	wrdreg $0xFFFFFFFF  }
0xc2: {  	_ =	task.clear_ibuf [dreg:s7], $0x2FFFF;
	_ =	strace $0x9FFFFFFF  }
0xc3: {  	(tm) =	ssettm $0x7FFFFFFF  }
tec
execute0_lowered:
.L_overlay_start_1:
0x0: {  	(tag) =	ssettag $0x1  }
0x1: {  	s0 =	rddreg [dreg:$0x0]  }
0x2: {  	s1 =	rddreg [dreg:$0x1]  }
0x3: {  	s2 =	rddreg [dreg:$0x2];
	s3 =	simm.s32 $0x0;
	s14 =	stileid.u32  }
0x4: {  	s7 =	srdreg.scid;
	s28 =	simm.s32 $0x6;
	s29 =	simm.s32 $0x5  }
0x5: {  	s30 =	simm.s32 $0x0;
	[smem:$0x7FF] =	sst s3;
	s6 =	smul.u32 $0x4E000, s14  }
0x6: {  	v0 =	vimm.s32 $0xFEDCBA98;
	s4 =	sadd.s32 $0x14A00, s0;
	s5 =	sadd.s32 $0xAC00, s0;
	s16 =	sand.u32 $0x1, s7  }
0x7: {  	v1 =	vimm.s32 $0x76543210;
	v2 =	vimm.s32 $0xBA98FEDC;
	s9 =	smul.u32 $0x13800, s14;
	s11 =	sshll.u32 s14, $0x1;
	s31 =	sadd.s32 $0x136000, s2  }
0x8: {  	v3 =	vimm.s32 $0x32107654;
	p0 =	sne.s32 s14, $0xF;
	p1 =	seq.s32 s14, $0xF;
	_ =	strace $0x80000047  }
0x9: {  	v4 =	vimm.s32 $0xDCFE98BA;
	v5 =	vimm.s32 $0x54761032;
	s18 =	ssub.s32 $0x2, s16;
	s24 =	smul.u32 $0x138800, s16;
	[dreg:$0xb] =	wrdreg s31  }
0xa: {  	v6 =	vimm.s32 $0xEFCDAB89;
	v7 =	vimm.s32 $0x67452301;
	v0 =	vunpack.c.l.s4.s8 v0;
	s8 =	sshrl.u32 s6, $0x2;
	s6 =	sadd.s32 $0xE00, s0;
	s22 =	sshrl.u32 s18, $0x1  }
0xb: {  	v1 =	vunpack.c.l.s4.s8 v1;
	v2 =	vunpack.c.l.s4.s8 v2;
	v3 =	vunpack.c.l.s4.s8 v3;
	s0 =	sor.u32 s16, s11;
	s13 =	sadd.s32 s9, s2;
	s17 =	sadd.s32 s8, s2  }
0xc: {  	v4 =	vunpack.c.l.s4.s8 v4;
	v5 =	vunpack.c.l.s4.s8 v5;
	v6 =	vunpack.c.l.s4.s8 v6;
	s8 =	ssub.s32 s18, s22;
	s25 =	sadd.s32 s9, s24;
	s10 =	sadd.s32 $0x2800, s17  }
0xd: {  	v7 =	vunpack.c.l.s4.s8 v7;
	v0 =	vunpack.c.0.s8.s32 v0;
	v2 =	vunpack.c.0.s8.s32 v2;
	s26 =	sshrl.u32 s24, $0x3;
	s19 =	sadd.s32 $0x5000, s17;
	[dreg:$0x4] =	wrdreg s10  }
0xe: {  	v3 =	vunpack.c.0.s8.s32 v3;
	v4 =	vunpack.c.0.s8.s32 v4;
	v1 =	vunpack.c.0.s8.s32 v1;
	s16 =	smul.u32 $0x2710, s0;
	s20 =	sadd.s32 $0x7800, s17;
	[dreg:$0x5] =	wrdreg s19  }
0xf: {  	v5 =	vunpack.c.0.s8.s32 v5;
	v6 =	vunpack.c.0.s8.s32 v6;
	s22 =	simm.s32 $0x13880;
	s21 =	sadd.s32 $0xA000, s17;
	v0 =	vand.u32 $0xF, v0;
	[dreg:$0x6] =	wrdreg s20  }
0x10: {  	v7 =	vunpack.c.0.s8.s32 v7;
	s24 =	simm.s32 $0x50;
	s12 =	sadd.s32 $0xC800, s17;
	v2 =	vcombine.low v3, v2;
	[dreg:$0x7] =	wrdreg s21;
	v18 =	vcombine.low v0, v1  }
0x11: {  	s23 =	sadd.s32 $0xF000, s17;
	s7 =	sadd.s32 $0x11800, s17;
	v3 =	vcombine.low v5, v4;
	[dreg:$0x8] =	wrdreg s12  }
0x12: {  	s9 =	sadd.s32 s1, s26;
	v4 =	vcombine.low v7, v6;
	s26 =	simm.s32 $0x17020;
	[dreg:$0x9] =	wrdreg s23;
	v19 =	vand.u32 $0xF, v2;
	[tilespmem:$0x1FFC0] =	vst v18  }
0x13: {  	[dreg:$0xa] =	wrdreg s7;
	s7 =	sshrl.u32 s25, $0x3;
	s18 =	sadd.s32 $0x24900, s9;
	v20 =	vand.u32 $0xF, v3;
	[tilespmem:$0x1FFD0] =	vst v19  }
0x14: {  	s19 =	smax.u32 s8, $0x1;
	s20 =	simm.s32 $0x19820;
	s21 =	simm.s32 $0x7;
	v21 =	vand.u32 $0xF, v4;
	[tilespmem:$0x1FFE0] =	vst v20  }
0x15: {  	v5 =	vimm.f32 $0.0e+00;
	s23 =	simm.s32 $0x14050;
	s25 =	simm.s32 $0x14820;
	s17 =	sadd.s32 s1, s7;
	[tilespmem:$0x1FFF0] =	vst v21  }
.LBB2_1:
0x16: {  	s0 =	simm.s32 $0x0;
	s1 =	simm.s32 $0x200  }
.LBB2_2:
0x17: {  	p2 =	sne.s32 s1, $0x9E00;
	[tilespmem:s0+$0x19890] =	vst v5  }
0x18: {  	[tilespmem:s0+$0x19820] =	vst v5  }
0x19: {  	[tilespmem:s0+$0x19830] =	vst v5  }
.Ltmp0:
0x1a: {  	[tilespmem:s0+$0x19840] =	vst v5;
	(pc) =	sbr.rel @p2 .LBB2_2-.Ltmp0, $4  }
0x1b: {  	[tilespmem:s0+$0x19850] =	vst v5  }
0x1c: {  	[tilespmem:s0+$0x19860] =	vst v5  }
0x1d: {  	[tilespmem:s0+$0x19870] =	vst v5  }
0x1e: {  	[tilespmem:s0+$0x19880] =	vst v5;
	s0 =	sshra.s32 s1, $0x2;
	s1 =	sadd.s32 $0x200, s1  }
0x1f: {  	[tilespmem:s0+$0x19890] =	vst v5  }
0x20: {  	[tilespmem:s0+$0x19820] =	vst v5  }
0x21: {  	[tilespmem:s0+$0x19830] =	vst v5  }
0x22: {  	[tilespmem:s0+$0x19840] =	vst v5  }
0x23: {  	[tilespmem:s0+$0x19850] =	vst v5  }
0x24: {  	[tilespmem:s0+$0x19860] =	vst v5  }
0x25: {  	[tilespmem:s0+$0x19870] =	vst v5  }
0x26: {  	[tilespmem:s0+$0x19880] =	vst v5  }
0x27: {  	[spmem:s13] =	stream.linear.scatter [tilespmem:s20], [sflag:$0x7], $0x2800, $0x38;
	[tilespmem:$0x1E820] =	vst v63  }
0x28: {  	_ =	swait.ge [sflag:s21], $0x2800  }
0x29: {  	[sflag:s21] =	ssyncset.done $0x0  }
0x2a: {  	s9 =	rddreg [dreg:$0x4];
	[sflag:s21] =	ssyncadd.s32 $0xFFFFD800  }
0x2b: {  	[spmem:s9] =	stream.linear.scatter [tilespmem:s20], [sflag:$0x7], $0x2800, $0x38;
	[tilespmem:$0x1E820] =	vst v63  }
0x2c: {  	_ =	swait.ge [sflag:s21], $0x2800  }
0x2d: {  	[sflag:s21] =	ssyncset.done $0x0  }
0x2e: {  	s10 =	rddreg [dreg:$0x5];
	[sflag:s21] =	ssyncadd.s32 $0xFFFFD800  }
0x2f: {  	[spmem:s10] =	stream.linear.scatter [tilespmem:s20], [sflag:$0x7], $0x2800, $0x38;
	[tilespmem:$0x1E820] =	vst v63  }
0x30: {  	_ =	swait.ge [sflag:s21], $0x2800  }
0x31: {  	[sflag:s21] =	ssyncset.done $0x0  }
0x32: {  	s11 =	rddreg [dreg:$0x6];
	[sflag:s21] =	ssyncadd.s32 $0xFFFFD800  }
0x33: {  	[spmem:s11] =	stream.linear.scatter [tilespmem:s20], [sflag:$0x7], $0x2800, $0x38;
	[tilespmem:$0x1E820] =	vst v63  }
0x34: {  	_ =	swait.ge [sflag:s21], $0x2800  }
0x35: {  	[sflag:s21] =	ssyncset.done $0x0  }
0x36: {  	s12 =	rddreg [dreg:$0x7];
	[sflag:s21] =	ssyncadd.s32 $0xFFFFD800  }
0x37: {  	[spmem:s12] =	stream.linear.scatter [tilespmem:s20], [sflag:$0x7], $0x2800, $0x38;
	[tilespmem:$0x1E820] =	vst v63  }
0x38: {  	_ =	swait.ge [sflag:s21], $0x2800  }
0x39: {  	[sflag:s21] =	ssyncset.done $0x0  }
0x3a: {  	s14 =	rddreg [dreg:$0x8];
	[sflag:s21] =	ssyncadd.s32 $0xFFFFD800  }
0x3b: {  	[spmem:s14] =	stream.linear.scatter [tilespmem:s20], [sflag:$0x7], $0x2800, $0x38;
	[tilespmem:$0x1E820] =	vst v63  }
0x3c: {  	_ =	swait.ge [sflag:s21], $0x2800  }
0x3d: {  	[sflag:s21] =	ssyncset.done $0x0  }
0x3e: {  	s15 =	rddreg [dreg:$0x9];
	[sflag:s21] =	ssyncadd.s32 $0xFFFFD800  }
0x3f: {  	[spmem:s15] =	stream.linear.scatter [tilespmem:s20], [sflag:$0x7], $0x2800, $0x38;
	[tilespmem:$0x1E820] =	vst v63  }
0x40: {  	_ =	swait.ge [sflag:s21], $0x2800  }
0x41: {  	[sflag:s21] =	ssyncset.done $0x0  }
0x42: {  	s0 =	simm.s32 @p0 $0x19820;
	s1 =	rddreg [dreg:$0xa];
	[sflag:s21] =	ssyncadd.s32 $0xFFFFD800  }
0x43: {  	[spmem:s1] =	stream.linear.scatter @p0 [tilespmem:s0], [sflag:$0x7], $0x2000, $0x38;
	[tilespmem:$0x1E820] =	vst v63  }
0x44: {  	s0 =	simm.s32 @p0 $0x7  }
0x45: {  	_ =	swait.ge @p0 [sflag:s0], $0x2000  }
0x46: {  	[sflag:s0] =	ssyncset.done @p0 $0x0  }
0x47: {  	s1 =	rddreg [dreg:$0xb];
	[sflag:s0] =	ssyncadd.s32 @p0 $0xFFFFE000;
	s0 =	simm.s32 @!p0 $0x19820  }
0x48: {  	[spmem:s1] =	stream.linear.scatter @!p0 [tilespmem:s0], [sflag:$0x7], $0x2800, $0x38;
	[tilespmem:$0x1E820] =	vst v63  }
0x49: {  	s0 =	simm.s32 @!p0 $0x7  }
0x4a: {  	_ =	swait.ge @!p0 [sflag:s0], $0x2800  }
0x4b: {  	[sflag:s0] =	ssyncset.done @!p0 $0x0  }
0x4c: {  	[sflag:s0] =	ssyncadd.s32 @!p0 $0xFFFFD800  }
0x4d: {  	s31 =	simm.s32 $0x0;
	[bflag:$0x0] =	sbarrier.arrive $0xFFFF  }
.LBB2_4:
0x4e: {  	s0 =	smul.u32 $0x7D0, s31;
	_ =	sdelay $0x1  }
0x4f: {  	s0 =	sadd.s32 s16, s0  }
0x50: {  	s0 =	sshrl.u32 s0, $0x3  }
0x51: {  	s1 =	sadd.s32 s5, s0  }
0x52: {  	[tilespmem:s22], [sflag:$0x7] =	stream.linear.gather [hbm4b:s1+s30], $0x7D0, $0x38;
	[tilespmem:$0x1E820] =	vst v63  }
0x53: {  	_ =	swait.ge [sflag:s21], $0x7D0  }
0x54: {  	[sflag:s21] =	ssyncset.done $0x0  }
0x55: {  	s0 =	sadd.s32 s6, s0;
	[sflag:s21] =	ssyncadd.s32 $0xFFFFF830  }
0x56: {  	[tilespmem:s23], [sflag:$0x7] =	stream.linear.gather [hbm4b:s0+s30], $0x7D0, $0x38;
	[tilespmem:$0x1E820] =	vst v63  }
0x57: {  	_ =	swait.ge [sflag:s21], $0x7D0  }
0x58: {  	[sflag:s21] =	ssyncset.done $0x0  }
0x59: {  	[sflag:s21] =	ssyncadd.s32 $0xFFFFF830  }
0x5a: {  	[tilespmem:s25], [sflag:$0x1] =	stream.indirect.gather [hbm4b:s4+s24], $0x40, s22, s24, $0xb8;
	[tilespmem:$0x1E820] =	vst v63  }
0x5b: {  	p2 =	por $0x0, $0x0;
	s0 =	simm.s32 $0x0  }
0x5c: {  	[tilespmem:s26], [sflag:$0x3] =	stream.indirect.gather [hbm4b:s4+s24], $0x40, s23, s24, $0xb8;
	[tilespmem:$0x1E820] =	vst v63  }
.LBB2_5:
0x5d: {  	s1 =	sand.u32 $0x1, s0;
	p3 =	seq.s32 s0, $0x18;
	s7 =	sadd.s32 $0x1, s0  }
0x5e: {  	s8 =	sxor.u32 @!p3 $0x1, s1;
	s10 =	smul.u32 @!p3 $0x50, s7  }
0x5f: {  	s9 =	smul.u32 @!p3 $0x1400, s8  }
0x60: {  	s15 =	simm.s32 @!p3 $0x50;
	s14 =	sadd.s32 @!p3 $0x1, s8  }
0x61: {  	s8 =	sadd.s32 @!p3 $0x3, s8;
	s12 =	sadd.s32 @!p3 $0x13880, s10;
	s11 =	sadd.s32 @!p3 $0x14820, s9  }
0x62: {  	[tilespmem:s11], [sflag:s14] =	stream.indirect.gather @!p3 [hbm4b:s4+s15], $0x40, s12, s15, $0xb8;
	[tilespmem:$0x1E820] =	vst v63  }
0x63: {  	s10 =	sadd.s32 @!p3 $0x14050, s10;
	s9 =	sadd.s32 @!p3 $0x17020, s9;
	s11 =	sadd.s32 $0x1, s1  }
0x64: {  	[tilespmem:s9], [sflag:s8] =	stream.indirect.gather @!p3 [hbm4b:s4+s15], $0x40, s10, s15, $0xb8;
	[tilespmem:$0x1E820] =	vst v63  }
0x65: {  	_ =	swait.ge [sflag:s11], $0x1400  }
0x66: {  	[sflag:s11] =	ssyncset.done $0x0  }
0x67: {  	s12 =	sadd.s32 $0x3, s1;
	[sflag:s11] =	ssyncadd.s32 $0xFFFFEC00  }
0x68: {  	s9 =	simm.s32 $0x1;
	_ =	swait.ge [sflag:s12], $0x1400  }
0x69: {  	p3 =	slt.u32 s0, $0x2;
	s9 =	simm.s32 @!p2 $0x0;
	[sflag:s12] =	ssyncset.done $0x0  }
0x6a: {  	s8 =	sadd.s32 @!p3 $0x5, s1;
	s14 =	smul.u32 $0x5000, s9;
	[sflag:s12] =	ssyncadd.s32 $0xFFFFEC00  }
0x6b: {  	_ =	swait.ge @!p3 [sflag:s8], $0x2800  }
0x6c: {  	s15 =	sshrl.u32 s14, $0x2;
	[sflag:s8] =	ssyncset.done @!p3 $0x0  }
0x6d: {  	s10 =	sadd.s32 $0x148A0, s15;
	[sflag:s8] =	ssyncadd.s32 @!p3 $0xFFFFD800  }
0x6e: {  	v0 =	vld [tilespmem:s10+$0x40]  }
0x6f: {  	s12 =	sadd.s32 $0x170A0, s15  }
0x70: {  	v1 =	vld [tilespmem:s12+$0x40]  }
0x71: {  	v2 =	vld [tilespmem:s10+$0x50]  }
0x72: {  	v3 =	vld [tilespmem:s12+$0x50]  }
0x73: {  	v4 =	vld [tilespmem:s12+$0xFFFFFF80];
	v9 =	vshll.u32 v0, $0x10  }
0x74: {  	v5 =	vld [tilespmem:s10+$0xFFFFFFC0];
	v8 =	vand.u32 $0xFFFF0000, v0;
	[tilespmem:$0x1FF60] =	vst v9  }
0x75: {  	v0 =	vshll.u32 v1, $0x10;
	v1 =	vand.u32 $0xFFFF0000, v1;
	v6 =	vld [tilespmem:s10+$0x60];
	[tilespmem:$0x1FF70] =	vst v8  }
0x76: {  	v11 =	vshll.u32 v2, $0x10;
	v0 =	vmul.f32 v0, v9;
	v1 =	vmul.f32 v1, v8;
	v7 =	vld [tilespmem:s12+$0x60]  }
0x77: {  	v9 =	vshll.u32 v3, $0x10;
	v8 =	vld [tilespmem:s12+$0xFFFFFFC0];
	[tilespmem:$0x1FF80] =	vst v11  }
0x78: {  	v12 =	vand.u32 $0xFFFF0000, v2;
	v0 =	vadd.f32 v1, v0;
	v1 =	vmul.f32 v9, v11;
	v10 =	vld [tilespmem:s10+$0x0]  }
0x79: {  	v2 =	vand.u32 $0xFFFF0000, v3;
	v3 =	vand.u32 $0xFFFF0000, v4;
	v11 =	vld [tilespmem:s10+$0x70];
	[tilespmem:$0x1FF90] =	vst v12  }
0x7a: {  	v9 =	vshll.u32 v4, $0x10;
	v4 =	vld [tilespmem:s12+$0x70];
	v0 =	vadd.f32 v1, v0;
	v1 =	vmul.f32 v2, v12  }
0x7b: {  	v52 =	vshll.u32 v6, $0x10;
	v12 =	vshll.u32 v7, $0x10  }
0x7c: {  	v24 =	vshll.u32 v5, $0x10;
	v0 =	vadd.f32 v0, v1;
	v1 =	vmul.f32 v12, v52  }
0x7d: {  	v17 =	vand.u32 $0xFFFF0000, v5;
	v2 =	vld [tilespmem:s12+$0x0];
	v55 =	vand.u32 $0xFFFF0000, v6;
	v6 =	vand.u32 $0xFFFF0000, v7  }
0x7e: {  	[tilespmem:$0x1FFA0] =	vst v17;
	v12 =	vshll.u32 v8, $0x10;
	v0 =	vadd.f32 v0, v1;
	v1 =	vmul.f32 v6, v55  }
0x7f: {  	v5 =	vld [tilespmem:s10+$0xFFFFFF80];
	v8 =	vand.u32 $0xFFFF0000, v8;
	v56 =	vshll.u32 v11, $0x10;
	v13 =	vshll.u32 v4, $0x10  }
0x80: {  	v16 =	vshll.u32 v10, $0x10;
	v13 =	vmul.f32 v13, v56;
	v0 =	vadd.f32 v0, v1  }
0x81: {  	v7 =	vld [tilespmem:s10+$0xFFFFFF90];
	v15 =	vand.u32 $0xFFFF0000, v10;
	v63 =	vand.u32 $0xFFFF0000, v11;
	v4 =	vand.u32 $0xFFFF0000, v4  }
0x82: {  	v10 =	vld [tilespmem:s10+$0xFFFFFFD0];
	v14 =	vshll.u32 v2, $0x10;
	v4 =	vmul.f32 v4, v63;
	v0 =	vadd.f32 v0, v13  }
0x83: {  	v11 =	vld [tilespmem:s10+$0x10];
	v2 =	vand.u32 $0xFFFF0000, v2;
	v12 =	vmul.f32 v12, v24;
	v8 =	vmul.f32 v8, v17  }
0x84: {  	v57 =	vshll.u32 v5, $0x10;
	v58 =	vand.u32 $0xFFFF0000, v5;
	v5 =	vld [tilespmem:s12+$0x10];
	v0 =	vadd.f32 v0, v4  }
0x85: {  	v2 =	vmul.f32 v2, v15;
	v9 =	vmul.f32 v9, v57  }
0x86: {  	v6 =	vld [tilespmem:s12+$0xFFFFFF90];
	v4 =	vmul.f32 v14, v16;
	v14 =	vperm.xlane v0, v18  }
0x87: {  	v3 =	vmul.f32 v3, v58;
	v12 =	vadd.f32 v8, v12;
	v60 =	vshll.u32 v7, $0x10  }
0x88: {  	v1 =	vld [tilespmem:s12+$0xFFFFFFD0];
	[tilespmem:$0x1FEB0] =	vst v16;
	v62 =	vand.u32 $0xFFFF0000, v7;
	v22 =	vshll.u32 v10, $0x10;
	v0 =	vadd.f32 v0, v14  }
0x89: {  	[tilespmem:$0x1FEC0] =	vst v15;
	v3 =	vadd.f32 v3, v9;
	v17 =	vshll.u32 v5, $0x10;
	v18 =	vshll.u32 v11, $0x10  }
0x8a: {  	[tilespmem:$0x1FFB0] =	vst v22;
	v2 =	vadd.f32 v2, v4;
	v4 =	vmul.f32 v17, v18;
	v17 =	vperm.xlane v0, v19  }
0x8b: {  	v53 =	vand.u32 $0xFFFF0000, v10;
	v8 =	vand.u32 $0xFFFF0000, v11;
	v13 =	vshll.u32 v6, $0x10;
	v16 =	vld [tilespmem:s10+$0xFFFFFFA0]  }
0x8c: {  	v6 =	vand.u32 $0xFFFF0000, v6;
	v9 =	vmul.f32 v13, v60;
	v13 =	vld [tilespmem:s12+$0xFFFFFFA0];
	v0 =	vadd.f32 v0, v17  }
0x8d: {  	v5 =	vand.u32 $0xFFFF0000, v5;
	v6 =	vmul.f32 v6, v62;
	v15 =	vshll.u32 v1, $0x10  }
0x8e: {  	v14 =	vmul.f32 v15, v22;
	v15 =	vld [tilespmem:s10+$0xFFFFFFE0];
	[tilespmem:$0x1FED0] =	vst v18;
	v2 =	vadd.f32 v4, v2;
	v4 =	vperm.xlane v0, v20  }
0x8f: {  	v5 =	vmul.f32 v5, v8;
	v1 =	vand.u32 $0xFFFF0000, v1;
	v3 =	vadd.f32 v9, v3;
	v7 =	vld [tilespmem:s12+$0xFFFFFFE0]  }
0x90: {  	v1 =	vmul.f32 v1, v53;
	v10 =	vld [tilespmem:s10+$0x20];
	v12 =	vadd.f32 v14, v12;
	v0 =	vadd.f32 v0, v4  }
0x91: {  	v3 =	vadd.f32 v3, v6;
	v11 =	vld [tilespmem:s12+$0x20];
	v51 =	vshll.u32 v16, $0x10;
	v14 =	vshll.u32 v13, $0x10  }
0x92: {  	v14 =	vmul.f32 v14, v51;
	v1 =	vadd.f32 v12, v1;
	v12 =	vperm.xlane v0, v21  }
0x93: {  	v18 =	vld [tilespmem:s10+$0xFFFFFFB0];
	v50 =	vand.u32 $0xFFFF0000, v16;
	v13 =	vand.u32 $0xFFFF0000, v13;
	v2 =	vadd.f32 v2, v5  }
0x94: {  	v16 =	vld [tilespmem:s12+$0xFFFFFFF0];
	v59 =	vshll.u32 v15, $0x10;
	v3 =	vadd.f32 v3, v14;
	v0 =	vadd.f32 v0, v12  }
0x95: {  	v9 =	vmovc v8;
	v5 =	vld [tilespmem:s10+$0xFFFFFFF0];
	v14 =	vmul.f32 v13, v50;
	v17 =	vshll.u32 v7, $0x10;
	v8 =	vshll.u32 v10, $0x10  }
0x96: {  	v6 =	vshll.u32 v11, $0x10;
	v7 =	vand.u32 $0xFFFF0000, v7;
	v4 =	vld [tilespmem:s12+$0xFFFFFFB0];
	v0 =	vsub.f32 $0.0e+00, v0  }
0x97: {  	v11 =	vand.u32 $0xFFFF0000, v11;
	v17 =	vmul.f32 v17, v59;
	v6 =	vmul.f32 v6, v8  }
0x98: {  	v49 =	vshll.u32 v18, $0x10;
	[tilespmem:$0x1FEE0] =	vst v8;
	v8 =	vand.u32 $0xFFFF0000, v15;
	v0 =	vmul.f32 $1.442695020e+00, v0  }
0x99: {  	v1 =	vadd.f32 v1, v17;
	v2 =	vadd.f32 v2, v6;
	v6 =	vmul.f32 v7, v8  }
0x9a: {  	v48 =	vand.u32 $0xFFFF0000, v18;
	v19 =	vld [tilespmem:s10+$0x30];
	v13 =	vmovc v8;
	v8 =	vshll.u32 v5, $0x10;
	(erf) = vpow2.f32 v0  }
0x9b: {  	v20 =	vld [tilespmem:s12+$0x30];
	v17 =	vshll.u32 v16, $0x10;
	v1 =	vadd.f32 v1, v6;
	v7 =	vshll.u32 v4, $0x10  }
0x9c: {  	v12 =	vand.u32 $0xFFFF0000, v10;
	v6 =	vmul.f32 v7, v49;
	v7 =	vmul.f32 v17, v8  }
0x9d: {  	v18 =	vld [tilespmem:$0x1FFC0];
	v4 =	vand.u32 $0xFFFF0000, v4;
	v17 =	vand.u32 $0xFFFF0000, v5;
	v5 =	vand.u32 $0xFFFF0000, v16  }
0x9e: {  	v5 =	vmul.f32 v5, v17;
	v1 =	vadd.f32 v1, v7;
	v0 =	vadd.f32 v3, v14  }
0x9f: {  	v15 =	vmul.f32 v11, v12;
	v11 =	vshll.u32 v19, $0x10;
	v4 =	vmul.f32 v4, v48  }
0xa0: {  	v3 =	vshll.u32 v20, $0x10;
	v1 =	vadd.f32 v1, v5;
	v0 =	vadd.f32 v0, v6  }
0xa1: {  	v2 =	vadd.f32 v2, v15;
	v15 =	vand.u32 $0xFFFF0000, v19;
	v3 =	vmul.f32 v3, v11  }
0xa2: {  	v6 =	vand.u32 $0xFFFF0000, v20;
	v0 =	vadd.f32 v0, v4;
	v4 =	vperm.xlane v1, v18  }
0xa3: {  	v2 =	vadd.f32 v2, v3;
	v3 =	vmul.f32 v6, v15;
	v7 =	vpop (erf)  }
0xa4: {  	v14 =	vmov v8;
	v8 =	vld [tilespmem:$0x1FFD0];
	v1 =	vadd.f32 v1, v4;
	v4 =	vadd.f32 $1.000000000e+00, v7  }
0xa5: {  	v2 =	vadd.f32 v2, v3;
	v7 =	vld [tilespmem:$0x1FFD0]  }
0xa6: {  	s14 =	sadd.s32 $0x100, s10;
	v3 =	vperm.xlane v0, v18;
	(erf) = vrcp.f32 v4;
	v4 =	vld [tilespmem:$0x1FFD0]  }
0xa7: {  	s8 =	sadd.s32 $0x100, s12;
	v6 =	vld [tilespmem:s14+$0x40];
	v5 =	vperm.xlane v2, v18  }
0xa8: {  	v0 =	vadd.f32 v0, v3;
	v3 =	vld [tilespmem:s8+$0x40]  }
0xa9: {  	v2 =	vadd.f32 v2, v5  }
0xaa: {  	v20 =	vld [tilespmem:s8+$0x50];
	v7 =	vperm.xlane v0, v7  }
0xab: {  	v16 =	vperm.xlane v1, v8;
	v5 =	vld [tilespmem:s14+$0x50];
	v4 =	vperm.xlane v2, v4  }
0xac: {  	v10 =	vshll.u32 v6, $0x10;
	v8 =	vand.u32 $0xFFFF0000, v6;
	v0 =	vadd.f32 v0, v7;
	v7 =	vld [tilespmem:s14+$0x60]  }
0xad: {  	v6 =	vshll.u32 v3, $0x10;
	v3 =	vand.u32 $0xFFFF0000, v3;
	v2 =	vadd.f32 v2, v4;
	v4 =	vld [tilespmem:s8+$0x60]  }
0xae: {  	v3 =	vmul.f32 v3, v8;
	[tilespmem:$0x1FF00] =	vst v8;
	v8 =	vld [tilespmem:$0x1FFE0];
	_ =	sdelay $0x4  }
0xaf: {  	v6 =	vmul.f32 v6, v10;
	[tilespmem:$0x1FEF0] =	vst v10;
	v10 =	vmov v21;
	v21 =	vperm.xlane v0, v8;
	v8 =	vld [tilespmem:$0x1FFE0];
	_ =	sdelay $0x2  }
0xb0: {  	v1 =	vadd.f32 v1, v16;
	_ =	sdelay $0x1  }
0xb1: {  	v22 =	vperm.xlane v1, v8;
	v8 =	vld [tilespmem:$0x1FFE0];
	_ =	sdelay $0x2  }
0xb2: {  	v19 =	vshll.u32 v20, $0x10;
	v16 =	vshll.u32 v5, $0x10  }
0xb3: {  	v3 =	vadd.f32 v3, v6;
	v6 =	vmul.f32 v19, v16;
	[tilespmem:$0x1FF10] =	vst v16  }
0xb4: {  	v25 =	vld [tilespmem:s14+$0x70];
	v23 =	vperm.xlane v2, v8;
	v8 =	vand.u32 $0xFFFF0000, v5;
	v5 =	vand.u32 $0xFFFF0000, v20  }
0xb5: {  	v3 =	vadd.f32 v6, v3;
	v20 =	vld [tilespmem:s8+$0x70];
	[tilespmem:$0x1FF20] =	vst v8;
	v5 =	vmul.f32 v5, v8;
	v8 =	vshll.u32 v7, $0x10  }
0xb6: {  	v6 =	vshll.u32 v4, $0x10;
	v4 =	vand.u32 $0xFFFF0000, v4;
	v0 =	vadd.f32 v0, v21;
	[tilespmem:$0x1FF30] =	vst v8  }
0xb7: {  	v3 =	vadd.f32 v3, v5;
	v5 =	vmul.f32 v6, v8;
	v21 =	vld [tilespmem:s8+$0xFFFFFF80];
	v8 =	vand.u32 $0xFFFF0000, v7  }
0xb8: {  	v1 =	vadd.f32 v1, v22;
	v2 =	vadd.f32 v2, v23;
	v6 =	vperm.xlane v0, v10;
	v26 =	vld [tilespmem:s14+$0xFFFFFFC0];
	[tilespmem:$0x1FF40] =	vst v8  }
0xb9: {  	v4 =	vmul.f32 v4, v8;
	v8 =	vshll.u32 v25, $0x10;
	v3 =	vadd.f32 v3, v5;
	v5 =	vld [tilespmem:s8+$0xFFFFFFC0]  }
0xba: {  	v7 =	vperm.xlane v1, v10;
	v27 =	vperm.xlane v2, v10;
	v28 =	vld [tilespmem:s14+$0x0];
	[tilespmem:$0x1FF50] =	vst v8  }
0xbb: {  	v44 =	vand.u32 $0xFFFF0000, v25;
	v0 =	vadd.f32 v0, v6;
	v6 =	vshll.u32 v20, $0x10;
	v29 =	vld [tilespmem:s14+$0xFFFFFF80]  }
0xbc: {  	v20 =	vand.u32 $0xFFFF0000, v20;
	v1 =	vadd.f32 v1, v7;
	v7 =	vld [tilespmem:s8+$0x0];
	v2 =	vadd.f32 v2, v27  }
0xbd: {  	v32 =	vld [tilespmem:s14+$0xFFFFFF90];
	v3 =	vadd.f32 v3, v4;
	v4 =	vmul.f32 v6, v8;
	v6 =	vsub.f32 $0.0e+00, v0  }
0xbe: {  	v35 =	vld [tilespmem:s14+$0xFFFFFFD0];
	v25 =	vshll.u32 v21, $0x10;
	v30 =	vand.u32 $0xFFFF0000, v21;
	v21 =	vshll.u32 v26, $0x10  }
0xbf: {  	v36 =	vld [tilespmem:s8+$0xFFFFFFD0];
	v16 =	vand.u32 $0xFFFF0000, v26;
	v3 =	vadd.f32 v3, v4;
	v4 =	vmul.f32 v20, v44  }
0xc0: {  	v40 =	vld [tilespmem:s8+$0x10];
	v6 =	vmul.f32 $1.442695020e+00, v6;
	v31 =	vshll.u32 v28, $0x10;
	v33 =	vand.u32 $0xFFFF0000, v28  }
0xc1: {  	v3 =	vadd.f32 v3, v4;
	v4 =	vshll.u32 v5, $0x10;
	v5 =	vand.u32 $0xFFFF0000, v5  }
0xc2: {  	v19 =	vld [tilespmem:$0x1FFD0];
	v28 =	vshll.u32 v29, $0x10;
	v38 =	vshll.u32 v7, $0x10;
	v26 =	vand.u32 $0xFFFF0000, v29  }
0xc3: {  	v34 =	vld [tilespmem:s8+$0xFFFFFF90];
	v7 =	vand.u32 $0xFFFF0000, v7;
	v29 =	vshll.u32 v32, $0x10;
	v22 =	vshll.u32 v35, $0x10  }
0xc4: {  	v39 =	vld [tilespmem:s14+$0x10];
	v42 =	vshll.u32 v36, $0x10;
	v25 =	vmul.f32 v25, v28;
	v30 =	vmul.f32 v30, v26  }
0xc5: {  	v45 =	vshll.u32 v40, $0x10;
	v4 =	vmul.f32 v4, v21;
	v37 =	vperm.xlane v3, v18  }
0xc6: {  	v32 =	vand.u32 $0xFFFF0000, v32;
	v5 =	vmul.f32 v5, v16;
	v38 =	vmul.f32 v38, v31  }
0xc7: {  	v7 =	vmul.f32 v7, v33;
	v54 =	vmul.f32 v42, v22;
	v3 =	vadd.f32 v3, v37  }
0xc8: {  	v20 =	vld [tilespmem:$0x1FFE0];
	v30 =	vadd.f32 v30, v25;
	v4 =	vadd.f32 v5, v4;
	v5 =	vshll.u32 v34, $0x10  }
0xc9: {  	v46 =	vld [tilespmem:s8+$0xFFFFFFA0];
	v5 =	vmul.f32 v5, v29;
	v37 =	vshll.u32 v39, $0x10;
	v25 =	vperm.xlane v3, v19  }
0xca: {  	v42 =	vand.u32 $0xFFFF0000, v36;
	v36 =	vld [tilespmem:s14+$0x20];
	v7 =	vadd.f32 v7, v38;
	v61 =	vmul.f32 v45, v37  }
0xcb: {  	v38 =	vld [tilespmem:s8+$0xFFFFFFE0];
	v5 =	vadd.f32 v5, v30;
	v30 =	vand.u32 $0xFFFF0000, v34;
	v3 =	vadd.f32 v3, v25  }
0xcc: {  	(erf) = vpow2.f32 v6;
	v6 =	vadd.f32 v61, v7;
	v7 =	vld [tilespmem:s14+$0xFFFFFFE0];
	v30 =	vmul.f32 v30, v32  }
0xcd: {  	v1 =	vsub.f32 $0.0e+00, v1;
	v43 =	vand.u32 $0xFFFF0000, v40;
	v45 =	vld [tilespmem:s14+$0xFFFFFFA0];
	v27 =	vperm.xlane v3, v20  }
0xce: {  	v47 =	vld [tilespmem:s8+$0x20];
	v39 =	vand.u32 $0xFFFF0000, v39;
	v4 =	vadd.f32 v54, v4;
	v5 =	vadd.f32 v5, v30  }
0xcf: {  	v30 =	vmul.f32 v43, v39;
	v3 =	vadd.f32 v3, v27;
	v27 =	vand.u32 $0xFFFF0000, v35  }
0xd0: {  	v54 =	vshll.u32 v46, $0x10;
	v40 =	vshll.u32 v36, $0x10;
	v34 =	vmul.f32 v42, v27  }
0xd1: {  	v61 =	vshll.u32 v38, $0x10;
	v6 =	vadd.f32 v6, v30;
	v30 =	vshll.u32 v7, $0x10  }
0xd2: {  	v42 =	vperm.xlane v3, v10;
	v4 =	vadd.f32 v4, v34;
	v34 =	vshll.u32 v45, $0x10  }
0xd3: {  	v35 =	vmul.f32 v54, v34;
	v54 =	vmul.f32 v61, v30;
	v61 =	vshll.u32 v47, $0x10  }
0xd4: {  	v1 =	vmul.f32 $1.442695020e+00, v1;
	v3 =	vadd.f32 v3, v42;
	v42 =	vmul.f32 v61, v40;
	v61 =	vld [tilespmem:s14+$0xFFFFFFB0]  }
0xd5: {  	v2 =	vsub.f32 $0.0e+00, v2;
	v41 =	vadd.f32 v5, v35;
	v5 =	vld [tilespmem:s8+$0xFFFFFFB0]  }
0xd6: {  	(erf) = vpow2.f32 v1;
	v38 =	vand.u32 $0xFFFF0000, v38;
	v54 =	vadd.f32 v4, v54  }
0xd7: {  	v1 =	vld [tilespmem:s14+$0xFFFFFFF0];
	v35 =	vand.u32 $0xFFFF0000, v45;
	v45 =	vand.u32 $0xFFFF0000, v46;
	v46 =	vand.u32 $0xFFFF0000, v7  }
0xd8: {  	v3 =	vsub.f32 $0.0e+00, v3;
	v7 =	vld [tilespmem:s8+$0xFFFFFFF0];
	v43 =	vadd.f32 v6, v42;
	v6 =	vmul.f32 $1.442695020e+00, v2  }
0xd9: {  	v42 =	vand.u32 $0xFFFF0000, v36;
	v45 =	vmul.f32 v45, v35;
	v38 =	vmul.f32 v38, v46  }
0xda: {  	v3 =	vmul.f32 $1.442695020e+00, v3;
	v36 =	vshll.u32 v61, $0x10;
	v0 =	vshll.u32 v5, $0x10  }
0xdb: {  	(erf) = vpow2.f32 v6;
	v6 =	vadd.f32 v41, v45;
	v0 =	vmul.f32 v0, v36  }
0xdc: {  	(erf) = vpow2.f32 v3;
	v3 =	vadd.f32 v54, v38  }
0xdd: {  	v54 =	vshll.u32 v1, $0x10;
	v0 =	vadd.f32 v6, v0;
	v6 =	vshll.u32 v7, $0x10  }
0xde: {  	v4 =	vld [tilespmem:s14+$0x30];
	v38 =	vand.u32 $0xFFFF0000, v61;
	v5 =	vand.u32 $0xFFFF0000, v5;
	v6 =	vmul.f32 v6, v54  }
0xdf: {  	v2 =	vld [tilespmem:s8+$0x30];
	v5 =	vmul.f32 v5, v38  }
0xe0: {  	v47 =	vand.u32 $0xFFFF0000, v47  }
0xe1: {  	v47 =	vmul.f32 v47, v42;
	v61 =	vand.u32 $0xFFFF0000, v1;
	v1 =	vand.u32 $0xFFFF0000, v7  }
0xe2: {  	v1 =	vmul.f32 v1, v61;
	v3 =	vadd.f32 v3, v6;
	v6 =	vpop (erf)  }
0xe3: {  	v41 =	vadd.f32 v43, v47;
	v45 =	vshll.u32 v4, $0x10;
	v0 =	vadd.f32 v0, v5;
	v5 =	vpop (erf)  }
0xe4: {  	v47 =	vshll.u32 v2, $0x10;
	v1 =	vadd.f32 v3, v1;
	v3 =	vadd.f32 $1.000000000e+00, v5;
	v5 =	vpop (erf)  }
0xe5: {  	v43 =	vmul.f32 v47, v45;
	v47 =	vand.u32 $0xFFFF0000, v4;
	v4 =	vadd.f32 $1.000000000e+00, v5;
	v5 =	vpop (erf)  }
0xe6: {  	(erf) = vrcp.f32 v3;
	v3 =	vadd.f32 $1.000000000e+00, v5;
	v5 =	vpop (erf)  }
0xe7: {  	(erf) = vrcp.f32 v4;
	v4 =	vadd.f32 $1.000000000e+00, v5;
	v5 =	vperm.xlane v0, v18  }
0xe8: {  	s9 =	smul.u32 $0xA000, s9;
	(erf) = vrcp.f32 v3;
	v3 =	vperm.xlane v1, v18;
	_ =	sdelay $0x1  }
0xe9: {  	s9 =	sshrl.u32 s9, $0x2;
	v0 =	vadd.f32 v0, v5;
	v5 =	vld [tilespmem:$0x1FF60];
	v1 =	vadd.f32 v1, v3;
	v3 =	vmul.f32 v63, v6  }
0xea: {  	s11 =	sadd.s32 $0x19920, s9  }
0xeb: {  	[tilespmem:s11+$0xF0] =	vst v3  }
0xec: {  	v3 =	vld [tilespmem:$0x1FF70];
	_ =	sdelay $0x1  }
0xed: {  	v5 =	vmul.f32 v5, v6;
	_ =	sdelay $0x1  }
0xee: {  	v2 =	vand.u32 $0xFFFF0000, v2;
	[tilespmem:s11+$0x80] =	vst v5  }
0xef: {  	v2 =	vmul.f32 v2, v47;
	v7 =	vadd.f32 v41, v43;
	v5 =	vld [tilespmem:$0x1FF80];
	v3 =	vmul.f32 v3, v6;
	_ =	sdelay $0x1  }
0xf0: {  	v2 =	vadd.f32 v7, v2;
	[tilespmem:s11+$0x90] =	vst v3  }
0xf1: {  	v3 =	vld [tilespmem:$0x1FF90]  }
0xf2: {  	(erf) = vrcp.f32 v4;
	v4 =	vperm.xlane v2, v18  }
0xf3: {  	v7 =	vperm.xlane v0, v19;
	v5 =	vmul.f32 v5, v6  }
0xf4: {  	v2 =	vadd.f32 v2, v4;
	v4 =	vperm.xlane v1, v19  }
0xf5: {  	v0 =	vadd.f32 v0, v7;
	[tilespmem:s11+$0xA0] =	vst v5;
	v5 =	vmul.f32 v52, v6  }
0xf6: {  	v1 =	vadd.f32 v1, v4;
	v4 =	vperm.xlane v2, v19;
	v3 =	vmul.f32 v3, v6  }
0xf7: {  	v7 =	vperm.xlane v0, v20  }
0xf8: {  	v4 =	vadd.f32 v2, v4;
	[tilespmem:s11+$0xB0] =	vst v3;
	v3 =	vmul.f32 v55, v6  }
0xf9: {  	v0 =	vadd.f32 v0, v7;
	[tilespmem:s11+$0xC0] =	vst v5;
	v55 =	vperm.xlane v1, v20;
	v6 =	vmul.f32 v56, v6;
	v5 =	vpop (erf)  }
0xfa: {  	v2 =	vpop (erf);
	v7 =	vmul.f32 v57, v5;
	v58 =	vmul.f32 v58, v5;
	[tilespmem:s11+$0xD0] =	vst v3  }
0xfb: {  	v3 =	vperm.xlane v4, v20;
	v57 =	vadd.f32 v1, v55;
	[tilespmem:s11+$0xE0] =	vst v6;
	v1 =	vpop (erf);
	v6 =	vperm.xlane v0, v10  }
0xfc: {  	[tilespmem:s11+$0xFFFFFF00] =	vst v7;
	v41 =	vpop (erf);
	v7 =	vmul.f32 v60, v5  }
0xfd: {  	[tilespmem:s11+$0xFFFFFF10] =	vst v58;
	v3 =	vadd.f32 v4, v3;
	v0 =	vadd.f32 v0, v6;
	v4 =	vmul.f32 v44, v41  }
0xfe: {  	s9 =	sadd.s32 $0x200, s11;
	[tilespmem:s11+$0xFFFFFF20] =	vst v7;
	v7 =	vmul.f32 v62, v5  }
0xff: {  	v63 =	vmul.f32 v51, v5;
	[tilespmem:s9+$0xF0] =	vst v4;
	v4 =	vperm.xlane v3, v10;
	v0 =	vsub.f32 $0.0e+00, v0  }
0x100: {  	[tilespmem:s11+$0xFFFFFF30] =	vst v7;
	v7 =	vmul.f32 v50, v5  }
0x101: {  	[tilespmem:s11+$0xFFFFFF40] =	vst v63;
	v3 =	vadd.f32 v3, v4;
	v4 =	vmul.f32 v49, v5;
	v0 =	vmul.f32 $1.442695020e+00, v0  }
0x102: {  	v60 =	vperm.xlane v57, v10;
	v5 =	vmul.f32 v48, v5;
	[tilespmem:s11+$0xFFFFFF50] =	vst v7  }
0x103: {  	[tilespmem:s11+$0xFFFFFF60] =	vst v4;
	(erf) = vpow2.f32 v0;
	v0 =	vmul.f32 v24, v2  }
0x104: {  	v6 =	vadd.f32 v57, v60;
	[tilespmem:s11+$0xFFFFFF70] =	vst v5  }
0x105: {  	v4 =	vsub.f32 $0.0e+00, v3;
	v3 =	vld [tilespmem:$0x1FFA0];
	[tilespmem:s11+$0xFFFFFF80] =	vst v0  }
0x106: {  	v6 =	vsub.f32 $0.0e+00, v6;
	v0 =	vld [tilespmem:$0x1FFB0];
	_ =	sdelay $0x1  }
0x107: {  	v6 =	vmul.f32 $1.442695020e+00, v6  }
0x108: {  	s15 =	smul.u32 $0xA000, s1  }
0x109: {  	(erf) = vpow2.f32 v6;
	v5 =	vmul.f32 v3, v2  }
0x10a: {  	s10 =	sshrl.u32 s15, $0x2;
	v3 =	vmul.f32 v0, v2;
	v0 =	vmul.f32 $1.442695020e+00, v4  }
0x10b: {  	s12 =	simm.s32 $0x4;
	s10 =	sadd.s32 $0x19820, s10;
	s14 =	sadd.s32 $0x100, s14;
	[tilespmem:s11+$0xFFFFFF90] =	vst v5;
	v5 =	vmul.f32 v53, v2;
	v4 =	vmul.f32 v59, v2  }
.LBB2_6:
0x10c: {  	v6 =	vld [tilespmem:s14+$0x40]  }
0x10d: {  	v7 =	vmov v61;
	v59 =	vld [tilespmem:s14+$0x60]  }
0x10e: {  	[tilespmem:$0x1FE50] =	vst v7;
	v7 =	vld [tilespmem:s14+$0x50]  }
0x10f: {  	v8 =	vmov v54;
	[tilespmem:s11+$0xFFFFFFC0] =	vst v4;
	v4 =	vld [tilespmem:$0x1FEB0]  }
0x110: {  	s8 =	sadd.s32 $0x100, s8;
	[tilespmem:$0x1FE60] =	vst v8;
	v8 =	vld [tilespmem:$0x1FEC0]  }
0x111: {  	[tilespmem:s11+$0xFFFFFFA0] =	vst v3;
	v3 =	vmov v46;
	v56 =	vld [tilespmem:s8+$0xFFFFFF80]  }
0x112: {  	(erf) = vpow2.f32 v0;
	[tilespmem:$0x1FE70] =	vst v3;
	v3 =	vld [tilespmem:s8+$0x40];
	v0 =	vmul.f32 v13, v2  }
0x113: {  	v57 =	vmul.f32 v11, v1;
	[tilespmem:s11+$0xFFFFFFB0] =	vst v5;
	v46 =	vld [tilespmem:s14+$0xFFFFFF90]  }
0x114: {  	v58 =	vmul.f32 v15, v1;
	v5 =	vmul.f32 v14, v2;
	[tilespmem:s11+$0xFFFFFFD0] =	vst v0;
	v0 =	vld [tilespmem:$0x1FED0]  }
0x115: {  	[tilespmem:$0x1FE80] =	vst v22;
	v2 =	vmul.f32 v17, v2;
	v17 =	vmov v31;
	v31 =	vld [tilespmem:s8+$0x50];
	v55 =	vmul.f32 v9, v1  }
0x116: {  	v10 =	vmovc v39;
	v39 =	vmul.f32 v12, v1;
	v48 =	vshll.u32 v6, $0x10;
	v4 =	vmul.f32 v4, v1;
	[tilespmem:s11+$0xFFFFFFE0] =	vst v5;
	v5 =	vld [tilespmem:$0x1FEE0]  }
0x117: {  	v22 =	vmovc v45;
	v9 =	vmovc v40;
	v44 =	vand.u32 $0xFFFF0000, v6;
	v51 =	vshll.u32 v59, $0x10;
	v40 =	vld [tilespmem:s14+$0xFFFFFFC0];
	[tilespmem:s11+$0xFFFFFFF0] =	vst v2;
	v6 =	vshll.u32 v3, $0x10  }
0x118: {  	v45 =	vld [tilespmem:s8+$0xFFFFFF90];
	v43 =	vmul.f32 v8, v1;
	v8 =	vmovc v42;
	v2 =	vand.u32 $0xFFFF0000, v3;
	[tilespmem:s11+$0x0] =	vst v4;
	v4 =	vmul.f32 v6, v48  }
0x119: {  	v49 =	vshll.u32 v7, $0x10;
	[tilespmem:$0x1FEA0] =	vst v8;
	v3 =	vld [tilespmem:s8+$0x60];
	v8 =	vmul.f32 v2, v44;
	v0 =	vmul.f32 v0, v1  }
0x11a: {  	v23 =	vmovc v47;
	v54 =	vld [tilespmem:s14+$0x70];
	v13 =	vmovc v37;
	v47 =	vshll.u32 v56, $0x10;
	v37 =	vand.u32 $0xFFFF0000, v56;
	[tilespmem:s11+$0x10] =	vst v43;
	v52 =	vshll.u32 v31, $0x10  }
0x11b: {  	v6 =	vld [tilespmem:s8+$0xFFFFFFC0];
	v4 =	vadd.f32 v8, v4;
	v43 =	vmul.f32 v52, v49;
	v5 =	vmul.f32 v5, v1;
	[tilespmem:s11+$0x20] =	vst v0  }
0x11c: {  	[tilespmem:$0x1FEE0] =	vst v9;
	v60 =	vshll.u32 v46, $0x10;
	v52 =	vand.u32 $0xFFFF0000, v7;
	v7 =	vand.u32 $0xFFFF0000, v31;
	v50 =	vld [tilespmem:s14+$0x0]  }
0x11d: {  	v9 =	vshll.u32 v45, $0x10;
	v7 =	vmul.f32 v7, v52;
	v4 =	vadd.f32 v43, v4;
	[tilespmem:s11+$0x40] =	vst v5;
	v5 =	vld [tilespmem:s8+$0x70]  }
0x11e: {  	v45 =	vand.u32 $0xFFFF0000, v45;
	v9 =	vmul.f32 v9, v60;
	v1 =	vpop (erf);
	v31 =	vshll.u32 v3, $0x10  }
0x11f: {  	v61 =	vld [tilespmem:s8+$0xFFFFFFD0];
	v62 =	vadd.f32 $1.000000000e+00, v1;
	v4 =	vadd.f32 v4, v7;
	v7 =	vmul.f32 v31, v51  }
0x120: {  	v43 =	vand.u32 $0xFFFF0000, v40;
	v3 =	vand.u32 $0xFFFF0000, v3;
	[tilespmem:s11+$0x30] =	vst v55;
	v55 =	vand.u32 $0xFFFF0000, v59  }
0x121: {  	v0 =	vshll.u32 v40, $0x10;
	v40 =	vld [tilespmem:s14+$0xFFFFFF80];
	[tilespmem:s11+$0x50] =	vst v39;
	v3 =	vmul.f32 v3, v55;
	v4 =	vadd.f32 v4, v7  }
0x122: {  	v42 =	vshll.u32 v6, $0x10;
	v59 =	vshll.u32 v54, $0x10;
	v39 =	vld [tilespmem:s8+$0x0];
	[tilespmem:s11+$0x60] =	vst v57;
	v53 =	vshll.u32 v5, $0x10  }
0x123: {  	v6 =	vand.u32 $0xFFFF0000, v6;
	[tilespmem:s11+$0x70] =	vst v58;
	v3 =	vadd.f32 v4, v3;
	v4 =	vmul.f32 v53, v59  }
0x124: {  	v12 =	vshll.u32 v61, $0x10;
	v58 =	vand.u32 $0xFFFF0000, v54;
	v63 =	vld [tilespmem:s14+$0x10];
	v5 =	vand.u32 $0xFFFF0000, v5  }
0x125: {  	v6 =	vmul.f32 v6, v43;
	v3 =	vadd.f32 v3, v4;
	v4 =	vmul.f32 v5, v58  }
0x126: {  	v14 =	vmovc v33;
	v7 =	vld [tilespmem:s14+$0xFFFFFFD0];
	v56 =	vand.u32 $0xFFFF0000, v40;
	v31 =	vshll.u32 v50, $0x10;
	v33 =	vand.u32 $0xFFFF0000, v50  }
0x127: {  	v54 =	vmul.f32 v37, v56;
	v53 =	vshll.u32 v40, $0x10;
	v40 =	vld [tilespmem:s8+$0x10];
	v3 =	vadd.f32 v3, v4  }
0x128: {  	v8 =	vld [tilespmem:s8+$0xFFFFFFA0];
	v57 =	vshll.u32 v39, $0x10;
	v50 =	vand.u32 $0xFFFF0000, v39;
	v39 =	vmul.f32 v42, v0  }
0x129: {  	v42 =	vld [tilespmem:s14+$0xFFFFFFE0];
	v47 =	vmul.f32 v47, v53;
	v37 =	vshll.u32 v63, $0x10;
	v11 =	vperm.xlane v3, v18  }
0x12a: {  	v6 =	vadd.f32 v6, v39;
	v39 =	vand.u32 $0xFFFF0000, v63;
	v4 =	vmul.f32 v57, v31  }
0x12b: {  	[tilespmem:$0x1FEC0] =	vst v14;
	v57 =	vmul.f32 v50, v33;
	v50 =	vshll.u32 v7, $0x10;
	v11 =	vadd.f32 v3, v11  }
0x12c: {  	[tilespmem:$0x1FED0] =	vst v13;
	v13 =	vld [tilespmem:s14+$0x20];
	v47 =	vadd.f32 v54, v47;
	v14 =	vshll.u32 v40, $0x10;
	v12 =	vmul.f32 v12, v50  }
0x12d: {  	v40 =	vand.u32 $0xFFFF0000, v40;
	v3 =	vand.u32 $0xFFFF0000, v46;
	v46 =	vperm.xlane v11, v19  }
0x12e: {  	v5 =	vld [tilespmem:s14+$0xFFFFFFA0];
	v9 =	vadd.f32 v9, v47;
	v47 =	vshll.u32 v8, $0x10;
	v63 =	vshll.u32 v42, $0x10  }
0x12f: {  	v25 =	vmovc v21;
	v21 =	vld [tilespmem:$0x1FFF0];
	v8 =	vand.u32 $0xFFFF0000, v8;
	v4 =	vadd.f32 v57, v4;
	v11 =	vadd.f32 v11, v46  }
0x130: {  	v54 =	vld [tilespmem:s8+$0x20];
	v14 =	vmul.f32 v14, v37;
	v57 =	vand.u32 $0xFFFF0000, v7;
	v7 =	vand.u32 $0xFFFF0000, v61  }
0x131: {  	v18 =	vld [tilespmem:s8+$0xFFFFFFF0];
	v61 =	vmul.f32 v40, v39;
	v40 =	vshll.u32 v13, $0x10;
	v46 =	vperm.xlane v11, v20  }
0x132: {  	v6 =	vadd.f32 v12, v6;
	v7 =	vmul.f32 v7, v57;
	v14 =	vadd.f32 v14, v4  }
0x133: {  	[tilespmem:$0x1FE90] =	vst v10;
	v10 =	vld [tilespmem:s8+$0xFFFFFFE0];
	v4 =	vshll.u32 v5, $0x10;
	v45 =	vmul.f32 v45, v3;
	v11 =	vadd.f32 v11, v46  }
0x134: {  	v5 =	vand.u32 $0xFFFF0000, v5;
	v6 =	vadd.f32 v6, v7;
	v47 =	vmul.f32 v47, v4  }
0x135: {  	v12 =	vld [tilespmem:s14+$0x30];
	v7 =	vadd.f32 v14, v61;
	v9 =	vadd.f32 v9, v45;
	v14 =	vperm.xlane v11, v21  }
0x136: {  	v8 =	vmul.f32 v8, v5;
	v45 =	vshll.u32 v54, $0x10;
	v61 =	vshll.u32 v18, $0x10  }
0x137: {  	[tilespmem:$0x1FEB0] =	vst v17;
	v17 =	vld [tilespmem:s14+$0xFFFFFFF0];
	v45 =	vmul.f32 v45, v40;
	v9 =	vadd.f32 v9, v47;
	v11 =	vadd.f32 v11, v14  }
0x138: {  	v15 =	vld [tilespmem:s14+$0xFFFFFFB0];
	v20 =	vshll.u32 v10, $0x10;
	v10 =	vand.u32 $0xFFFF0000, v10;
	v46 =	vand.u32 $0xFFFF0000, v42  }
0x139: {  	v24 =	vmovc v16;
	v16 =	vld [tilespmem:s8+$0xFFFFFFB0];
	v42 =	vand.u32 $0xFFFF0000, v13;
	v13 =	vand.u32 $0xFFFF0000, v54;
	v11 =	vsub.f32 $0.0e+00, v11  }
0x13a: {  	v7 =	vadd.f32 v7, v45;
	v45 =	vshll.u32 v12, $0x10;
	v13 =	vmul.f32 v13, v42  }
0x13b: {  	v19 =	vld [tilespmem:s8+$0x30];
	v20 =	vmul.f32 v20, v63;
	v8 =	vadd.f32 v9, v8;
	v11 =	vmul.f32 $1.442695020e+00, v11  }
0x13c: {  	v1 =	vpop (erf);
	v54 =	vshll.u32 v17, $0x10;
	v10 =	vmul.f32 v10, v46;
	v13 =	vadd.f32 v7, v13  }
0x13d: {  	v2 =	vpop (erf);
	v7 =	vand.u32 $0xFFFF0000, v15;
	v14 =	vadd.f32 v6, v20;
	(erf) = vpow2.f32 v11  }
0x13e: {  	v6 =	vshll.u32 v15, $0x10;
	v20 =	vshll.u32 v16, $0x10;
	v15 =	vand.u32 $0xFFFF0000, v16  }
0x13f: {  	v16 =	vand.u32 $0xFFFF0000, v18;
	v9 =	vadd.f32 v14, v10;
	v14 =	vmul.f32 v61, v54  }
0x140: {  	v18 =	vld [tilespmem:$0x1FFC0];
	v10 =	vshll.u32 v19, $0x10;
	v61 =	vand.u32 $0xFFFF0000, v17;
	v11 =	vmul.f32 v20, v6  }
0x141: {  	v10 =	vmul.f32 v10, v45;
	v9 =	vadd.f32 v9, v14;
	v14 =	vmul.f32 v16, v61  }
0x142: {  	v47 =	vand.u32 $0xFFFF0000, v12;
	v8 =	vadd.f32 v8, v11;
	v11 =	vand.u32 $0xFFFF0000, v19  }
0x143: {  	v10 =	vadd.f32 v13, v10;
	v9 =	vadd.f32 v9, v14;
	v13 =	vmul.f32 v11, v47  }
0x144: {  	v1 =	vadd.f32 $1.000000000e+00, v1;
	v2 =	vadd.f32 $1.000000000e+00, v2  }
0x145: {  	(erf) = vrcp.f32 v62;
	v10 =	vadd.f32 v10, v13;
	v13 =	vperm.xlane v9, v18  }
0x146: {  	v11 =	vpop (erf);
	(erf) = vrcp.f32 v1  }
0x147: {  	(erf) = vrcp.f32 v2;
	v2 =	vadd.f32 v9, v13;
	v9 =	vld [tilespmem:$0x1FF00]  }
0x148: {  	v12 =	vmul.f32 v15, v7;
	_ =	sdelay $0x1  }
0x149: {  	v8 =	vadd.f32 v8, v12  }
0x14a: {  	v19 =	vld [tilespmem:$0x1FFD0]  }
0x14b: {  	v14 =	vmov v48;
	v12 =	vld [tilespmem:$0x1FEF0];
	v1 =	vperm.xlane v8, v18;
	v9 =	vmul.f32 v9, v41  }
0x14c: {  	[tilespmem:$0x1FEF0] =	vst v14;
	v14 =	vperm.xlane v10, v18;
	v15 =	vadd.f32 $1.000000000e+00, v11  }
0x14d: {  	v1 =	vadd.f32 v8, v1;
	[tilespmem:s9+$0x90] =	vst v9;
	v9 =	vld [tilespmem:$0x1FF20]  }
0x14e: {  	v11 =	vmov v44;
	v8 =	vadd.f32 v10, v14;
	v10 =	vld [tilespmem:$0x1FF10];
	(erf) = vrcp.f32 v15  }
0x14f: {  	[tilespmem:$0x1FF00] =	vst v11;
	v15 =	vperm.xlane v2, v19;
	v11 =	vperm.xlane v1, v19  }
0x150: {  	v12 =	vmul.f32 v12, v41  }
0x151: {  	v1 =	vadd.f32 v1, v11;
	v11 =	vadd.f32 v2, v15;
	v2 =	vld [tilespmem:$0x1FF30]  }
0x152: {  	v13 =	vmov v49;
	[tilespmem:s9+$0x80] =	vst v12;
	v9 =	vmul.f32 v9, v41  }
0x153: {  	v20 =	vld [tilespmem:$0x1FFE0];
	[tilespmem:$0x1FF10] =	vst v13;
	v10 =	vmul.f32 v10, v41  }
0x154: {  	[tilespmem:s9+$0xB0] =	vst v9;
	v9 =	vld [tilespmem:$0x1FF40]  }
0x155: {  	v14 =	vmov v52;
	[tilespmem:s9+$0xA0] =	vst v10;
	v10 =	vld [tilespmem:$0x1FF50]  }
0x156: {  	v13 =	vperm.xlane v8, v19;
	v15 =	vmov v51;
	[tilespmem:$0x1FF20] =	vst v14;
	v16 =	vmul.f32 v2, v41  }
0x157: {  	[tilespmem:$0x1FF30] =	vst v15  }
0x158: {  	v17 =	vmov v55;
	v12 =	vpop (erf);
	v8 =	vadd.f32 v8, v13;
	v13 =	vperm.xlane v1, v20;
	[tilespmem:s9+$0xC0] =	vst v16  }
0x159: {  	v16 =	vmul.f32 v28, v12;
	[tilespmem:$0x1FF40] =	vst v17;
	v52 =	vmul.f32 v9, v41;
	v9 =	vmov v59  }
0x15a: {  	v15 =	vperm.xlane v8, v20;
	v10 =	vmul.f32 v10, v41;
	[tilespmem:$0x1FF50] =	vst v9;
	v9 =	vadd.f32 v1, v13  }
0x15b: {  	v14 =	vperm.xlane v11, v20;
	[tilespmem:s9+$0xFFFFFF00] =	vst v16  }
0x15c: {  	v8 =	vadd.f32 v8, v15;
	v2 =	vpop (erf);
	[tilespmem:s9+$0xE0] =	vst v10;
	v13 =	vmul.f32 v26, v12;
	v62 =	vperm.xlane v9, v21  }
0x15d: {  	v11 =	vadd.f32 v11, v14;
	v14 =	vmul.f32 v32, v12;
	v10 =	vmul.f32 v29, v12;
	v1 =	vpop (erf);
	[tilespmem:s9+$0xD0] =	vst v52  }
0x15e: {  	s11 =	smov.u32 s9;
	v32 =	vmov v3;
	v17 =	vperm.xlane v8, v21;
	v41 =	vpop (erf);
	[tilespmem:s9+$0xFFFFFF10] =	vst v13;
	v3 =	vadd.f32 v9, v62  }
0x15f: {  	v16 =	vmul.f32 v58, v41;
	v13 =	vperm.xlane v11, v21;
	[tilespmem:s11+$0xFFFFFF20] =	vst v10  }
0x160: {  	v8 =	vadd.f32 v8, v17;
	s9 =	sadd.s32 $0x200, s9;
	v10 =	vmul.f32 v35, v12;
	[tilespmem:s11+$0xFFFFFF30] =	vst v14;
	v3 =	vsub.f32 $0.0e+00, v3  }
0x161: {  	s12 =	sadd.s32 $0x4, s12;
	v15 =	vmov v23;
	[tilespmem:s9+$0xF0] =	vst v16;
	v9 =	vmul.f32 v34, v12;
	v23 =	vadd.f32 v11, v13  }
0x162: {  	p3 =	slt.u32 s12, $0x4C;
	v8 =	vsub.f32 $0.0e+00, v8;
	v21 =	vmovc v0;
	v13 =	vmul.f32 v36, v12;
	v34 =	vmovc v4;
	[tilespmem:s11+$0xFFFFFF50] =	vst v10;
	v4 =	vmul.f32 $1.442695020e+00, v3;
	v3 =	vld [tilespmem:$0x1FE80]  }
.Ltmp1:
0x163: {  	v17 =	vld [tilespmem:$0x1FE50];
	v35 =	vmovc v5;
	v5 =	vmul.f32 v27, v2;
	v10 =	vmul.f32 v24, v2;
	[tilespmem:s11+$0xFFFFFF40] =	vst v9;
	v0 =	vsub.f32 $0.0e+00, v23;
	(pc) =	sbr.rel @p3 .LBB2_6-.Ltmp1, $4  }
0x164: {  	v28 =	vmov v53;
	v14 =	vld [tilespmem:$0x1FE60];
	v9 =	vmul.f32 v38, v12;
	v12 =	vmul.f32 v25, v2;
	[tilespmem:s11+$0xFFFFFF60] =	vst v13  }
0x165: {  	v29 =	vmovc v60;
	v26 =	vmovc v56;
	v36 =	vmov v6;
	v13 =	vld [tilespmem:$0x1FE70];
	[tilespmem:s11+$0xFFFFFF90] =	vst v10;
	v6 =	vmul.f32 $1.442695020e+00, v0;
	v0 =	vmul.f32 $1.442695020e+00, v8  }
0x166: {  	v27 =	vmovc v57;
	v11 =	vmovc v22;
	v22 =	vmov v50;
	[tilespmem:s11+$0xFFFFFF70] =	vst v9;
	v9 =	vld [tilespmem:$0x1FE90];
	(erf) = vpow2.f32 v4;
	v4 =	vmul.f32 v30, v2  }
0x167: {  	s14 =	sadd.s32 $0x100, s14;
	v16 =	vmovc v43;
	v38 =	vmovc v7;
	[tilespmem:s11+$0xFFFFFF80] =	vst v12;
	v12 =	vld [tilespmem:$0x1FEA0];
	v30 =	vmov v63;
	(erf) = vpow2.f32 v6;
	v3 =	vmul.f32 v3, v2  }
0x168: {  	_ = 	snop  }
0x169: {  	[tilespmem:s11+$0xFFFFFFB0] =	vst v5  }
0x16a: {  	[tilespmem:s11+$0xFFFFFFC0] =	vst v4;
	v58 =	vmul.f32 v13, v2  }
0x16b: {  	[tilespmem:s11+$0xFFFFFFA0] =	vst v3;
	v59 =	vmul.f32 v14, v2  }
0x16c: {  	[tilespmem:s11+$0xFFFFFFD0] =	vst v58  }
0x16d: {  	v3 =	vld [tilespmem:$0x1FEB0];
	[tilespmem:s11+$0xFFFFFFE0] =	vst v59  }
0x16e: {  	v4 =	vld [tilespmem:$0x1FEC0]  }
0x16f: {  	v60 =	vmul.f32 v17, v2;
	_ =	sdelay $0x1  }
0x170: {  	[tilespmem:s11+$0xFFFFFFF0] =	vst v60  }
0x171: {  	v2 =	vld [tilespmem:$0x1FED0];
	v3 =	vmul.f32 v3, v1  }
0x172: {  	v4 =	vmul.f32 v4, v1  }
0x173: {  	[tilespmem:s11+$0x0] =	vst v3  }
0x174: {  	[tilespmem:s11+$0x10] =	vst v4  }
0x175: {  	v8 =	vld [tilespmem:$0x1FEE0]  }
0x176: {  	v2 =	vmul.f32 v2, v1  }
0x177: {  	v63 =	vmul.f32 v9, v1  }
0x178: {  	v9 =	vmul.f32 v12, v1;
	[tilespmem:s11+$0x20] =	vst v2  }
0x179: {  	v10 =	vmul.f32 v11, v1;
	[tilespmem:s11+$0x30] =	vst v63  }
0x17a: {  	v62 =	vpop (erf);
	(erf) = vpow2.f32 v0;
	[tilespmem:s11+$0x50] =	vst v9;
	v0 =	vmul.f32 v8, v1  }
0x17b: {  	v11 =	vmul.f32 v15, v1;
	[tilespmem:s11+$0x60] =	vst v10  }
0x17c: {  	[tilespmem:s11+$0x40] =	vst v0  }
0x17d: {  	v12 =	vld [tilespmem:$0x1FEF0];
	[tilespmem:s11+$0x70] =	vst v11  }
0x17e: {  	v0 =	vld [tilespmem:$0x1FF00];
	_ =	sdelay $0x2  }
0x17f: {  	v3 =	vadd.f32 $1.000000000e+00, v62  }
0x180: {  	v1 =	vmul.f32 v12, v41  }
0x181: {  	(erf) = vrcp.f32 v3;
	v0 =	vmul.f32 v0, v41  }
0x182: {  	[tilespmem:s9+$0x80] =	vst v1  }
0x183: {  	v1 =	vld [tilespmem:$0x1FF10];
	[tilespmem:s9+$0x90] =	vst v0  }
0x184: {  	v0 =	vld [tilespmem:$0x1FF20]  }
0x185: {  	v13 =	vpop (erf)  }
0x186: {  	v2 =	vadd.f32 $1.000000000e+00, v13;
	_ =	sdelay $0x1  }
0x187: {  	(erf) = vrcp.f32 v2;
	v1 =	vmul.f32 v1, v41  }
0x188: {  	v14 =	vpop (erf);
	v0 =	vmul.f32 v0, v41  }
0x189: {  	v24 =	vpop (erf);
	[tilespmem:s9+$0xA0] =	vst v1  }
0x18a: {  	v25 =	vmul.f32 v28, v24;
	v1 =	vld [tilespmem:$0x1FF30];
	[tilespmem:s9+$0xB0] =	vst v0  }
0x18b: {  	v26 =	vmul.f32 v26, v24;
	v0 =	vld [tilespmem:$0x1FF40]  }
0x18c: {  	v28 =	vmul.f32 v29, v24;
	v29 =	vmul.f32 v32, v24;
	v32 =	vadd.f32 $1.000000000e+00, v14;
	v15 =	vld [tilespmem:$0x1FF50];
	[tilespmem:s9+$0xFFFFFF00] =	vst v25  }
0x18d: {  	[tilespmem:s9+$0xFFFFFF10] =	vst v26  }
0x18e: {  	v34 =	vmul.f32 v34, v24;
	(erf) = vrcp.f32 v32;
	[tilespmem:s9+$0xFFFFFF20] =	vst v28  }
0x18f: {  	v35 =	vmul.f32 v35, v24;
	[tilespmem:s9+$0xFFFFFF30] =	vst v29  }
0x190: {  	v44 =	vmul.f32 v38, v24;
	v43 =	vpop (erf);
	[tilespmem:s9+$0xFFFFFF40] =	vst v34  }
0x191: {  	v48 =	vmul.f32 v21, v43;
	[tilespmem:s9+$0xFFFFFF50] =	vst v35  }
0x192: {  	v49 =	vmul.f32 v16, v43;
	[tilespmem:s9+$0xFFFFFF70] =	vst v44  }
0x193: {  	v50 =	vmul.f32 v22, v43;
	[tilespmem:s9+$0xFFFFFF80] =	vst v48  }
0x194: {  	v51 =	vmul.f32 v27, v43;
	[tilespmem:s9+$0xFFFFFF90] =	vst v49  }
0x195: {  	v52 =	vmul.f32 v30, v43;
	[tilespmem:s9+$0xFFFFFFA0] =	vst v50  }
0x196: {  	v53 =	vmul.f32 v46, v43;
	[tilespmem:s9+$0xFFFFFFB0] =	vst v51  }
0x197: {  	v55 =	vmul.f32 v54, v43;
	v56 =	vpop (erf);
	[tilespmem:s9+$0xFFFFFFC0] =	vst v52  }
0x198: {  	v57 =	vmul.f32 v31, v56;
	[tilespmem:s9+$0xFFFFFFD0] =	vst v53  }
0x199: {  	v58 =	vmul.f32 v33, v56;
	[tilespmem:s9+$0xFFFFFFE0] =	vst v55  }
0x19a: {  	v59 =	vmul.f32 v37, v56;
	[tilespmem:s9+$0x0] =	vst v57  }
0x19b: {  	v60 =	vmul.f32 v39, v56;
	[tilespmem:s9+$0x10] =	vst v58  }
0x19c: {  	v62 =	vmul.f32 v42, v56;
	[tilespmem:s9+$0x20] =	vst v59  }
0x19d: {  	v63 =	vmul.f32 v45, v56;
	[tilespmem:s9+$0x30] =	vst v60  }
0x19e: {  	[tilespmem:s9+$0x50] =	vst v62;
	v1 =	vmul.f32 v1, v41  }
0x19f: {  	[tilespmem:s9+$0x60] =	vst v63;
	v0 =	vmul.f32 v0, v41  }
0x1a0: {  	v2 =	vmul.f32 v15, v41;
	[tilespmem:s9+$0xC0] =	vst v1  }
0x1a1: {  	v41 =	vmul.f32 v36, v24;
	[tilespmem:s9+$0xD0] =	vst v0  }
0x1a2: {  	v1 =	vmul.f32 v61, v43;
	[tilespmem:s9+$0xE0] =	vst v2  }
0x1a3: {  	s0 =	smul.u32 $0x140, s0;
	p3 =	sne.s32 s7, $0x19;
	v61 =	vmul.f32 v40, v56;
	[tilespmem:s9+$0xFFFFFF60] =	vst v41  }
.Ltmp2:
0x1a4: {  	v0 =	vmul.f32 v47, v56;
	[tilespmem:s9+$0xFFFFFFF0] =	vst v1;
	(pc) =	sbr.rel @p3 .LBB2_5-.Ltmp2, $4  }
0x1a5: {  	s0 =	sshra.s32 s0, $0x2;
	[tilespmem:s9+$0x40] =	vst v61  }
0x1a6: {  	s1 =	sadd.s32 $0x5, s1;
	s0 =	sadd.s32 $0x14050, s0;
	[tilespmem:s9+$0x70] =	vst v0  }
0x1a7: {  	[spmem:s2] =	stream.indirect.scatter.add.f32 [tilespmem:s10], [sflag:s1], $0x80, s0, s24, $0xb8;
	[tilespmem:$0x1E820] =	vst v63  }
0x1a8: {  	p2 =	por !p2, !p2;
	s0 =	smov.u32 s7;
	v21 =	vld [tilespmem:$0x1FFF0]  }
0x1a9: {  	s31 =	sadd.s32 $0x1, s31  }
0x1aa: {  	_ =	swait.ge [sflag:s28], $0x2800;
	p2 =	sne.s32 s31, $0x5  }
.Ltmp3:
0x1ab: {  	[sflag:s28] =	ssyncset.done $0x0;
	(pc) =	sbr.rel @p2 .LBB2_4-.Ltmp3, $4  }
0x1ac: {  	[sflag:s28] =	ssyncadd.s32 $0xFFFFD800  }
0x1ad: {  	_ =	swait.ge [sflag:s29], $0x2800  }
0x1ae: {  	[sflag:s29] =	ssyncset.done $0x0  }
0x1af: {  	[sflag:s29] =	ssyncadd.s32 $0xFFFFD800  }
0x1b0: {  	[bflag:$0x0] =	sbarrier.arrive $0xFFFF;
	s0 =	sshrl.u32 @p1 s13, $0x3;
	s1 =	simm.s32 @p1 $0x1FC7  }
0x1b1: {  	[hbm:s18], [sflag:s1] =	dma.local @p1 [spmem:s0], $0x2800  }
0x1b2: {  	s0 =	simm.s32 @p1 $0x7  }
0x1b3: {  	s3 =	sadd.s32 $0x1, s3;
	s1 =	stileid.u32;
	_ =	swait.ge @p1 [sflag:s0], $0x2800  }
0x1b4: {  	p2 =	sne.s32 s3, s19;
	s1 =	sshll.u32 @!p1 s1, $0x6;
	[sflag:s0] =	ssyncset.done @p1 $0x0  }
0x1b5: {  	[sflag:s0] =	ssyncadd.s32 @p1 $0xFFFFD800;
	s0 =	sor.u32 @!p1 $0x1C07, s1;
	s1 =	sshrl.u32 @!p1 s13, $0x3  }
0x1b6: {  	[hbm:s17], [sflag:s0] =	dma.local @!p1 [spmem:s1], $0x2700  }
.Ltmp4:
0x1b7: {  	_ = 	snop;
	(pc) =	sbr.rel @p2 .LBB2_1-.Ltmp4, $4  }
0x1b8: {  	s0 =	simm.s32 @!p1 $0x7  }
0x1b9: {  	_ =	swait.ge @!p1 [sflag:s0], $0x2700  }
0x1ba: {  	[sflag:s0] =	ssyncset.done @!p1 $0x0  }
0x1bb: {  	v5 =	vimm.f32 $0.0e+00;
	[sflag:s0] =	ssyncadd.s32 @!p1 $0xFFFFD900  }
0x1bc: {  	_ =	sfence.sel $0x180000  }
0x1bd: {  	[bflag:$0x0] =	sbarrier.arrive $0xFFFF  }
0x1be: {  	_ =	strace $0x90000047  }
0x1bf: {  	s0 =	stileid.u32;
	[bflag:$0x2] =	sbarrier.arrive $0xFFFF  }
0x1c0: {  	p0 =	sne.s32 s0, $0x0;
	s0 =	rddreg [dreg:$0x3]  }
0x1c1: {  	s0 =	sadd.s32 @!p0 $0x100000, s0  }
0x1c2: {  	[sflag:s0] =	ssyncadd.tile.s32 @!p0 $0x1;
	_ =	shalt  }
.Lfunc_end2:
_tile_overlayer_lowered:
.L_overlay_start_2:
0x1c3: {  	(tag) =	ssettag $0x2  }
0x1c4: {  	s0 =	rddreg [dreg:$0x0];
	s2 =	stileid.u32  }
0x1c5: {  	s1 =	rddreg [dreg:$0x1];
	p0 =	sne.s32 s2, $0x0  }
0x1c6: {  	s3 =	rddreg [dreg:$0x2];
	[bflag:$0x3] =	sbarrier.arrive $0xFFFF;
	s2 =	simm.s32 @!p0 $0x1C07  }
0x1c7: {  	[timem:s3], [sflag:s2] =	dma.local @!p0 [hbm:s0], s1  }
0x1c8: {  	s0 =	simm.s32 @!p0 $0x7  }
0x1c9: {  	_ =	swait.ge @!p0 [sflag:s0], s1  }
0x1ca: {  	s1 =	ssub.s32 @!p0 $0x0, s1;
	[sflag:s0] =	ssyncset.done @!p0 $0x0  }
0x1cb: {  	[sflag:s0] =	ssyncadd.s32 @!p0 s1  }
0x1cc: {  	[bflag:$0x3] =	sbarrier.arrive $0xFFFF  }
0x1cd: {  	_ =	shalt  }

</sc_bundles>
